<compile_context>
chip_gen: v7x
topology: tpu7x:2x2x1
jax: 0.10.2.dev20260603
libtpu: 0.0.44.dev20260713+nightly
codegen_flags: <defaults>
</compile_context>

<pallas_src>
import functools

import jax
import jax.numpy as jnp
from jax import lax
from jax.experimental import pallas as pl
from jax.experimental.pallas import tpu as pltpu
from jax.experimental.pallas import tpu_sc as plsc

NC = 2
NS = 16
CHUNK = 128
IB = 16


def _seg_sum_sc(features, src_idx, dst_idx, zeros_rows, ones_rows,
                n_pad, cpt0, cpt1):
    feat = features.shape[1]
    rpt = n_pad // NS

    @functools.partial(
        pl.kernel,
        out_type=[
            jax.ShapeDtypeStruct((2 * n_pad, feat), jnp.float32),
            jax.ShapeDtypeStruct((n_pad, feat), jnp.float32),
        ],
        mesh=plsc.VectorSubcoreMesh(core_axis_name="c", subcore_axis_name="s"),
        scratch_types=[
            pltpu.VMEM_SHARED((n_pad, feat), jnp.float32),
            pltpu.VMEM((IB, CHUNK), jnp.int32),
            pltpu.VMEM((IB, CHUNK), jnp.int32),
            pltpu.VMEM((CHUNK, feat), jnp.float32),
            pltpu.VMEM((CHUNK, feat), jnp.float32),
            pltpu.SemaphoreType.DMA,
            pltpu.SemaphoreType.DMA,
            pltpu.SemaphoreType.DMA,
            pltpu.SemaphoreType.DMA,
        ],
    )
    def k(feat_hbm, src_hbm, dst_hbm, zrows_hbm, ones_hbm,
          seg_hbm, cnt_hbm,
          acc_sh, src_v, dst_v, gbuf, gbuf2,
          sem_g0, sem_g1, sem_s0, sem_s1):
        c = lax.axis_index("c")
        s = lax.axis_index("s")
        bufs = (gbuf, gbuf2)
        sems_g = (sem_g0, sem_g1)
        sems_s = (sem_s0, sem_s1)

        def zero_acc():
            pltpu.sync_copy(zrows_hbm, gbuf)
            for t in range(rpt // CHUNK):
                pltpu.sync_copy(
                    gbuf, acc_sh.at[pl.ds(s * rpt + t * CHUNK, CHUNK)])

        def write_acc(out_hbm, core_offset):
            for t in range(rpt // CHUNK):
                pltpu.sync_copy(
                    acc_sh.at[pl.ds(s * rpt + t * CHUNK, CHUNK)], gbuf)
                pltpu.sync_copy(
                    gbuf,
                    out_hbm.at[pl.ds(core_offset + s * rpt + t * CHUNK,
                                     CHUNK)])

        def seg_pass(cpt_c, base):
            @pl.loop(0, cpt_c // IB)
            def _(b):
                off = base + b * IB
                pltpu.sync_copy(dst_hbm.at[pl.ds(off, IB)], dst_v)
                pltpu.sync_copy(src_hbm.at[pl.ds(off, IB)], src_v)
                pend_g = [None, None]
                pend_s = [None, None]
                pend_g[0] = pltpu.async_copy(
                    feat_hbm.at[src_v.at[0]], bufs[0], sems_g[0])
                for j in range(IB):
                    p = j % 2
                    pend_g[p].wait()
                    if j + 1 < IB:
                        q = (j + 1) % 2
                        if pend_s[q] is not None:
                            pend_s[q].wait()
                        pend_g[q] = pltpu.async_copy(
                            feat_hbm.at[src_v.at[j + 1]], bufs[q],
                            sems_g[q])
                    pend_s[p] = pltpu.async_copy(
                        bufs[p], acc_sh.at[dst_v.at[j]], sems_s[p],
                        add=True)
                pend_s[0].wait()
                pend_s[1].wait()

        def cnt_pass(cpt_c, base):
            @pl.loop(0, cpt_c // IB)
            def _(b):
                off = base + b * IB
                pltpu.sync_copy(dst_hbm.at[pl.ds(off, IB)], dst_v)
                pend = []
                for j in range(IB):
                    pend.append(pltpu.async_copy(
                        gbuf, acc_sh.at[dst_v.at[j]], sem_s0, add=True))
                for p in pend:
                    p.wait()

        zero_acc()
        plsc.subcore_barrier()

        @pl.when(c == 0)
        def _():
            seg_pass(cpt0, s * cpt0)
        @pl.when(c == 1)
        def _():
            seg_pass(cpt1, NS * cpt0 + s * cpt1)

        plsc.subcore_barrier()
        write_acc(seg_hbm, c * n_pad)
        plsc.subcore_barrier()

        @pl.when(c == 0)
        def _():
            zero_acc()
            pltpu.sync_copy(ones_hbm, gbuf)
            plsc.subcore_barrier()
            cnt_pass(cpt0 + cpt1, s * (cpt0 + cpt1))
            plsc.subcore_barrier()
            write_acc(cnt_hbm, 0)

    return k(features, src_idx, dst_idx, zeros_rows, ones_rows)


def _combine_tc(features, seg, cnt, weight, n_nodes, n_pad, blk):
    out_feat = weight.shape[1]

    def body(f_ref, s0_ref, s1_ref, c_ref, w_ref, o_ref):
        w = w_ref[...]
        nodes = jnp.dot(f_ref[...], w, preferred_element_type=jnp.float32)
        cnt_blk = c_ref[...][:, :1]
        inv = jnp.where(cnt_blk > 0, 1.0 / cnt_blk, 0.0)
        ssum = s0_ref[...] + s1_ref[...]
        msg = jnp.dot(ssum * inv, w, preferred_element_type=jnp.float32)
        o_ref[...] = jnp.concatenate([nodes, msg], axis=-1)

    grid = n_nodes // blk
    rowspec = pl.BlockSpec((blk, features.shape[1]), lambda i: (i, 0))
    return pl.pallas_call(
        body,
        grid=(grid,),
        in_specs=[rowspec] * 4 + [pl.BlockSpec(weight.shape, lambda i: (0, 0))],
        out_specs=pl.BlockSpec((blk, 2 * out_feat), lambda i: (i, 0)),
        out_shape=jax.ShapeDtypeStruct((n_nodes, 2 * out_feat), jnp.float32),
    )(features, seg[:n_nodes], seg[n_pad:n_pad + n_nodes],
      cnt[:n_nodes], weight)


def kernel(features, edges, static_adjacency_matrix, adjacency_matrix, weight):
    del static_adjacency_matrix, adjacency_matrix
    n_nodes, in_feat = features.shape
    e = edges.shape[1]

    n_pad = ((n_nodes + NS * CHUNK) // (NS * CHUNK)) * NS * CHUNK
    cpt = (e + NS * CHUNK - 1) // (NS * CHUNK)
    cpt = ((cpt + NC * IB - 1) // (NC * IB)) * NC * IB
    cpt0 = max(IB, ((cpt * 75 // 100) // IB) * IB)
    cpt1 = cpt - cpt0
    e_pad = NS * CHUNK * cpt

    src = jnp.concatenate(
        [edges[1], jnp.zeros((e_pad - e,), jnp.int32)]).reshape(
        NS * cpt, CHUNK)
    dst = jnp.concatenate(
        [edges[0], jnp.full((e_pad - e,), n_nodes, jnp.int32)]).reshape(
        NS * cpt, CHUNK)

    zeros_rows = jnp.zeros((CHUNK, in_feat), jnp.float32)
    ones_rows = jnp.ones((CHUNK, in_feat), jnp.float32)

    seg, cnt = _seg_sum_sc(features, src, dst, zeros_rows, ones_rows,
                           n_pad, cpt0, cpt1)

    blk = 1000 if n_nodes % 1000 == 0 else 8
    return _combine_tc(features, seg, cnt, weight, n_nodes, n_pad, blk)

# --- scband reference (transcript-rebuilt; emitter-appended) ---
"""Pipeline reference for scband-graph-conv-15470472200482 (READ-ONLY COPY).

The authoritative reference and input builder live on the scoring server;
editing this copy changes nothing except your own understanding.
"""

import jax, jax.numpy as jnp
import numpy as np

N = 10000
E = 320000
IN_FEAT = 128
OUT_FEAT = 128
STA = 0.5
WEIG = 0.5


def _glorot(key, shape):
    lim = np.sqrt(6.0 / (shape[0] + shape[1]))
    return jax.random.uniform(key, shape, dtype=jnp.float32, minval=-lim, maxval=lim)


def setup_inputs(seed: int = 0) -> dict:
    key = jax.random.key(seed)
    k1, k2, k3, k4, k5 = jax.random.split(key, 5)
    features = jax.random.normal(k1, (N, IN_FEAT), dtype=jnp.float32)
    edges = jax.random.randint(k2, (2, E), 0, N, dtype=jnp.int32)
    static_adjacency_matrix = jax.random.uniform(k3, (N, N), dtype=jnp.float32)
    adjacency_matrix = _glorot(k4, (N, N))  # learnable_adjacency_matrix param
    weight = _glorot(k5, (IN_FEAT, OUT_FEAT))  # dense weight param
    return {
        "features": features,
        "edges": edges,
        "static_adjacency_matrix": static_adjacency_matrix,
        "adjacency_matrix": adjacency_matrix,
        "weight": weight,
    }


def _unsorted_segment_mean(vals, seg_ids, num_segments):
    sums = jax.ops.segment_sum(vals, seg_ids, num_segments=num_segments)
    counts = jax.ops.segment_sum(jnp.ones((vals.shape[0], 1), vals.dtype), seg_ids, num_segments=num_segments)
    safe = jnp.where(counts > 0, counts, 1.0)
    return jnp.where(counts > 0, sums / safe, 0.0)


def reference(features, edges, static_adjacency_matrix, adjacency_matrix, weight):
    # compute_nodes_representation
    nodes_representation = jnp.matmul(features, weight)
    # compute_aggregated_messages
    adj = jax.nn.sigmoid(adjacency_matrix)
    combined_adjacency_matrix = STA * static_adjacency_matrix + WEIG * adj  # computed as in original forward (not consumed downstream)
    neighbour_representations = jnp.take(features, edges[1], axis=0)
    aggregated = _unsorted_segment_mean(neighbour_representations, edges[0], N)
    aggregated_messages = jnp.matmul(aggregated, weight)
    # update (combination_type == 'concat', no activation)
    h = jnp.concatenate([nodes_representation, aggregated_messages], axis=-1)
    return h

if __name__ == "__main__":
    import jax
    _d = setup_inputs()
    print(jax.jit(kernel)(*tuple(_d.values())))

</pallas_src>

<mosaic_0001>
#map = affine_map<(d0, d1) -> (0, 0)>
module attributes {stable_mosaic.version = 14 : i64} {
  func.func @k(%arg0: i32, %arg1: i32, %arg2: memref<10000x128xf32, #tpu.memory_space<hbm>>, %arg3: memref<2560x128xi32, #tpu.memory_space<hbm>>, %arg4: memref<2560x128xi32, #tpu.memory_space<hbm>>, %arg5: memref<128x128xf32, #tpu.memory_space<hbm>>, %arg6: memref<128x128xf32, #tpu.memory_space<hbm>>, %arg7: memref<20480x128xf32, #tpu.memory_space<hbm>>, %arg8: memref<10240x128xf32, #tpu.memory_space<hbm>>, %arg9: memref<10240x128xf32, #tpu.memory_space<vmem_shared>>, %arg10: memref<16x128xi32, #tpu.memory_space<vmem>>, %arg11: memref<16x128xi32, #tpu.memory_space<vmem>>, %arg12: memref<128x128xf32, #tpu.memory_space<vmem>>, %arg13: memref<128x128xf32, #tpu.memory_space<vmem>>, %arg14: memref<!tpu.dma_semaphore, #tpu.memory_space<semaphore_mem>>, %arg15: memref<!tpu.dma_semaphore, #tpu.memory_space<semaphore_mem>>, %arg16: memref<!tpu.dma_semaphore, #tpu.memory_space<semaphore_mem>>, %arg17: memref<!tpu.dma_semaphore, #tpu.memory_space<semaphore_mem>>) attributes {dimension_semantics = [#tpu.dimension_semantics<core_parallel>, #tpu.dimension_semantics<subcore_parallel>], iteration_bounds = array<i64: 2, 16>, scalar_prefetch = 0 : i64, scratch_operands = 9 : i64, tpu.core_type = #tpu.core_type<sc_vector_subcore>, window_params = [{transform_indices = #map}, {transform_indices = #map}, {transform_indices = #map}, {transform_indices = #map}, {transform_indices = #map}, {transform_indices = #map}, {transform_indices = #map}]} {
    "tpu.region"() ({
      %run_scoped3A = tpu.sem_alloc : memref<!tpu.dma_semaphore, #tpu.memory_space<semaphore_mem>>
      tpu.enqueue_dma source(%arg5 : memref<128x128xf32, #tpu.memory_space<hbm>>) target(%arg12 : memref<128x128xf32, #tpu.memory_space<vmem>>) target_semaphore(%run_scoped3A : memref<!tpu.dma_semaphore, #tpu.memory_space<semaphore_mem>>)
      tpu.wait_dma2 semaphore(%run_scoped3A : memref<!tpu.dma_semaphore, #tpu.memory_space<semaphore_mem>>) src(%arg5 : memref<128x128xf32, #tpu.memory_space<hbm>>) dst(%arg12 : memref<128x128xf32, #tpu.memory_space<vmem>>)
      tpu.yield
    }) : () -> ()
    %mul3A = arith.constant 640 : i32
    %mul3A_0 = arith.muli %arg1, %mul3A : i32
    %add3A = arith.constant 0 : i32
    %add3A_1 = arith.addi %mul3A_0, %add3A : i32
    "tpu.region"() ({
      %run_scoped3A = tpu.sem_alloc : memref<!tpu.dma_semaphore, #tpu.memory_space<semaphore_mem>>
      %dma_start3A = arith.constant 0 : i32
      %dma_start3A_79 = tpu.memref_slice %arg9[%add3A_1, %dma_start3A] : memref<10240x128xf32, #tpu.memory_space<vmem_shared>> -> memref<128x128xf32, #tpu.memory_space<vmem_shared>>
      %dma_start3A_80 = arith.constant 0 : i32
      %dma_start3A_81 = tpu.memref_slice %arg9[%add3A_1, %dma_start3A_80] : memref<10240x128xf32, #tpu.memory_space<vmem_shared>> -> memref<128x128xf32, #tpu.memory_space<vmem_shared>>
      tpu.enqueue_dma source(%arg12 : memref<128x128xf32, #tpu.memory_space<vmem>>) target(%dma_start3A_81 : memref<128x128xf32, #tpu.memory_space<vmem_shared>>) target_semaphore(%run_scoped3A : memref<!tpu.dma_semaphore, #tpu.memory_space<semaphore_mem>>)
      %dma_wait3A = arith.constant 0 : i32
      %dma_wait3A_82 = tpu.memref_slice %arg9[%add3A_1, %dma_wait3A] : memref<10240x128xf32, #tpu.memory_space<vmem_shared>> -> memref<128x128xf32, #tpu.memory_space<vmem_shared>>
      %dma_wait3A_83 = arith.constant 0 : i32
      %dma_wait3A_84 = tpu.memref_slice %arg9[%add3A_1, %dma_wait3A_83] : memref<10240x128xf32, #tpu.memory_space<vmem_shared>> -> memref<128x128xf32, #tpu.memory_space<vmem_shared>>
      tpu.wait_dma2 semaphore(%run_scoped3A : memref<!tpu.dma_semaphore, #tpu.memory_space<semaphore_mem>>) src(%arg12 : memref<128x128xf32, #tpu.memory_space<vmem>>) dst(%dma_wait3A_84 : memref<128x128xf32, #tpu.memory_space<vmem_shared>>)
      tpu.yield
    }) : () -> ()
    %mul3A_2 = arith.constant 640 : i32
    %mul3A_3 = arith.muli %arg1, %mul3A_2 : i32
    %add3A_4 = arith.constant 128 : i32
    %add3A_5 = arith.addi %mul3A_3, %add3A_4 : i32
    "tpu.region"() ({
      %run_scoped3A = tpu.sem_alloc : memref<!tpu.dma_semaphore, #tpu.memory_space<semaphore_mem>>
      %dma_start3A = arith.constant 0 : i32
      %dma_start3A_79 = tpu.memref_slice %arg9[%add3A_5, %dma_start3A] : memref<10240x128xf32, #tpu.memory_space<vmem_shared>> -> memref<128x128xf32, #tpu.memory_space<vmem_shared>>
      %dma_start3A_80 = arith.constant 0 : i32
      %dma_start3A_81 = tpu.memref_slice %arg9[%add3A_5, %dma_start3A_80] : memref<10240x128xf32, #tpu.memory_space<vmem_shared>> -> memref<128x128xf32, #tpu.memory_space<vmem_shared>>
      tpu.enqueue_dma source(%arg12 : memref<128x128xf32, #tpu.memory_space<vmem>>) target(%dma_start3A_81 : memref<128x128xf32, #tpu.memory_space<vmem_shared>>) target_semaphore(%run_scoped3A : memref<!tpu.dma_semaphore, #tpu.memory_space<semaphore_mem>>)
      %dma_wait3A = arith.constant 0 : i32
      %dma_wait3A_82 = tpu.memref_slice %arg9[%add3A_5, %dma_wait3A] : memref<10240x128xf32, #tpu.memory_space<vmem_shared>> -> memref<128x128xf32, #tpu.memory_space<vmem_shared>>
      %dma_wait3A_83 = arith.constant 0 : i32
      %dma_wait3A_84 = tpu.memref_slice %arg9[%add3A_5, %dma_wait3A_83] : memref<10240x128xf32, #tpu.memory_space<vmem_shared>> -> memref<128x128xf32, #tpu.memory_space<vmem_shared>>
      tpu.wait_dma2 semaphore(%run_scoped3A : memref<!tpu.dma_semaphore, #tpu.memory_space<semaphore_mem>>) src(%arg12 : memref<128x128xf32, #tpu.memory_space<vmem>>) dst(%dma_wait3A_84 : memref<128x128xf32, #tpu.memory_space<vmem_shared>>)
      tpu.yield
    }) : () -> ()
    %mul3A_6 = arith.constant 640 : i32
    %mul3A_7 = arith.muli %arg1, %mul3A_6 : i32
    %add3A_8 = arith.constant 256 : i32
    %add3A_9 = arith.addi %mul3A_7, %add3A_8 : i32
    "tpu.region"() ({
      %run_scoped3A = tpu.sem_alloc : memref<!tpu.dma_semaphore, #tpu.memory_space<semaphore_mem>>
      %dma_start3A = arith.constant 0 : i32
      %dma_start3A_79 = tpu.memref_slice %arg9[%add3A_9, %dma_start3A] : memref<10240x128xf32, #tpu.memory_space<vmem_shared>> -> memref<128x128xf32, #tpu.memory_space<vmem_shared>>
      %dma_start3A_80 = arith.constant 0 : i32
      %dma_start3A_81 = tpu.memref_slice %arg9[%add3A_9, %dma_start3A_80] : memref<10240x128xf32, #tpu.memory_space<vmem_shared>> -> memref<128x128xf32, #tpu.memory_space<vmem_shared>>
      tpu.enqueue_dma source(%arg12 : memref<128x128xf32, #tpu.memory_space<vmem>>) target(%dma_start3A_81 : memref<128x128xf32, #tpu.memory_space<vmem_shared>>) target_semaphore(%run_scoped3A : memref<!tpu.dma_semaphore, #tpu.memory_space<semaphore_mem>>)
      %dma_wait3A = arith.constant 0 : i32
      %dma_wait3A_82 = tpu.memref_slice %arg9[%add3A_9, %dma_wait3A] : memref<10240x128xf32, #tpu.memory_space<vmem_shared>> -> memref<128x128xf32, #tpu.memory_space<vmem_shared>>
      %dma_wait3A_83 = arith.constant 0 : i32
      %dma_wait3A_84 = tpu.memref_slice %arg9[%add3A_9, %dma_wait3A_83] : memref<10240x128xf32, #tpu.memory_space<vmem_shared>> -> memref<128x128xf32, #tpu.memory_space<vmem_shared>>
      tpu.wait_dma2 semaphore(%run_scoped3A : memref<!tpu.dma_semaphore, #tpu.memory_space<semaphore_mem>>) src(%arg12 : memref<128x128xf32, #tpu.memory_space<vmem>>) dst(%dma_wait3A_84 : memref<128x128xf32, #tpu.memory_space<vmem_shared>>)
      tpu.yield
    }) : () -> ()
    %mul3A_10 = arith.constant 640 : i32
    %mul3A_11 = arith.muli %arg1, %mul3A_10 : i32
    %add3A_12 = arith.constant 384 : i32
    %add3A_13 = arith.addi %mul3A_11, %add3A_12 : i32
    "tpu.region"() ({
      %run_scoped3A = tpu.sem_alloc : memref<!tpu.dma_semaphore, #tpu.memory_space<semaphore_mem>>
      %dma_start3A = arith.constant 0 : i32
      %dma_start3A_79 = tpu.memref_slice %arg9[%add3A_13, %dma_start3A] : memref<10240x128xf32, #tpu.memory_space<vmem_shared>> -> memref<128x128xf32, #tpu.memory_space<vmem_shared>>
      %dma_start3A_80 = arith.constant 0 : i32
      %dma_start3A_81 = tpu.memref_slice %arg9[%add3A_13, %dma_start3A_80] : memref<10240x128xf32, #tpu.memory_space<vmem_shared>> -> memref<128x128xf32, #tpu.memory_space<vmem_shared>>
      tpu.enqueue_dma source(%arg12 : memref<128x128xf32, #tpu.memory_space<vmem>>) target(%dma_start3A_81 : memref<128x128xf32, #tpu.memory_space<vmem_shared>>) target_semaphore(%run_scoped3A : memref<!tpu.dma_semaphore, #tpu.memory_space<semaphore_mem>>)
      %dma_wait3A = arith.constant 0 : i32
      %dma_wait3A_82 = tpu.memref_slice %arg9[%add3A_13, %dma_wait3A] : memref<10240x128xf32, #tpu.memory_space<vmem_shared>> -> memref<128x128xf32, #tpu.memory_space<vmem_shared>>
      %dma_wait3A_83 = arith.constant 0 : i32
      %dma_wait3A_84 = tpu.memref_slice %arg9[%add3A_13, %dma_wait3A_83] : memref<10240x128xf32, #tpu.memory_space<vmem_shared>> -> memref<128x128xf32, #tpu.memory_space<vmem_shared>>
      tpu.wait_dma2 semaphore(%run_scoped3A : memref<!tpu.dma_semaphore, #tpu.memory_space<semaphore_mem>>) src(%arg12 : memref<128x128xf32, #tpu.memory_space<vmem>>) dst(%dma_wait3A_84 : memref<128x128xf32, #tpu.memory_space<vmem_shared>>)
      tpu.yield
    }) : () -> ()
    %mul3A_14 = arith.constant 640 : i32
    %mul3A_15 = arith.muli %arg1, %mul3A_14 : i32
    %add3A_16 = arith.constant 512 : i32
    %add3A_17 = arith.addi %mul3A_15, %add3A_16 : i32
    "tpu.region"() ({
      %run_scoped3A = tpu.sem_alloc : memref<!tpu.dma_semaphore, #tpu.memory_space<semaphore_mem>>
      %dma_start3A = arith.constant 0 : i32
      %dma_start3A_79 = tpu.memref_slice %arg9[%add3A_17, %dma_start3A] : memref<10240x128xf32, #tpu.memory_space<vmem_shared>> -> memref<128x128xf32, #tpu.memory_space<vmem_shared>>
      %dma_start3A_80 = arith.constant 0 : i32
      %dma_start3A_81 = tpu.memref_slice %arg9[%add3A_17, %dma_start3A_80] : memref<10240x128xf32, #tpu.memory_space<vmem_shared>> -> memref<128x128xf32, #tpu.memory_space<vmem_shared>>
      tpu.enqueue_dma source(%arg12 : memref<128x128xf32, #tpu.memory_space<vmem>>) target(%dma_start3A_81 : memref<128x128xf32, #tpu.memory_space<vmem_shared>>) target_semaphore(%run_scoped3A : memref<!tpu.dma_semaphore, #tpu.memory_space<semaphore_mem>>)
      %dma_wait3A = arith.constant 0 : i32
      %dma_wait3A_82 = tpu.memref_slice %arg9[%add3A_17, %dma_wait3A] : memref<10240x128xf32, #tpu.memory_space<vmem_shared>> -> memref<128x128xf32, #tpu.memory_space<vmem_shared>>
      %dma_wait3A_83 = arith.constant 0 : i32
      %dma_wait3A_84 = tpu.memref_slice %arg9[%add3A_17, %dma_wait3A_83] : memref<10240x128xf32, #tpu.memory_space<vmem_shared>> -> memref<128x128xf32, #tpu.memory_space<vmem_shared>>
      tpu.wait_dma2 semaphore(%run_scoped3A : memref<!tpu.dma_semaphore, #tpu.memory_space<semaphore_mem>>) src(%arg12 : memref<128x128xf32, #tpu.memory_space<vmem>>) dst(%dma_wait3A_84 : memref<128x128xf32, #tpu.memory_space<vmem_shared>>)
      tpu.yield
    }) : () -> ()
    %barrier3A = arith.constant 0 : index
    tpu.barrier barrier_id(%barrier3A)
    %eq3A = arith.constant 0 : i32
    %eq3A_18 = arith.cmpi eq, %arg0, %eq3A : i32
    %convert_element_type3A = arith.extui %eq3A_18 : i1 to i32
    %cond3A = arith.constant 0 : i32
    %cond3A_19 = arith.cmpi ne, %convert_element_type3A, %cond3A : i32
    scf.if %cond3A_19 {
      %mul3A_79 = arith.constant 112 : i32
      %mul3A_80 = arith.muli %arg1, %mul3A_79 : i32
      %scan3A = arith.constant 0 : i32
      %scan3A_81 = arith.constant 7 : i32
      %scan3A_82 = arith.addi %scan3A, %scan3A_81 : i32
      %scan3A_83 = arith.constant 1 : i32
      scf.for %scan3A_85 = %scan3A to %scan3A_82 step %scan3A_83  : i32 {
        %mul3A_86 = arith.constant 1 : i32
        %mul3A_87 = arith.muli %scan3A_85, %mul3A_86 : i32
        %add3A_88 = arith.constant 0 : i32
        %add3A_89 = arith.addi %add3A_88, %mul3A_87 : i32
        %mul3A_90 = arith.constant 16 : i32
        %mul3A_91 = arith.muli %add3A_89, %mul3A_90 : i32
        %add3A_92 = arith.addi %mul3A_80, %mul3A_91 : i32
        "tpu.region"() ({
          %run_scoped3A = tpu.sem_alloc : memref<!tpu.dma_semaphore, #tpu.memory_space<semaphore_mem>>
          %dma_start3A_539 = arith.constant 0 : i32
          %dma_start3A_540 = tpu.memref_slice %arg4[%add3A_92, %dma_start3A_539] : memref<2560x128xi32, #tpu.memory_space<hbm>> -> memref<16x128xi32, #tpu.memory_space<hbm>>
          %dma_start3A_541 = arith.constant 0 : i32
          %dma_start3A_542 = tpu.memref_slice %arg4[%add3A_92, %dma_start3A_541] : memref<2560x128xi32, #tpu.memory_space<hbm>> -> memref<16x128xi32, #tpu.memory_space<hbm>>
          tpu.enqueue_dma source(%dma_start3A_542 : memref<16x128xi32, #tpu.memory_space<hbm>>) target(%arg11 : memref<16x128xi32, #tpu.memory_space<vmem>>) target_semaphore(%run_scoped3A : memref<!tpu.dma_semaphore, #tpu.memory_space<semaphore_mem>>)
          %dma_wait3A_543 = arith.constant 0 : i32
          %dma_wait3A_544 = tpu.memref_slice %arg4[%add3A_92, %dma_wait3A_543] : memref<2560x128xi32, #tpu.memory_space<hbm>> -> memref<16x128xi32, #tpu.memory_space<hbm>>
          %dma_wait3A_545 = arith.constant 0 : i32
          %dma_wait3A_546 = tpu.memref_slice %arg4[%add3A_92, %dma_wait3A_545] : memref<2560x128xi32, #tpu.memory_space<hbm>> -> memref<16x128xi32, #tpu.memory_space<hbm>>
          tpu.wait_dma2 semaphore(%run_scoped3A : memref<!tpu.dma_semaphore, #tpu.memory_space<semaphore_mem>>) src(%dma_wait3A_546 : memref<16x128xi32, #tpu.memory_space<hbm>>) dst(%arg11 : memref<16x128xi32, #tpu.memory_space<vmem>>)
          tpu.yield
        }) : () -> ()
        "tpu.region"() ({
          %run_scoped3A = tpu.sem_alloc : memref<!tpu.dma_semaphore, #tpu.memory_space<semaphore_mem>>
          %dma_start3A_539 = arith.constant 0 : i32
          %dma_start3A_540 = tpu.memref_slice %arg3[%add3A_92, %dma_start3A_539] : memref<2560x128xi32, #tpu.memory_space<hbm>> -> memref<16x128xi32, #tpu.memory_space<hbm>>
          %dma_start3A_541 = arith.constant 0 : i32
          %dma_start3A_542 = tpu.memref_slice %arg3[%add3A_92, %dma_start3A_541] : memref<2560x128xi32, #tpu.memory_space<hbm>> -> memref<16x128xi32, #tpu.memory_space<hbm>>
          tpu.enqueue_dma source(%dma_start3A_542 : memref<16x128xi32, #tpu.memory_space<hbm>>) target(%arg10 : memref<16x128xi32, #tpu.memory_space<vmem>>) target_semaphore(%run_scoped3A : memref<!tpu.dma_semaphore, #tpu.memory_space<semaphore_mem>>)
          %dma_wait3A_543 = arith.constant 0 : i32
          %dma_wait3A_544 = tpu.memref_slice %arg3[%add3A_92, %dma_wait3A_543] : memref<2560x128xi32, #tpu.memory_space<hbm>> -> memref<16x128xi32, #tpu.memory_space<hbm>>
          %dma_wait3A_545 = arith.constant 0 : i32
          %dma_wait3A_546 = tpu.memref_slice %arg3[%add3A_92, %dma_wait3A_545] : memref<2560x128xi32, #tpu.memory_space<hbm>> -> memref<16x128xi32, #tpu.memory_space<hbm>>
          tpu.wait_dma2 semaphore(%run_scoped3A : memref<!tpu.dma_semaphore, #tpu.memory_space<semaphore_mem>>) src(%dma_wait3A_546 : memref<16x128xi32, #tpu.memory_space<hbm>>) dst(%arg10 : memref<16x128xi32, #tpu.memory_space<vmem>>)
          tpu.yield
        }) : () -> ()
        %dma_start3A = arith.constant 0 : i32
        %dma_start3A_93 = arith.constant 0 : i32
        %dma_start3A_94 = tpu.memref_slice %arg10[%dma_start3A, %dma_start3A_93] : memref<16x128xi32, #tpu.memory_space<vmem>> -> memref<1x128xi32, #tpu.memory_space<vmem>>
        %dma_start3A_95 = tpu.memref_squeeze %dma_start3A_94 : memref<1x128xi32, #tpu.memory_space<vmem>> -> memref<128xi32, #tpu.memory_space<vmem>>
        %dma_start3A_96 = arith.constant 0 : i32
        %dma_start3A_97 = arith.constant 0 : i32
        %dma_start3A_98 = tpu.memref_slice %arg2[%dma_start3A_96, %dma_start3A_97] : memref<10000x128xf32, #tpu.memory_space<hbm>> -> memref<10000x128xf32, #tpu.memory_space<hbm>>
        tpu.enqueue_indirect_dma source(%dma_start3A_98 : memref<10000x128xf32, #tpu.memory_space<hbm>>) target(%arg12 : memref<128x128xf32, #tpu.memory_space<vmem>>) offsets(%dma_start3A_95 : memref<128xi32, #tpu.memory_space<vmem>>) semaphore(%arg14 : memref<!tpu.dma_semaphore, #tpu.memory_space<semaphore_mem>>)
        %dma_wait3A = arith.constant 0 : i32
        %dma_wait3A_99 = arith.constant 0 : i32
        %dma_wait3A_100 = tpu.memref_slice %arg10[%dma_wait3A, %dma_wait3A_99] : memref<16x128xi32, #tpu.memory_space<vmem>> -> memref<1x128xi32, #tpu.memory_space<vmem>>
        %dma_wait3A_101 = tpu.memref_squeeze %dma_wait3A_100 : memref<1x128xi32, #tpu.memory_space<vmem>> -> memref<128xi32, #tpu.memory_space<vmem>>
        %dma_wait3A_102 = arith.constant 0 : i32
        %dma_wait3A_103 = arith.constant 0 : i32
        %dma_wait3A_104 = tpu.memref_slice %arg2[%dma_wait3A_102, %dma_wait3A_103] : memref<10000x128xf32, #tpu.memory_space<hbm>> -> memref<10000x128xf32, #tpu.memory_space<hbm>>
        tpu.wait_indirect_dma semaphore(%arg14 : memref<!tpu.dma_semaphore, #tpu.memory_space<semaphore_mem>>) src(%dma_wait3A_104 : memref<10000x128xf32, #tpu.memory_space<hbm>>) dst(%arg12 : memref<128x128xf32, #tpu.memory_space<vmem>>)
        %dma_start3A_105 = arith.constant 1 : i32
        %dma_start3A_106 = arith.constant 0 : i32
        %dma_start3A_107 = tpu.memref_slice %arg10[%dma_start3A_105, %dma_start3A_106] : memref<16x128xi32, #tpu.memory_space<vmem>> -> memref<1x128xi32, #tpu.memory_space<vmem>>
        %dma_start3A_108 = tpu.memref_squeeze %dma_start3A_107 : memref<1x128xi32, #tpu.memory_space<vmem>> -> memref<128xi32, #tpu.memory_space<vmem>>
        %dma_start3A_109 = arith.constant 0 : i32
        %dma_start3A_110 = arith.constant 0 : i32
        %dma_start3A_111 = tpu.memref_slice %arg2[%dma_start3A_109, %dma_start3A_110] : memref<10000x128xf32, #tpu.memory_space<hbm>> -> memref<10000x128xf32, #tpu.memory_space<hbm>>
        tpu.enqueue_indirect_dma source(%dma_start3A_111 : memref<10000x128xf32, #tpu.memory_space<hbm>>) target(%arg13 : memref<128x128xf32, #tpu.memory_space<vmem>>) offsets(%dma_start3A_108 : memref<128xi32, #tpu.memory_space<vmem>>) semaphore(%arg15 : memref<!tpu.dma_semaphore, #tpu.memory_space<semaphore_mem>>)
        %dma_start3A_112 = arith.constant 0 : i32
        %dma_start3A_113 = arith.constant 0 : i32
        %dma_start3A_114 = tpu.memref_slice %arg11[%dma_start3A_112, %dma_start3A_113] : memref<16x128xi32, #tpu.memory_space<vmem>> -> memref<1x128xi32, #tpu.memory_space<vmem>>
        %dma_start3A_115 = tpu.memref_squeeze %dma_start3A_114 : memref<1x128xi32, #tpu.memory_space<vmem>> -> memref<128xi32, #tpu.memory_space<vmem>>
        %dma_start3A_116 = arith.constant 0 : i32
        %dma_start3A_117 = arith.constant 0 : i32
        %dma_start3A_118 = tpu.memref_slice %arg9[%dma_start3A_116, %dma_start3A_117] : memref<10240x128xf32, #tpu.memory_space<vmem_shared>> -> memref<10240x128xf32, #tpu.memory_space<vmem_shared>>
        tpu.enqueue_indirect_dma source(%arg12 : memref<128x128xf32, #tpu.memory_space<vmem>>) target(%dma_start3A_118 : memref<10240x128xf32, #tpu.memory_space<vmem_shared>>) offsets(%dma_start3A_115 : memref<128xi32, #tpu.memory_space<vmem>>) semaphore(%arg16 : memref<!tpu.dma_semaphore, #tpu.memory_space<semaphore_mem>>) {add = true}
        %dma_wait3A_119 = arith.constant 1 : i32
        %dma_wait3A_120 = arith.constant 0 : i32
        %dma_wait3A_121 = tpu.memref_slice %arg10[%dma_wait3A_119, %dma_wait3A_120] : memref<16x128xi32, #tpu.memory_space<vmem>> -> memref<1x128xi32, #tpu.memory_space<vmem>>
        %dma_wait3A_122 = tpu.memref_squeeze %dma_wait3A_121 : memref<1x128xi32, #tpu.memory_space<vmem>> -> memref<128xi32, #tpu.memory_space<vmem>>
        %dma_wait3A_123 = arith.constant 0 : i32
        %dma_wait3A_124 = arith.constant 0 : i32
        %dma_wait3A_125 = tpu.memref_slice %arg2[%dma_wait3A_123, %dma_wait3A_124] : memref<10000x128xf32, #tpu.memory_space<hbm>> -> memref<10000x128xf32, #tpu.memory_space<hbm>>
        tpu.wait_indirect_dma semaphore(%arg15 : memref<!tpu.dma_semaphore, #tpu.memory_space<semaphore_mem>>) src(%dma_wait3A_125 : memref<10000x128xf32, #tpu.memory_space<hbm>>) dst(%arg13 : memref<128x128xf32, #tpu.memory_space<vmem>>)
        %dma_wait3A_126 = arith.constant 0 : i32
        %dma_wait3A_127 = arith.constant 0 : i32
        %dma_wait3A_128 = tpu.memref_slice %arg11[%dma_wait3A_126, %dma_wait3A_127] : memref<16x128xi32, #tpu.memory_space<vmem>> -> memref<1x128xi32, #tpu.memory_space<vmem>>
        %dma_wait3A_129 = tpu.memref_squeeze %dma_wait3A_128 : memref<1x128xi32, #tpu.memory_space<vmem>> -> memref<128xi32, #tpu.memory_space<vmem>>
        %dma_wait3A_130 = arith.constant 0 : i32
        %dma_wait3A_131 = arith.constant 0 : i32
        %dma_wait3A_132 = tpu.memref_slice %arg9[%dma_wait3A_130, %dma_wait3A_131] : memref<10240x128xf32, #tpu.memory_space<vmem_shared>> -> memref<10240x128xf32, #tpu.memory_space<vmem_shared>>
        tpu.wait_indirect_dma semaphore(%arg16 : memref<!tpu.dma_semaphore, #tpu.memory_space<semaphore_mem>>) src(%arg12 : memref<128x128xf32, #tpu.memory_space<vmem>>) dst(%dma_wait3A_132 : memref<10240x128xf32, #tpu.memory_space<vmem_shared>>)
        %dma_start3A_133 = arith.constant 2 : i32
        %dma_start3A_134 = arith.constant 0 : i32
        %dma_start3A_135 = tpu.memref_slice %arg10[%dma_start3A_133, %dma_start3A_134] : memref<16x128xi32, #tpu.memory_space<vmem>> -> memref<1x128xi32, #tpu.memory_space<vmem>>
        %dma_start3A_136 = tpu.memref_squeeze %dma_start3A_135 : memref<1x128xi32, #tpu.memory_space<vmem>> -> memref<128xi32, #tpu.memory_space<vmem>>
        %dma_start3A_137 = arith.constant 0 : i32
        %dma_start3A_138 = arith.constant 0 : i32
        %dma_start3A_139 = tpu.memref_slice %arg2[%dma_start3A_137, %dma_start3A_138] : memref<10000x128xf32, #tpu.memory_space<hbm>> -> memref<10000x128xf32, #tpu.memory_space<hbm>>
        tpu.enqueue_indirect_dma source(%dma_start3A_139 : memref<10000x128xf32, #tpu.memory_space<hbm>>) target(%arg12 : memref<128x128xf32, #tpu.memory_space<vmem>>) offsets(%dma_start3A_136 : memref<128xi32, #tpu.memory_space<vmem>>) semaphore(%arg14 : memref<!tpu.dma_semaphore, #tpu.memory_space<semaphore_mem>>)
        %dma_start3A_140 = arith.constant 1 : i32
        %dma_start3A_141 = arith.constant 0 : i32
        %dma_start3A_142 = tpu.memref_slice %arg11[%dma_start3A_140, %dma_start3A_141] : memref<16x128xi32, #tpu.memory_space<vmem>> -> memref<1x128xi32, #tpu.memory_space<vmem>>
        %dma_start3A_143 = tpu.memref_squeeze %dma_start3A_142 : memref<1x128xi32, #tpu.memory_space<vmem>> -> memref<128xi32, #tpu.memory_space<vmem>>
        %dma_start3A_144 = arith.constant 0 : i32
        %dma_start3A_145 = arith.constant 0 : i32
        %dma_start3A_146 = tpu.memref_slice %arg9[%dma_start3A_144, %dma_start3A_145] : memref<10240x128xf32, #tpu.memory_space<vmem_shared>> -> memref<10240x128xf32, #tpu.memory_space<vmem_shared>>
        tpu.enqueue_indirect_dma source(%arg13 : memref<128x128xf32, #tpu.memory_space<vmem>>) target(%dma_start3A_146 : memref<10240x128xf32, #tpu.memory_space<vmem_shared>>) offsets(%dma_start3A_143 : memref<128xi32, #tpu.memory_space<vmem>>) semaphore(%arg17 : memref<!tpu.dma_semaphore, #tpu.memory_space<semaphore_mem>>) {add = true}
        %dma_wait3A_147 = arith.constant 2 : i32
        %dma_wait3A_148 = arith.constant 0 : i32
        %dma_wait3A_149 = tpu.memref_slice %arg10[%dma_wait3A_147, %dma_wait3A_148] : memref<16x128xi32, #tpu.memory_space<vmem>> -> memref<1x128xi32, #tpu.memory_space<vmem>>
        %dma_wait3A_150 = tpu.memref_squeeze %dma_wait3A_149 : memref<1x128xi32, #tpu.memory_space<vmem>> -> memref<128xi32, #tpu.memory_space<vmem>>
        %dma_wait3A_151 = arith.constant 0 : i32
        %dma_wait3A_152 = arith.constant 0 : i32
        %dma_wait3A_153 = tpu.memref_slice %arg2[%dma_wait3A_151, %dma_wait3A_152] : memref<10000x128xf32, #tpu.memory_space<hbm>> -> memref<10000x128xf32, #tpu.memory_space<hbm>>
        tpu.wait_indirect_dma semaphore(%arg14 : memref<!tpu.dma_semaphore, #tpu.memory_space<semaphore_mem>>) src(%dma_wait3A_153 : memref<10000x128xf32, #tpu.memory_space<hbm>>) dst(%arg12 : memref<128x128xf32, #tpu.memory_space<vmem>>)
        %dma_wait3A_154 = arith.constant 1 : i32
        %dma_wait3A_155 = arith.constant 0 : i32
        %dma_wait3A_156 = tpu.memref_slice %arg11[%dma_wait3A_154, %dma_wait3A_155] : memref<16x128xi32, #tpu.memory_space<vmem>> -> memref<1x128xi32, #tpu.memory_space<vmem>>
        %dma_wait3A_157 = tpu.memref_squeeze %dma_wait3A_156 : memref<1x128xi32, #tpu.memory_space<vmem>> -> memref<128xi32, #tpu.memory_space<vmem>>
        %dma_wait3A_158 = arith.constant 0 : i32
        %dma_wait3A_159 = arith.constant 0 : i32
        %dma_wait3A_160 = tpu.memref_slice %arg9[%dma_wait3A_158, %dma_wait3A_159] : memref<10240x128xf32, #tpu.memory_space<vmem_shared>> -> memref<10240x128xf32, #tpu.memory_space<vmem_shared>>
        tpu.wait_indirect_dma semaphore(%arg17 : memref<!tpu.dma_semaphore, #tpu.memory_space<semaphore_mem>>) src(%arg13 : memref<128x128xf32, #tpu.memory_space<vmem>>) dst(%dma_wait3A_160 : memref<10240x128xf32, #tpu.memory_space<vmem_shared>>)
        %dma_start3A_161 = arith.constant 3 : i32
        %dma_start3A_162 = arith.constant 0 : i32
        %dma_start3A_163 = tpu.memref_slice %arg10[%dma_start3A_161, %dma_start3A_162] : memref<16x128xi32, #tpu.memory_space<vmem>> -> memref<1x128xi32, #tpu.memory_space<vmem>>
        %dma_start3A_164 = tpu.memref_squeeze %dma_start3A_163 : memref<1x128xi32, #tpu.memory_space<vmem>> -> memref<128xi32, #tpu.memory_space<vmem>>
        %dma_start3A_165 = arith.constant 0 : i32
        %dma_start3A_166 = arith.constant 0 : i32
        %dma_start3A_167 = tpu.memref_slice %arg2[%dma_start3A_165, %dma_start3A_166] : memref<10000x128xf32, #tpu.memory_space<hbm>> -> memref<10000x128xf32, #tpu.memory_space<hbm>>
        tpu.enqueue_indirect_dma source(%dma_start3A_167 : memref<10000x128xf32, #tpu.memory_space<hbm>>) target(%arg13 : memref<128x128xf32, #tpu.memory_space<vmem>>) offsets(%dma_start3A_164 : memref<128xi32, #tpu.memory_space<vmem>>) semaphore(%arg15 : memref<!tpu.dma_semaphore, #tpu.memory_space<semaphore_mem>>)
        %dma_start3A_168 = arith.constant 2 : i32
        %dma_start3A_169 = arith.constant 0 : i32
        %dma_start3A_170 = tpu.memref_slice %arg11[%dma_start3A_168, %dma_start3A_169] : memref<16x128xi32, #tpu.memory_space<vmem>> -> memref<1x128xi32, #tpu.memory_space<vmem>>
        %dma_start3A_171 = tpu.memref_squeeze %dma_start3A_170 : memref<1x128xi32, #tpu.memory_space<vmem>> -> memref<128xi32, #tpu.memory_space<vmem>>
        %dma_start3A_172 = arith.constant 0 : i32
        %dma_start3A_173 = arith.constant 0 : i32
        %dma_start3A_174 = tpu.memref_slice %arg9[%dma_start3A_172, %dma_start3A_173] : memref<10240x128xf32, #tpu.memory_space<vmem_shared>> -> memref<10240x128xf32, #tpu.memory_space<vmem_shared>>
        tpu.enqueue_indirect_dma source(%arg12 : memref<128x128xf32, #tpu.memory_space<vmem>>) target(%dma_start3A_174 : memref<10240x128xf32, #tpu.memory_space<vmem_shared>>) offsets(%dma_start3A_171 : memref<128xi32, #tpu.memory_space<vmem>>) semaphore(%arg16 : memref<!tpu.dma_semaphore, #tpu.memory_space<semaphore_mem>>) {add = true}
        %dma_wait3A_175 = arith.constant 3 : i32
        %dma_wait3A_176 = arith.constant 0 : i32
        %dma_wait3A_177 = tpu.memref_slice %arg10[%dma_wait3A_175, %dma_wait3A_176] : memref<16x128xi32, #tpu.memory_space<vmem>> -> memref<1x128xi32, #tpu.memory_space<vmem>>
        %dma_wait3A_178 = tpu.memref_squeeze %dma_wait3A_177 : memref<1x128xi32, #tpu.memory_space<vmem>> -> memref<128xi32, #tpu.memory_space<vmem>>
        %dma_wait3A_179 = arith.constant 0 : i32
        %dma_wait3A_180 = arith.constant 0 : i32
        %dma_wait3A_181 = tpu.memref_slice %arg2[%dma_wait3A_179, %dma_wait3A_180] : memref<10000x128xf32, #tpu.memory_space<hbm>> -> memref<10000x128xf32, #tpu.memory_space<hbm>>
        tpu.wait_indirect_dma semaphore(%arg15 : memref<!tpu.dma_semaphore, #tpu.memory_space<semaphore_mem>>) src(%dma_wait3A_181 : memref<10000x128xf32, #tpu.memory_space<hbm>>) dst(%arg13 : memref<128x128xf32, #tpu.memory_space<vmem>>)
        %dma_wait3A_182 = arith.constant 2 : i32
        %dma_wait3A_183 = arith.constant 0 : i32
        %dma_wait3A_184 = tpu.memref_slice %arg11[%dma_wait3A_182, %dma_wait3A_183] : memref<16x128xi32, #tpu.memory_space<vmem>> -> memref<1x128xi32, #tpu.memory_space<vmem>>
        %dma_wait3A_185 = tpu.memref_squeeze %dma_wait3A_184 : memref<1x128xi32, #tpu.memory_space<vmem>> -> memref<128xi32, #tpu.memory_space<vmem>>
        %dma_wait3A_186 = arith.constant 0 : i32
        %dma_wait3A_187 = arith.constant 0 : i32
        %dma_wait3A_188 = tpu.memref_slice %arg9[%dma_wait3A_186, %dma_wait3A_187] : memref<10240x128xf32, #tpu.memory_space<vmem_shared>> -> memref<10240x128xf32, #tpu.memory_space<vmem_shared>>
        tpu.wait_indirect_dma semaphore(%arg16 : memref<!tpu.dma_semaphore, #tpu.memory_space<semaphore_mem>>) src(%arg12 : memref<128x128xf32, #tpu.memory_space<vmem>>) dst(%dma_wait3A_188 : memref<10240x128xf32, #tpu.memory_space<vmem_shared>>)
        %dma_start3A_189 = arith.constant 4 : i32
        %dma_start3A_190 = arith.constant 0 : i32
        %dma_start3A_191 = tpu.memref_slice %arg10[%dma_start3A_189, %dma_start3A_190] : memref<16x128xi32, #tpu.memory_space<vmem>> -> memref<1x128xi32, #tpu.memory_space<vmem>>
        %dma_start3A_192 = tpu.memref_squeeze %dma_start3A_191 : memref<1x128xi32, #tpu.memory_space<vmem>> -> memref<128xi32, #tpu.memory_space<vmem>>
        %dma_start3A_193 = arith.constant 0 : i32
        %dma_start3A_194 = arith.constant 0 : i32
        %dma_start3A_195 = tpu.memref_slice %arg2[%dma_start3A_193, %dma_start3A_194] : memref<10000x128xf32, #tpu.memory_space<hbm>> -> memref<10000x128xf32, #tpu.memory_space<hbm>>
        tpu.enqueue_indirect_dma source(%dma_start3A_195 : memref<10000x128xf32, #tpu.memory_space<hbm>>) target(%arg12 : memref<128x128xf32, #tpu.memory_space<vmem>>) offsets(%dma_start3A_192 : memref<128xi32, #tpu.memory_space<vmem>>) semaphore(%arg14 : memref<!tpu.dma_semaphore, #tpu.memory_space<semaphore_mem>>)
        %dma_start3A_196 = arith.constant 3 : i32
        %dma_start3A_197 = arith.constant 0 : i32
        %dma_start3A_198 = tpu.memref_slice %arg11[%dma_start3A_196, %dma_start3A_197] : memref<16x128xi32, #tpu.memory_space<vmem>> -> memref<1x128xi32, #tpu.memory_space<vmem>>
        %dma_start3A_199 = tpu.memref_squeeze %dma_start3A_198 : memref<1x128xi32, #tpu.memory_space<vmem>> -> memref<128xi32, #tpu.memory_space<vmem>>
        %dma_start3A_200 = arith.constant 0 : i32
        %dma_start3A_201 = arith.constant 0 : i32
        %dma_start3A_202 = tpu.memref_slice %arg9[%dma_start3A_200, %dma_start3A_201] : memref<10240x128xf32, #tpu.memory_space<vmem_shared>> -> memref<10240x128xf32, #tpu.memory_space<vmem_shared>>
        tpu.enqueue_indirect_dma source(%arg13 : memref<128x128xf32, #tpu.memory_space<vmem>>) target(%dma_start3A_202 : memref<10240x128xf32, #tpu.memory_space<vmem_shared>>) offsets(%dma_start3A_199 : memref<128xi32, #tpu.memory_space<vmem>>) semaphore(%arg17 : memref<!tpu.dma_semaphore, #tpu.memory_space<semaphore_mem>>) {add = true}
        %dma_wait3A_203 = arith.constant 4 : i32
        %dma_wait3A_204 = arith.constant 0 : i32
        %dma_wait3A_205 = tpu.memref_slice %arg10[%dma_wait3A_203, %dma_wait3A_204] : memref<16x128xi32, #tpu.memory_space<vmem>> -> memref<1x128xi32, #tpu.memory_space<vmem>>
        %dma_wait3A_206 = tpu.memref_squeeze %dma_wait3A_205 : memref<1x128xi32, #tpu.memory_space<vmem>> -> memref<128xi32, #tpu.memory_space<vmem>>
        %dma_wait3A_207 = arith.constant 0 : i32
        %dma_wait3A_208 = arith.constant 0 : i32
        %dma_wait3A_209 = tpu.memref_slice %arg2[%dma_wait3A_207, %dma_wait3A_208] : memref<10000x128xf32, #tpu.memory_space<hbm>> -> memref<10000x128xf32, #tpu.memory_space<hbm>>
        tpu.wait_indirect_dma semaphore(%arg14 : memref<!tpu.dma_semaphore, #tpu.memory_space<semaphore_mem>>) src(%dma_wait3A_209 : memref<10000x128xf32, #tpu.memory_space<hbm>>) dst(%arg12 : memref<128x128xf32, #tpu.memory_space<vmem>>)
        %dma_wait3A_210 = arith.constant 3 : i32
        %dma_wait3A_211 = arith.constant 0 : i32
        %dma_wait3A_212 = tpu.memref_slice %arg11[%dma_wait3A_210, %dma_wait3A_211] : memref<16x128xi32, #tpu.memory_space<vmem>> -> memref<1x128xi32, #tpu.memory_space<vmem>>
        %dma_wait3A_213 = tpu.memref_squeeze %dma_wait3A_212 : memref<1x128xi32, #tpu.memory_space<vmem>> -> memref<128xi32, #tpu.memory_space<vmem>>
        %dma_wait3A_214 = arith.constant 0 : i32
        %dma_wait3A_215 = arith.constant 0 : i32
        %dma_wait3A_216 = tpu.memref_slice %arg9[%dma_wait3A_214, %dma_wait3A_215] : memref<10240x128xf32, #tpu.memory_space<vmem_shared>> -> memref<10240x128xf32, #tpu.memory_space<vmem_shared>>
        tpu.wait_indirect_dma semaphore(%arg17 : memref<!tpu.dma_semaphore, #tpu.memory_space<semaphore_mem>>) src(%arg13 : memref<128x128xf32, #tpu.memory_space<vmem>>) dst(%dma_wait3A_216 : memref<10240x128xf32, #tpu.memory_space<vmem_shared>>)
        %dma_start3A_217 = arith.constant 5 : i32
        %dma_start3A_218 = arith.constant 0 : i32
        %dma_start3A_219 = tpu.memref_slice %arg10[%dma_start3A_217, %dma_start3A_218] : memref<16x128xi32, #tpu.memory_space<vmem>> -> memref<1x128xi32, #tpu.memory_space<vmem>>
        %dma_start3A_220 = tpu.memref_squeeze %dma_start3A_219 : memref<1x128xi32, #tpu.memory_space<vmem>> -> memref<128xi32, #tpu.memory_space<vmem>>
        %dma_start3A_221 = arith.constant 0 : i32
        %dma_start3A_222 = arith.constant 0 : i32
        %dma_start3A_223 = tpu.memref_slice %arg2[%dma_start3A_221, %dma_start3A_222] : memref<10000x128xf32, #tpu.memory_space<hbm>> -> memref<10000x128xf32, #tpu.memory_space<hbm>>
        tpu.enqueue_indirect_dma source(%dma_start3A_223 : memref<10000x128xf32, #tpu.memory_space<hbm>>) target(%arg13 : memref<128x128xf32, #tpu.memory_space<vmem>>) offsets(%dma_start3A_220 : memref<128xi32, #tpu.memory_space<vmem>>) semaphore(%arg15 : memref<!tpu.dma_semaphore, #tpu.memory_space<semaphore_mem>>)
        %dma_start3A_224 = arith.constant 4 : i32
        %dma_start3A_225 = arith.constant 0 : i32
        %dma_start3A_226 = tpu.memref_slice %arg11[%dma_start3A_224, %dma_start3A_225] : memref<16x128xi32, #tpu.memory_space<vmem>> -> memref<1x128xi32, #tpu.memory_space<vmem>>
        %dma_start3A_227 = tpu.memref_squeeze %dma_start3A_226 : memref<1x128xi32, #tpu.memory_space<vmem>> -> memref<128xi32, #tpu.memory_space<vmem>>
        %dma_start3A_228 = arith.constant 0 : i32
        %dma_start3A_229 = arith.constant 0 : i32
        %dma_start3A_230 = tpu.memref_slice %arg9[%dma_start3A_228, %dma_start3A_229] : memref<10240x128xf32, #tpu.memory_space<vmem_shared>> -> memref<10240x128xf32, #tpu.memory_space<vmem_shared>>
        tpu.enqueue_indirect_dma source(%arg12 : memref<128x128xf32, #tpu.memory_space<vmem>>) target(%dma_start3A_230 : memref<10240x128xf32, #tpu.memory_space<vmem_shared>>) offsets(%dma_start3A_227 : memref<128xi32, #tpu.memory_space<vmem>>) semaphore(%arg16 : memref<!tpu.dma_semaphore, #tpu.memory_space<semaphore_mem>>) {add = true}
        %dma_wait3A_231 = arith.constant 5 : i32
        %dma_wait3A_232 = arith.constant 0 : i32
        %dma_wait3A_233 = tpu.memref_slice %arg10[%dma_wait3A_231, %dma_wait3A_232] : memref<16x128xi32, #tpu.memory_space<vmem>> -> memref<1x128xi32, #tpu.memory_space<vmem>>
        %dma_wait3A_234 = tpu.memref_squeeze %dma_wait3A_233 : memref<1x128xi32, #tpu.memory_space<vmem>> -> memref<128xi32, #tpu.memory_space<vmem>>
        %dma_wait3A_235 = arith.constant 0 : i32
        %dma_wait3A_236 = arith.constant 0 : i32
        %dma_wait3A_237 = tpu.memref_slice %arg2[%dma_wait3A_235, %dma_wait3A_236] : memref<10000x128xf32, #tpu.memory_space<hbm>> -> memref<10000x128xf32, #tpu.memory_space<hbm>>
        tpu.wait_indirect_dma semaphore(%arg15 : memref<!tpu.dma_semaphore, #tpu.memory_space<semaphore_mem>>) src(%dma_wait3A_237 : memref<10000x128xf32, #tpu.memory_space<hbm>>) dst(%arg13 : memref<128x128xf32, #tpu.memory_space<vmem>>)
        %dma_wait3A_238 = arith.constant 4 : i32
        %dma_wait3A_239 = arith.constant 0 : i32
        %dma_wait3A_240 = tpu.memref_slice %arg11[%dma_wait3A_238, %dma_wait3A_239] : memref<16x128xi32, #tpu.memory_space<vmem>> -> memref<1x128xi32, #tpu.memory_space<vmem>>
        %dma_wait3A_241 = tpu.memref_squeeze %dma_wait3A_240 : memref<1x128xi32, #tpu.memory_space<vmem>> -> memref<128xi32, #tpu.memory_space<vmem>>
        %dma_wait3A_242 = arith.constant 0 : i32
        %dma_wait3A_243 = arith.constant 0 : i32
        %dma_wait3A_244 = tpu.memref_slice %arg9[%dma_wait3A_242, %dma_wait3A_243] : memref<10240x128xf32, #tpu.memory_space<vmem_shared>> -> memref<10240x128xf32, #tpu.memory_space<vmem_shared>>
        tpu.wait_indirect_dma semaphore(%arg16 : memref<!tpu.dma_semaphore, #tpu.memory_space<semaphore_mem>>) src(%arg12 : memref<128x128xf32, #tpu.memory_space<vmem>>) dst(%dma_wait3A_244 : memref<10240x128xf32, #tpu.memory_space<vmem_shared>>)
        %dma_start3A_245 = arith.constant 6 : i32
        %dma_start3A_246 = arith.constant 0 : i32
        %dma_start3A_247 = tpu.memref_slice %arg10[%dma_start3A_245, %dma_start3A_246] : memref<16x128xi32, #tpu.memory_space<vmem>> -> memref<1x128xi32, #tpu.memory_space<vmem>>
        %dma_start3A_248 = tpu.memref_squeeze %dma_start3A_247 : memref<1x128xi32, #tpu.memory_space<vmem>> -> memref<128xi32, #tpu.memory_space<vmem>>
        %dma_start3A_249 = arith.constant 0 : i32
        %dma_start3A_250 = arith.constant 0 : i32
        %dma_start3A_251 = tpu.memref_slice %arg2[%dma_start3A_249, %dma_start3A_250] : memref<10000x128xf32, #tpu.memory_space<hbm>> -> memref<10000x128xf32, #tpu.memory_space<hbm>>
        tpu.enqueue_indirect_dma source(%dma_start3A_251 : memref<10000x128xf32, #tpu.memory_space<hbm>>) target(%arg12 : memref<128x128xf32, #tpu.memory_space<vmem>>) offsets(%dma_start3A_248 : memref<128xi32, #tpu.memory_space<vmem>>) semaphore(%arg14 : memref<!tpu.dma_semaphore, #tpu.memory_space<semaphore_mem>>)
        %dma_start3A_252 = arith.constant 5 : i32
        %dma_start3A_253 = arith.constant 0 : i32
        %dma_start3A_254 = tpu.memref_slice %arg11[%dma_start3A_252, %dma_start3A_253] : memref<16x128xi32, #tpu.memory_space<vmem>> -> memref<1x128xi32, #tpu.memory_space<vmem>>
        %dma_start3A_255 = tpu.memref_squeeze %dma_start3A_254 : memref<1x128xi32, #tpu.memory_space<vmem>> -> memref<128xi32, #tpu.memory_space<vmem>>
        %dma_start3A_256 = arith.constant 0 : i32
        %dma_start3A_257 = arith.constant 0 : i32
        %dma_start3A_258 = tpu.memref_slice %arg9[%dma_start3A_256, %dma_start3A_257] : memref<10240x128xf32, #tpu.memory_space<vmem_shared>> -> memref<10240x128xf32, #tpu.memory_space<vmem_shared>>
        tpu.enqueue_indirect_dma source(%arg13 : memref<128x128xf32, #tpu.memory_space<vmem>>) target(%dma_start3A_258 : memref<10240x128xf32, #tpu.memory_space<vmem_shared>>) offsets(%dma_start3A_255 : memref<128xi32, #tpu.memory_space<vmem>>) semaphore(%arg17 : memref<!tpu.dma_semaphore, #tpu.memory_space<semaphore_mem>>) {add = true}
        %dma_wait3A_259 = arith.constant 6 : i32
        %dma_wait3A_260 = arith.constant 0 : i32
        %dma_wait3A_261 = tpu.memref_slice %arg10[%dma_wait3A_259, %dma_wait3A_260] : memref<16x128xi32, #tpu.memory_space<vmem>> -> memref<1x128xi32, #tpu.memory_space<vmem>>
        %dma_wait3A_262 = tpu.memref_squeeze %dma_wait3A_261 : memref<1x128xi32, #tpu.memory_space<vmem>> -> memref<128xi32, #tpu.memory_space<vmem>>
        %dma_wait3A_263 = arith.constant 0 : i32
        %dma_wait3A_264 = arith.constant 0 : i32
        %dma_wait3A_265 = tpu.memref_slice %arg2[%dma_wait3A_263, %dma_wait3A_264] : memref<10000x128xf32, #tpu.memory_space<hbm>> -> memref<10000x128xf32, #tpu.memory_space<hbm>>
        tpu.wait_indirect_dma semaphore(%arg14 : memref<!tpu.dma_semaphore, #tpu.memory_space<semaphore_mem>>) src(%dma_wait3A_265 : memref<10000x128xf32, #tpu.memory_space<hbm>>) dst(%arg12 : memref<128x128xf32, #tpu.memory_space<vmem>>)
        %dma_wait3A_266 = arith.constant 5 : i32
        %dma_wait3A_267 = arith.constant 0 : i32
        %dma_wait3A_268 = tpu.memref_slice %arg11[%dma_wait3A_266, %dma_wait3A_267] : memref<16x128xi32, #tpu.memory_space<vmem>> -> memref<1x128xi32, #tpu.memory_space<vmem>>
        %dma_wait3A_269 = tpu.memref_squeeze %dma_wait3A_268 : memref<1x128xi32, #tpu.memory_space<vmem>> -> memref<128xi32, #tpu.memory_space<vmem>>
        %dma_wait3A_270 = arith.constant 0 : i32
        %dma_wait3A_271 = arith.constant 0 : i32
        %dma_wait3A_272 = tpu.memref_slice %arg9[%dma_wait3A_270, %dma_wait3A_271] : memref<10240x128xf32, #tpu.memory_space<vmem_shared>> -> memref<10240x128xf32, #tpu.memory_space<vmem_shared>>
        tpu.wait_indirect_dma semaphore(%arg17 : memref<!tpu.dma_semaphore, #tpu.memory_space<semaphore_mem>>) src(%arg13 : memref<128x128xf32, #tpu.memory_space<vmem>>) dst(%dma_wait3A_272 : memref<10240x128xf32, #tpu.memory_space<vmem_shared>>)
        %dma_start3A_273 = arith.constant 7 : i32
        %dma_start3A_274 = arith.constant 0 : i32
        %dma_start3A_275 = tpu.memref_slice %arg10[%dma_start3A_273, %dma_start3A_274] : memref<16x128xi32, #tpu.memory_space<vmem>> -> memref<1x128xi32, #tpu.memory_space<vmem>>
        %dma_start3A_276 = tpu.memref_squeeze %dma_start3A_275 : memref<1x128xi32, #tpu.memory_space<vmem>> -> memref<128xi32, #tpu.memory_space<vmem>>
        %dma_start3A_277 = arith.constant 0 : i32
        %dma_start3A_278 = arith.constant 0 : i32
        %dma_start3A_279 = tpu.memref_slice %arg2[%dma_start3A_277, %dma_start3A_278] : memref<10000x128xf32, #tpu.memory_space<hbm>> -> memref<10000x128xf32, #tpu.memory_space<hbm>>
        tpu.enqueue_indirect_dma source(%dma_start3A_279 : memref<10000x128xf32, #tpu.memory_space<hbm>>) target(%arg13 : memref<128x128xf32, #tpu.memory_space<vmem>>) offsets(%dma_start3A_276 : memref<128xi32, #tpu.memory_space<vmem>>) semaphore(%arg15 : memref<!tpu.dma_semaphore, #tpu.memory_space<semaphore_mem>>)
        %dma_start3A_280 = arith.constant 6 : i32
        %dma_start3A_281 = arith.constant 0 : i32
        %dma_start3A_282 = tpu.memref_slice %arg11[%dma_start3A_280, %dma_start3A_281] : memref<16x128xi32, #tpu.memory_space<vmem>> -> memref<1x128xi32, #tpu.memory_space<vmem>>
        %dma_start3A_283 = tpu.memref_squeeze %dma_start3A_282 : memref<1x128xi32, #tpu.memory_space<vmem>> -> memref<128xi32, #tpu.memory_space<vmem>>
        %dma_start3A_284 = arith.constant 0 : i32
        %dma_start3A_285 = arith.constant 0 : i32
        %dma_start3A_286 = tpu.memref_slice %arg9[%dma_start3A_284, %dma_start3A_285] : memref<10240x128xf32, #tpu.memory_space<vmem_shared>> -> memref<10240x128xf32, #tpu.memory_space<vmem_shared>>
        tpu.enqueue_indirect_dma source(%arg12 : memref<128x128xf32, #tpu.memory_space<vmem>>) target(%dma_start3A_286 : memref<10240x128xf32, #tpu.memory_space<vmem_shared>>) offsets(%dma_start3A_283 : memref<128xi32, #tpu.memory_space<vmem>>) semaphore(%arg16 : memref<!tpu.dma_semaphore, #tpu.memory_space<semaphore_mem>>) {add = true}
        %dma_wait3A_287 = arith.constant 7 : i32
        %dma_wait3A_288 = arith.constant 0 : i32
        %dma_wait3A_289 = tpu.memref_slice %arg10[%dma_wait3A_287, %dma_wait3A_288] : memref<16x128xi32, #tpu.memory_space<vmem>> -> memref<1x128xi32, #tpu.memory_space<vmem>>
        %dma_wait3A_290 = tpu.memref_squeeze %dma_wait3A_289 : memref<1x128xi32, #tpu.memory_space<vmem>> -> memref<128xi32, #tpu.memory_space<vmem>>
        %dma_wait3A_291 = arith.constant 0 : i32
        %dma_wait3A_292 = arith.constant 0 : i32
        %dma_wait3A_293 = tpu.memref_slice %arg2[%dma_wait3A_291, %dma_wait3A_292] : memref<10000x128xf32, #tpu.memory_space<hbm>> -> memref<10000x128xf32, #tpu.memory_space<hbm>>
        tpu.wait_indirect_dma semaphore(%arg15 : memref<!tpu.dma_semaphore, #tpu.memory_space<semaphore_mem>>) src(%dma_wait3A_293 : memref<10000x128xf32, #tpu.memory_space<hbm>>) dst(%arg13 : memref<128x128xf32, #tpu.memory_space<vmem>>)
        %dma_wait3A_294 = arith.constant 6 : i32
        %dma_wait3A_295 = arith.constant 0 : i32
        %dma_wait3A_296 = tpu.memref_slice %arg11[%dma_wait3A_294, %dma_wait3A_295] : memref<16x128xi32, #tpu.memory_space<vmem>> -> memref<1x128xi32, #tpu.memory_space<vmem>>
        %dma_wait3A_297 = tpu.memref_squeeze %dma_wait3A_296 : memref<1x128xi32, #tpu.memory_space<vmem>> -> memref<128xi32, #tpu.memory_space<vmem>>
        %dma_wait3A_298 = arith.constant 0 : i32
        %dma_wait3A_299 = arith.constant 0 : i32
        %dma_wait3A_300 = tpu.memref_slice %arg9[%dma_wait3A_298, %dma_wait3A_299] : memref<10240x128xf32, #tpu.memory_space<vmem_shared>> -> memref<10240x128xf32, #tpu.memory_space<vmem_shared>>
        tpu.wait_indirect_dma semaphore(%arg16 : memref<!tpu.dma_semaphore, #tpu.memory_space<semaphore_mem>>) src(%arg12 : memref<128x128xf32, #tpu.memory_space<vmem>>) dst(%dma_wait3A_300 : memref<10240x128xf32, #tpu.memory_space<vmem_shared>>)
        %dma_start3A_301 = arith.constant 8 : i32
        %dma_start3A_302 = arith.constant 0 : i32
        %dma_start3A_303 = tpu.memref_slice %arg10[%dma_start3A_301, %dma_start3A_302] : memref<16x128xi32, #tpu.memory_space<vmem>> -> memref<1x128xi32, #tpu.memory_space<vmem>>
        %dma_start3A_304 = tpu.memref_squeeze %dma_start3A_303 : memref<1x128xi32, #tpu.memory_space<vmem>> -> memref<128xi32, #tpu.memory_space<vmem>>
        %dma_start3A_305 = arith.constant 0 : i32
        %dma_start3A_306 = arith.constant 0 : i32
        %dma_start3A_307 = tpu.memref_slice %arg2[%dma_start3A_305, %dma_start3A_306] : memref<10000x128xf32, #tpu.memory_space<hbm>> -> memref<10000x128xf32, #tpu.memory_space<hbm>>
        tpu.enqueue_indirect_dma source(%dma_start3A_307 : memref<10000x128xf32, #tpu.memory_space<hbm>>) target(%arg12 : memref<128x128xf32, #tpu.memory_space<vmem>>) offsets(%dma_start3A_304 : memref<128xi32, #tpu.memory_space<vmem>>) semaphore(%arg14 : memref<!tpu.dma_semaphore, #tpu.memory_space<semaphore_mem>>)
        %dma_start3A_308 = arith.constant 7 : i32
        %dma_start3A_309 = arith.constant 0 : i32
        %dma_start3A_310 = tpu.memref_slice %arg11[%dma_start3A_308, %dma_start3A_309] : memref<16x128xi32, #tpu.memory_space<vmem>> -> memref<1x128xi32, #tpu.memory_space<vmem>>
        %dma_start3A_311 = tpu.memref_squeeze %dma_start3A_310 : memref<1x128xi32, #tpu.memory_space<vmem>> -> memref<128xi32, #tpu.memory_space<vmem>>
        %dma_start3A_312 = arith.constant 0 : i32
        %dma_start3A_313 = arith.constant 0 : i32
        %dma_start3A_314 = tpu.memref_slice %arg9[%dma_start3A_312, %dma_start3A_313] : memref<10240x128xf32, #tpu.memory_space<vmem_shared>> -> memref<10240x128xf32, #tpu.memory_space<vmem_shared>>
        tpu.enqueue_indirect_dma source(%arg13 : memref<128x128xf32, #tpu.memory_space<vmem>>) target(%dma_start3A_314 : memref<10240x128xf32, #tpu.memory_space<vmem_shared>>) offsets(%dma_start3A_311 : memref<128xi32, #tpu.memory_space<vmem>>) semaphore(%arg17 : memref<!tpu.dma_semaphore, #tpu.memory_space<semaphore_mem>>) {add = true}
        %dma_wait3A_315 = arith.constant 8 : i32
        %dma_wait3A_316 = arith.constant 0 : i32
        %dma_wait3A_317 = tpu.memref_slice %arg10[%dma_wait3A_315, %dma_wait3A_316] : memref<16x128xi32, #tpu.memory_space<vmem>> -> memref<1x128xi32, #tpu.memory_space<vmem>>
        %dma_wait3A_318 = tpu.memref_squeeze %dma_wait3A_317 : memref<1x128xi32, #tpu.memory_space<vmem>> -> memref<128xi32, #tpu.memory_space<vmem>>
        %dma_wait3A_319 = arith.constant 0 : i32
        %dma_wait3A_320 = arith.constant 0 : i32
        %dma_wait3A_321 = tpu.memref_slice %arg2[%dma_wait3A_319, %dma_wait3A_320] : memref<10000x128xf32, #tpu.memory_space<hbm>> -> memref<10000x128xf32, #tpu.memory_space<hbm>>
        tpu.wait_indirect_dma semaphore(%arg14 : memref<!tpu.dma_semaphore, #tpu.memory_space<semaphore_mem>>) src(%dma_wait3A_321 : memref<10000x128xf32, #tpu.memory_space<hbm>>) dst(%arg12 : memref<128x128xf32, #tpu.memory_space<vmem>>)
        %dma_wait3A_322 = arith.constant 7 : i32
        %dma_wait3A_323 = arith.constant 0 : i32
        %dma_wait3A_324 = tpu.memref_slice %arg11[%dma_wait3A_322, %dma_wait3A_323] : memref<16x128xi32, #tpu.memory_space<vmem>> -> memref<1x128xi32, #tpu.memory_space<vmem>>
        %dma_wait3A_325 = tpu.memref_squeeze %dma_wait3A_324 : memref<1x128xi32, #tpu.memory_space<vmem>> -> memref<128xi32, #tpu.memory_space<vmem>>
        %dma_wait3A_326 = arith.constant 0 : i32
        %dma_wait3A_327 = arith.constant 0 : i32
        %dma_wait3A_328 = tpu.memref_slice %arg9[%dma_wait3A_326, %dma_wait3A_327] : memref<10240x128xf32, #tpu.memory_space<vmem_shared>> -> memref<10240x128xf32, #tpu.memory_space<vmem_shared>>
        tpu.wait_indirect_dma semaphore(%arg17 : memref<!tpu.dma_semaphore, #tpu.memory_space<semaphore_mem>>) src(%arg13 : memref<128x128xf32, #tpu.memory_space<vmem>>) dst(%dma_wait3A_328 : memref<10240x128xf32, #tpu.memory_space<vmem_shared>>)
        %dma_start3A_329 = arith.constant 9 : i32
        %dma_start3A_330 = arith.constant 0 : i32
        %dma_start3A_331 = tpu.memref_slice %arg10[%dma_start3A_329, %dma_start3A_330] : memref<16x128xi32, #tpu.memory_space<vmem>> -> memref<1x128xi32, #tpu.memory_space<vmem>>
        %dma_start3A_332 = tpu.memref_squeeze %dma_start3A_331 : memref<1x128xi32, #tpu.memory_space<vmem>> -> memref<128xi32, #tpu.memory_space<vmem>>
        %dma_start3A_333 = arith.constant 0 : i32
        %dma_start3A_334 = arith.constant 0 : i32
        %dma_start3A_335 = tpu.memref_slice %arg2[%dma_start3A_333, %dma_start3A_334] : memref<10000x128xf32, #tpu.memory_space<hbm>> -> memref<10000x128xf32, #tpu.memory_space<hbm>>
        tpu.enqueue_indirect_dma source(%dma_start3A_335 : memref<10000x128xf32, #tpu.memory_space<hbm>>) target(%arg13 : memref<128x128xf32, #tpu.memory_space<vmem>>) offsets(%dma_start3A_332 : memref<128xi32, #tpu.memory_space<vmem>>) semaphore(%arg15 : memref<!tpu.dma_semaphore, #tpu.memory_space<semaphore_mem>>)
        %dma_start3A_336 = arith.constant 8 : i32
        %dma_start3A_337 = arith.constant 0 : i32
        %dma_start3A_338 = tpu.memref_slice %arg11[%dma_start3A_336, %dma_start3A_337] : memref<16x128xi32, #tpu.memory_space<vmem>> -> memref<1x128xi32, #tpu.memory_space<vmem>>
        %dma_start3A_339 = tpu.memref_squeeze %dma_start3A_338 : memref<1x128xi32, #tpu.memory_space<vmem>> -> memref<128xi32, #tpu.memory_space<vmem>>
        %dma_start3A_340 = arith.constant 0 : i32
        %dma_start3A_341 = arith.constant 0 : i32
        %dma_start3A_342 = tpu.memref_slice %arg9[%dma_start3A_340, %dma_start3A_341] : memref<10240x128xf32, #tpu.memory_space<vmem_shared>> -> memref<10240x128xf32, #tpu.memory_space<vmem_shared>>
        tpu.enqueue_indirect_dma source(%arg12 : memref<128x128xf32, #tpu.memory_space<vmem>>) target(%dma_start3A_342 : memref<10240x128xf32, #tpu.memory_space<vmem_shared>>) offsets(%dma_start3A_339 : memref<128xi32, #tpu.memory_space<vmem>>) semaphore(%arg16 : memref<!tpu.dma_semaphore, #tpu.memory_space<semaphore_mem>>) {add = true}
        %dma_wait3A_343 = arith.constant 9 : i32
        %dma_wait3A_344 = arith.constant 0 : i32
        %dma_wait3A_345 = tpu.memref_slice %arg10[%dma_wait3A_343, %dma_wait3A_344] : memref<16x128xi32, #tpu.memory_space<vmem>> -> memref<1x128xi32, #tpu.memory_space<vmem>>
        %dma_wait3A_346 = tpu.memref_squeeze %dma_wait3A_345 : memref<1x128xi32, #tpu.memory_space<vmem>> -> memref<128xi32, #tpu.memory_space<vmem>>
        %dma_wait3A_347 = arith.constant 0 : i32
        %dma_wait3A_348 = arith.constant 0 : i32
        %dma_wait3A_349 = tpu.memref_slice %arg2[%dma_wait3A_347, %dma_wait3A_348] : memref<10000x128xf32, #tpu.memory_space<hbm>> -> memref<10000x128xf32, #tpu.memory_space<hbm>>
        tpu.wait_indirect_dma semaphore(%arg15 : memref<!tpu.dma_semaphore, #tpu.memory_space<semaphore_mem>>) src(%dma_wait3A_349 : memref<10000x128xf32, #tpu.memory_space<hbm>>) dst(%arg13 : memref<128x128xf32, #tpu.memory_space<vmem>>)
        %dma_wait3A_350 = arith.constant 8 : i32
        %dma_wait3A_351 = arith.constant 0 : i32
        %dma_wait3A_352 = tpu.memref_slice %arg11[%dma_wait3A_350, %dma_wait3A_351] : memref<16x128xi32, #tpu.memory_space<vmem>> -> memref<1x128xi32, #tpu.memory_space<vmem>>
        %dma_wait3A_353 = tpu.memref_squeeze %dma_wait3A_352 : memref<1x128xi32, #tpu.memory_space<vmem>> -> memref<128xi32, #tpu.memory_space<vmem>>
        %dma_wait3A_354 = arith.constant 0 : i32
        %dma_wait3A_355 = arith.constant 0 : i32
        %dma_wait3A_356 = tpu.memref_slice %arg9[%dma_wait3A_354, %dma_wait3A_355] : memref<10240x128xf32, #tpu.memory_space<vmem_shared>> -> memref<10240x128xf32, #tpu.memory_space<vmem_shared>>
        tpu.wait_indirect_dma semaphore(%arg16 : memref<!tpu.dma_semaphore, #tpu.memory_space<semaphore_mem>>) src(%arg12 : memref<128x128xf32, #tpu.memory_space<vmem>>) dst(%dma_wait3A_356 : memref<10240x128xf32, #tpu.memory_space<vmem_shared>>)
        %dma_start3A_357 = arith.constant 10 : i32
        %dma_start3A_358 = arith.constant 0 : i32
        %dma_start3A_359 = tpu.memref_slice %arg10[%dma_start3A_357, %dma_start3A_358] : memref<16x128xi32, #tpu.memory_space<vmem>> -> memref<1x128xi32, #tpu.memory_space<vmem>>
        %dma_start3A_360 = tpu.memref_squeeze %dma_start3A_359 : memref<1x128xi32, #tpu.memory_space<vmem>> -> memref<128xi32, #tpu.memory_space<vmem>>
        %dma_start3A_361 = arith.constant 0 : i32
        %dma_start3A_362 = arith.constant 0 : i32
        %dma_start3A_363 = tpu.memref_slice %arg2[%dma_start3A_361, %dma_start3A_362] : memref<10000x128xf32, #tpu.memory_space<hbm>> -> memref<10000x128xf32, #tpu.memory_space<hbm>>
        tpu.enqueue_indirect_dma source(%dma_start3A_363 : memref<10000x128xf32, #tpu.memory_space<hbm>>) target(%arg12 : memref<128x128xf32, #tpu.memory_space<vmem>>) offsets(%dma_start3A_360 : memref<128xi32, #tpu.memory_space<vmem>>) semaphore(%arg14 : memref<!tpu.dma_semaphore, #tpu.memory_space<semaphore_mem>>)
        %dma_start3A_364 = arith.constant 9 : i32
        %dma_start3A_365 = arith.constant 0 : i32
        %dma_start3A_366 = tpu.memref_slice %arg11[%dma_start3A_364, %dma_start3A_365] : memref<16x128xi32, #tpu.memory_space<vmem>> -> memref<1x128xi32, #tpu.memory_space<vmem>>
        %dma_start3A_367 = tpu.memref_squeeze %dma_start3A_366 : memref<1x128xi32, #tpu.memory_space<vmem>> -> memref<128xi32, #tpu.memory_space<vmem>>
        %dma_start3A_368 = arith.constant 0 : i32
        %dma_start3A_369 = arith.constant 0 : i32
        %dma_start3A_370 = tpu.memref_slice %arg9[%dma_start3A_368, %dma_start3A_369] : memref<10240x128xf32, #tpu.memory_space<vmem_shared>> -> memref<10240x128xf32, #tpu.memory_space<vmem_shared>>
        tpu.enqueue_indirect_dma source(%arg13 : memref<128x128xf32, #tpu.memory_space<vmem>>) target(%dma_start3A_370 : memref<10240x128xf32, #tpu.memory_space<vmem_shared>>) offsets(%dma_start3A_367 : memref<128xi32, #tpu.memory_space<vmem>>) semaphore(%arg17 : memref<!tpu.dma_semaphore, #tpu.memory_space<semaphore_mem>>) {add = true}
        %dma_wait3A_371 = arith.constant 10 : i32
        %dma_wait3A_372 = arith.constant 0 : i32
        %dma_wait3A_373 = tpu.memref_slice %arg10[%dma_wait3A_371, %dma_wait3A_372] : memref<16x128xi32, #tpu.memory_space<vmem>> -> memref<1x128xi32, #tpu.memory_space<vmem>>
        %dma_wait3A_374 = tpu.memref_squeeze %dma_wait3A_373 : memref<1x128xi32, #tpu.memory_space<vmem>> -> memref<128xi32, #tpu.memory_space<vmem>>
        %dma_wait3A_375 = arith.constant 0 : i32
        %dma_wait3A_376 = arith.constant 0 : i32
        %dma_wait3A_377 = tpu.memref_slice %arg2[%dma_wait3A_375, %dma_wait3A_376] : memref<10000x128xf32, #tpu.memory_space<hbm>> -> memref<10000x128xf32, #tpu.memory_space<hbm>>
        tpu.wait_indirect_dma semaphore(%arg14 : memref<!tpu.dma_semaphore, #tpu.memory_space<semaphore_mem>>) src(%dma_wait3A_377 : memref<10000x128xf32, #tpu.memory_space<hbm>>) dst(%arg12 : memref<128x128xf32, #tpu.memory_space<vmem>>)
        %dma_wait3A_378 = arith.constant 9 : i32
        %dma_wait3A_379 = arith.constant 0 : i32
        %dma_wait3A_380 = tpu.memref_slice %arg11[%dma_wait3A_378, %dma_wait3A_379] : memref<16x128xi32, #tpu.memory_space<vmem>> -> memref<1x128xi32, #tpu.memory_space<vmem>>
        %dma_wait3A_381 = tpu.memref_squeeze %dma_wait3A_380 : memref<1x128xi32, #tpu.memory_space<vmem>> -> memref<128xi32, #tpu.memory_space<vmem>>
        %dma_wait3A_382 = arith.constant 0 : i32
        %dma_wait3A_383 = arith.constant 0 : i32
        %dma_wait3A_384 = tpu.memref_slice %arg9[%dma_wait3A_382, %dma_wait3A_383] : memref<10240x128xf32, #tpu.memory_space<vmem_shared>> -> memref<10240x128xf32, #tpu.memory_space<vmem_shared>>
        tpu.wait_indirect_dma semaphore(%arg17 : memref<!tpu.dma_semaphore, #tpu.memory_space<semaphore_mem>>) src(%arg13 : memref<128x128xf32, #tpu.memory_space<vmem>>) dst(%dma_wait3A_384 : memref<10240x128xf32, #tpu.memory_space<vmem_shared>>)
        %dma_start3A_385 = arith.constant 11 : i32
        %dma_start3A_386 = arith.constant 0 : i32
        %dma_start3A_387 = tpu.memref_slice %arg10[%dma_start3A_385, %dma_start3A_386] : memref<16x128xi32, #tpu.memory_space<vmem>> -> memref<1x128xi32, #tpu.memory_space<vmem>>
        %dma_start3A_388 = tpu.memref_squeeze %dma_start3A_387 : memref<1x128xi32, #tpu.memory_space<vmem>> -> memref<128xi32, #tpu.memory_space<vmem>>
        %dma_start3A_389 = arith.constant 0 : i32
        %dma_start3A_390 = arith.constant 0 : i32
        %dma_start3A_391 = tpu.memref_slice %arg2[%dma_start3A_389, %dma_start3A_390] : memref<10000x128xf32, #tpu.memory_space<hbm>> -> memref<10000x128xf32, #tpu.memory_space<hbm>>
        tpu.enqueue_indirect_dma source(%dma_start3A_391 : memref<10000x128xf32, #tpu.memory_space<hbm>>) target(%arg13 : memref<128x128xf32, #tpu.memory_space<vmem>>) offsets(%dma_start3A_388 : memref<128xi32, #tpu.memory_space<vmem>>) semaphore(%arg15 : memref<!tpu.dma_semaphore, #tpu.memory_space<semaphore_mem>>)
        %dma_start3A_392 = arith.constant 10 : i32
        %dma_start3A_393 = arith.constant 0 : i32
        %dma_start3A_394 = tpu.memref_slice %arg11[%dma_start3A_392, %dma_start3A_393] : memref<16x128xi32, #tpu.memory_space<vmem>> -> memref<1x128xi32, #tpu.memory_space<vmem>>
        %dma_start3A_395 = tpu.memref_squeeze %dma_start3A_394 : memref<1x128xi32, #tpu.memory_space<vmem>> -> memref<128xi32, #tpu.memory_space<vmem>>
        %dma_start3A_396 = arith.constant 0 : i32
        %dma_start3A_397 = arith.constant 0 : i32
        %dma_start3A_398 = tpu.memref_slice %arg9[%dma_start3A_396, %dma_start3A_397] : memref<10240x128xf32, #tpu.memory_space<vmem_shared>> -> memref<10240x128xf32, #tpu.memory_space<vmem_shared>>
        tpu.enqueue_indirect_dma source(%arg12 : memref<128x128xf32, #tpu.memory_space<vmem>>) target(%dma_start3A_398 : memref<10240x128xf32, #tpu.memory_space<vmem_shared>>) offsets(%dma_start3A_395 : memref<128xi32, #tpu.memory_space<vmem>>) semaphore(%arg16 : memref<!tpu.dma_semaphore, #tpu.memory_space<semaphore_mem>>) {add = true}
        %dma_wait3A_399 = arith.constant 11 : i32
        %dma_wait3A_400 = arith.constant 0 : i32
        %dma_wait3A_401 = tpu.memref_slice %arg10[%dma_wait3A_399, %dma_wait3A_400] : memref<16x128xi32, #tpu.memory_space<vmem>> -> memref<1x128xi32, #tpu.memory_space<vmem>>
        %dma_wait3A_402 = tpu.memref_squeeze %dma_wait3A_401 : memref<1x128xi32, #tpu.memory_space<vmem>> -> memref<128xi32, #tpu.memory_space<vmem>>
        %dma_wait3A_403 = arith.constant 0 : i32
        %dma_wait3A_404 = arith.constant 0 : i32
        %dma_wait3A_405 = tpu.memref_slice %arg2[%dma_wait3A_403, %dma_wait3A_404] : memref<10000x128xf32, #tpu.memory_space<hbm>> -> memref<10000x128xf32, #tpu.memory_space<hbm>>
        tpu.wait_indirect_dma semaphore(%arg15 : memref<!tpu.dma_semaphore, #tpu.memory_space<semaphore_mem>>) src(%dma_wait3A_405 : memref<10000x128xf32, #tpu.memory_space<hbm>>) dst(%arg13 : memref<128x128xf32, #tpu.memory_space<vmem>>)
        %dma_wait3A_406 = arith.constant 10 : i32
        %dma_wait3A_407 = arith.constant 0 : i32
        %dma_wait3A_408 = tpu.memref_slice %arg11[%dma_wait3A_406, %dma_wait3A_407] : memref<16x128xi32, #tpu.memory_space<vmem>> -> memref<1x128xi32, #tpu.memory_space<vmem>>
        %dma_wait3A_409 = tpu.memref_squeeze %dma_wait3A_408 : memref<1x128xi32, #tpu.memory_space<vmem>> -> memref<128xi32, #tpu.memory_space<vmem>>
        %dma_wait3A_410 = arith.constant 0 : i32
        %dma_wait3A_411 = arith.constant 0 : i32
        %dma_wait3A_412 = tpu.memref_slice %arg9[%dma_wait3A_410, %dma_wait3A_411] : memref<10240x128xf32, #tpu.memory_space<vmem_shared>> -> memref<10240x128xf32, #tpu.memory_space<vmem_shared>>
        tpu.wait_indirect_dma semaphore(%arg16 : memref<!tpu.dma_semaphore, #tpu.memory_space<semaphore_mem>>) src(%arg12 : memref<128x128xf32, #tpu.memory_space<vmem>>) dst(%dma_wait3A_412 : memref<10240x128xf32, #tpu.memory_space<vmem_shared>>)
        %dma_start3A_413 = arith.constant 12 : i32
        %dma_start3A_414 = arith.constant 0 : i32
        %dma_start3A_415 = tpu.memref_slice %arg10[%dma_start3A_413, %dma_start3A_414] : memref<16x128xi32, #tpu.memory_space<vmem>> -> memref<1x128xi32, #tpu.memory_space<vmem>>
        %dma_start3A_416 = tpu.memref_squeeze %dma_start3A_415 : memref<1x128xi32, #tpu.memory_space<vmem>> -> memref<128xi32, #tpu.memory_space<vmem>>
        %dma_start3A_417 = arith.constant 0 : i32
        %dma_start3A_418 = arith.constant 0 : i32
        %dma_start3A_419 = tpu.memref_slice %arg2[%dma_start3A_417, %dma_start3A_418] : memref<10000x128xf32, #tpu.memory_space<hbm>> -> memref<10000x128xf32, #tpu.memory_space<hbm>>
        tpu.enqueue_indirect_dma source(%dma_start3A_419 : memref<10000x128xf32, #tpu.memory_space<hbm>>) target(%arg12 : memref<128x128xf32, #tpu.memory_space<vmem>>) offsets(%dma_start3A_416 : memref<128xi32, #tpu.memory_space<vmem>>) semaphore(%arg14 : memref<!tpu.dma_semaphore, #tpu.memory_space<semaphore_mem>>)
        %dma_start3A_420 = arith.constant 11 : i32
        %dma_start3A_421 = arith.constant 0 : i32
        %dma_start3A_422 = tpu.memref_slice %arg11[%dma_start3A_420, %dma_start3A_421] : memref<16x128xi32, #tpu.memory_space<vmem>> -> memref<1x128xi32, #tpu.memory_space<vmem>>
        %dma_start3A_423 = tpu.memref_squeeze %dma_start3A_422 : memref<1x128xi32, #tpu.memory_space<vmem>> -> memref<128xi32, #tpu.memory_space<vmem>>
        %dma_start3A_424 = arith.constant 0 : i32
        %dma_start3A_425 = arith.constant 0 : i32
        %dma_start3A_426 = tpu.memref_slice %arg9[%dma_start3A_424, %dma_start3A_425] : memref<10240x128xf32, #tpu.memory_space<vmem_shared>> -> memref<10240x128xf32, #tpu.memory_space<vmem_shared>>
        tpu.enqueue_indirect_dma source(%arg13 : memref<128x128xf32, #tpu.memory_space<vmem>>) target(%dma_start3A_426 : memref<10240x128xf32, #tpu.memory_space<vmem_shared>>) offsets(%dma_start3A_423 : memref<128xi32, #tpu.memory_space<vmem>>) semaphore(%arg17 : memref<!tpu.dma_semaphore, #tpu.memory_space<semaphore_mem>>) {add = true}
        %dma_wait3A_427 = arith.constant 12 : i32
        %dma_wait3A_428 = arith.constant 0 : i32
        %dma_wait3A_429 = tpu.memref_slice %arg10[%dma_wait3A_427, %dma_wait3A_428] : memref<16x128xi32, #tpu.memory_space<vmem>> -> memref<1x128xi32, #tpu.memory_space<vmem>>
        %dma_wait3A_430 = tpu.memref_squeeze %dma_wait3A_429 : memref<1x128xi32, #tpu.memory_space<vmem>> -> memref<128xi32, #tpu.memory_space<vmem>>
        %dma_wait3A_431 = arith.constant 0 : i32
        %dma_wait3A_432 = arith.constant 0 : i32
        %dma_wait3A_433 = tpu.memref_slice %arg2[%dma_wait3A_431, %dma_wait3A_432] : memref<10000x128xf32, #tpu.memory_space<hbm>> -> memref<10000x128xf32, #tpu.memory_space<hbm>>
        tpu.wait_indirect_dma semaphore(%arg14 : memref<!tpu.dma_semaphore, #tpu.memory_space<semaphore_mem>>) src(%dma_wait3A_433 : memref<10000x128xf32, #tpu.memory_space<hbm>>) dst(%arg12 : memref<128x128xf32, #tpu.memory_space<vmem>>)
        %dma_wait3A_434 = arith.constant 11 : i32
        %dma_wait3A_435 = arith.constant 0 : i32
        %dma_wait3A_436 = tpu.memref_slice %arg11[%dma_wait3A_434, %dma_wait3A_435] : memref<16x128xi32, #tpu.memory_space<vmem>> -> memref<1x128xi32, #tpu.memory_space<vmem>>
        %dma_wait3A_437 = tpu.memref_squeeze %dma_wait3A_436 : memref<1x128xi32, #tpu.memory_space<vmem>> -> memref<128xi32, #tpu.memory_space<vmem>>
        %dma_wait3A_438 = arith.constant 0 : i32
        %dma_wait3A_439 = arith.constant 0 : i32
        %dma_wait3A_440 = tpu.memref_slice %arg9[%dma_wait3A_438, %dma_wait3A_439] : memref<10240x128xf32, #tpu.memory_space<vmem_shared>> -> memref<10240x128xf32, #tpu.memory_space<vmem_shared>>
        tpu.wait_indirect_dma semaphore(%arg17 : memref<!tpu.dma_semaphore, #tpu.memory_space<semaphore_mem>>) src(%arg13 : memref<128x128xf32, #tpu.memory_space<vmem>>) dst(%dma_wait3A_440 : memref<10240x128xf32, #tpu.memory_space<vmem_shared>>)
        %dma_start3A_441 = arith.constant 13 : i32
        %dma_start3A_442 = arith.constant 0 : i32
        %dma_start3A_443 = tpu.memref_slice %arg10[%dma_start3A_441, %dma_start3A_442] : memref<16x128xi32, #tpu.memory_space<vmem>> -> memref<1x128xi32, #tpu.memory_space<vmem>>
        %dma_start3A_444 = tpu.memref_squeeze %dma_start3A_443 : memref<1x128xi32, #tpu.memory_space<vmem>> -> memref<128xi32, #tpu.memory_space<vmem>>
        %dma_start3A_445 = arith.constant 0 : i32
        %dma_start3A_446 = arith.constant 0 : i32
        %dma_start3A_447 = tpu.memref_slice %arg2[%dma_start3A_445, %dma_start3A_446] : memref<10000x128xf32, #tpu.memory_space<hbm>> -> memref<10000x128xf32, #tpu.memory_space<hbm>>
        tpu.enqueue_indirect_dma source(%dma_start3A_447 : memref<10000x128xf32, #tpu.memory_space<hbm>>) target(%arg13 : memref<128x128xf32, #tpu.memory_space<vmem>>) offsets(%dma_start3A_444 : memref<128xi32, #tpu.memory_space<vmem>>) semaphore(%arg15 : memref<!tpu.dma_semaphore, #tpu.memory_space<semaphore_mem>>)
        %dma_start3A_448 = arith.constant 12 : i32
        %dma_start3A_449 = arith.constant 0 : i32
        %dma_start3A_450 = tpu.memref_slice %arg11[%dma_start3A_448, %dma_start3A_449] : memref<16x128xi32, #tpu.memory_space<vmem>> -> memref<1x128xi32, #tpu.memory_space<vmem>>
        %dma_start3A_451 = tpu.memref_squeeze %dma_start3A_450 : memref<1x128xi32, #tpu.memory_space<vmem>> -> memref<128xi32, #tpu.memory_space<vmem>>
        %dma_start3A_452 = arith.constant 0 : i32
        %dma_start3A_453 = arith.constant 0 : i32
        %dma_start3A_454 = tpu.memref_slice %arg9[%dma_start3A_452, %dma_start3A_453] : memref<10240x128xf32, #tpu.memory_space<vmem_shared>> -> memref<10240x128xf32, #tpu.memory_space<vmem_shared>>
        tpu.enqueue_indirect_dma source(%arg12 : memref<128x128xf32, #tpu.memory_space<vmem>>) target(%dma_start3A_454 : memref<10240x128xf32, #tpu.memory_space<vmem_shared>>) offsets(%dma_start3A_451 : memref<128xi32, #tpu.memory_space<vmem>>) semaphore(%arg16 : memref<!tpu.dma_semaphore, #tpu.memory_space<semaphore_mem>>) {add = true}
        %dma_wait3A_455 = arith.constant 13 : i32
        %dma_wait3A_456 = arith.constant 0 : i32
        %dma_wait3A_457 = tpu.memref_slice %arg10[%dma_wait3A_455, %dma_wait3A_456] : memref<16x128xi32, #tpu.memory_space<vmem>> -> memref<1x128xi32, #tpu.memory_space<vmem>>
        %dma_wait3A_458 = tpu.memref_squeeze %dma_wait3A_457 : memref<1x128xi32, #tpu.memory_space<vmem>> -> memref<128xi32, #tpu.memory_space<vmem>>
        %dma_wait3A_459 = arith.constant 0 : i32
        %dma_wait3A_460 = arith.constant 0 : i32
        %dma_wait3A_461 = tpu.memref_slice %arg2[%dma_wait3A_459, %dma_wait3A_460] : memref<10000x128xf32, #tpu.memory_space<hbm>> -> memref<10000x128xf32, #tpu.memory_space<hbm>>
        tpu.wait_indirect_dma semaphore(%arg15 : memref<!tpu.dma_semaphore, #tpu.memory_space<semaphore_mem>>) src(%dma_wait3A_461 : memref<10000x128xf32, #tpu.memory_space<hbm>>) dst(%arg13 : memref<128x128xf32, #tpu.memory_space<vmem>>)
        %dma_wait3A_462 = arith.constant 12 : i32
        %dma_wait3A_463 = arith.constant 0 : i32
        %dma_wait3A_464 = tpu.memref_slice %arg11[%dma_wait3A_462, %dma_wait3A_463] : memref<16x128xi32, #tpu.memory_space<vmem>> -> memref<1x128xi32, #tpu.memory_space<vmem>>
        %dma_wait3A_465 = tpu.memref_squeeze %dma_wait3A_464 : memref<1x128xi32, #tpu.memory_space<vmem>> -> memref<128xi32, #tpu.memory_space<vmem>>
        %dma_wait3A_466 = arith.constant 0 : i32
        %dma_wait3A_467 = arith.constant 0 : i32
        %dma_wait3A_468 = tpu.memref_slice %arg9[%dma_wait3A_466, %dma_wait3A_467] : memref<10240x128xf32, #tpu.memory_space<vmem_shared>> -> memref<10240x128xf32, #tpu.memory_space<vmem_shared>>
        tpu.wait_indirect_dma semaphore(%arg16 : memref<!tpu.dma_semaphore, #tpu.memory_space<semaphore_mem>>) src(%arg12 : memref<128x128xf32, #tpu.memory_space<vmem>>) dst(%dma_wait3A_468 : memref<10240x128xf32, #tpu.memory_space<vmem_shared>>)
        %dma_start3A_469 = arith.constant 14 : i32
        %dma_start3A_470 = arith.constant 0 : i32
        %dma_start3A_471 = tpu.memref_slice %arg10[%dma_start3A_469, %dma_start3A_470] : memref<16x128xi32, #tpu.memory_space<vmem>> -> memref<1x128xi32, #tpu.memory_space<vmem>>
        %dma_start3A_472 = tpu.memref_squeeze %dma_start3A_471 : memref<1x128xi32, #tpu.memory_space<vmem>> -> memref<128xi32, #tpu.memory_space<vmem>>
        %dma_start3A_473 = arith.constant 0 : i32
        %dma_start3A_474 = arith.constant 0 : i32
        %dma_start3A_475 = tpu.memref_slice %arg2[%dma_start3A_473, %dma_start3A_474] : memref<10000x128xf32, #tpu.memory_space<hbm>> -> memref<10000x128xf32, #tpu.memory_space<hbm>>
        tpu.enqueue_indirect_dma source(%dma_start3A_475 : memref<10000x128xf32, #tpu.memory_space<hbm>>) target(%arg12 : memref<128x128xf32, #tpu.memory_space<vmem>>) offsets(%dma_start3A_472 : memref<128xi32, #tpu.memory_space<vmem>>) semaphore(%arg14 : memref<!tpu.dma_semaphore, #tpu.memory_space<semaphore_mem>>)
        %dma_start3A_476 = arith.constant 13 : i32
        %dma_start3A_477 = arith.constant 0 : i32
        %dma_start3A_478 = tpu.memref_slice %arg11[%dma_start3A_476, %dma_start3A_477] : memref<16x128xi32, #tpu.memory_space<vmem>> -> memref<1x128xi32, #tpu.memory_space<vmem>>
        %dma_start3A_479 = tpu.memref_squeeze %dma_start3A_478 : memref<1x128xi32, #tpu.memory_space<vmem>> -> memref<128xi32, #tpu.memory_space<vmem>>
        %dma_start3A_480 = arith.constant 0 : i32
        %dma_start3A_481 = arith.constant 0 : i32
        %dma_start3A_482 = tpu.memref_slice %arg9[%dma_start3A_480, %dma_start3A_481] : memref<10240x128xf32, #tpu.memory_space<vmem_shared>> -> memref<10240x128xf32, #tpu.memory_space<vmem_shared>>
        tpu.enqueue_indirect_dma source(%arg13 : memref<128x128xf32, #tpu.memory_space<vmem>>) target(%dma_start3A_482 : memref<10240x128xf32, #tpu.memory_space<vmem_shared>>) offsets(%dma_start3A_479 : memref<128xi32, #tpu.memory_space<vmem>>) semaphore(%arg17 : memref<!tpu.dma_semaphore, #tpu.memory_space<semaphore_mem>>) {add = true}
        %dma_wait3A_483 = arith.constant 14 : i32
        %dma_wait3A_484 = arith.constant 0 : i32
        %dma_wait3A_485 = tpu.memref_slice %arg10[%dma_wait3A_483, %dma_wait3A_484] : memref<16x128xi32, #tpu.memory_space<vmem>> -> memref<1x128xi32, #tpu.memory_space<vmem>>
        %dma_wait3A_486 = tpu.memref_squeeze %dma_wait3A_485 : memref<1x128xi32, #tpu.memory_space<vmem>> -> memref<128xi32, #tpu.memory_space<vmem>>
        %dma_wait3A_487 = arith.constant 0 : i32
        %dma_wait3A_488 = arith.constant 0 : i32
        %dma_wait3A_489 = tpu.memref_slice %arg2[%dma_wait3A_487, %dma_wait3A_488] : memref<10000x128xf32, #tpu.memory_space<hbm>> -> memref<10000x128xf32, #tpu.memory_space<hbm>>
        tpu.wait_indirect_dma semaphore(%arg14 : memref<!tpu.dma_semaphore, #tpu.memory_space<semaphore_mem>>) src(%dma_wait3A_489 : memref<10000x128xf32, #tpu.memory_space<hbm>>) dst(%arg12 : memref<128x128xf32, #tpu.memory_space<vmem>>)
        %dma_wait3A_490 = arith.constant 13 : i32
        %dma_wait3A_491 = arith.constant 0 : i32
        %dma_wait3A_492 = tpu.memref_slice %arg11[%dma_wait3A_490, %dma_wait3A_491] : memref<16x128xi32, #tpu.memory_space<vmem>> -> memref<1x128xi32, #tpu.memory_space<vmem>>
        %dma_wait3A_493 = tpu.memref_squeeze %dma_wait3A_492 : memref<1x128xi32, #tpu.memory_space<vmem>> -> memref<128xi32, #tpu.memory_space<vmem>>
        %dma_wait3A_494 = arith.constant 0 : i32
        %dma_wait3A_495 = arith.constant 0 : i32
        %dma_wait3A_496 = tpu.memref_slice %arg9[%dma_wait3A_494, %dma_wait3A_495] : memref<10240x128xf32, #tpu.memory_space<vmem_shared>> -> memref<10240x128xf32, #tpu.memory_space<vmem_shared>>
        tpu.wait_indirect_dma semaphore(%arg17 : memref<!tpu.dma_semaphore, #tpu.memory_space<semaphore_mem>>) src(%arg13 : memref<128x128xf32, #tpu.memory_space<vmem>>) dst(%dma_wait3A_496 : memref<10240x128xf32, #tpu.memory_space<vmem_shared>>)
        %dma_start3A_497 = arith.constant 15 : i32
        %dma_start3A_498 = arith.constant 0 : i32
        %dma_start3A_499 = tpu.memref_slice %arg10[%dma_start3A_497, %dma_start3A_498] : memref<16x128xi32, #tpu.memory_space<vmem>> -> memref<1x128xi32, #tpu.memory_space<vmem>>
        %dma_start3A_500 = tpu.memref_squeeze %dma_start3A_499 : memref<1x128xi32, #tpu.memory_space<vmem>> -> memref<128xi32, #tpu.memory_space<vmem>>
        %dma_start3A_501 = arith.constant 0 : i32
        %dma_start3A_502 = arith.constant 0 : i32
        %dma_start3A_503 = tpu.memref_slice %arg2[%dma_start3A_501, %dma_start3A_502] : memref<10000x128xf32, #tpu.memory_space<hbm>> -> memref<10000x128xf32, #tpu.memory_space<hbm>>
        tpu.enqueue_indirect_dma source(%dma_start3A_503 : memref<10000x128xf32, #tpu.memory_space<hbm>>) target(%arg13 : memref<128x128xf32, #tpu.memory_space<vmem>>) offsets(%dma_start3A_500 : memref<128xi32, #tpu.memory_space<vmem>>) semaphore(%arg15 : memref<!tpu.dma_semaphore, #tpu.memory_space<semaphore_mem>>)
        %dma_start3A_504 = arith.constant 14 : i32
        %dma_start3A_505 = arith.constant 0 : i32
        %dma_start3A_506 = tpu.memref_slice %arg11[%dma_start3A_504, %dma_start3A_505] : memref<16x128xi32, #tpu.memory_space<vmem>> -> memref<1x128xi32, #tpu.memory_space<vmem>>
        %dma_start3A_507 = tpu.memref_squeeze %dma_start3A_506 : memref<1x128xi32, #tpu.memory_space<vmem>> -> memref<128xi32, #tpu.memory_space<vmem>>
        %dma_start3A_508 = arith.constant 0 : i32
        %dma_start3A_509 = arith.constant 0 : i32
        %dma_start3A_510 = tpu.memref_slice %arg9[%dma_start3A_508, %dma_start3A_509] : memref<10240x128xf32, #tpu.memory_space<vmem_shared>> -> memref<10240x128xf32, #tpu.memory_space<vmem_shared>>
        tpu.enqueue_indirect_dma source(%arg12 : memref<128x128xf32, #tpu.memory_space<vmem>>) target(%dma_start3A_510 : memref<10240x128xf32, #tpu.memory_space<vmem_shared>>) offsets(%dma_start3A_507 : memref<128xi32, #tpu.memory_space<vmem>>) semaphore(%arg16 : memref<!tpu.dma_semaphore, #tpu.memory_space<semaphore_mem>>) {add = true}
        %dma_wait3A_511 = arith.constant 15 : i32
        %dma_wait3A_512 = arith.constant 0 : i32
        %dma_wait3A_513 = tpu.memref_slice %arg10[%dma_wait3A_511, %dma_wait3A_512] : memref<16x128xi32, #tpu.memory_space<vmem>> -> memref<1x128xi32, #tpu.memory_space<vmem>>
        %dma_wait3A_514 = tpu.memref_squeeze %dma_wait3A_513 : memref<1x128xi32, #tpu.memory_space<vmem>> -> memref<128xi32, #tpu.memory_space<vmem>>
        %dma_wait3A_515 = arith.constant 0 : i32
        %dma_wait3A_516 = arith.constant 0 : i32
        %dma_wait3A_517 = tpu.memref_slice %arg2[%dma_wait3A_515, %dma_wait3A_516] : memref<10000x128xf32, #tpu.memory_space<hbm>> -> memref<10000x128xf32, #tpu.memory_space<hbm>>
        tpu.wait_indirect_dma semaphore(%arg15 : memref<!tpu.dma_semaphore, #tpu.memory_space<semaphore_mem>>) src(%dma_wait3A_517 : memref<10000x128xf32, #tpu.memory_space<hbm>>) dst(%arg13 : memref<128x128xf32, #tpu.memory_space<vmem>>)
        %dma_start3A_518 = arith.constant 15 : i32
        %dma_start3A_519 = arith.constant 0 : i32
        %dma_start3A_520 = tpu.memref_slice %arg11[%dma_start3A_518, %dma_start3A_519] : memref<16x128xi32, #tpu.memory_space<vmem>> -> memref<1x128xi32, #tpu.memory_space<vmem>>
        %dma_start3A_521 = tpu.memref_squeeze %dma_start3A_520 : memref<1x128xi32, #tpu.memory_space<vmem>> -> memref<128xi32, #tpu.memory_space<vmem>>
        %dma_start3A_522 = arith.constant 0 : i32
        %dma_start3A_523 = arith.constant 0 : i32
        %dma_start3A_524 = tpu.memref_slice %arg9[%dma_start3A_522, %dma_start3A_523] : memref<10240x128xf32, #tpu.memory_space<vmem_shared>> -> memref<10240x128xf32, #tpu.memory_space<vmem_shared>>
        tpu.enqueue_indirect_dma source(%arg13 : memref<128x128xf32, #tpu.memory_space<vmem>>) target(%dma_start3A_524 : memref<10240x128xf32, #tpu.memory_space<vmem_shared>>) offsets(%dma_start3A_521 : memref<128xi32, #tpu.memory_space<vmem>>) semaphore(%arg17 : memref<!tpu.dma_semaphore, #tpu.memory_space<semaphore_mem>>) {add = true}
        %dma_wait3A_525 = arith.constant 14 : i32
        %dma_wait3A_526 = arith.constant 0 : i32
        %dma_wait3A_527 = tpu.memref_slice %arg11[%dma_wait3A_525, %dma_wait3A_526] : memref<16x128xi32, #tpu.memory_space<vmem>> -> memref<1x128xi32, #tpu.memory_space<vmem>>
        %dma_wait3A_528 = tpu.memref_squeeze %dma_wait3A_527 : memref<1x128xi32, #tpu.memory_space<vmem>> -> memref<128xi32, #tpu.memory_space<vmem>>
        %dma_wait3A_529 = arith.constant 0 : i32
        %dma_wait3A_530 = arith.constant 0 : i32
        %dma_wait3A_531 = tpu.memref_slice %arg9[%dma_wait3A_529, %dma_wait3A_530] : memref<10240x128xf32, #tpu.memory_space<vmem_shared>> -> memref<10240x128xf32, #tpu.memory_space<vmem_shared>>
        tpu.wait_indirect_dma semaphore(%arg16 : memref<!tpu.dma_semaphore, #tpu.memory_space<semaphore_mem>>) src(%arg12 : memref<128x128xf32, #tpu.memory_space<vmem>>) dst(%dma_wait3A_531 : memref<10240x128xf32, #tpu.memory_space<vmem_shared>>)
        %dma_wait3A_532 = arith.constant 15 : i32
        %dma_wait3A_533 = arith.constant 0 : i32
        %dma_wait3A_534 = tpu.memref_slice %arg11[%dma_wait3A_532, %dma_wait3A_533] : memref<16x128xi32, #tpu.memory_space<vmem>> -> memref<1x128xi32, #tpu.memory_space<vmem>>
        %dma_wait3A_535 = tpu.memref_squeeze %dma_wait3A_534 : memref<1x128xi32, #tpu.memory_space<vmem>> -> memref<128xi32, #tpu.memory_space<vmem>>
        %dma_wait3A_536 = arith.constant 0 : i32
        %dma_wait3A_537 = arith.constant 0 : i32
        %dma_wait3A_538 = tpu.memref_slice %arg9[%dma_wait3A_536, %dma_wait3A_537] : memref<10240x128xf32, #tpu.memory_space<vmem_shared>> -> memref<10240x128xf32, #tpu.memory_space<vmem_shared>>
        tpu.wait_indirect_dma semaphore(%arg17 : memref<!tpu.dma_semaphore, #tpu.memory_space<semaphore_mem>>) src(%arg13 : memref<128x128xf32, #tpu.memory_space<vmem>>) dst(%dma_wait3A_538 : memref<10240x128xf32, #tpu.memory_space<vmem_shared>>)
      }
      %scan3A_84 = arith.constant 7 : i32
    } else {
    }
    %eq3A_20 = arith.constant 1 : i32
    %eq3A_21 = arith.cmpi eq, %arg0, %eq3A_20 : i32
    %convert_element_type3A_22 = arith.extui %eq3A_21 : i1 to i32
    %cond3A_23 = arith.constant 0 : i32
    %cond3A_24 = arith.cmpi ne, %convert_element_type3A_22, %cond3A_23 : i32
    scf.if %cond3A_24 {
      %mul3A_79 = arith.constant 48 : i32
      %mul3A_80 = arith.muli %arg1, %mul3A_79 : i32
      %add3A_81 = arith.constant 1792 : i32
      %add3A_82 = arith.addi %add3A_81, %mul3A_80 : i32
      %scan3A = arith.constant 0 : i32
      %scan3A_83 = arith.constant 3 : i32
      %scan3A_84 = arith.addi %scan3A, %scan3A_83 : i32
      %scan3A_85 = arith.constant 1 : i32
      scf.for %scan3A_87 = %scan3A to %scan3A_84 step %scan3A_85  : i32 {
        %mul3A_88 = arith.constant 1 : i32
        %mul3A_89 = arith.muli %scan3A_87, %mul3A_88 : i32
        %add3A_90 = arith.constant 0 : i32
        %add3A_91 = arith.addi %add3A_90, %mul3A_89 : i32
        %mul3A_92 = arith.constant 16 : i32
        %mul3A_93 = arith.muli %add3A_91, %mul3A_92 : i32
        %add3A_94 = arith.addi %add3A_82, %mul3A_93 : i32
        "tpu.region"() ({
          %run_scoped3A = tpu.sem_alloc : memref<!tpu.dma_semaphore, #tpu.memory_space<semaphore_mem>>
          %dma_start3A_541 = arith.constant 0 : i32
          %dma_start3A_542 = tpu.memref_slice %arg4[%add3A_94, %dma_start3A_541] : memref<2560x128xi32, #tpu.memory_space<hbm>> -> memref<16x128xi32, #tpu.memory_space<hbm>>
          %dma_start3A_543 = arith.constant 0 : i32
          %dma_start3A_544 = tpu.memref_slice %arg4[%add3A_94, %dma_start3A_543] : memref<2560x128xi32, #tpu.memory_space<hbm>> -> memref<16x128xi32, #tpu.memory_space<hbm>>
          tpu.enqueue_dma source(%dma_start3A_544 : memref<16x128xi32, #tpu.memory_space<hbm>>) target(%arg11 : memref<16x128xi32, #tpu.memory_space<vmem>>) target_semaphore(%run_scoped3A : memref<!tpu.dma_semaphore, #tpu.memory_space<semaphore_mem>>)
          %dma_wait3A_545 = arith.constant 0 : i32
          %dma_wait3A_546 = tpu.memref_slice %arg4[%add3A_94, %dma_wait3A_545] : memref<2560x128xi32, #tpu.memory_space<hbm>> -> memref<16x128xi32, #tpu.memory_space<hbm>>
          %dma_wait3A_547 = arith.constant 0 : i32
          %dma_wait3A_548 = tpu.memref_slice %arg4[%add3A_94, %dma_wait3A_547] : memref<2560x128xi32, #tpu.memory_space<hbm>> -> memref<16x128xi32, #tpu.memory_space<hbm>>
          tpu.wait_dma2 semaphore(%run_scoped3A : memref<!tpu.dma_semaphore, #tpu.memory_space<semaphore_mem>>) src(%dma_wait3A_548 : memref<16x128xi32, #tpu.memory_space<hbm>>) dst(%arg11 : memref<16x128xi32, #tpu.memory_space<vmem>>)
          tpu.yield
        }) : () -> ()
        "tpu.region"() ({
          %run_scoped3A = tpu.sem_alloc : memref<!tpu.dma_semaphore, #tpu.memory_space<semaphore_mem>>
          %dma_start3A_541 = arith.constant 0 : i32
          %dma_start3A_542 = tpu.memref_slice %arg3[%add3A_94, %dma_start3A_541] : memref<2560x128xi32, #tpu.memory_space<hbm>> -> memref<16x128xi32, #tpu.memory_space<hbm>>
          %dma_start3A_543 = arith.constant 0 : i32
          %dma_start3A_544 = tpu.memref_slice %arg3[%add3A_94, %dma_start3A_543] : memref<2560x128xi32, #tpu.memory_space<hbm>> -> memref<16x128xi32, #tpu.memory_space<hbm>>
          tpu.enqueue_dma source(%dma_start3A_544 : memref<16x128xi32, #tpu.memory_space<hbm>>) target(%arg10 : memref<16x128xi32, #tpu.memory_space<vmem>>) target_semaphore(%run_scoped3A : memref<!tpu.dma_semaphore, #tpu.memory_space<semaphore_mem>>)
          %dma_wait3A_545 = arith.constant 0 : i32
          %dma_wait3A_546 = tpu.memref_slice %arg3[%add3A_94, %dma_wait3A_545] : memref<2560x128xi32, #tpu.memory_space<hbm>> -> memref<16x128xi32, #tpu.memory_space<hbm>>
          %dma_wait3A_547 = arith.constant 0 : i32
          %dma_wait3A_548 = tpu.memref_slice %arg3[%add3A_94, %dma_wait3A_547] : memref<2560x128xi32, #tpu.memory_space<hbm>> -> memref<16x128xi32, #tpu.memory_space<hbm>>
          tpu.wait_dma2 semaphore(%run_scoped3A : memref<!tpu.dma_semaphore, #tpu.memory_space<semaphore_mem>>) src(%dma_wait3A_548 : memref<16x128xi32, #tpu.memory_space<hbm>>) dst(%arg10 : memref<16x128xi32, #tpu.memory_space<vmem>>)
          tpu.yield
        }) : () -> ()
        %dma_start3A = arith.constant 0 : i32
        %dma_start3A_95 = arith.constant 0 : i32
        %dma_start3A_96 = tpu.memref_slice %arg10[%dma_start3A, %dma_start3A_95] : memref<16x128xi32, #tpu.memory_space<vmem>> -> memref<1x128xi32, #tpu.memory_space<vmem>>
        %dma_start3A_97 = tpu.memref_squeeze %dma_start3A_96 : memref<1x128xi32, #tpu.memory_space<vmem>> -> memref<128xi32, #tpu.memory_space<vmem>>
        %dma_start3A_98 = arith.constant 0 : i32
        %dma_start3A_99 = arith.constant 0 : i32
        %dma_start3A_100 = tpu.memref_slice %arg2[%dma_start3A_98, %dma_start3A_99] : memref<10000x128xf32, #tpu.memory_space<hbm>> -> memref<10000x128xf32, #tpu.memory_space<hbm>>
        tpu.enqueue_indirect_dma source(%dma_start3A_100 : memref<10000x128xf32, #tpu.memory_space<hbm>>) target(%arg12 : memref<128x128xf32, #tpu.memory_space<vmem>>) offsets(%dma_start3A_97 : memref<128xi32, #tpu.memory_space<vmem>>) semaphore(%arg14 : memref<!tpu.dma_semaphore, #tpu.memory_space<semaphore_mem>>)
        %dma_wait3A = arith.constant 0 : i32
        %dma_wait3A_101 = arith.constant 0 : i32
        %dma_wait3A_102 = tpu.memref_slice %arg10[%dma_wait3A, %dma_wait3A_101] : memref<16x128xi32, #tpu.memory_space<vmem>> -> memref<1x128xi32, #tpu.memory_space<vmem>>
        %dma_wait3A_103 = tpu.memref_squeeze %dma_wait3A_102 : memref<1x128xi32, #tpu.memory_space<vmem>> -> memref<128xi32, #tpu.memory_space<vmem>>
        %dma_wait3A_104 = arith.constant 0 : i32
        %dma_wait3A_105 = arith.constant 0 : i32
        %dma_wait3A_106 = tpu.memref_slice %arg2[%dma_wait3A_104, %dma_wait3A_105] : memref<10000x128xf32, #tpu.memory_space<hbm>> -> memref<10000x128xf32, #tpu.memory_space<hbm>>
        tpu.wait_indirect_dma semaphore(%arg14 : memref<!tpu.dma_semaphore, #tpu.memory_space<semaphore_mem>>) src(%dma_wait3A_106 : memref<10000x128xf32, #tpu.memory_space<hbm>>) dst(%arg12 : memref<128x128xf32, #tpu.memory_space<vmem>>)
        %dma_start3A_107 = arith.constant 1 : i32
        %dma_start3A_108 = arith.constant 0 : i32
        %dma_start3A_109 = tpu.memref_slice %arg10[%dma_start3A_107, %dma_start3A_108] : memref<16x128xi32, #tpu.memory_space<vmem>> -> memref<1x128xi32, #tpu.memory_space<vmem>>
        %dma_start3A_110 = tpu.memref_squeeze %dma_start3A_109 : memref<1x128xi32, #tpu.memory_space<vmem>> -> memref<128xi32, #tpu.memory_space<vmem>>
        %dma_start3A_111 = arith.constant 0 : i32
        %dma_start3A_112 = arith.constant 0 : i32
        %dma_start3A_113 = tpu.memref_slice %arg2[%dma_start3A_111, %dma_start3A_112] : memref<10000x128xf32, #tpu.memory_space<hbm>> -> memref<10000x128xf32, #tpu.memory_space<hbm>>
        tpu.enqueue_indirect_dma source(%dma_start3A_113 : memref<10000x128xf32, #tpu.memory_space<hbm>>) target(%arg13 : memref<128x128xf32, #tpu.memory_space<vmem>>) offsets(%dma_start3A_110 : memref<128xi32, #tpu.memory_space<vmem>>) semaphore(%arg15 : memref<!tpu.dma_semaphore, #tpu.memory_space<semaphore_mem>>)
        %dma_start3A_114 = arith.constant 0 : i32
        %dma_start3A_115 = arith.constant 0 : i32
        %dma_start3A_116 = tpu.memref_slice %arg11[%dma_start3A_114, %dma_start3A_115] : memref<16x128xi32, #tpu.memory_space<vmem>> -> memref<1x128xi32, #tpu.memory_space<vmem>>
        %dma_start3A_117 = tpu.memref_squeeze %dma_start3A_116 : memref<1x128xi32, #tpu.memory_space<vmem>> -> memref<128xi32, #tpu.memory_space<vmem>>
        %dma_start3A_118 = arith.constant 0 : i32
        %dma_start3A_119 = arith.constant 0 : i32
        %dma_start3A_120 = tpu.memref_slice %arg9[%dma_start3A_118, %dma_start3A_119] : memref<10240x128xf32, #tpu.memory_space<vmem_shared>> -> memref<10240x128xf32, #tpu.memory_space<vmem_shared>>
        tpu.enqueue_indirect_dma source(%arg12 : memref<128x128xf32, #tpu.memory_space<vmem>>) target(%dma_start3A_120 : memref<10240x128xf32, #tpu.memory_space<vmem_shared>>) offsets(%dma_start3A_117 : memref<128xi32, #tpu.memory_space<vmem>>) semaphore(%arg16 : memref<!tpu.dma_semaphore, #tpu.memory_space<semaphore_mem>>) {add = true}
        %dma_wait3A_121 = arith.constant 1 : i32
        %dma_wait3A_122 = arith.constant 0 : i32
        %dma_wait3A_123 = tpu.memref_slice %arg10[%dma_wait3A_121, %dma_wait3A_122] : memref<16x128xi32, #tpu.memory_space<vmem>> -> memref<1x128xi32, #tpu.memory_space<vmem>>
        %dma_wait3A_124 = tpu.memref_squeeze %dma_wait3A_123 : memref<1x128xi32, #tpu.memory_space<vmem>> -> memref<128xi32, #tpu.memory_space<vmem>>
        %dma_wait3A_125 = arith.constant 0 : i32
        %dma_wait3A_126 = arith.constant 0 : i32
        %dma_wait3A_127 = tpu.memref_slice %arg2[%dma_wait3A_125, %dma_wait3A_126] : memref<10000x128xf32, #tpu.memory_space<hbm>> -> memref<10000x128xf32, #tpu.memory_space<hbm>>
        tpu.wait_indirect_dma semaphore(%arg15 : memref<!tpu.dma_semaphore, #tpu.memory_space<semaphore_mem>>) src(%dma_wait3A_127 : memref<10000x128xf32, #tpu.memory_space<hbm>>) dst(%arg13 : memref<128x128xf32, #tpu.memory_space<vmem>>)
        %dma_wait3A_128 = arith.constant 0 : i32
        %dma_wait3A_129 = arith.constant 0 : i32
        %dma_wait3A_130 = tpu.memref_slice %arg11[%dma_wait3A_128, %dma_wait3A_129] : memref<16x128xi32, #tpu.memory_space<vmem>> -> memref<1x128xi32, #tpu.memory_space<vmem>>
        %dma_wait3A_131 = tpu.memref_squeeze %dma_wait3A_130 : memref<1x128xi32, #tpu.memory_space<vmem>> -> memref<128xi32, #tpu.memory_space<vmem>>
        %dma_wait3A_132 = arith.constant 0 : i32
        %dma_wait3A_133 = arith.constant 0 : i32
        %dma_wait3A_134 = tpu.memref_slice %arg9[%dma_wait3A_132, %dma_wait3A_133] : memref<10240x128xf32, #tpu.memory_space<vmem_shared>> -> memref<10240x128xf32, #tpu.memory_space<vmem_shared>>
        tpu.wait_indirect_dma semaphore(%arg16 : memref<!tpu.dma_semaphore, #tpu.memory_space<semaphore_mem>>) src(%arg12 : memref<128x128xf32, #tpu.memory_space<vmem>>) dst(%dma_wait3A_134 : memref<10240x128xf32, #tpu.memory_space<vmem_shared>>)
        %dma_start3A_135 = arith.constant 2 : i32
        %dma_start3A_136 = arith.constant 0 : i32
        %dma_start3A_137 = tpu.memref_slice %arg10[%dma_start3A_135, %dma_start3A_136] : memref<16x128xi32, #tpu.memory_space<vmem>> -> memref<1x128xi32, #tpu.memory_space<vmem>>
        %dma_start3A_138 = tpu.memref_squeeze %dma_start3A_137 : memref<1x128xi32, #tpu.memory_space<vmem>> -> memref<128xi32, #tpu.memory_space<vmem>>
        %dma_start3A_139 = arith.constant 0 : i32
        %dma_start3A_140 = arith.constant 0 : i32
        %dma_start3A_141 = tpu.memref_slice %arg2[%dma_start3A_139, %dma_start3A_140] : memref<10000x128xf32, #tpu.memory_space<hbm>> -> memref<10000x128xf32, #tpu.memory_space<hbm>>
        tpu.enqueue_indirect_dma source(%dma_start3A_141 : memref<10000x128xf32, #tpu.memory_space<hbm>>) target(%arg12 : memref<128x128xf32, #tpu.memory_space<vmem>>) offsets(%dma_start3A_138 : memref<128xi32, #tpu.memory_space<vmem>>) semaphore(%arg14 : memref<!tpu.dma_semaphore, #tpu.memory_space<semaphore_mem>>)
        %dma_start3A_142 = arith.constant 1 : i32
        %dma_start3A_143 = arith.constant 0 : i32
        %dma_start3A_144 = tpu.memref_slice %arg11[%dma_start3A_142, %dma_start3A_143] : memref<16x128xi32, #tpu.memory_space<vmem>> -> memref<1x128xi32, #tpu.memory_space<vmem>>
        %dma_start3A_145 = tpu.memref_squeeze %dma_start3A_144 : memref<1x128xi32, #tpu.memory_space<vmem>> -> memref<128xi32, #tpu.memory_space<vmem>>
        %dma_start3A_146 = arith.constant 0 : i32
        %dma_start3A_147 = arith.constant 0 : i32
        %dma_start3A_148 = tpu.memref_slice %arg9[%dma_start3A_146, %dma_start3A_147] : memref<10240x128xf32, #tpu.memory_space<vmem_shared>> -> memref<10240x128xf32, #tpu.memory_space<vmem_shared>>
        tpu.enqueue_indirect_dma source(%arg13 : memref<128x128xf32, #tpu.memory_space<vmem>>) target(%dma_start3A_148 : memref<10240x128xf32, #tpu.memory_space<vmem_shared>>) offsets(%dma_start3A_145 : memref<128xi32, #tpu.memory_space<vmem>>) semaphore(%arg17 : memref<!tpu.dma_semaphore, #tpu.memory_space<semaphore_mem>>) {add = true}
        %dma_wait3A_149 = arith.constant 2 : i32
        %dma_wait3A_150 = arith.constant 0 : i32
        %dma_wait3A_151 = tpu.memref_slice %arg10[%dma_wait3A_149, %dma_wait3A_150] : memref<16x128xi32, #tpu.memory_space<vmem>> -> memref<1x128xi32, #tpu.memory_space<vmem>>
        %dma_wait3A_152 = tpu.memref_squeeze %dma_wait3A_151 : memref<1x128xi32, #tpu.memory_space<vmem>> -> memref<128xi32, #tpu.memory_space<vmem>>
        %dma_wait3A_153 = arith.constant 0 : i32
        %dma_wait3A_154 = arith.constant 0 : i32
        %dma_wait3A_155 = tpu.memref_slice %arg2[%dma_wait3A_153, %dma_wait3A_154] : memref<10000x128xf32, #tpu.memory_space<hbm>> -> memref<10000x128xf32, #tpu.memory_space<hbm>>
        tpu.wait_indirect_dma semaphore(%arg14 : memref<!tpu.dma_semaphore, #tpu.memory_space<semaphore_mem>>) src(%dma_wait3A_155 : memref<10000x128xf32, #tpu.memory_space<hbm>>) dst(%arg12 : memref<128x128xf32, #tpu.memory_space<vmem>>)
        %dma_wait3A_156 = arith.constant 1 : i32
        %dma_wait3A_157 = arith.constant 0 : i32
        %dma_wait3A_158 = tpu.memref_slice %arg11[%dma_wait3A_156, %dma_wait3A_157] : memref<16x128xi32, #tpu.memory_space<vmem>> -> memref<1x128xi32, #tpu.memory_space<vmem>>
        %dma_wait3A_159 = tpu.memref_squeeze %dma_wait3A_158 : memref<1x128xi32, #tpu.memory_space<vmem>> -> memref<128xi32, #tpu.memory_space<vmem>>
        %dma_wait3A_160 = arith.constant 0 : i32
        %dma_wait3A_161 = arith.constant 0 : i32
        %dma_wait3A_162 = tpu.memref_slice %arg9[%dma_wait3A_160, %dma_wait3A_161] : memref<10240x128xf32, #tpu.memory_space<vmem_shared>> -> memref<10240x128xf32, #tpu.memory_space<vmem_shared>>
        tpu.wait_indirect_dma semaphore(%arg17 : memref<!tpu.dma_semaphore, #tpu.memory_space<semaphore_mem>>) src(%arg13 : memref<128x128xf32, #tpu.memory_space<vmem>>) dst(%dma_wait3A_162 : memref<10240x128xf32, #tpu.memory_space<vmem_shared>>)
        %dma_start3A_163 = arith.constant 3 : i32
        %dma_start3A_164 = arith.constant 0 : i32
        %dma_start3A_165 = tpu.memref_slice %arg10[%dma_start3A_163, %dma_start3A_164] : memref<16x128xi32, #tpu.memory_space<vmem>> -> memref<1x128xi32, #tpu.memory_space<vmem>>
        %dma_start3A_166 = tpu.memref_squeeze %dma_start3A_165 : memref<1x128xi32, #tpu.memory_space<vmem>> -> memref<128xi32, #tpu.memory_space<vmem>>
        %dma_start3A_167 = arith.constant 0 : i32
        %dma_start3A_168 = arith.constant 0 : i32
        %dma_start3A_169 = tpu.memref_slice %arg2[%dma_start3A_167, %dma_start3A_168] : memref<10000x128xf32, #tpu.memory_space<hbm>> -> memref<10000x128xf32, #tpu.memory_space<hbm>>
        tpu.enqueue_indirect_dma source(%dma_start3A_169 : memref<10000x128xf32, #tpu.memory_space<hbm>>) target(%arg13 : memref<128x128xf32, #tpu.memory_space<vmem>>) offsets(%dma_start3A_166 : memref<128xi32, #tpu.memory_space<vmem>>) semaphore(%arg15 : memref<!tpu.dma_semaphore, #tpu.memory_space<semaphore_mem>>)
        %dma_start3A_170 = arith.constant 2 : i32
        %dma_start3A_171 = arith.constant 0 : i32
        %dma_start3A_172 = tpu.memref_slice %arg11[%dma_start3A_170, %dma_start3A_171] : memref<16x128xi32, #tpu.memory_space<vmem>> -> memref<1x128xi32, #tpu.memory_space<vmem>>
        %dma_start3A_173 = tpu.memref_squeeze %dma_start3A_172 : memref<1x128xi32, #tpu.memory_space<vmem>> -> memref<128xi32, #tpu.memory_space<vmem>>
        %dma_start3A_174 = arith.constant 0 : i32
        %dma_start3A_175 = arith.constant 0 : i32
        %dma_start3A_176 = tpu.memref_slice %arg9[%dma_start3A_174, %dma_start3A_175] : memref<10240x128xf32, #tpu.memory_space<vmem_shared>> -> memref<10240x128xf32, #tpu.memory_space<vmem_shared>>
        tpu.enqueue_indirect_dma source(%arg12 : memref<128x128xf32, #tpu.memory_space<vmem>>) target(%dma_start3A_176 : memref<10240x128xf32, #tpu.memory_space<vmem_shared>>) offsets(%dma_start3A_173 : memref<128xi32, #tpu.memory_space<vmem>>) semaphore(%arg16 : memref<!tpu.dma_semaphore, #tpu.memory_space<semaphore_mem>>) {add = true}
        %dma_wait3A_177 = arith.constant 3 : i32
        %dma_wait3A_178 = arith.constant 0 : i32
        %dma_wait3A_179 = tpu.memref_slice %arg10[%dma_wait3A_177, %dma_wait3A_178] : memref<16x128xi32, #tpu.memory_space<vmem>> -> memref<1x128xi32, #tpu.memory_space<vmem>>
        %dma_wait3A_180 = tpu.memref_squeeze %dma_wait3A_179 : memref<1x128xi32, #tpu.memory_space<vmem>> -> memref<128xi32, #tpu.memory_space<vmem>>
        %dma_wait3A_181 = arith.constant 0 : i32
        %dma_wait3A_182 = arith.constant 0 : i32
        %dma_wait3A_183 = tpu.memref_slice %arg2[%dma_wait3A_181, %dma_wait3A_182] : memref<10000x128xf32, #tpu.memory_space<hbm>> -> memref<10000x128xf32, #tpu.memory_space<hbm>>
        tpu.wait_indirect_dma semaphore(%arg15 : memref<!tpu.dma_semaphore, #tpu.memory_space<semaphore_mem>>) src(%dma_wait3A_183 : memref<10000x128xf32, #tpu.memory_space<hbm>>) dst(%arg13 : memref<128x128xf32, #tpu.memory_space<vmem>>)
        %dma_wait3A_184 = arith.constant 2 : i32
        %dma_wait3A_185 = arith.constant 0 : i32
        %dma_wait3A_186 = tpu.memref_slice %arg11[%dma_wait3A_184, %dma_wait3A_185] : memref<16x128xi32, #tpu.memory_space<vmem>> -> memref<1x128xi32, #tpu.memory_space<vmem>>
        %dma_wait3A_187 = tpu.memref_squeeze %dma_wait3A_186 : memref<1x128xi32, #tpu.memory_space<vmem>> -> memref<128xi32, #tpu.memory_space<vmem>>
        %dma_wait3A_188 = arith.constant 0 : i32
        %dma_wait3A_189 = arith.constant 0 : i32
        %dma_wait3A_190 = tpu.memref_slice %arg9[%dma_wait3A_188, %dma_wait3A_189] : memref<10240x128xf32, #tpu.memory_space<vmem_shared>> -> memref<10240x128xf32, #tpu.memory_space<vmem_shared>>
        tpu.wait_indirect_dma semaphore(%arg16 : memref<!tpu.dma_semaphore, #tpu.memory_space<semaphore_mem>>) src(%arg12 : memref<128x128xf32, #tpu.memory_space<vmem>>) dst(%dma_wait3A_190 : memref<10240x128xf32, #tpu.memory_space<vmem_shared>>)
        %dma_start3A_191 = arith.constant 4 : i32
        %dma_start3A_192 = arith.constant 0 : i32
        %dma_start3A_193 = tpu.memref_slice %arg10[%dma_start3A_191, %dma_start3A_192] : memref<16x128xi32, #tpu.memory_space<vmem>> -> memref<1x128xi32, #tpu.memory_space<vmem>>
        %dma_start3A_194 = tpu.memref_squeeze %dma_start3A_193 : memref<1x128xi32, #tpu.memory_space<vmem>> -> memref<128xi32, #tpu.memory_space<vmem>>
        %dma_start3A_195 = arith.constant 0 : i32
        %dma_start3A_196 = arith.constant 0 : i32
        %dma_start3A_197 = tpu.memref_slice %arg2[%dma_start3A_195, %dma_start3A_196] : memref<10000x128xf32, #tpu.memory_space<hbm>> -> memref<10000x128xf32, #tpu.memory_space<hbm>>
        tpu.enqueue_indirect_dma source(%dma_start3A_197 : memref<10000x128xf32, #tpu.memory_space<hbm>>) target(%arg12 : memref<128x128xf32, #tpu.memory_space<vmem>>) offsets(%dma_start3A_194 : memref<128xi32, #tpu.memory_space<vmem>>) semaphore(%arg14 : memref<!tpu.dma_semaphore, #tpu.memory_space<semaphore_mem>>)
        %dma_start3A_198 = arith.constant 3 : i32
        %dma_start3A_199 = arith.constant 0 : i32
        %dma_start3A_200 = tpu.memref_slice %arg11[%dma_start3A_198, %dma_start3A_199] : memref<16x128xi32, #tpu.memory_space<vmem>> -> memref<1x128xi32, #tpu.memory_space<vmem>>
        %dma_start3A_201 = tpu.memref_squeeze %dma_start3A_200 : memref<1x128xi32, #tpu.memory_space<vmem>> -> memref<128xi32, #tpu.memory_space<vmem>>
        %dma_start3A_202 = arith.constant 0 : i32
        %dma_start3A_203 = arith.constant 0 : i32
        %dma_start3A_204 = tpu.memref_slice %arg9[%dma_start3A_202, %dma_start3A_203] : memref<10240x128xf32, #tpu.memory_space<vmem_shared>> -> memref<10240x128xf32, #tpu.memory_space<vmem_shared>>
        tpu.enqueue_indirect_dma source(%arg13 : memref<128x128xf32, #tpu.memory_space<vmem>>) target(%dma_start3A_204 : memref<10240x128xf32, #tpu.memory_space<vmem_shared>>) offsets(%dma_start3A_201 : memref<128xi32, #tpu.memory_space<vmem>>) semaphore(%arg17 : memref<!tpu.dma_semaphore, #tpu.memory_space<semaphore_mem>>) {add = true}
        %dma_wait3A_205 = arith.constant 4 : i32
        %dma_wait3A_206 = arith.constant 0 : i32
        %dma_wait3A_207 = tpu.memref_slice %arg10[%dma_wait3A_205, %dma_wait3A_206] : memref<16x128xi32, #tpu.memory_space<vmem>> -> memref<1x128xi32, #tpu.memory_space<vmem>>
        %dma_wait3A_208 = tpu.memref_squeeze %dma_wait3A_207 : memref<1x128xi32, #tpu.memory_space<vmem>> -> memref<128xi32, #tpu.memory_space<vmem>>
        %dma_wait3A_209 = arith.constant 0 : i32
        %dma_wait3A_210 = arith.constant 0 : i32
        %dma_wait3A_211 = tpu.memref_slice %arg2[%dma_wait3A_209, %dma_wait3A_210] : memref<10000x128xf32, #tpu.memory_space<hbm>> -> memref<10000x128xf32, #tpu.memory_space<hbm>>
        tpu.wait_indirect_dma semaphore(%arg14 : memref<!tpu.dma_semaphore, #tpu.memory_space<semaphore_mem>>) src(%dma_wait3A_211 : memref<10000x128xf32, #tpu.memory_space<hbm>>) dst(%arg12 : memref<128x128xf32, #tpu.memory_space<vmem>>)
        %dma_wait3A_212 = arith.constant 3 : i32
        %dma_wait3A_213 = arith.constant 0 : i32
        %dma_wait3A_214 = tpu.memref_slice %arg11[%dma_wait3A_212, %dma_wait3A_213] : memref<16x128xi32, #tpu.memory_space<vmem>> -> memref<1x128xi32, #tpu.memory_space<vmem>>
        %dma_wait3A_215 = tpu.memref_squeeze %dma_wait3A_214 : memref<1x128xi32, #tpu.memory_space<vmem>> -> memref<128xi32, #tpu.memory_space<vmem>>
        %dma_wait3A_216 = arith.constant 0 : i32
        %dma_wait3A_217 = arith.constant 0 : i32
        %dma_wait3A_218 = tpu.memref_slice %arg9[%dma_wait3A_216, %dma_wait3A_217] : memref<10240x128xf32, #tpu.memory_space<vmem_shared>> -> memref<10240x128xf32, #tpu.memory_space<vmem_shared>>
        tpu.wait_indirect_dma semaphore(%arg17 : memref<!tpu.dma_semaphore, #tpu.memory_space<semaphore_mem>>) src(%arg13 : memref<128x128xf32, #tpu.memory_space<vmem>>) dst(%dma_wait3A_218 : memref<10240x128xf32, #tpu.memory_space<vmem_shared>>)
        %dma_start3A_219 = arith.constant 5 : i32
        %dma_start3A_220 = arith.constant 0 : i32
        %dma_start3A_221 = tpu.memref_slice %arg10[%dma_start3A_219, %dma_start3A_220] : memref<16x128xi32, #tpu.memory_space<vmem>> -> memref<1x128xi32, #tpu.memory_space<vmem>>
        %dma_start3A_222 = tpu.memref_squeeze %dma_start3A_221 : memref<1x128xi32, #tpu.memory_space<vmem>> -> memref<128xi32, #tpu.memory_space<vmem>>
        %dma_start3A_223 = arith.constant 0 : i32
        %dma_start3A_224 = arith.constant 0 : i32
        %dma_start3A_225 = tpu.memref_slice %arg2[%dma_start3A_223, %dma_start3A_224] : memref<10000x128xf32, #tpu.memory_space<hbm>> -> memref<10000x128xf32, #tpu.memory_space<hbm>>
        tpu.enqueue_indirect_dma source(%dma_start3A_225 : memref<10000x128xf32, #tpu.memory_space<hbm>>) target(%arg13 : memref<128x128xf32, #tpu.memory_space<vmem>>) offsets(%dma_start3A_222 : memref<128xi32, #tpu.memory_space<vmem>>) semaphore(%arg15 : memref<!tpu.dma_semaphore, #tpu.memory_space<semaphore_mem>>)
        %dma_start3A_226 = arith.constant 4 : i32
        %dma_start3A_227 = arith.constant 0 : i32
        %dma_start3A_228 = tpu.memref_slice %arg11[%dma_start3A_226, %dma_start3A_227] : memref<16x128xi32, #tpu.memory_space<vmem>> -> memref<1x128xi32, #tpu.memory_space<vmem>>
        %dma_start3A_229 = tpu.memref_squeeze %dma_start3A_228 : memref<1x128xi32, #tpu.memory_space<vmem>> -> memref<128xi32, #tpu.memory_space<vmem>>
        %dma_start3A_230 = arith.constant 0 : i32
        %dma_start3A_231 = arith.constant 0 : i32
        %dma_start3A_232 = tpu.memref_slice %arg9[%dma_start3A_230, %dma_start3A_231] : memref<10240x128xf32, #tpu.memory_space<vmem_shared>> -> memref<10240x128xf32, #tpu.memory_space<vmem_shared>>
        tpu.enqueue_indirect_dma source(%arg12 : memref<128x128xf32, #tpu.memory_space<vmem>>) target(%dma_start3A_232 : memref<10240x128xf32, #tpu.memory_space<vmem_shared>>) offsets(%dma_start3A_229 : memref<128xi32, #tpu.memory_space<vmem>>) semaphore(%arg16 : memref<!tpu.dma_semaphore, #tpu.memory_space<semaphore_mem>>) {add = true}
        %dma_wait3A_233 = arith.constant 5 : i32
        %dma_wait3A_234 = arith.constant 0 : i32
        %dma_wait3A_235 = tpu.memref_slice %arg10[%dma_wait3A_233, %dma_wait3A_234] : memref<16x128xi32, #tpu.memory_space<vmem>> -> memref<1x128xi32, #tpu.memory_space<vmem>>
        %dma_wait3A_236 = tpu.memref_squeeze %dma_wait3A_235 : memref<1x128xi32, #tpu.memory_space<vmem>> -> memref<128xi32, #tpu.memory_space<vmem>>
        %dma_wait3A_237 = arith.constant 0 : i32
        %dma_wait3A_238 = arith.constant 0 : i32
        %dma_wait3A_239 = tpu.memref_slice %arg2[%dma_wait3A_237, %dma_wait3A_238] : memref<10000x128xf32, #tpu.memory_space<hbm>> -> memref<10000x128xf32, #tpu.memory_space<hbm>>
        tpu.wait_indirect_dma semaphore(%arg15 : memref<!tpu.dma_semaphore, #tpu.memory_space<semaphore_mem>>) src(%dma_wait3A_239 : memref<10000x128xf32, #tpu.memory_space<hbm>>) dst(%arg13 : memref<128x128xf32, #tpu.memory_space<vmem>>)
        %dma_wait3A_240 = arith.constant 4 : i32
        %dma_wait3A_241 = arith.constant 0 : i32
        %dma_wait3A_242 = tpu.memref_slice %arg11[%dma_wait3A_240, %dma_wait3A_241] : memref<16x128xi32, #tpu.memory_space<vmem>> -> memref<1x128xi32, #tpu.memory_space<vmem>>
        %dma_wait3A_243 = tpu.memref_squeeze %dma_wait3A_242 : memref<1x128xi32, #tpu.memory_space<vmem>> -> memref<128xi32, #tpu.memory_space<vmem>>
        %dma_wait3A_244 = arith.constant 0 : i32
        %dma_wait3A_245 = arith.constant 0 : i32
        %dma_wait3A_246 = tpu.memref_slice %arg9[%dma_wait3A_244, %dma_wait3A_245] : memref<10240x128xf32, #tpu.memory_space<vmem_shared>> -> memref<10240x128xf32, #tpu.memory_space<vmem_shared>>
        tpu.wait_indirect_dma semaphore(%arg16 : memref<!tpu.dma_semaphore, #tpu.memory_space<semaphore_mem>>) src(%arg12 : memref<128x128xf32, #tpu.memory_space<vmem>>) dst(%dma_wait3A_246 : memref<10240x128xf32, #tpu.memory_space<vmem_shared>>)
        %dma_start3A_247 = arith.constant 6 : i32
        %dma_start3A_248 = arith.constant 0 : i32
        %dma_start3A_249 = tpu.memref_slice %arg10[%dma_start3A_247, %dma_start3A_248] : memref<16x128xi32, #tpu.memory_space<vmem>> -> memref<1x128xi32, #tpu.memory_space<vmem>>
        %dma_start3A_250 = tpu.memref_squeeze %dma_start3A_249 : memref<1x128xi32, #tpu.memory_space<vmem>> -> memref<128xi32, #tpu.memory_space<vmem>>
        %dma_start3A_251 = arith.constant 0 : i32
        %dma_start3A_252 = arith.constant 0 : i32
        %dma_start3A_253 = tpu.memref_slice %arg2[%dma_start3A_251, %dma_start3A_252] : memref<10000x128xf32, #tpu.memory_space<hbm>> -> memref<10000x128xf32, #tpu.memory_space<hbm>>
        tpu.enqueue_indirect_dma source(%dma_start3A_253 : memref<10000x128xf32, #tpu.memory_space<hbm>>) target(%arg12 : memref<128x128xf32, #tpu.memory_space<vmem>>) offsets(%dma_start3A_250 : memref<128xi32, #tpu.memory_space<vmem>>) semaphore(%arg14 : memref<!tpu.dma_semaphore, #tpu.memory_space<semaphore_mem>>)
        %dma_start3A_254 = arith.constant 5 : i32
        %dma_start3A_255 = arith.constant 0 : i32
        %dma_start3A_256 = tpu.memref_slice %arg11[%dma_start3A_254, %dma_start3A_255] : memref<16x128xi32, #tpu.memory_space<vmem>> -> memref<1x128xi32, #tpu.memory_space<vmem>>
        %dma_start3A_257 = tpu.memref_squeeze %dma_start3A_256 : memref<1x128xi32, #tpu.memory_space<vmem>> -> memref<128xi32, #tpu.memory_space<vmem>>
        %dma_start3A_258 = arith.constant 0 : i32
        %dma_start3A_259 = arith.constant 0 : i32
        %dma_start3A_260 = tpu.memref_slice %arg9[%dma_start3A_258, %dma_start3A_259] : memref<10240x128xf32, #tpu.memory_space<vmem_shared>> -> memref<10240x128xf32, #tpu.memory_space<vmem_shared>>
        tpu.enqueue_indirect_dma source(%arg13 : memref<128x128xf32, #tpu.memory_space<vmem>>) target(%dma_start3A_260 : memref<10240x128xf32, #tpu.memory_space<vmem_shared>>) offsets(%dma_start3A_257 : memref<128xi32, #tpu.memory_space<vmem>>) semaphore(%arg17 : memref<!tpu.dma_semaphore, #tpu.memory_space<semaphore_mem>>) {add = true}
        %dma_wait3A_261 = arith.constant 6 : i32
        %dma_wait3A_262 = arith.constant 0 : i32
        %dma_wait3A_263 = tpu.memref_slice %arg10[%dma_wait3A_261, %dma_wait3A_262] : memref<16x128xi32, #tpu.memory_space<vmem>> -> memref<1x128xi32, #tpu.memory_space<vmem>>
        %dma_wait3A_264 = tpu.memref_squeeze %dma_wait3A_263 : memref<1x128xi32, #tpu.memory_space<vmem>> -> memref<128xi32, #tpu.memory_space<vmem>>
        %dma_wait3A_265 = arith.constant 0 : i32
        %dma_wait3A_266 = arith.constant 0 : i32
        %dma_wait3A_267 = tpu.memref_slice %arg2[%dma_wait3A_265, %dma_wait3A_266] : memref<10000x128xf32, #tpu.memory_space<hbm>> -> memref<10000x128xf32, #tpu.memory_space<hbm>>
        tpu.wait_indirect_dma semaphore(%arg14 : memref<!tpu.dma_semaphore, #tpu.memory_space<semaphore_mem>>) src(%dma_wait3A_267 : memref<10000x128xf32, #tpu.memory_space<hbm>>) dst(%arg12 : memref<128x128xf32, #tpu.memory_space<vmem>>)
        %dma_wait3A_268 = arith.constant 5 : i32
        %dma_wait3A_269 = arith.constant 0 : i32
        %dma_wait3A_270 = tpu.memref_slice %arg11[%dma_wait3A_268, %dma_wait3A_269] : memref<16x128xi32, #tpu.memory_space<vmem>> -> memref<1x128xi32, #tpu.memory_space<vmem>>
        %dma_wait3A_271 = tpu.memref_squeeze %dma_wait3A_270 : memref<1x128xi32, #tpu.memory_space<vmem>> -> memref<128xi32, #tpu.memory_space<vmem>>
        %dma_wait3A_272 = arith.constant 0 : i32
        %dma_wait3A_273 = arith.constant 0 : i32
        %dma_wait3A_274 = tpu.memref_slice %arg9[%dma_wait3A_272, %dma_wait3A_273] : memref<10240x128xf32, #tpu.memory_space<vmem_shared>> -> memref<10240x128xf32, #tpu.memory_space<vmem_shared>>
        tpu.wait_indirect_dma semaphore(%arg17 : memref<!tpu.dma_semaphore, #tpu.memory_space<semaphore_mem>>) src(%arg13 : memref<128x128xf32, #tpu.memory_space<vmem>>) dst(%dma_wait3A_274 : memref<10240x128xf32, #tpu.memory_space<vmem_shared>>)
        %dma_start3A_275 = arith.constant 7 : i32
        %dma_start3A_276 = arith.constant 0 : i32
        %dma_start3A_277 = tpu.memref_slice %arg10[%dma_start3A_275, %dma_start3A_276] : memref<16x128xi32, #tpu.memory_space<vmem>> -> memref<1x128xi32, #tpu.memory_space<vmem>>
        %dma_start3A_278 = tpu.memref_squeeze %dma_start3A_277 : memref<1x128xi32, #tpu.memory_space<vmem>> -> memref<128xi32, #tpu.memory_space<vmem>>
        %dma_start3A_279 = arith.constant 0 : i32
        %dma_start3A_280 = arith.constant 0 : i32
        %dma_start3A_281 = tpu.memref_slice %arg2[%dma_start3A_279, %dma_start3A_280] : memref<10000x128xf32, #tpu.memory_space<hbm>> -> memref<10000x128xf32, #tpu.memory_space<hbm>>
        tpu.enqueue_indirect_dma source(%dma_start3A_281 : memref<10000x128xf32, #tpu.memory_space<hbm>>) target(%arg13 : memref<128x128xf32, #tpu.memory_space<vmem>>) offsets(%dma_start3A_278 : memref<128xi32, #tpu.memory_space<vmem>>) semaphore(%arg15 : memref<!tpu.dma_semaphore, #tpu.memory_space<semaphore_mem>>)
        %dma_start3A_282 = arith.constant 6 : i32
        %dma_start3A_283 = arith.constant 0 : i32
        %dma_start3A_284 = tpu.memref_slice %arg11[%dma_start3A_282, %dma_start3A_283] : memref<16x128xi32, #tpu.memory_space<vmem>> -> memref<1x128xi32, #tpu.memory_space<vmem>>
        %dma_start3A_285 = tpu.memref_squeeze %dma_start3A_284 : memref<1x128xi32, #tpu.memory_space<vmem>> -> memref<128xi32, #tpu.memory_space<vmem>>
        %dma_start3A_286 = arith.constant 0 : i32
        %dma_start3A_287 = arith.constant 0 : i32
        %dma_start3A_288 = tpu.memref_slice %arg9[%dma_start3A_286, %dma_start3A_287] : memref<10240x128xf32, #tpu.memory_space<vmem_shared>> -> memref<10240x128xf32, #tpu.memory_space<vmem_shared>>
        tpu.enqueue_indirect_dma source(%arg12 : memref<128x128xf32, #tpu.memory_space<vmem>>) target(%dma_start3A_288 : memref<10240x128xf32, #tpu.memory_space<vmem_shared>>) offsets(%dma_start3A_285 : memref<128xi32, #tpu.memory_space<vmem>>) semaphore(%arg16 : memref<!tpu.dma_semaphore, #tpu.memory_space<semaphore_mem>>) {add = true}
        %dma_wait3A_289 = arith.constant 7 : i32
        %dma_wait3A_290 = arith.constant 0 : i32
        %dma_wait3A_291 = tpu.memref_slice %arg10[%dma_wait3A_289, %dma_wait3A_290] : memref<16x128xi32, #tpu.memory_space<vmem>> -> memref<1x128xi32, #tpu.memory_space<vmem>>
        %dma_wait3A_292 = tpu.memref_squeeze %dma_wait3A_291 : memref<1x128xi32, #tpu.memory_space<vmem>> -> memref<128xi32, #tpu.memory_space<vmem>>
        %dma_wait3A_293 = arith.constant 0 : i32
        %dma_wait3A_294 = arith.constant 0 : i32
        %dma_wait3A_295 = tpu.memref_slice %arg2[%dma_wait3A_293, %dma_wait3A_294] : memref<10000x128xf32, #tpu.memory_space<hbm>> -> memref<10000x128xf32, #tpu.memory_space<hbm>>
        tpu.wait_indirect_dma semaphore(%arg15 : memref<!tpu.dma_semaphore, #tpu.memory_space<semaphore_mem>>) src(%dma_wait3A_295 : memref<10000x128xf32, #tpu.memory_space<hbm>>) dst(%arg13 : memref<128x128xf32, #tpu.memory_space<vmem>>)
        %dma_wait3A_296 = arith.constant 6 : i32
        %dma_wait3A_297 = arith.constant 0 : i32
        %dma_wait3A_298 = tpu.memref_slice %arg11[%dma_wait3A_296, %dma_wait3A_297] : memref<16x128xi32, #tpu.memory_space<vmem>> -> memref<1x128xi32, #tpu.memory_space<vmem>>
        %dma_wait3A_299 = tpu.memref_squeeze %dma_wait3A_298 : memref<1x128xi32, #tpu.memory_space<vmem>> -> memref<128xi32, #tpu.memory_space<vmem>>
        %dma_wait3A_300 = arith.constant 0 : i32
        %dma_wait3A_301 = arith.constant 0 : i32
        %dma_wait3A_302 = tpu.memref_slice %arg9[%dma_wait3A_300, %dma_wait3A_301] : memref<10240x128xf32, #tpu.memory_space<vmem_shared>> -> memref<10240x128xf32, #tpu.memory_space<vmem_shared>>
        tpu.wait_indirect_dma semaphore(%arg16 : memref<!tpu.dma_semaphore, #tpu.memory_space<semaphore_mem>>) src(%arg12 : memref<128x128xf32, #tpu.memory_space<vmem>>) dst(%dma_wait3A_302 : memref<10240x128xf32, #tpu.memory_space<vmem_shared>>)
        %dma_start3A_303 = arith.constant 8 : i32
        %dma_start3A_304 = arith.constant 0 : i32
        %dma_start3A_305 = tpu.memref_slice %arg10[%dma_start3A_303, %dma_start3A_304] : memref<16x128xi32, #tpu.memory_space<vmem>> -> memref<1x128xi32, #tpu.memory_space<vmem>>
        %dma_start3A_306 = tpu.memref_squeeze %dma_start3A_305 : memref<1x128xi32, #tpu.memory_space<vmem>> -> memref<128xi32, #tpu.memory_space<vmem>>
        %dma_start3A_307 = arith.constant 0 : i32
        %dma_start3A_308 = arith.constant 0 : i32
        %dma_start3A_309 = tpu.memref_slice %arg2[%dma_start3A_307, %dma_start3A_308] : memref<10000x128xf32, #tpu.memory_space<hbm>> -> memref<10000x128xf32, #tpu.memory_space<hbm>>
        tpu.enqueue_indirect_dma source(%dma_start3A_309 : memref<10000x128xf32, #tpu.memory_space<hbm>>) target(%arg12 : memref<128x128xf32, #tpu.memory_space<vmem>>) offsets(%dma_start3A_306 : memref<128xi32, #tpu.memory_space<vmem>>) semaphore(%arg14 : memref<!tpu.dma_semaphore, #tpu.memory_space<semaphore_mem>>)
        %dma_start3A_310 = arith.constant 7 : i32
        %dma_start3A_311 = arith.constant 0 : i32
        %dma_start3A_312 = tpu.memref_slice %arg11[%dma_start3A_310, %dma_start3A_311] : memref<16x128xi32, #tpu.memory_space<vmem>> -> memref<1x128xi32, #tpu.memory_space<vmem>>
        %dma_start3A_313 = tpu.memref_squeeze %dma_start3A_312 : memref<1x128xi32, #tpu.memory_space<vmem>> -> memref<128xi32, #tpu.memory_space<vmem>>
        %dma_start3A_314 = arith.constant 0 : i32
        %dma_start3A_315 = arith.constant 0 : i32
        %dma_start3A_316 = tpu.memref_slice %arg9[%dma_start3A_314, %dma_start3A_315] : memref<10240x128xf32, #tpu.memory_space<vmem_shared>> -> memref<10240x128xf32, #tpu.memory_space<vmem_shared>>
        tpu.enqueue_indirect_dma source(%arg13 : memref<128x128xf32, #tpu.memory_space<vmem>>) target(%dma_start3A_316 : memref<10240x128xf32, #tpu.memory_space<vmem_shared>>) offsets(%dma_start3A_313 : memref<128xi32, #tpu.memory_space<vmem>>) semaphore(%arg17 : memref<!tpu.dma_semaphore, #tpu.memory_space<semaphore_mem>>) {add = true}
        %dma_wait3A_317 = arith.constant 8 : i32
        %dma_wait3A_318 = arith.constant 0 : i32
        %dma_wait3A_319 = tpu.memref_slice %arg10[%dma_wait3A_317, %dma_wait3A_318] : memref<16x128xi32, #tpu.memory_space<vmem>> -> memref<1x128xi32, #tpu.memory_space<vmem>>
        %dma_wait3A_320 = tpu.memref_squeeze %dma_wait3A_319 : memref<1x128xi32, #tpu.memory_space<vmem>> -> memref<128xi32, #tpu.memory_space<vmem>>
        %dma_wait3A_321 = arith.constant 0 : i32
        %dma_wait3A_322 = arith.constant 0 : i32
        %dma_wait3A_323 = tpu.memref_slice %arg2[%dma_wait3A_321, %dma_wait3A_322] : memref<10000x128xf32, #tpu.memory_space<hbm>> -> memref<10000x128xf32, #tpu.memory_space<hbm>>
        tpu.wait_indirect_dma semaphore(%arg14 : memref<!tpu.dma_semaphore, #tpu.memory_space<semaphore_mem>>) src(%dma_wait3A_323 : memref<10000x128xf32, #tpu.memory_space<hbm>>) dst(%arg12 : memref<128x128xf32, #tpu.memory_space<vmem>>)
        %dma_wait3A_324 = arith.constant 7 : i32
        %dma_wait3A_325 = arith.constant 0 : i32
        %dma_wait3A_326 = tpu.memref_slice %arg11[%dma_wait3A_324, %dma_wait3A_325] : memref<16x128xi32, #tpu.memory_space<vmem>> -> memref<1x128xi32, #tpu.memory_space<vmem>>
        %dma_wait3A_327 = tpu.memref_squeeze %dma_wait3A_326 : memref<1x128xi32, #tpu.memory_space<vmem>> -> memref<128xi32, #tpu.memory_space<vmem>>
        %dma_wait3A_328 = arith.constant 0 : i32
        %dma_wait3A_329 = arith.constant 0 : i32
        %dma_wait3A_330 = tpu.memref_slice %arg9[%dma_wait3A_328, %dma_wait3A_329] : memref<10240x128xf32, #tpu.memory_space<vmem_shared>> -> memref<10240x128xf32, #tpu.memory_space<vmem_shared>>
        tpu.wait_indirect_dma semaphore(%arg17 : memref<!tpu.dma_semaphore, #tpu.memory_space<semaphore_mem>>) src(%arg13 : memref<128x128xf32, #tpu.memory_space<vmem>>) dst(%dma_wait3A_330 : memref<10240x128xf32, #tpu.memory_space<vmem_shared>>)
        %dma_start3A_331 = arith.constant 9 : i32
        %dma_start3A_332 = arith.constant 0 : i32
        %dma_start3A_333 = tpu.memref_slice %arg10[%dma_start3A_331, %dma_start3A_332] : memref<16x128xi32, #tpu.memory_space<vmem>> -> memref<1x128xi32, #tpu.memory_space<vmem>>
        %dma_start3A_334 = tpu.memref_squeeze %dma_start3A_333 : memref<1x128xi32, #tpu.memory_space<vmem>> -> memref<128xi32, #tpu.memory_space<vmem>>
        %dma_start3A_335 = arith.constant 0 : i32
        %dma_start3A_336 = arith.constant 0 : i32
        %dma_start3A_337 = tpu.memref_slice %arg2[%dma_start3A_335, %dma_start3A_336] : memref<10000x128xf32, #tpu.memory_space<hbm>> -> memref<10000x128xf32, #tpu.memory_space<hbm>>
        tpu.enqueue_indirect_dma source(%dma_start3A_337 : memref<10000x128xf32, #tpu.memory_space<hbm>>) target(%arg13 : memref<128x128xf32, #tpu.memory_space<vmem>>) offsets(%dma_start3A_334 : memref<128xi32, #tpu.memory_space<vmem>>) semaphore(%arg15 : memref<!tpu.dma_semaphore, #tpu.memory_space<semaphore_mem>>)
        %dma_start3A_338 = arith.constant 8 : i32
        %dma_start3A_339 = arith.constant 0 : i32
        %dma_start3A_340 = tpu.memref_slice %arg11[%dma_start3A_338, %dma_start3A_339] : memref<16x128xi32, #tpu.memory_space<vmem>> -> memref<1x128xi32, #tpu.memory_space<vmem>>
        %dma_start3A_341 = tpu.memref_squeeze %dma_start3A_340 : memref<1x128xi32, #tpu.memory_space<vmem>> -> memref<128xi32, #tpu.memory_space<vmem>>
        %dma_start3A_342 = arith.constant 0 : i32
        %dma_start3A_343 = arith.constant 0 : i32
        %dma_start3A_344 = tpu.memref_slice %arg9[%dma_start3A_342, %dma_start3A_343] : memref<10240x128xf32, #tpu.memory_space<vmem_shared>> -> memref<10240x128xf32, #tpu.memory_space<vmem_shared>>
        tpu.enqueue_indirect_dma source(%arg12 : memref<128x128xf32, #tpu.memory_space<vmem>>) target(%dma_start3A_344 : memref<10240x128xf32, #tpu.memory_space<vmem_shared>>) offsets(%dma_start3A_341 : memref<128xi32, #tpu.memory_space<vmem>>) semaphore(%arg16 : memref<!tpu.dma_semaphore, #tpu.memory_space<semaphore_mem>>) {add = true}
        %dma_wait3A_345 = arith.constant 9 : i32
        %dma_wait3A_346 = arith.constant 0 : i32
        %dma_wait3A_347 = tpu.memref_slice %arg10[%dma_wait3A_345, %dma_wait3A_346] : memref<16x128xi32, #tpu.memory_space<vmem>> -> memref<1x128xi32, #tpu.memory_space<vmem>>
        %dma_wait3A_348 = tpu.memref_squeeze %dma_wait3A_347 : memref<1x128xi32, #tpu.memory_space<vmem>> -> memref<128xi32, #tpu.memory_space<vmem>>
        %dma_wait3A_349 = arith.constant 0 : i32
        %dma_wait3A_350 = arith.constant 0 : i32
        %dma_wait3A_351 = tpu.memref_slice %arg2[%dma_wait3A_349, %dma_wait3A_350] : memref<10000x128xf32, #tpu.memory_space<hbm>> -> memref<10000x128xf32, #tpu.memory_space<hbm>>
        tpu.wait_indirect_dma semaphore(%arg15 : memref<!tpu.dma_semaphore, #tpu.memory_space<semaphore_mem>>) src(%dma_wait3A_351 : memref<10000x128xf32, #tpu.memory_space<hbm>>) dst(%arg13 : memref<128x128xf32, #tpu.memory_space<vmem>>)
        %dma_wait3A_352 = arith.constant 8 : i32
        %dma_wait3A_353 = arith.constant 0 : i32
        %dma_wait3A_354 = tpu.memref_slice %arg11[%dma_wait3A_352, %dma_wait3A_353] : memref<16x128xi32, #tpu.memory_space<vmem>> -> memref<1x128xi32, #tpu.memory_space<vmem>>
        %dma_wait3A_355 = tpu.memref_squeeze %dma_wait3A_354 : memref<1x128xi32, #tpu.memory_space<vmem>> -> memref<128xi32, #tpu.memory_space<vmem>>
        %dma_wait3A_356 = arith.constant 0 : i32
        %dma_wait3A_357 = arith.constant 0 : i32
        %dma_wait3A_358 = tpu.memref_slice %arg9[%dma_wait3A_356, %dma_wait3A_357] : memref<10240x128xf32, #tpu.memory_space<vmem_shared>> -> memref<10240x128xf32, #tpu.memory_space<vmem_shared>>
        tpu.wait_indirect_dma semaphore(%arg16 : memref<!tpu.dma_semaphore, #tpu.memory_space<semaphore_mem>>) src(%arg12 : memref<128x128xf32, #tpu.memory_space<vmem>>) dst(%dma_wait3A_358 : memref<10240x128xf32, #tpu.memory_space<vmem_shared>>)
        %dma_start3A_359 = arith.constant 10 : i32
        %dma_start3A_360 = arith.constant 0 : i32
        %dma_start3A_361 = tpu.memref_slice %arg10[%dma_start3A_359, %dma_start3A_360] : memref<16x128xi32, #tpu.memory_space<vmem>> -> memref<1x128xi32, #tpu.memory_space<vmem>>
        %dma_start3A_362 = tpu.memref_squeeze %dma_start3A_361 : memref<1x128xi32, #tpu.memory_space<vmem>> -> memref<128xi32, #tpu.memory_space<vmem>>
        %dma_start3A_363 = arith.constant 0 : i32
        %dma_start3A_364 = arith.constant 0 : i32
        %dma_start3A_365 = tpu.memref_slice %arg2[%dma_start3A_363, %dma_start3A_364] : memref<10000x128xf32, #tpu.memory_space<hbm>> -> memref<10000x128xf32, #tpu.memory_space<hbm>>
        tpu.enqueue_indirect_dma source(%dma_start3A_365 : memref<10000x128xf32, #tpu.memory_space<hbm>>) target(%arg12 : memref<128x128xf32, #tpu.memory_space<vmem>>) offsets(%dma_start3A_362 : memref<128xi32, #tpu.memory_space<vmem>>) semaphore(%arg14 : memref<!tpu.dma_semaphore, #tpu.memory_space<semaphore_mem>>)
        %dma_start3A_366 = arith.constant 9 : i32
        %dma_start3A_367 = arith.constant 0 : i32
        %dma_start3A_368 = tpu.memref_slice %arg11[%dma_start3A_366, %dma_start3A_367] : memref<16x128xi32, #tpu.memory_space<vmem>> -> memref<1x128xi32, #tpu.memory_space<vmem>>
        %dma_start3A_369 = tpu.memref_squeeze %dma_start3A_368 : memref<1x128xi32, #tpu.memory_space<vmem>> -> memref<128xi32, #tpu.memory_space<vmem>>
        %dma_start3A_370 = arith.constant 0 : i32
        %dma_start3A_371 = arith.constant 0 : i32
        %dma_start3A_372 = tpu.memref_slice %arg9[%dma_start3A_370, %dma_start3A_371] : memref<10240x128xf32, #tpu.memory_space<vmem_shared>> -> memref<10240x128xf32, #tpu.memory_space<vmem_shared>>
        tpu.enqueue_indirect_dma source(%arg13 : memref<128x128xf32, #tpu.memory_space<vmem>>) target(%dma_start3A_372 : memref<10240x128xf32, #tpu.memory_space<vmem_shared>>) offsets(%dma_start3A_369 : memref<128xi32, #tpu.memory_space<vmem>>) semaphore(%arg17 : memref<!tpu.dma_semaphore, #tpu.memory_space<semaphore_mem>>) {add = true}
        %dma_wait3A_373 = arith.constant 10 : i32
        %dma_wait3A_374 = arith.constant 0 : i32
        %dma_wait3A_375 = tpu.memref_slice %arg10[%dma_wait3A_373, %dma_wait3A_374] : memref<16x128xi32, #tpu.memory_space<vmem>> -> memref<1x128xi32, #tpu.memory_space<vmem>>
        %dma_wait3A_376 = tpu.memref_squeeze %dma_wait3A_375 : memref<1x128xi32, #tpu.memory_space<vmem>> -> memref<128xi32, #tpu.memory_space<vmem>>
        %dma_wait3A_377 = arith.constant 0 : i32
        %dma_wait3A_378 = arith.constant 0 : i32
        %dma_wait3A_379 = tpu.memref_slice %arg2[%dma_wait3A_377, %dma_wait3A_378] : memref<10000x128xf32, #tpu.memory_space<hbm>> -> memref<10000x128xf32, #tpu.memory_space<hbm>>
        tpu.wait_indirect_dma semaphore(%arg14 : memref<!tpu.dma_semaphore, #tpu.memory_space<semaphore_mem>>) src(%dma_wait3A_379 : memref<10000x128xf32, #tpu.memory_space<hbm>>) dst(%arg12 : memref<128x128xf32, #tpu.memory_space<vmem>>)
        %dma_wait3A_380 = arith.constant 9 : i32
        %dma_wait3A_381 = arith.constant 0 : i32
        %dma_wait3A_382 = tpu.memref_slice %arg11[%dma_wait3A_380, %dma_wait3A_381] : memref<16x128xi32, #tpu.memory_space<vmem>> -> memref<1x128xi32, #tpu.memory_space<vmem>>
        %dma_wait3A_383 = tpu.memref_squeeze %dma_wait3A_382 : memref<1x128xi32, #tpu.memory_space<vmem>> -> memref<128xi32, #tpu.memory_space<vmem>>
        %dma_wait3A_384 = arith.constant 0 : i32
        %dma_wait3A_385 = arith.constant 0 : i32
        %dma_wait3A_386 = tpu.memref_slice %arg9[%dma_wait3A_384, %dma_wait3A_385] : memref<10240x128xf32, #tpu.memory_space<vmem_shared>> -> memref<10240x128xf32, #tpu.memory_space<vmem_shared>>
        tpu.wait_indirect_dma semaphore(%arg17 : memref<!tpu.dma_semaphore, #tpu.memory_space<semaphore_mem>>) src(%arg13 : memref<128x128xf32, #tpu.memory_space<vmem>>) dst(%dma_wait3A_386 : memref<10240x128xf32, #tpu.memory_space<vmem_shared>>)
        %dma_start3A_387 = arith.constant 11 : i32
        %dma_start3A_388 = arith.constant 0 : i32
        %dma_start3A_389 = tpu.memref_slice %arg10[%dma_start3A_387, %dma_start3A_388] : memref<16x128xi32, #tpu.memory_space<vmem>> -> memref<1x128xi32, #tpu.memory_space<vmem>>
        %dma_start3A_390 = tpu.memref_squeeze %dma_start3A_389 : memref<1x128xi32, #tpu.memory_space<vmem>> -> memref<128xi32, #tpu.memory_space<vmem>>
        %dma_start3A_391 = arith.constant 0 : i32
        %dma_start3A_392 = arith.constant 0 : i32
        %dma_start3A_393 = tpu.memref_slice %arg2[%dma_start3A_391, %dma_start3A_392] : memref<10000x128xf32, #tpu.memory_space<hbm>> -> memref<10000x128xf32, #tpu.memory_space<hbm>>
        tpu.enqueue_indirect_dma source(%dma_start3A_393 : memref<10000x128xf32, #tpu.memory_space<hbm>>) target(%arg13 : memref<128x128xf32, #tpu.memory_space<vmem>>) offsets(%dma_start3A_390 : memref<128xi32, #tpu.memory_space<vmem>>) semaphore(%arg15 : memref<!tpu.dma_semaphore, #tpu.memory_space<semaphore_mem>>)
        %dma_start3A_394 = arith.constant 10 : i32
        %dma_start3A_395 = arith.constant 0 : i32
        %dma_start3A_396 = tpu.memref_slice %arg11[%dma_start3A_394, %dma_start3A_395] : memref<16x128xi32, #tpu.memory_space<vmem>> -> memref<1x128xi32, #tpu.memory_space<vmem>>
        %dma_start3A_397 = tpu.memref_squeeze %dma_start3A_396 : memref<1x128xi32, #tpu.memory_space<vmem>> -> memref<128xi32, #tpu.memory_space<vmem>>
        %dma_start3A_398 = arith.constant 0 : i32
        %dma_start3A_399 = arith.constant 0 : i32
        %dma_start3A_400 = tpu.memref_slice %arg9[%dma_start3A_398, %dma_start3A_399] : memref<10240x128xf32, #tpu.memory_space<vmem_shared>> -> memref<10240x128xf32, #tpu.memory_space<vmem_shared>>
        tpu.enqueue_indirect_dma source(%arg12 : memref<128x128xf32, #tpu.memory_space<vmem>>) target(%dma_start3A_400 : memref<10240x128xf32, #tpu.memory_space<vmem_shared>>) offsets(%dma_start3A_397 : memref<128xi32, #tpu.memory_space<vmem>>) semaphore(%arg16 : memref<!tpu.dma_semaphore, #tpu.memory_space<semaphore_mem>>) {add = true}
        %dma_wait3A_401 = arith.constant 11 : i32
        %dma_wait3A_402 = arith.constant 0 : i32
        %dma_wait3A_403 = tpu.memref_slice %arg10[%dma_wait3A_401, %dma_wait3A_402] : memref<16x128xi32, #tpu.memory_space<vmem>> -> memref<1x128xi32, #tpu.memory_space<vmem>>
        %dma_wait3A_404 = tpu.memref_squeeze %dma_wait3A_403 : memref<1x128xi32, #tpu.memory_space<vmem>> -> memref<128xi32, #tpu.memory_space<vmem>>
        %dma_wait3A_405 = arith.constant 0 : i32
        %dma_wait3A_406 = arith.constant 0 : i32
        %dma_wait3A_407 = tpu.memref_slice %arg2[%dma_wait3A_405, %dma_wait3A_406] : memref<10000x128xf32, #tpu.memory_space<hbm>> -> memref<10000x128xf32, #tpu.memory_space<hbm>>
        tpu.wait_indirect_dma semaphore(%arg15 : memref<!tpu.dma_semaphore, #tpu.memory_space<semaphore_mem>>) src(%dma_wait3A_407 : memref<10000x128xf32, #tpu.memory_space<hbm>>) dst(%arg13 : memref<128x128xf32, #tpu.memory_space<vmem>>)
        %dma_wait3A_408 = arith.constant 10 : i32
        %dma_wait3A_409 = arith.constant 0 : i32
        %dma_wait3A_410 = tpu.memref_slice %arg11[%dma_wait3A_408, %dma_wait3A_409] : memref<16x128xi32, #tpu.memory_space<vmem>> -> memref<1x128xi32, #tpu.memory_space<vmem>>
        %dma_wait3A_411 = tpu.memref_squeeze %dma_wait3A_410 : memref<1x128xi32, #tpu.memory_space<vmem>> -> memref<128xi32, #tpu.memory_space<vmem>>
        %dma_wait3A_412 = arith.constant 0 : i32
        %dma_wait3A_413 = arith.constant 0 : i32
        %dma_wait3A_414 = tpu.memref_slice %arg9[%dma_wait3A_412, %dma_wait3A_413] : memref<10240x128xf32, #tpu.memory_space<vmem_shared>> -> memref<10240x128xf32, #tpu.memory_space<vmem_shared>>
        tpu.wait_indirect_dma semaphore(%arg16 : memref<!tpu.dma_semaphore, #tpu.memory_space<semaphore_mem>>) src(%arg12 : memref<128x128xf32, #tpu.memory_space<vmem>>) dst(%dma_wait3A_414 : memref<10240x128xf32, #tpu.memory_space<vmem_shared>>)
        %dma_start3A_415 = arith.constant 12 : i32
        %dma_start3A_416 = arith.constant 0 : i32
        %dma_start3A_417 = tpu.memref_slice %arg10[%dma_start3A_415, %dma_start3A_416] : memref<16x128xi32, #tpu.memory_space<vmem>> -> memref<1x128xi32, #tpu.memory_space<vmem>>
        %dma_start3A_418 = tpu.memref_squeeze %dma_start3A_417 : memref<1x128xi32, #tpu.memory_space<vmem>> -> memref<128xi32, #tpu.memory_space<vmem>>
        %dma_start3A_419 = arith.constant 0 : i32
        %dma_start3A_420 = arith.constant 0 : i32
        %dma_start3A_421 = tpu.memref_slice %arg2[%dma_start3A_419, %dma_start3A_420] : memref<10000x128xf32, #tpu.memory_space<hbm>> -> memref<10000x128xf32, #tpu.memory_space<hbm>>
        tpu.enqueue_indirect_dma source(%dma_start3A_421 : memref<10000x128xf32, #tpu.memory_space<hbm>>) target(%arg12 : memref<128x128xf32, #tpu.memory_space<vmem>>) offsets(%dma_start3A_418 : memref<128xi32, #tpu.memory_space<vmem>>) semaphore(%arg14 : memref<!tpu.dma_semaphore, #tpu.memory_space<semaphore_mem>>)
        %dma_start3A_422 = arith.constant 11 : i32
        %dma_start3A_423 = arith.constant 0 : i32
        %dma_start3A_424 = tpu.memref_slice %arg11[%dma_start3A_422, %dma_start3A_423] : memref<16x128xi32, #tpu.memory_space<vmem>> -> memref<1x128xi32, #tpu.memory_space<vmem>>
        %dma_start3A_425 = tpu.memref_squeeze %dma_start3A_424 : memref<1x128xi32, #tpu.memory_space<vmem>> -> memref<128xi32, #tpu.memory_space<vmem>>
        %dma_start3A_426 = arith.constant 0 : i32
        %dma_start3A_427 = arith.constant 0 : i32
        %dma_start3A_428 = tpu.memref_slice %arg9[%dma_start3A_426, %dma_start3A_427] : memref<10240x128xf32, #tpu.memory_space<vmem_shared>> -> memref<10240x128xf32, #tpu.memory_space<vmem_shared>>
        tpu.enqueue_indirect_dma source(%arg13 : memref<128x128xf32, #tpu.memory_space<vmem>>) target(%dma_start3A_428 : memref<10240x128xf32, #tpu.memory_space<vmem_shared>>) offsets(%dma_start3A_425 : memref<128xi32, #tpu.memory_space<vmem>>) semaphore(%arg17 : memref<!tpu.dma_semaphore, #tpu.memory_space<semaphore_mem>>) {add = true}
        %dma_wait3A_429 = arith.constant 12 : i32
        %dma_wait3A_430 = arith.constant 0 : i32
        %dma_wait3A_431 = tpu.memref_slice %arg10[%dma_wait3A_429, %dma_wait3A_430] : memref<16x128xi32, #tpu.memory_space<vmem>> -> memref<1x128xi32, #tpu.memory_space<vmem>>
        %dma_wait3A_432 = tpu.memref_squeeze %dma_wait3A_431 : memref<1x128xi32, #tpu.memory_space<vmem>> -> memref<128xi32, #tpu.memory_space<vmem>>
        %dma_wait3A_433 = arith.constant 0 : i32
        %dma_wait3A_434 = arith.constant 0 : i32
        %dma_wait3A_435 = tpu.memref_slice %arg2[%dma_wait3A_433, %dma_wait3A_434] : memref<10000x128xf32, #tpu.memory_space<hbm>> -> memref<10000x128xf32, #tpu.memory_space<hbm>>
        tpu.wait_indirect_dma semaphore(%arg14 : memref<!tpu.dma_semaphore, #tpu.memory_space<semaphore_mem>>) src(%dma_wait3A_435 : memref<10000x128xf32, #tpu.memory_space<hbm>>) dst(%arg12 : memref<128x128xf32, #tpu.memory_space<vmem>>)
        %dma_wait3A_436 = arith.constant 11 : i32
        %dma_wait3A_437 = arith.constant 0 : i32
        %dma_wait3A_438 = tpu.memref_slice %arg11[%dma_wait3A_436, %dma_wait3A_437] : memref<16x128xi32, #tpu.memory_space<vmem>> -> memref<1x128xi32, #tpu.memory_space<vmem>>
        %dma_wait3A_439 = tpu.memref_squeeze %dma_wait3A_438 : memref<1x128xi32, #tpu.memory_space<vmem>> -> memref<128xi32, #tpu.memory_space<vmem>>
        %dma_wait3A_440 = arith.constant 0 : i32
        %dma_wait3A_441 = arith.constant 0 : i32
        %dma_wait3A_442 = tpu.memref_slice %arg9[%dma_wait3A_440, %dma_wait3A_441] : memref<10240x128xf32, #tpu.memory_space<vmem_shared>> -> memref<10240x128xf32, #tpu.memory_space<vmem_shared>>
        tpu.wait_indirect_dma semaphore(%arg17 : memref<!tpu.dma_semaphore, #tpu.memory_space<semaphore_mem>>) src(%arg13 : memref<128x128xf32, #tpu.memory_space<vmem>>) dst(%dma_wait3A_442 : memref<10240x128xf32, #tpu.memory_space<vmem_shared>>)
        %dma_start3A_443 = arith.constant 13 : i32
        %dma_start3A_444 = arith.constant 0 : i32
        %dma_start3A_445 = tpu.memref_slice %arg10[%dma_start3A_443, %dma_start3A_444] : memref<16x128xi32, #tpu.memory_space<vmem>> -> memref<1x128xi32, #tpu.memory_space<vmem>>
        %dma_start3A_446 = tpu.memref_squeeze %dma_start3A_445 : memref<1x128xi32, #tpu.memory_space<vmem>> -> memref<128xi32, #tpu.memory_space<vmem>>
        %dma_start3A_447 = arith.constant 0 : i32
        %dma_start3A_448 = arith.constant 0 : i32
        %dma_start3A_449 = tpu.memref_slice %arg2[%dma_start3A_447, %dma_start3A_448] : memref<10000x128xf32, #tpu.memory_space<hbm>> -> memref<10000x128xf32, #tpu.memory_space<hbm>>
        tpu.enqueue_indirect_dma source(%dma_start3A_449 : memref<10000x128xf32, #tpu.memory_space<hbm>>) target(%arg13 : memref<128x128xf32, #tpu.memory_space<vmem>>) offsets(%dma_start3A_446 : memref<128xi32, #tpu.memory_space<vmem>>) semaphore(%arg15 : memref<!tpu.dma_semaphore, #tpu.memory_space<semaphore_mem>>)
        %dma_start3A_450 = arith.constant 12 : i32
        %dma_start3A_451 = arith.constant 0 : i32
        %dma_start3A_452 = tpu.memref_slice %arg11[%dma_start3A_450, %dma_start3A_451] : memref<16x128xi32, #tpu.memory_space<vmem>> -> memref<1x128xi32, #tpu.memory_space<vmem>>
        %dma_start3A_453 = tpu.memref_squeeze %dma_start3A_452 : memref<1x128xi32, #tpu.memory_space<vmem>> -> memref<128xi32, #tpu.memory_space<vmem>>
        %dma_start3A_454 = arith.constant 0 : i32
        %dma_start3A_455 = arith.constant 0 : i32
        %dma_start3A_456 = tpu.memref_slice %arg9[%dma_start3A_454, %dma_start3A_455] : memref<10240x128xf32, #tpu.memory_space<vmem_shared>> -> memref<10240x128xf32, #tpu.memory_space<vmem_shared>>
        tpu.enqueue_indirect_dma source(%arg12 : memref<128x128xf32, #tpu.memory_space<vmem>>) target(%dma_start3A_456 : memref<10240x128xf32, #tpu.memory_space<vmem_shared>>) offsets(%dma_start3A_453 : memref<128xi32, #tpu.memory_space<vmem>>) semaphore(%arg16 : memref<!tpu.dma_semaphore, #tpu.memory_space<semaphore_mem>>) {add = true}
        %dma_wait3A_457 = arith.constant 13 : i32
        %dma_wait3A_458 = arith.constant 0 : i32
        %dma_wait3A_459 = tpu.memref_slice %arg10[%dma_wait3A_457, %dma_wait3A_458] : memref<16x128xi32, #tpu.memory_space<vmem>> -> memref<1x128xi32, #tpu.memory_space<vmem>>
        %dma_wait3A_460 = tpu.memref_squeeze %dma_wait3A_459 : memref<1x128xi32, #tpu.memory_space<vmem>> -> memref<128xi32, #tpu.memory_space<vmem>>
        %dma_wait3A_461 = arith.constant 0 : i32
        %dma_wait3A_462 = arith.constant 0 : i32
        %dma_wait3A_463 = tpu.memref_slice %arg2[%dma_wait3A_461, %dma_wait3A_462] : memref<10000x128xf32, #tpu.memory_space<hbm>> -> memref<10000x128xf32, #tpu.memory_space<hbm>>
        tpu.wait_indirect_dma semaphore(%arg15 : memref<!tpu.dma_semaphore, #tpu.memory_space<semaphore_mem>>) src(%dma_wait3A_463 : memref<10000x128xf32, #tpu.memory_space<hbm>>) dst(%arg13 : memref<128x128xf32, #tpu.memory_space<vmem>>)
        %dma_wait3A_464 = arith.constant 12 : i32
        %dma_wait3A_465 = arith.constant 0 : i32
        %dma_wait3A_466 = tpu.memref_slice %arg11[%dma_wait3A_464, %dma_wait3A_465] : memref<16x128xi32, #tpu.memory_space<vmem>> -> memref<1x128xi32, #tpu.memory_space<vmem>>
        %dma_wait3A_467 = tpu.memref_squeeze %dma_wait3A_466 : memref<1x128xi32, #tpu.memory_space<vmem>> -> memref<128xi32, #tpu.memory_space<vmem>>
        %dma_wait3A_468 = arith.constant 0 : i32
        %dma_wait3A_469 = arith.constant 0 : i32
        %dma_wait3A_470 = tpu.memref_slice %arg9[%dma_wait3A_468, %dma_wait3A_469] : memref<10240x128xf32, #tpu.memory_space<vmem_shared>> -> memref<10240x128xf32, #tpu.memory_space<vmem_shared>>
        tpu.wait_indirect_dma semaphore(%arg16 : memref<!tpu.dma_semaphore, #tpu.memory_space<semaphore_mem>>) src(%arg12 : memref<128x128xf32, #tpu.memory_space<vmem>>) dst(%dma_wait3A_470 : memref<10240x128xf32, #tpu.memory_space<vmem_shared>>)
        %dma_start3A_471 = arith.constant 14 : i32
        %dma_start3A_472 = arith.constant 0 : i32
        %dma_start3A_473 = tpu.memref_slice %arg10[%dma_start3A_471, %dma_start3A_472] : memref<16x128xi32, #tpu.memory_space<vmem>> -> memref<1x128xi32, #tpu.memory_space<vmem>>
        %dma_start3A_474 = tpu.memref_squeeze %dma_start3A_473 : memref<1x128xi32, #tpu.memory_space<vmem>> -> memref<128xi32, #tpu.memory_space<vmem>>
        %dma_start3A_475 = arith.constant 0 : i32
        %dma_start3A_476 = arith.constant 0 : i32
        %dma_start3A_477 = tpu.memref_slice %arg2[%dma_start3A_475, %dma_start3A_476] : memref<10000x128xf32, #tpu.memory_space<hbm>> -> memref<10000x128xf32, #tpu.memory_space<hbm>>
        tpu.enqueue_indirect_dma source(%dma_start3A_477 : memref<10000x128xf32, #tpu.memory_space<hbm>>) target(%arg12 : memref<128x128xf32, #tpu.memory_space<vmem>>) offsets(%dma_start3A_474 : memref<128xi32, #tpu.memory_space<vmem>>) semaphore(%arg14 : memref<!tpu.dma_semaphore, #tpu.memory_space<semaphore_mem>>)
        %dma_start3A_478 = arith.constant 13 : i32
        %dma_start3A_479 = arith.constant 0 : i32
        %dma_start3A_480 = tpu.memref_slice %arg11[%dma_start3A_478, %dma_start3A_479] : memref<16x128xi32, #tpu.memory_space<vmem>> -> memref<1x128xi32, #tpu.memory_space<vmem>>
        %dma_start3A_481 = tpu.memref_squeeze %dma_start3A_480 : memref<1x128xi32, #tpu.memory_space<vmem>> -> memref<128xi32, #tpu.memory_space<vmem>>
        %dma_start3A_482 = arith.constant 0 : i32
        %dma_start3A_483 = arith.constant 0 : i32
        %dma_start3A_484 = tpu.memref_slice %arg9[%dma_start3A_482, %dma_start3A_483] : memref<10240x128xf32, #tpu.memory_space<vmem_shared>> -> memref<10240x128xf32, #tpu.memory_space<vmem_shared>>
        tpu.enqueue_indirect_dma source(%arg13 : memref<128x128xf32, #tpu.memory_space<vmem>>) target(%dma_start3A_484 : memref<10240x128xf32, #tpu.memory_space<vmem_shared>>) offsets(%dma_start3A_481 : memref<128xi32, #tpu.memory_space<vmem>>) semaphore(%arg17 : memref<!tpu.dma_semaphore, #tpu.memory_space<semaphore_mem>>) {add = true}
        %dma_wait3A_485 = arith.constant 14 : i32
        %dma_wait3A_486 = arith.constant 0 : i32
        %dma_wait3A_487 = tpu.memref_slice %arg10[%dma_wait3A_485, %dma_wait3A_486] : memref<16x128xi32, #tpu.memory_space<vmem>> -> memref<1x128xi32, #tpu.memory_space<vmem>>
        %dma_wait3A_488 = tpu.memref_squeeze %dma_wait3A_487 : memref<1x128xi32, #tpu.memory_space<vmem>> -> memref<128xi32, #tpu.memory_space<vmem>>
        %dma_wait3A_489 = arith.constant 0 : i32
        %dma_wait3A_490 = arith.constant 0 : i32
        %dma_wait3A_491 = tpu.memref_slice %arg2[%dma_wait3A_489, %dma_wait3A_490] : memref<10000x128xf32, #tpu.memory_space<hbm>> -> memref<10000x128xf32, #tpu.memory_space<hbm>>
        tpu.wait_indirect_dma semaphore(%arg14 : memref<!tpu.dma_semaphore, #tpu.memory_space<semaphore_mem>>) src(%dma_wait3A_491 : memref<10000x128xf32, #tpu.memory_space<hbm>>) dst(%arg12 : memref<128x128xf32, #tpu.memory_space<vmem>>)
        %dma_wait3A_492 = arith.constant 13 : i32
        %dma_wait3A_493 = arith.constant 0 : i32
        %dma_wait3A_494 = tpu.memref_slice %arg11[%dma_wait3A_492, %dma_wait3A_493] : memref<16x128xi32, #tpu.memory_space<vmem>> -> memref<1x128xi32, #tpu.memory_space<vmem>>
        %dma_wait3A_495 = tpu.memref_squeeze %dma_wait3A_494 : memref<1x128xi32, #tpu.memory_space<vmem>> -> memref<128xi32, #tpu.memory_space<vmem>>
        %dma_wait3A_496 = arith.constant 0 : i32
        %dma_wait3A_497 = arith.constant 0 : i32
        %dma_wait3A_498 = tpu.memref_slice %arg9[%dma_wait3A_496, %dma_wait3A_497] : memref<10240x128xf32, #tpu.memory_space<vmem_shared>> -> memref<10240x128xf32, #tpu.memory_space<vmem_shared>>
        tpu.wait_indirect_dma semaphore(%arg17 : memref<!tpu.dma_semaphore, #tpu.memory_space<semaphore_mem>>) src(%arg13 : memref<128x128xf32, #tpu.memory_space<vmem>>) dst(%dma_wait3A_498 : memref<10240x128xf32, #tpu.memory_space<vmem_shared>>)
        %dma_start3A_499 = arith.constant 15 : i32
        %dma_start3A_500 = arith.constant 0 : i32
        %dma_start3A_501 = tpu.memref_slice %arg10[%dma_start3A_499, %dma_start3A_500] : memref<16x128xi32, #tpu.memory_space<vmem>> -> memref<1x128xi32, #tpu.memory_space<vmem>>
        %dma_start3A_502 = tpu.memref_squeeze %dma_start3A_501 : memref<1x128xi32, #tpu.memory_space<vmem>> -> memref<128xi32, #tpu.memory_space<vmem>>
        %dma_start3A_503 = arith.constant 0 : i32
        %dma_start3A_504 = arith.constant 0 : i32
        %dma_start3A_505 = tpu.memref_slice %arg2[%dma_start3A_503, %dma_start3A_504] : memref<10000x128xf32, #tpu.memory_space<hbm>> -> memref<10000x128xf32, #tpu.memory_space<hbm>>
        tpu.enqueue_indirect_dma source(%dma_start3A_505 : memref<10000x128xf32, #tpu.memory_space<hbm>>) target(%arg13 : memref<128x128xf32, #tpu.memory_space<vmem>>) offsets(%dma_start3A_502 : memref<128xi32, #tpu.memory_space<vmem>>) semaphore(%arg15 : memref<!tpu.dma_semaphore, #tpu.memory_space<semaphore_mem>>)
        %dma_start3A_506 = arith.constant 14 : i32
        %dma_start3A_507 = arith.constant 0 : i32
        %dma_start3A_508 = tpu.memref_slice %arg11[%dma_start3A_506, %dma_start3A_507] : memref<16x128xi32, #tpu.memory_space<vmem>> -> memref<1x128xi32, #tpu.memory_space<vmem>>
        %dma_start3A_509 = tpu.memref_squeeze %dma_start3A_508 : memref<1x128xi32, #tpu.memory_space<vmem>> -> memref<128xi32, #tpu.memory_space<vmem>>
        %dma_start3A_510 = arith.constant 0 : i32
        %dma_start3A_511 = arith.constant 0 : i32
        %dma_start3A_512 = tpu.memref_slice %arg9[%dma_start3A_510, %dma_start3A_511] : memref<10240x128xf32, #tpu.memory_space<vmem_shared>> -> memref<10240x128xf32, #tpu.memory_space<vmem_shared>>
        tpu.enqueue_indirect_dma source(%arg12 : memref<128x128xf32, #tpu.memory_space<vmem>>) target(%dma_start3A_512 : memref<10240x128xf32, #tpu.memory_space<vmem_shared>>) offsets(%dma_start3A_509 : memref<128xi32, #tpu.memory_space<vmem>>) semaphore(%arg16 : memref<!tpu.dma_semaphore, #tpu.memory_space<semaphore_mem>>) {add = true}
        %dma_wait3A_513 = arith.constant 15 : i32
        %dma_wait3A_514 = arith.constant 0 : i32
        %dma_wait3A_515 = tpu.memref_slice %arg10[%dma_wait3A_513, %dma_wait3A_514] : memref<16x128xi32, #tpu.memory_space<vmem>> -> memref<1x128xi32, #tpu.memory_space<vmem>>
        %dma_wait3A_516 = tpu.memref_squeeze %dma_wait3A_515 : memref<1x128xi32, #tpu.memory_space<vmem>> -> memref<128xi32, #tpu.memory_space<vmem>>
        %dma_wait3A_517 = arith.constant 0 : i32
        %dma_wait3A_518 = arith.constant 0 : i32
        %dma_wait3A_519 = tpu.memref_slice %arg2[%dma_wait3A_517, %dma_wait3A_518] : memref<10000x128xf32, #tpu.memory_space<hbm>> -> memref<10000x128xf32, #tpu.memory_space<hbm>>
        tpu.wait_indirect_dma semaphore(%arg15 : memref<!tpu.dma_semaphore, #tpu.memory_space<semaphore_mem>>) src(%dma_wait3A_519 : memref<10000x128xf32, #tpu.memory_space<hbm>>) dst(%arg13 : memref<128x128xf32, #tpu.memory_space<vmem>>)
        %dma_start3A_520 = arith.constant 15 : i32
        %dma_start3A_521 = arith.constant 0 : i32
        %dma_start3A_522 = tpu.memref_slice %arg11[%dma_start3A_520, %dma_start3A_521] : memref<16x128xi32, #tpu.memory_space<vmem>> -> memref<1x128xi32, #tpu.memory_space<vmem>>
        %dma_start3A_523 = tpu.memref_squeeze %dma_start3A_522 : memref<1x128xi32, #tpu.memory_space<vmem>> -> memref<128xi32, #tpu.memory_space<vmem>>
        %dma_start3A_524 = arith.constant 0 : i32
        %dma_start3A_525 = arith.constant 0 : i32
        %dma_start3A_526 = tpu.memref_slice %arg9[%dma_start3A_524, %dma_start3A_525] : memref<10240x128xf32, #tpu.memory_space<vmem_shared>> -> memref<10240x128xf32, #tpu.memory_space<vmem_shared>>
        tpu.enqueue_indirect_dma source(%arg13 : memref<128x128xf32, #tpu.memory_space<vmem>>) target(%dma_start3A_526 : memref<10240x128xf32, #tpu.memory_space<vmem_shared>>) offsets(%dma_start3A_523 : memref<128xi32, #tpu.memory_space<vmem>>) semaphore(%arg17 : memref<!tpu.dma_semaphore, #tpu.memory_space<semaphore_mem>>) {add = true}
        %dma_wait3A_527 = arith.constant 14 : i32
        %dma_wait3A_528 = arith.constant 0 : i32
        %dma_wait3A_529 = tpu.memref_slice %arg11[%dma_wait3A_527, %dma_wait3A_528] : memref<16x128xi32, #tpu.memory_space<vmem>> -> memref<1x128xi32, #tpu.memory_space<vmem>>
        %dma_wait3A_530 = tpu.memref_squeeze %dma_wait3A_529 : memref<1x128xi32, #tpu.memory_space<vmem>> -> memref<128xi32, #tpu.memory_space<vmem>>
        %dma_wait3A_531 = arith.constant 0 : i32
        %dma_wait3A_532 = arith.constant 0 : i32
        %dma_wait3A_533 = tpu.memref_slice %arg9[%dma_wait3A_531, %dma_wait3A_532] : memref<10240x128xf32, #tpu.memory_space<vmem_shared>> -> memref<10240x128xf32, #tpu.memory_space<vmem_shared>>
        tpu.wait_indirect_dma semaphore(%arg16 : memref<!tpu.dma_semaphore, #tpu.memory_space<semaphore_mem>>) src(%arg12 : memref<128x128xf32, #tpu.memory_space<vmem>>) dst(%dma_wait3A_533 : memref<10240x128xf32, #tpu.memory_space<vmem_shared>>)
        %dma_wait3A_534 = arith.constant 15 : i32
        %dma_wait3A_535 = arith.constant 0 : i32
        %dma_wait3A_536 = tpu.memref_slice %arg11[%dma_wait3A_534, %dma_wait3A_535] : memref<16x128xi32, #tpu.memory_space<vmem>> -> memref<1x128xi32, #tpu.memory_space<vmem>>
        %dma_wait3A_537 = tpu.memref_squeeze %dma_wait3A_536 : memref<1x128xi32, #tpu.memory_space<vmem>> -> memref<128xi32, #tpu.memory_space<vmem>>
        %dma_wait3A_538 = arith.constant 0 : i32
        %dma_wait3A_539 = arith.constant 0 : i32
        %dma_wait3A_540 = tpu.memref_slice %arg9[%dma_wait3A_538, %dma_wait3A_539] : memref<10240x128xf32, #tpu.memory_space<vmem_shared>> -> memref<10240x128xf32, #tpu.memory_space<vmem_shared>>
        tpu.wait_indirect_dma semaphore(%arg17 : memref<!tpu.dma_semaphore, #tpu.memory_space<semaphore_mem>>) src(%arg13 : memref<128x128xf32, #tpu.memory_space<vmem>>) dst(%dma_wait3A_540 : memref<10240x128xf32, #tpu.memory_space<vmem_shared>>)
      }
      %scan3A_86 = arith.constant 3 : i32
    } else {
    }
    %barrier3A_25 = arith.constant 0 : index
    tpu.barrier barrier_id(%barrier3A_25)
    %mul3A_26 = arith.constant 10240 : i32
    %mul3A_27 = arith.muli %arg0, %mul3A_26 : i32
    %mul3A_28 = arith.constant 640 : i32
    %mul3A_29 = arith.muli %arg1, %mul3A_28 : i32
    %add3A_30 = arith.constant 0 : i32
    %add3A_31 = arith.addi %mul3A_29, %add3A_30 : i32
    "tpu.region"() ({
      %run_scoped3A = tpu.sem_alloc : memref<!tpu.dma_semaphore, #tpu.memory_space<semaphore_mem>>
      %dma_start3A = arith.constant 0 : i32
      %dma_start3A_79 = tpu.memref_slice %arg9[%add3A_31, %dma_start3A] : memref<10240x128xf32, #tpu.memory_space<vmem_shared>> -> memref<128x128xf32, #tpu.memory_space<vmem_shared>>
      %dma_start3A_80 = arith.constant 0 : i32
      %dma_start3A_81 = tpu.memref_slice %arg9[%add3A_31, %dma_start3A_80] : memref<10240x128xf32, #tpu.memory_space<vmem_shared>> -> memref<128x128xf32, #tpu.memory_space<vmem_shared>>
      tpu.enqueue_dma source(%dma_start3A_81 : memref<128x128xf32, #tpu.memory_space<vmem_shared>>) target(%arg12 : memref<128x128xf32, #tpu.memory_space<vmem>>) target_semaphore(%run_scoped3A : memref<!tpu.dma_semaphore, #tpu.memory_space<semaphore_mem>>)
      %dma_wait3A = arith.constant 0 : i32
      %dma_wait3A_82 = tpu.memref_slice %arg9[%add3A_31, %dma_wait3A] : memref<10240x128xf32, #tpu.memory_space<vmem_shared>> -> memref<128x128xf32, #tpu.memory_space<vmem_shared>>
      %dma_wait3A_83 = arith.constant 0 : i32
      %dma_wait3A_84 = tpu.memref_slice %arg9[%add3A_31, %dma_wait3A_83] : memref<10240x128xf32, #tpu.memory_space<vmem_shared>> -> memref<128x128xf32, #tpu.memory_space<vmem_shared>>
      tpu.wait_dma2 semaphore(%run_scoped3A : memref<!tpu.dma_semaphore, #tpu.memory_space<semaphore_mem>>) src(%dma_wait3A_84 : memref<128x128xf32, #tpu.memory_space<vmem_shared>>) dst(%arg12 : memref<128x128xf32, #tpu.memory_space<vmem>>)
      tpu.yield
    }) : () -> ()
    %mul3A_32 = arith.constant 640 : i32
    %mul3A_33 = arith.muli %arg1, %mul3A_32 : i32
    %add3A_34 = arith.addi %mul3A_27, %mul3A_33 : i32
    %add3A_35 = arith.constant 0 : i32
    %add3A_36 = arith.addi %add3A_34, %add3A_35 : i32
    "tpu.region"() ({
      %run_scoped3A = tpu.sem_alloc : memref<!tpu.dma_semaphore, #tpu.memory_space<semaphore_mem>>
      %dma_start3A = arith.constant 0 : i32
      %dma_start3A_79 = tpu.memref_slice %arg7[%add3A_36, %dma_start3A] : memref<20480x128xf32, #tpu.memory_space<hbm>> -> memref<128x128xf32, #tpu.memory_space<hbm>>
      %dma_start3A_80 = arith.constant 0 : i32
      %dma_start3A_81 = tpu.memref_slice %arg7[%add3A_36, %dma_start3A_80] : memref<20480x128xf32, #tpu.memory_space<hbm>> -> memref<128x128xf32, #tpu.memory_space<hbm>>
      tpu.enqueue_dma source(%arg12 : memref<128x128xf32, #tpu.memory_space<vmem>>) target(%dma_start3A_81 : memref<128x128xf32, #tpu.memory_space<hbm>>) target_semaphore(%run_scoped3A : memref<!tpu.dma_semaphore, #tpu.memory_space<semaphore_mem>>)
      %dma_wait3A = arith.constant 0 : i32
      %dma_wait3A_82 = tpu.memref_slice %arg7[%add3A_36, %dma_wait3A] : memref<20480x128xf32, #tpu.memory_space<hbm>> -> memref<128x128xf32, #tpu.memory_space<hbm>>
      %dma_wait3A_83 = arith.constant 0 : i32
      %dma_wait3A_84 = tpu.memref_slice %arg7[%add3A_36, %dma_wait3A_83] : memref<20480x128xf32, #tpu.memory_space<hbm>> -> memref<128x128xf32, #tpu.memory_space<hbm>>
      tpu.wait_dma2 semaphore(%run_scoped3A : memref<!tpu.dma_semaphore, #tpu.memory_space<semaphore_mem>>) src(%arg12 : memref<128x128xf32, #tpu.memory_space<vmem>>) dst(%dma_wait3A_84 : memref<128x128xf32, #tpu.memory_space<hbm>>)
      tpu.yield
    }) : () -> ()
    %mul3A_37 = arith.constant 640 : i32
    %mul3A_38 = arith.muli %arg1, %mul3A_37 : i32
    %add3A_39 = arith.constant 128 : i32
    %add3A_40 = arith.addi %mul3A_38, %add3A_39 : i32
    "tpu.region"() ({
      %run_scoped3A = tpu.sem_alloc : memref<!tpu.dma_semaphore, #tpu.memory_space<semaphore_mem>>
      %dma_start3A = arith.constant 0 : i32
      %dma_start3A_79 = tpu.memref_slice %arg9[%add3A_40, %dma_start3A] : memref<10240x128xf32, #tpu.memory_space<vmem_shared>> -> memref<128x128xf32, #tpu.memory_space<vmem_shared>>
      %dma_start3A_80 = arith.constant 0 : i32
      %dma_start3A_81 = tpu.memref_slice %arg9[%add3A_40, %dma_start3A_80] : memref<10240x128xf32, #tpu.memory_space<vmem_shared>> -> memref<128x128xf32, #tpu.memory_space<vmem_shared>>
      tpu.enqueue_dma source(%dma_start3A_81 : memref<128x128xf32, #tpu.memory_space<vmem_shared>>) target(%arg12 : memref<128x128xf32, #tpu.memory_space<vmem>>) target_semaphore(%run_scoped3A : memref<!tpu.dma_semaphore, #tpu.memory_space<semaphore_mem>>)
      %dma_wait3A = arith.constant 0 : i32
      %dma_wait3A_82 = tpu.memref_slice %arg9[%add3A_40, %dma_wait3A] : memref<10240x128xf32, #tpu.memory_space<vmem_shared>> -> memref<128x128xf32, #tpu.memory_space<vmem_shared>>
      %dma_wait3A_83 = arith.constant 0 : i32
      %dma_wait3A_84 = tpu.memref_slice %arg9[%add3A_40, %dma_wait3A_83] : memref<10240x128xf32, #tpu.memory_space<vmem_shared>> -> memref<128x128xf32, #tpu.memory_space<vmem_shared>>
      tpu.wait_dma2 semaphore(%run_scoped3A : memref<!tpu.dma_semaphore, #tpu.memory_space<semaphore_mem>>) src(%dma_wait3A_84 : memref<128x128xf32, #tpu.memory_space<vmem_shared>>) dst(%arg12 : memref<128x128xf32, #tpu.memory_space<vmem>>)
      tpu.yield
    }) : () -> ()
    %mul3A_41 = arith.constant 640 : i32
    %mul3A_42 = arith.muli %arg1, %mul3A_41 : i32
    %add3A_43 = arith.addi %mul3A_27, %mul3A_42 : i32
    %add3A_44 = arith.constant 128 : i32
    %add3A_45 = arith.addi %add3A_43, %add3A_44 : i32
    "tpu.region"() ({
      %run_scoped3A = tpu.sem_alloc : memref<!tpu.dma_semaphore, #tpu.memory_space<semaphore_mem>>
      %dma_start3A = arith.constant 0 : i32
      %dma_start3A_79 = tpu.memref_slice %arg7[%add3A_45, %dma_start3A] : memref<20480x128xf32, #tpu.memory_space<hbm>> -> memref<128x128xf32, #tpu.memory_space<hbm>>
      %dma_start3A_80 = arith.constant 0 : i32
      %dma_start3A_81 = tpu.memref_slice %arg7[%add3A_45, %dma_start3A_80] : memref<20480x128xf32, #tpu.memory_space<hbm>> -> memref<128x128xf32, #tpu.memory_space<hbm>>
      tpu.enqueue_dma source(%arg12 : memref<128x128xf32, #tpu.memory_space<vmem>>) target(%dma_start3A_81 : memref<128x128xf32, #tpu.memory_space<hbm>>) target_semaphore(%run_scoped3A : memref<!tpu.dma_semaphore, #tpu.memory_space<semaphore_mem>>)
      %dma_wait3A = arith.constant 0 : i32
      %dma_wait3A_82 = tpu.memref_slice %arg7[%add3A_45, %dma_wait3A] : memref<20480x128xf32, #tpu.memory_space<hbm>> -> memref<128x128xf32, #tpu.memory_space<hbm>>
      %dma_wait3A_83 = arith.constant 0 : i32
      %dma_wait3A_84 = tpu.memref_slice %arg7[%add3A_45, %dma_wait3A_83] : memref<20480x128xf32, #tpu.memory_space<hbm>> -> memref<128x128xf32, #tpu.memory_space<hbm>>
      tpu.wait_dma2 semaphore(%run_scoped3A : memref<!tpu.dma_semaphore, #tpu.memory_space<semaphore_mem>>) src(%arg12 : memref<128x128xf32, #tpu.memory_space<vmem>>) dst(%dma_wait3A_84 : memref<128x128xf32, #tpu.memory_space<hbm>>)
      tpu.yield
    }) : () -> ()
    %mul3A_46 = arith.constant 640 : i32
    %mul3A_47 = arith.muli %arg1, %mul3A_46 : i32
    %add3A_48 = arith.constant 256 : i32
    %add3A_49 = arith.addi %mul3A_47, %add3A_48 : i32
    "tpu.region"() ({
      %run_scoped3A = tpu.sem_alloc : memref<!tpu.dma_semaphore, #tpu.memory_space<semaphore_mem>>
      %dma_start3A = arith.constant 0 : i32
      %dma_start3A_79 = tpu.memref_slice %arg9[%add3A_49, %dma_start3A] : memref<10240x128xf32, #tpu.memory_space<vmem_shared>> -> memref<128x128xf32, #tpu.memory_space<vmem_shared>>
      %dma_start3A_80 = arith.constant 0 : i32
      %dma_start3A_81 = tpu.memref_slice %arg9[%add3A_49, %dma_start3A_80] : memref<10240x128xf32, #tpu.memory_space<vmem_shared>> -> memref<128x128xf32, #tpu.memory_space<vmem_shared>>
      tpu.enqueue_dma source(%dma_start3A_81 : memref<128x128xf32, #tpu.memory_space<vmem_shared>>) target(%arg12 : memref<128x128xf32, #tpu.memory_space<vmem>>) target_semaphore(%run_scoped3A : memref<!tpu.dma_semaphore, #tpu.memory_space<semaphore_mem>>)
      %dma_wait3A = arith.constant 0 : i32
      %dma_wait3A_82 = tpu.memref_slice %arg9[%add3A_49, %dma_wait3A] : memref<10240x128xf32, #tpu.memory_space<vmem_shared>> -> memref<128x128xf32, #tpu.memory_space<vmem_shared>>
      %dma_wait3A_83 = arith.constant 0 : i32
      %dma_wait3A_84 = tpu.memref_slice %arg9[%add3A_49, %dma_wait3A_83] : memref<10240x128xf32, #tpu.memory_space<vmem_shared>> -> memref<128x128xf32, #tpu.memory_space<vmem_shared>>
      tpu.wait_dma2 semaphore(%run_scoped3A : memref<!tpu.dma_semaphore, #tpu.memory_space<semaphore_mem>>) src(%dma_wait3A_84 : memref<128x128xf32, #tpu.memory_space<vmem_shared>>) dst(%arg12 : memref<128x128xf32, #tpu.memory_space<vmem>>)
      tpu.yield
    }) : () -> ()
    %mul3A_50 = arith.constant 640 : i32
    %mul3A_51 = arith.muli %arg1, %mul3A_50 : i32
    %add3A_52 = arith.addi %mul3A_27, %mul3A_51 : i32
    %add3A_53 = arith.constant 256 : i32
    %add3A_54 = arith.addi %add3A_52, %add3A_53 : i32
    "tpu.region"() ({
      %run_scoped3A = tpu.sem_alloc : memref<!tpu.dma_semaphore, #tpu.memory_space<semaphore_mem>>
      %dma_start3A = arith.constant 0 : i32
      %dma_start3A_79 = tpu.memref_slice %arg7[%add3A_54, %dma_start3A] : memref<20480x128xf32, #tpu.memory_space<hbm>> -> memref<128x128xf32, #tpu.memory_space<hbm>>
      %dma_start3A_80 = arith.constant 0 : i32
      %dma_start3A_81 = tpu.memref_slice %arg7[%add3A_54, %dma_start3A_80] : memref<20480x128xf32, #tpu.memory_space<hbm>> -> memref<128x128xf32, #tpu.memory_space<hbm>>
      tpu.enqueue_dma source(%arg12 : memref<128x128xf32, #tpu.memory_space<vmem>>) target(%dma_start3A_81 : memref<128x128xf32, #tpu.memory_space<hbm>>) target_semaphore(%run_scoped3A : memref<!tpu.dma_semaphore, #tpu.memory_space<semaphore_mem>>)
      %dma_wait3A = arith.constant 0 : i32
      %dma_wait3A_82 = tpu.memref_slice %arg7[%add3A_54, %dma_wait3A] : memref<20480x128xf32, #tpu.memory_space<hbm>> -> memref<128x128xf32, #tpu.memory_space<hbm>>
      %dma_wait3A_83 = arith.constant 0 : i32
      %dma_wait3A_84 = tpu.memref_slice %arg7[%add3A_54, %dma_wait3A_83] : memref<20480x128xf32, #tpu.memory_space<hbm>> -> memref<128x128xf32, #tpu.memory_space<hbm>>
      tpu.wait_dma2 semaphore(%run_scoped3A : memref<!tpu.dma_semaphore, #tpu.memory_space<semaphore_mem>>) src(%arg12 : memref<128x128xf32, #tpu.memory_space<vmem>>) dst(%dma_wait3A_84 : memref<128x128xf32, #tpu.memory_space<hbm>>)
      tpu.yield
    }) : () -> ()
    %mul3A_55 = arith.constant 640 : i32
    %mul3A_56 = arith.muli %arg1, %mul3A_55 : i32
    %add3A_57 = arith.constant 384 : i32
    %add3A_58 = arith.addi %mul3A_56, %add3A_57 : i32
    "tpu.region"() ({
      %run_scoped3A = tpu.sem_alloc : memref<!tpu.dma_semaphore, #tpu.memory_space<semaphore_mem>>
      %dma_start3A = arith.constant 0 : i32
      %dma_start3A_79 = tpu.memref_slice %arg9[%add3A_58, %dma_start3A] : memref<10240x128xf32, #tpu.memory_space<vmem_shared>> -> memref<128x128xf32, #tpu.memory_space<vmem_shared>>
      %dma_start3A_80 = arith.constant 0 : i32
      %dma_start3A_81 = tpu.memref_slice %arg9[%add3A_58, %dma_start3A_80] : memref<10240x128xf32, #tpu.memory_space<vmem_shared>> -> memref<128x128xf32, #tpu.memory_space<vmem_shared>>
      tpu.enqueue_dma source(%dma_start3A_81 : memref<128x128xf32, #tpu.memory_space<vmem_shared>>) target(%arg12 : memref<128x128xf32, #tpu.memory_space<vmem>>) target_semaphore(%run_scoped3A : memref<!tpu.dma_semaphore, #tpu.memory_space<semaphore_mem>>)
      %dma_wait3A = arith.constant 0 : i32
      %dma_wait3A_82 = tpu.memref_slice %arg9[%add3A_58, %dma_wait3A] : memref<10240x128xf32, #tpu.memory_space<vmem_shared>> -> memref<128x128xf32, #tpu.memory_space<vmem_shared>>
      %dma_wait3A_83 = arith.constant 0 : i32
      %dma_wait3A_84 = tpu.memref_slice %arg9[%add3A_58, %dma_wait3A_83] : memref<10240x128xf32, #tpu.memory_space<vmem_shared>> -> memref<128x128xf32, #tpu.memory_space<vmem_shared>>
      tpu.wait_dma2 semaphore(%run_scoped3A : memref<!tpu.dma_semaphore, #tpu.memory_space<semaphore_mem>>) src(%dma_wait3A_84 : memref<128x128xf32, #tpu.memory_space<vmem_shared>>) dst(%arg12 : memref<128x128xf32, #tpu.memory_space<vmem>>)
      tpu.yield
    }) : () -> ()
    %mul3A_59 = arith.constant 640 : i32
    %mul3A_60 = arith.muli %arg1, %mul3A_59 : i32
    %add3A_61 = arith.addi %mul3A_27, %mul3A_60 : i32
    %add3A_62 = arith.constant 384 : i32
    %add3A_63 = arith.addi %add3A_61, %add3A_62 : i32
    "tpu.region"() ({
      %run_scoped3A = tpu.sem_alloc : memref<!tpu.dma_semaphore, #tpu.memory_space<semaphore_mem>>
      %dma_start3A = arith.constant 0 : i32
      %dma_start3A_79 = tpu.memref_slice %arg7[%add3A_63, %dma_start3A] : memref<20480x128xf32, #tpu.memory_space<hbm>> -> memref<128x128xf32, #tpu.memory_space<hbm>>
      %dma_start3A_80 = arith.constant 0 : i32
      %dma_start3A_81 = tpu.memref_slice %arg7[%add3A_63, %dma_start3A_80] : memref<20480x128xf32, #tpu.memory_space<hbm>> -> memref<128x128xf32, #tpu.memory_space<hbm>>
      tpu.enqueue_dma source(%arg12 : memref<128x128xf32, #tpu.memory_space<vmem>>) target(%dma_start3A_81 : memref<128x128xf32, #tpu.memory_space<hbm>>) target_semaphore(%run_scoped3A : memref<!tpu.dma_semaphore, #tpu.memory_space<semaphore_mem>>)
      %dma_wait3A = arith.constant 0 : i32
      %dma_wait3A_82 = tpu.memref_slice %arg7[%add3A_63, %dma_wait3A] : memref<20480x128xf32, #tpu.memory_space<hbm>> -> memref<128x128xf32, #tpu.memory_space<hbm>>
      %dma_wait3A_83 = arith.constant 0 : i32
      %dma_wait3A_84 = tpu.memref_slice %arg7[%add3A_63, %dma_wait3A_83] : memref<20480x128xf32, #tpu.memory_space<hbm>> -> memref<128x128xf32, #tpu.memory_space<hbm>>
      tpu.wait_dma2 semaphore(%run_scoped3A : memref<!tpu.dma_semaphore, #tpu.memory_space<semaphore_mem>>) src(%arg12 : memref<128x128xf32, #tpu.memory_space<vmem>>) dst(%dma_wait3A_84 : memref<128x128xf32, #tpu.memory_space<hbm>>)
      tpu.yield
    }) : () -> ()
    %mul3A_64 = arith.constant 640 : i32
    %mul3A_65 = arith.muli %arg1, %mul3A_64 : i32
    %add3A_66 = arith.constant 512 : i32
    %add3A_67 = arith.addi %mul3A_65, %add3A_66 : i32
    "tpu.region"() ({
      %run_scoped3A = tpu.sem_alloc : memref<!tpu.dma_semaphore, #tpu.memory_space<semaphore_mem>>
      %dma_start3A = arith.constant 0 : i32
      %dma_start3A_79 = tpu.memref_slice %arg9[%add3A_67, %dma_start3A] : memref<10240x128xf32, #tpu.memory_space<vmem_shared>> -> memref<128x128xf32, #tpu.memory_space<vmem_shared>>
      %dma_start3A_80 = arith.constant 0 : i32
      %dma_start3A_81 = tpu.memref_slice %arg9[%add3A_67, %dma_start3A_80] : memref<10240x128xf32, #tpu.memory_space<vmem_shared>> -> memref<128x128xf32, #tpu.memory_space<vmem_shared>>
      tpu.enqueue_dma source(%dma_start3A_81 : memref<128x128xf32, #tpu.memory_space<vmem_shared>>) target(%arg12 : memref<128x128xf32, #tpu.memory_space<vmem>>) target_semaphore(%run_scoped3A : memref<!tpu.dma_semaphore, #tpu.memory_space<semaphore_mem>>)
      %dma_wait3A = arith.constant 0 : i32
      %dma_wait3A_82 = tpu.memref_slice %arg9[%add3A_67, %dma_wait3A] : memref<10240x128xf32, #tpu.memory_space<vmem_shared>> -> memref<128x128xf32, #tpu.memory_space<vmem_shared>>
      %dma_wait3A_83 = arith.constant 0 : i32
      %dma_wait3A_84 = tpu.memref_slice %arg9[%add3A_67, %dma_wait3A_83] : memref<10240x128xf32, #tpu.memory_space<vmem_shared>> -> memref<128x128xf32, #tpu.memory_space<vmem_shared>>
      tpu.wait_dma2 semaphore(%run_scoped3A : memref<!tpu.dma_semaphore, #tpu.memory_space<semaphore_mem>>) src(%dma_wait3A_84 : memref<128x128xf32, #tpu.memory_space<vmem_shared>>) dst(%arg12 : memref<128x128xf32, #tpu.memory_space<vmem>>)
      tpu.yield
    }) : () -> ()
    %mul3A_68 = arith.constant 640 : i32
    %mul3A_69 = arith.muli %arg1, %mul3A_68 : i32
    %add3A_70 = arith.addi %mul3A_27, %mul3A_69 : i32
    %add3A_71 = arith.constant 512 : i32
    %add3A_72 = arith.addi %add3A_70, %add3A_71 : i32
    "tpu.region"() ({
      %run_scoped3A = tpu.sem_alloc : memref<!tpu.dma_semaphore, #tpu.memory_space<semaphore_mem>>
      %dma_start3A = arith.constant 0 : i32
      %dma_start3A_79 = tpu.memref_slice %arg7[%add3A_72, %dma_start3A] : memref<20480x128xf32, #tpu.memory_space<hbm>> -> memref<128x128xf32, #tpu.memory_space<hbm>>
      %dma_start3A_80 = arith.constant 0 : i32
      %dma_start3A_81 = tpu.memref_slice %arg7[%add3A_72, %dma_start3A_80] : memref<20480x128xf32, #tpu.memory_space<hbm>> -> memref<128x128xf32, #tpu.memory_space<hbm>>
      tpu.enqueue_dma source(%arg12 : memref<128x128xf32, #tpu.memory_space<vmem>>) target(%dma_start3A_81 : memref<128x128xf32, #tpu.memory_space<hbm>>) target_semaphore(%run_scoped3A : memref<!tpu.dma_semaphore, #tpu.memory_space<semaphore_mem>>)
      %dma_wait3A = arith.constant 0 : i32
      %dma_wait3A_82 = tpu.memref_slice %arg7[%add3A_72, %dma_wait3A] : memref<20480x128xf32, #tpu.memory_space<hbm>> -> memref<128x128xf32, #tpu.memory_space<hbm>>
      %dma_wait3A_83 = arith.constant 0 : i32
      %dma_wait3A_84 = tpu.memref_slice %arg7[%add3A_72, %dma_wait3A_83] : memref<20480x128xf32, #tpu.memory_space<hbm>> -> memref<128x128xf32, #tpu.memory_space<hbm>>
      tpu.wait_dma2 semaphore(%run_scoped3A : memref<!tpu.dma_semaphore, #tpu.memory_space<semaphore_mem>>) src(%arg12 : memref<128x128xf32, #tpu.memory_space<vmem>>) dst(%dma_wait3A_84 : memref<128x128xf32, #tpu.memory_space<hbm>>)
      tpu.yield
    }) : () -> ()
    %barrier3A_73 = arith.constant 0 : index
    tpu.barrier barrier_id(%barrier3A_73)
    %eq3A_74 = arith.constant 0 : i32
    %eq3A_75 = arith.cmpi eq, %arg0, %eq3A_74 : i32
    %convert_element_type3A_76 = arith.extui %eq3A_75 : i1 to i32
    %cond3A_77 = arith.constant 0 : i32
    %cond3A_78 = arith.cmpi ne, %convert_element_type3A_76, %cond3A_77 : i32
    scf.if %cond3A_78 {
      "tpu.region"() ({
        %run_scoped3A = tpu.sem_alloc : memref<!tpu.dma_semaphore, #tpu.memory_space<semaphore_mem>>
        tpu.enqueue_dma source(%arg5 : memref<128x128xf32, #tpu.memory_space<hbm>>) target(%arg12 : memref<128x128xf32, #tpu.memory_space<vmem>>) target_semaphore(%run_scoped3A : memref<!tpu.dma_semaphore, #tpu.memory_space<semaphore_mem>>)
        tpu.wait_dma2 semaphore(%run_scoped3A : memref<!tpu.dma_semaphore, #tpu.memory_space<semaphore_mem>>) src(%arg5 : memref<128x128xf32, #tpu.memory_space<hbm>>) dst(%arg12 : memref<128x128xf32, #tpu.memory_space<vmem>>)
        tpu.yield
      }) : () -> ()
      %mul3A_79 = arith.constant 640 : i32
      %mul3A_80 = arith.muli %arg1, %mul3A_79 : i32
      %add3A_81 = arith.constant 0 : i32
      %add3A_82 = arith.addi %mul3A_80, %add3A_81 : i32
      "tpu.region"() ({
        %run_scoped3A = tpu.sem_alloc : memref<!tpu.dma_semaphore, #tpu.memory_space<semaphore_mem>>
        %dma_start3A = arith.constant 0 : i32
        %dma_start3A_157 = tpu.memref_slice %arg9[%add3A_82, %dma_start3A] : memref<10240x128xf32, #tpu.memory_space<vmem_shared>> -> memref<128x128xf32, #tpu.memory_space<vmem_shared>>
        %dma_start3A_158 = arith.constant 0 : i32
        %dma_start3A_159 = tpu.memref_slice %arg9[%add3A_82, %dma_start3A_158] : memref<10240x128xf32, #tpu.memory_space<vmem_shared>> -> memref<128x128xf32, #tpu.memory_space<vmem_shared>>
        tpu.enqueue_dma source(%arg12 : memref<128x128xf32, #tpu.memory_space<vmem>>) target(%dma_start3A_159 : memref<128x128xf32, #tpu.memory_space<vmem_shared>>) target_semaphore(%run_scoped3A : memref<!tpu.dma_semaphore, #tpu.memory_space<semaphore_mem>>)
        %dma_wait3A = arith.constant 0 : i32
        %dma_wait3A_160 = tpu.memref_slice %arg9[%add3A_82, %dma_wait3A] : memref<10240x128xf32, #tpu.memory_space<vmem_shared>> -> memref<128x128xf32, #tpu.memory_space<vmem_shared>>
        %dma_wait3A_161 = arith.constant 0 : i32
        %dma_wait3A_162 = tpu.memref_slice %arg9[%add3A_82, %dma_wait3A_161] : memref<10240x128xf32, #tpu.memory_space<vmem_shared>> -> memref<128x128xf32, #tpu.memory_space<vmem_shared>>
        tpu.wait_dma2 semaphore(%run_scoped3A : memref<!tpu.dma_semaphore, #tpu.memory_space<semaphore_mem>>) src(%arg12 : memref<128x128xf32, #tpu.memory_space<vmem>>) dst(%dma_wait3A_162 : memref<128x128xf32, #tpu.memory_space<vmem_shared>>)
        tpu.yield
      }) : () -> ()
      %mul3A_83 = arith.constant 640 : i32
      %mul3A_84 = arith.muli %arg1, %mul3A_83 : i32
      %add3A_85 = arith.constant 128 : i32
      %add3A_86 = arith.addi %mul3A_84, %add3A_85 : i32
      "tpu.region"() ({
        %run_scoped3A = tpu.sem_alloc : memref<!tpu.dma_semaphore, #tpu.memory_space<semaphore_mem>>
        %dma_start3A = arith.constant 0 : i32
        %dma_start3A_157 = tpu.memref_slice %arg9[%add3A_86, %dma_start3A] : memref<10240x128xf32, #tpu.memory_space<vmem_shared>> -> memref<128x128xf32, #tpu.memory_space<vmem_shared>>
        %dma_start3A_158 = arith.constant 0 : i32
        %dma_start3A_159 = tpu.memref_slice %arg9[%add3A_86, %dma_start3A_158] : memref<10240x128xf32, #tpu.memory_space<vmem_shared>> -> memref<128x128xf32, #tpu.memory_space<vmem_shared>>
        tpu.enqueue_dma source(%arg12 : memref<128x128xf32, #tpu.memory_space<vmem>>) target(%dma_start3A_159 : memref<128x128xf32, #tpu.memory_space<vmem_shared>>) target_semaphore(%run_scoped3A : memref<!tpu.dma_semaphore, #tpu.memory_space<semaphore_mem>>)
        %dma_wait3A = arith.constant 0 : i32
        %dma_wait3A_160 = tpu.memref_slice %arg9[%add3A_86, %dma_wait3A] : memref<10240x128xf32, #tpu.memory_space<vmem_shared>> -> memref<128x128xf32, #tpu.memory_space<vmem_shared>>
        %dma_wait3A_161 = arith.constant 0 : i32
        %dma_wait3A_162 = tpu.memref_slice %arg9[%add3A_86, %dma_wait3A_161] : memref<10240x128xf32, #tpu.memory_space<vmem_shared>> -> memref<128x128xf32, #tpu.memory_space<vmem_shared>>
        tpu.wait_dma2 semaphore(%run_scoped3A : memref<!tpu.dma_semaphore, #tpu.memory_space<semaphore_mem>>) src(%arg12 : memref<128x128xf32, #tpu.memory_space<vmem>>) dst(%dma_wait3A_162 : memref<128x128xf32, #tpu.memory_space<vmem_shared>>)
        tpu.yield
      }) : () -> ()
      %mul3A_87 = arith.constant 640 : i32
      %mul3A_88 = arith.muli %arg1, %mul3A_87 : i32
      %add3A_89 = arith.constant 256 : i32
      %add3A_90 = arith.addi %mul3A_88, %add3A_89 : i32
      "tpu.region"() ({
        %run_scoped3A = tpu.sem_alloc : memref<!tpu.dma_semaphore, #tpu.memory_space<semaphore_mem>>
        %dma_start3A = arith.constant 0 : i32
        %dma_start3A_157 = tpu.memref_slice %arg9[%add3A_90, %dma_start3A] : memref<10240x128xf32, #tpu.memory_space<vmem_shared>> -> memref<128x128xf32, #tpu.memory_space<vmem_shared>>
        %dma_start3A_158 = arith.constant 0 : i32
        %dma_start3A_159 = tpu.memref_slice %arg9[%add3A_90, %dma_start3A_158] : memref<10240x128xf32, #tpu.memory_space<vmem_shared>> -> memref<128x128xf32, #tpu.memory_space<vmem_shared>>
        tpu.enqueue_dma source(%arg12 : memref<128x128xf32, #tpu.memory_space<vmem>>) target(%dma_start3A_159 : memref<128x128xf32, #tpu.memory_space<vmem_shared>>) target_semaphore(%run_scoped3A : memref<!tpu.dma_semaphore, #tpu.memory_space<semaphore_mem>>)
        %dma_wait3A = arith.constant 0 : i32
        %dma_wait3A_160 = tpu.memref_slice %arg9[%add3A_90, %dma_wait3A] : memref<10240x128xf32, #tpu.memory_space<vmem_shared>> -> memref<128x128xf32, #tpu.memory_space<vmem_shared>>
        %dma_wait3A_161 = arith.constant 0 : i32
        %dma_wait3A_162 = tpu.memref_slice %arg9[%add3A_90, %dma_wait3A_161] : memref<10240x128xf32, #tpu.memory_space<vmem_shared>> -> memref<128x128xf32, #tpu.memory_space<vmem_shared>>
        tpu.wait_dma2 semaphore(%run_scoped3A : memref<!tpu.dma_semaphore, #tpu.memory_space<semaphore_mem>>) src(%arg12 : memref<128x128xf32, #tpu.memory_space<vmem>>) dst(%dma_wait3A_162 : memref<128x128xf32, #tpu.memory_space<vmem_shared>>)
        tpu.yield
      }) : () -> ()
      %mul3A_91 = arith.constant 640 : i32
      %mul3A_92 = arith.muli %arg1, %mul3A_91 : i32
      %add3A_93 = arith.constant 384 : i32
      %add3A_94 = arith.addi %mul3A_92, %add3A_93 : i32
      "tpu.region"() ({
        %run_scoped3A = tpu.sem_alloc : memref<!tpu.dma_semaphore, #tpu.memory_space<semaphore_mem>>
        %dma_start3A = arith.constant 0 : i32
        %dma_start3A_157 = tpu.memref_slice %arg9[%add3A_94, %dma_start3A] : memref<10240x128xf32, #tpu.memory_space<vmem_shared>> -> memref<128x128xf32, #tpu.memory_space<vmem_shared>>
        %dma_start3A_158 = arith.constant 0 : i32
        %dma_start3A_159 = tpu.memref_slice %arg9[%add3A_94, %dma_start3A_158] : memref<10240x128xf32, #tpu.memory_space<vmem_shared>> -> memref<128x128xf32, #tpu.memory_space<vmem_shared>>
        tpu.enqueue_dma source(%arg12 : memref<128x128xf32, #tpu.memory_space<vmem>>) target(%dma_start3A_159 : memref<128x128xf32, #tpu.memory_space<vmem_shared>>) target_semaphore(%run_scoped3A : memref<!tpu.dma_semaphore, #tpu.memory_space<semaphore_mem>>)
        %dma_wait3A = arith.constant 0 : i32
        %dma_wait3A_160 = tpu.memref_slice %arg9[%add3A_94, %dma_wait3A] : memref<10240x128xf32, #tpu.memory_space<vmem_shared>> -> memref<128x128xf32, #tpu.memory_space<vmem_shared>>
        %dma_wait3A_161 = arith.constant 0 : i32
        %dma_wait3A_162 = tpu.memref_slice %arg9[%add3A_94, %dma_wait3A_161] : memref<10240x128xf32, #tpu.memory_space<vmem_shared>> -> memref<128x128xf32, #tpu.memory_space<vmem_shared>>
        tpu.wait_dma2 semaphore(%run_scoped3A : memref<!tpu.dma_semaphore, #tpu.memory_space<semaphore_mem>>) src(%arg12 : memref<128x128xf32, #tpu.memory_space<vmem>>) dst(%dma_wait3A_162 : memref<128x128xf32, #tpu.memory_space<vmem_shared>>)
        tpu.yield
      }) : () -> ()
      %mul3A_95 = arith.constant 640 : i32
      %mul3A_96 = arith.muli %arg1, %mul3A_95 : i32
      %add3A_97 = arith.constant 512 : i32
      %add3A_98 = arith.addi %mul3A_96, %add3A_97 : i32
      "tpu.region"() ({
        %run_scoped3A = tpu.sem_alloc : memref<!tpu.dma_semaphore, #tpu.memory_space<semaphore_mem>>
        %dma_start3A = arith.constant 0 : i32
        %dma_start3A_157 = tpu.memref_slice %arg9[%add3A_98, %dma_start3A] : memref<10240x128xf32, #tpu.memory_space<vmem_shared>> -> memref<128x128xf32, #tpu.memory_space<vmem_shared>>
        %dma_start3A_158 = arith.constant 0 : i32
        %dma_start3A_159 = tpu.memref_slice %arg9[%add3A_98, %dma_start3A_158] : memref<10240x128xf32, #tpu.memory_space<vmem_shared>> -> memref<128x128xf32, #tpu.memory_space<vmem_shared>>
        tpu.enqueue_dma source(%arg12 : memref<128x128xf32, #tpu.memory_space<vmem>>) target(%dma_start3A_159 : memref<128x128xf32, #tpu.memory_space<vmem_shared>>) target_semaphore(%run_scoped3A : memref<!tpu.dma_semaphore, #tpu.memory_space<semaphore_mem>>)
        %dma_wait3A = arith.constant 0 : i32
        %dma_wait3A_160 = tpu.memref_slice %arg9[%add3A_98, %dma_wait3A] : memref<10240x128xf32, #tpu.memory_space<vmem_shared>> -> memref<128x128xf32, #tpu.memory_space<vmem_shared>>
        %dma_wait3A_161 = arith.constant 0 : i32
        %dma_wait3A_162 = tpu.memref_slice %arg9[%add3A_98, %dma_wait3A_161] : memref<10240x128xf32, #tpu.memory_space<vmem_shared>> -> memref<128x128xf32, #tpu.memory_space<vmem_shared>>
        tpu.wait_dma2 semaphore(%run_scoped3A : memref<!tpu.dma_semaphore, #tpu.memory_space<semaphore_mem>>) src(%arg12 : memref<128x128xf32, #tpu.memory_space<vmem>>) dst(%dma_wait3A_162 : memref<128x128xf32, #tpu.memory_space<vmem_shared>>)
        tpu.yield
      }) : () -> ()
      "tpu.region"() ({
        %run_scoped3A = tpu.sem_alloc : memref<!tpu.dma_semaphore, #tpu.memory_space<semaphore_mem>>
        tpu.enqueue_dma source(%arg6 : memref<128x128xf32, #tpu.memory_space<hbm>>) target(%arg12 : memref<128x128xf32, #tpu.memory_space<vmem>>) target_semaphore(%run_scoped3A : memref<!tpu.dma_semaphore, #tpu.memory_space<semaphore_mem>>)
        tpu.wait_dma2 semaphore(%run_scoped3A : memref<!tpu.dma_semaphore, #tpu.memory_space<semaphore_mem>>) src(%arg6 : memref<128x128xf32, #tpu.memory_space<hbm>>) dst(%arg12 : memref<128x128xf32, #tpu.memory_space<vmem>>)
        tpu.yield
      }) : () -> ()
      %barrier3A_99 = arith.constant 0 : index
      tpu.barrier barrier_id(%barrier3A_99)
      %mul3A_100 = arith.constant 160 : i32
      %mul3A_101 = arith.muli %arg1, %mul3A_100 : i32
      %scan3A = arith.constant 0 : i32
      %scan3A_102 = arith.constant 10 : i32
      %scan3A_103 = arith.addi %scan3A, %scan3A_102 : i32
      %scan3A_104 = arith.constant 1 : i32
      scf.for %scan3A_157 = %scan3A to %scan3A_103 step %scan3A_104  : i32 {
        %mul3A_158 = arith.constant 1 : i32
        %mul3A_159 = arith.muli %scan3A_157, %mul3A_158 : i32
        %add3A_160 = arith.constant 0 : i32
        %add3A_161 = arith.addi %add3A_160, %mul3A_159 : i32
        %mul3A_162 = arith.constant 16 : i32
        %mul3A_163 = arith.muli %add3A_161, %mul3A_162 : i32
        %add3A_164 = arith.addi %mul3A_101, %mul3A_163 : i32
        "tpu.region"() ({
          %run_scoped3A = tpu.sem_alloc : memref<!tpu.dma_semaphore, #tpu.memory_space<semaphore_mem>>
          %dma_start3A_387 = arith.constant 0 : i32
          %dma_start3A_388 = tpu.memref_slice %arg4[%add3A_164, %dma_start3A_387] : memref<2560x128xi32, #tpu.memory_space<hbm>> -> memref<16x128xi32, #tpu.memory_space<hbm>>
          %dma_start3A_389 = arith.constant 0 : i32
          %dma_start3A_390 = tpu.memref_slice %arg4[%add3A_164, %dma_start3A_389] : memref<2560x128xi32, #tpu.memory_space<hbm>> -> memref<16x128xi32, #tpu.memory_space<hbm>>
          tpu.enqueue_dma source(%dma_start3A_390 : memref<16x128xi32, #tpu.memory_space<hbm>>) target(%arg11 : memref<16x128xi32, #tpu.memory_space<vmem>>) target_semaphore(%run_scoped3A : memref<!tpu.dma_semaphore, #tpu.memory_space<semaphore_mem>>)
          %dma_wait3A_391 = arith.constant 0 : i32
          %dma_wait3A_392 = tpu.memref_slice %arg4[%add3A_164, %dma_wait3A_391] : memref<2560x128xi32, #tpu.memory_space<hbm>> -> memref<16x128xi32, #tpu.memory_space<hbm>>
          %dma_wait3A_393 = arith.constant 0 : i32
          %dma_wait3A_394 = tpu.memref_slice %arg4[%add3A_164, %dma_wait3A_393] : memref<2560x128xi32, #tpu.memory_space<hbm>> -> memref<16x128xi32, #tpu.memory_space<hbm>>
          tpu.wait_dma2 semaphore(%run_scoped3A : memref<!tpu.dma_semaphore, #tpu.memory_space<semaphore_mem>>) src(%dma_wait3A_394 : memref<16x128xi32, #tpu.memory_space<hbm>>) dst(%arg11 : memref<16x128xi32, #tpu.memory_space<vmem>>)
          tpu.yield
        }) : () -> ()
        %dma_start3A = arith.constant 0 : i32
        %dma_start3A_165 = arith.constant 0 : i32
        %dma_start3A_166 = tpu.memref_slice %arg11[%dma_start3A, %dma_start3A_165] : memref<16x128xi32, #tpu.memory_space<vmem>> -> memref<1x128xi32, #tpu.memory_space<vmem>>
        %dma_start3A_167 = tpu.memref_squeeze %dma_start3A_166 : memref<1x128xi32, #tpu.memory_space<vmem>> -> memref<128xi32, #tpu.memory_space<vmem>>
        %dma_start3A_168 = arith.constant 0 : i32
        %dma_start3A_169 = arith.constant 0 : i32
        %dma_start3A_170 = tpu.memref_slice %arg9[%dma_start3A_168, %dma_start3A_169] : memref<10240x128xf32, #tpu.memory_space<vmem_shared>> -> memref<10240x128xf32, #tpu.memory_space<vmem_shared>>
        tpu.enqueue_indirect_dma source(%arg12 : memref<128x128xf32, #tpu.memory_space<vmem>>) target(%dma_start3A_170 : memref<10240x128xf32, #tpu.memory_space<vmem_shared>>) offsets(%dma_start3A_167 : memref<128xi32, #tpu.memory_space<vmem>>) semaphore(%arg16 : memref<!tpu.dma_semaphore, #tpu.memory_space<semaphore_mem>>) {add = true}
        %dma_start3A_171 = arith.constant 1 : i32
        %dma_start3A_172 = arith.constant 0 : i32
        %dma_start3A_173 = tpu.memref_slice %arg11[%dma_start3A_171, %dma_start3A_172] : memref<16x128xi32, #tpu.memory_space<vmem>> -> memref<1x128xi32, #tpu.memory_space<vmem>>
        %dma_start3A_174 = tpu.memref_squeeze %dma_start3A_173 : memref<1x128xi32, #tpu.memory_space<vmem>> -> memref<128xi32, #tpu.memory_space<vmem>>
        %dma_start3A_175 = arith.constant 0 : i32
        %dma_start3A_176 = arith.constant 0 : i32
        %dma_start3A_177 = tpu.memref_slice %arg9[%dma_start3A_175, %dma_start3A_176] : memref<10240x128xf32, #tpu.memory_space<vmem_shared>> -> memref<10240x128xf32, #tpu.memory_space<vmem_shared>>
        tpu.enqueue_indirect_dma source(%arg12 : memref<128x128xf32, #tpu.memory_space<vmem>>) target(%dma_start3A_177 : memref<10240x128xf32, #tpu.memory_space<vmem_shared>>) offsets(%dma_start3A_174 : memref<128xi32, #tpu.memory_space<vmem>>) semaphore(%arg16 : memref<!tpu.dma_semaphore, #tpu.memory_space<semaphore_mem>>) {add = true}
        %dma_start3A_178 = arith.constant 2 : i32
        %dma_start3A_179 = arith.constant 0 : i32
        %dma_start3A_180 = tpu.memref_slice %arg11[%dma_start3A_178, %dma_start3A_179] : memref<16x128xi32, #tpu.memory_space<vmem>> -> memref<1x128xi32, #tpu.memory_space<vmem>>
        %dma_start3A_181 = tpu.memref_squeeze %dma_start3A_180 : memref<1x128xi32, #tpu.memory_space<vmem>> -> memref<128xi32, #tpu.memory_space<vmem>>
        %dma_start3A_182 = arith.constant 0 : i32
        %dma_start3A_183 = arith.constant 0 : i32
        %dma_start3A_184 = tpu.memref_slice %arg9[%dma_start3A_182, %dma_start3A_183] : memref<10240x128xf32, #tpu.memory_space<vmem_shared>> -> memref<10240x128xf32, #tpu.memory_space<vmem_shared>>
        tpu.enqueue_indirect_dma source(%arg12 : memref<128x128xf32, #tpu.memory_space<vmem>>) target(%dma_start3A_184 : memref<10240x128xf32, #tpu.memory_space<vmem_shared>>) offsets(%dma_start3A_181 : memref<128xi32, #tpu.memory_space<vmem>>) semaphore(%arg16 : memref<!tpu.dma_semaphore, #tpu.memory_space<semaphore_mem>>) {add = true}
        %dma_start3A_185 = arith.constant 3 : i32
        %dma_start3A_186 = arith.constant 0 : i32
        %dma_start3A_187 = tpu.memref_slice %arg11[%dma_start3A_185, %dma_start3A_186] : memref<16x128xi32, #tpu.memory_space<vmem>> -> memref<1x128xi32, #tpu.memory_space<vmem>>
        %dma_start3A_188 = tpu.memref_squeeze %dma_start3A_187 : memref<1x128xi32, #tpu.memory_space<vmem>> -> memref<128xi32, #tpu.memory_space<vmem>>
        %dma_start3A_189 = arith.constant 0 : i32
        %dma_start3A_190 = arith.constant 0 : i32
        %dma_start3A_191 = tpu.memref_slice %arg9[%dma_start3A_189, %dma_start3A_190] : memref<10240x128xf32, #tpu.memory_space<vmem_shared>> -> memref<10240x128xf32, #tpu.memory_space<vmem_shared>>
        tpu.enqueue_indirect_dma source(%arg12 : memref<128x128xf32, #tpu.memory_space<vmem>>) target(%dma_start3A_191 : memref<10240x128xf32, #tpu.memory_space<vmem_shared>>) offsets(%dma_start3A_188 : memref<128xi32, #tpu.memory_space<vmem>>) semaphore(%arg16 : memref<!tpu.dma_semaphore, #tpu.memory_space<semaphore_mem>>) {add = true}
        %dma_start3A_192 = arith.constant 4 : i32
        %dma_start3A_193 = arith.constant 0 : i32
        %dma_start3A_194 = tpu.memref_slice %arg11[%dma_start3A_192, %dma_start3A_193] : memref<16x128xi32, #tpu.memory_space<vmem>> -> memref<1x128xi32, #tpu.memory_space<vmem>>
        %dma_start3A_195 = tpu.memref_squeeze %dma_start3A_194 : memref<1x128xi32, #tpu.memory_space<vmem>> -> memref<128xi32, #tpu.memory_space<vmem>>
        %dma_start3A_196 = arith.constant 0 : i32
        %dma_start3A_197 = arith.constant 0 : i32
        %dma_start3A_198 = tpu.memref_slice %arg9[%dma_start3A_196, %dma_start3A_197] : memref<10240x128xf32, #tpu.memory_space<vmem_shared>> -> memref<10240x128xf32, #tpu.memory_space<vmem_shared>>
        tpu.enqueue_indirect_dma source(%arg12 : memref<128x128xf32, #tpu.memory_space<vmem>>) target(%dma_start3A_198 : memref<10240x128xf32, #tpu.memory_space<vmem_shared>>) offsets(%dma_start3A_195 : memref<128xi32, #tpu.memory_space<vmem>>) semaphore(%arg16 : memref<!tpu.dma_semaphore, #tpu.memory_space<semaphore_mem>>) {add = true}
        %dma_start3A_199 = arith.constant 5 : i32
        %dma_start3A_200 = arith.constant 0 : i32
        %dma_start3A_201 = tpu.memref_slice %arg11[%dma_start3A_199, %dma_start3A_200] : memref<16x128xi32, #tpu.memory_space<vmem>> -> memref<1x128xi32, #tpu.memory_space<vmem>>
        %dma_start3A_202 = tpu.memref_squeeze %dma_start3A_201 : memref<1x128xi32, #tpu.memory_space<vmem>> -> memref<128xi32, #tpu.memory_space<vmem>>
        %dma_start3A_203 = arith.constant 0 : i32
        %dma_start3A_204 = arith.constant 0 : i32
        %dma_start3A_205 = tpu.memref_slice %arg9[%dma_start3A_203, %dma_start3A_204] : memref<10240x128xf32, #tpu.memory_space<vmem_shared>> -> memref<10240x128xf32, #tpu.memory_space<vmem_shared>>
        tpu.enqueue_indirect_dma source(%arg12 : memref<128x128xf32, #tpu.memory_space<vmem>>) target(%dma_start3A_205 : memref<10240x128xf32, #tpu.memory_space<vmem_shared>>) offsets(%dma_start3A_202 : memref<128xi32, #tpu.memory_space<vmem>>) semaphore(%arg16 : memref<!tpu.dma_semaphore, #tpu.memory_space<semaphore_mem>>) {add = true}
        %dma_start3A_206 = arith.constant 6 : i32
        %dma_start3A_207 = arith.constant 0 : i32
        %dma_start3A_208 = tpu.memref_slice %arg11[%dma_start3A_206, %dma_start3A_207] : memref<16x128xi32, #tpu.memory_space<vmem>> -> memref<1x128xi32, #tpu.memory_space<vmem>>
        %dma_start3A_209 = tpu.memref_squeeze %dma_start3A_208 : memref<1x128xi32, #tpu.memory_space<vmem>> -> memref<128xi32, #tpu.memory_space<vmem>>
        %dma_start3A_210 = arith.constant 0 : i32
        %dma_start3A_211 = arith.constant 0 : i32
        %dma_start3A_212 = tpu.memref_slice %arg9[%dma_start3A_210, %dma_start3A_211] : memref<10240x128xf32, #tpu.memory_space<vmem_shared>> -> memref<10240x128xf32, #tpu.memory_space<vmem_shared>>
        tpu.enqueue_indirect_dma source(%arg12 : memref<128x128xf32, #tpu.memory_space<vmem>>) target(%dma_start3A_212 : memref<10240x128xf32, #tpu.memory_space<vmem_shared>>) offsets(%dma_start3A_209 : memref<128xi32, #tpu.memory_space<vmem>>) semaphore(%arg16 : memref<!tpu.dma_semaphore, #tpu.memory_space<semaphore_mem>>) {add = true}
        %dma_start3A_213 = arith.constant 7 : i32
        %dma_start3A_214 = arith.constant 0 : i32
        %dma_start3A_215 = tpu.memref_slice %arg11[%dma_start3A_213, %dma_start3A_214] : memref<16x128xi32, #tpu.memory_space<vmem>> -> memref<1x128xi32, #tpu.memory_space<vmem>>
        %dma_start3A_216 = tpu.memref_squeeze %dma_start3A_215 : memref<1x128xi32, #tpu.memory_space<vmem>> -> memref<128xi32, #tpu.memory_space<vmem>>
        %dma_start3A_217 = arith.constant 0 : i32
        %dma_start3A_218 = arith.constant 0 : i32
        %dma_start3A_219 = tpu.memref_slice %arg9[%dma_start3A_217, %dma_start3A_218] : memref<10240x128xf32, #tpu.memory_space<vmem_shared>> -> memref<10240x128xf32, #tpu.memory_space<vmem_shared>>
        tpu.enqueue_indirect_dma source(%arg12 : memref<128x128xf32, #tpu.memory_space<vmem>>) target(%dma_start3A_219 : memref<10240x128xf32, #tpu.memory_space<vmem_shared>>) offsets(%dma_start3A_216 : memref<128xi32, #tpu.memory_space<vmem>>) semaphore(%arg16 : memref<!tpu.dma_semaphore, #tpu.memory_space<semaphore_mem>>) {add = true}
        %dma_start3A_220 = arith.constant 8 : i32
        %dma_start3A_221 = arith.constant 0 : i32
        %dma_start3A_222 = tpu.memref_slice %arg11[%dma_start3A_220, %dma_start3A_221] : memref<16x128xi32, #tpu.memory_space<vmem>> -> memref<1x128xi32, #tpu.memory_space<vmem>>
        %dma_start3A_223 = tpu.memref_squeeze %dma_start3A_222 : memref<1x128xi32, #tpu.memory_space<vmem>> -> memref<128xi32, #tpu.memory_space<vmem>>
        %dma_start3A_224 = arith.constant 0 : i32
        %dma_start3A_225 = arith.constant 0 : i32
        %dma_start3A_226 = tpu.memref_slice %arg9[%dma_start3A_224, %dma_start3A_225] : memref<10240x128xf32, #tpu.memory_space<vmem_shared>> -> memref<10240x128xf32, #tpu.memory_space<vmem_shared>>
        tpu.enqueue_indirect_dma source(%arg12 : memref<128x128xf32, #tpu.memory_space<vmem>>) target(%dma_start3A_226 : memref<10240x128xf32, #tpu.memory_space<vmem_shared>>) offsets(%dma_start3A_223 : memref<128xi32, #tpu.memory_space<vmem>>) semaphore(%arg16 : memref<!tpu.dma_semaphore, #tpu.memory_space<semaphore_mem>>) {add = true}
        %dma_start3A_227 = arith.constant 9 : i32
        %dma_start3A_228 = arith.constant 0 : i32
        %dma_start3A_229 = tpu.memref_slice %arg11[%dma_start3A_227, %dma_start3A_228] : memref<16x128xi32, #tpu.memory_space<vmem>> -> memref<1x128xi32, #tpu.memory_space<vmem>>
        %dma_start3A_230 = tpu.memref_squeeze %dma_start3A_229 : memref<1x128xi32, #tpu.memory_space<vmem>> -> memref<128xi32, #tpu.memory_space<vmem>>
        %dma_start3A_231 = arith.constant 0 : i32
        %dma_start3A_232 = arith.constant 0 : i32
        %dma_start3A_233 = tpu.memref_slice %arg9[%dma_start3A_231, %dma_start3A_232] : memref<10240x128xf32, #tpu.memory_space<vmem_shared>> -> memref<10240x128xf32, #tpu.memory_space<vmem_shared>>
        tpu.enqueue_indirect_dma source(%arg12 : memref<128x128xf32, #tpu.memory_space<vmem>>) target(%dma_start3A_233 : memref<10240x128xf32, #tpu.memory_space<vmem_shared>>) offsets(%dma_start3A_230 : memref<128xi32, #tpu.memory_space<vmem>>) semaphore(%arg16 : memref<!tpu.dma_semaphore, #tpu.memory_space<semaphore_mem>>) {add = true}
        %dma_start3A_234 = arith.constant 10 : i32
        %dma_start3A_235 = arith.constant 0 : i32
        %dma_start3A_236 = tpu.memref_slice %arg11[%dma_start3A_234, %dma_start3A_235] : memref<16x128xi32, #tpu.memory_space<vmem>> -> memref<1x128xi32, #tpu.memory_space<vmem>>
        %dma_start3A_237 = tpu.memref_squeeze %dma_start3A_236 : memref<1x128xi32, #tpu.memory_space<vmem>> -> memref<128xi32, #tpu.memory_space<vmem>>
        %dma_start3A_238 = arith.constant 0 : i32
        %dma_start3A_239 = arith.constant 0 : i32
        %dma_start3A_240 = tpu.memref_slice %arg9[%dma_start3A_238, %dma_start3A_239] : memref<10240x128xf32, #tpu.memory_space<vmem_shared>> -> memref<10240x128xf32, #tpu.memory_space<vmem_shared>>
        tpu.enqueue_indirect_dma source(%arg12 : memref<128x128xf32, #tpu.memory_space<vmem>>) target(%dma_start3A_240 : memref<10240x128xf32, #tpu.memory_space<vmem_shared>>) offsets(%dma_start3A_237 : memref<128xi32, #tpu.memory_space<vmem>>) semaphore(%arg16 : memref<!tpu.dma_semaphore, #tpu.memory_space<semaphore_mem>>) {add = true}
        %dma_start3A_241 = arith.constant 11 : i32
        %dma_start3A_242 = arith.constant 0 : i32
        %dma_start3A_243 = tpu.memref_slice %arg11[%dma_start3A_241, %dma_start3A_242] : memref<16x128xi32, #tpu.memory_space<vmem>> -> memref<1x128xi32, #tpu.memory_space<vmem>>
        %dma_start3A_244 = tpu.memref_squeeze %dma_start3A_243 : memref<1x128xi32, #tpu.memory_space<vmem>> -> memref<128xi32, #tpu.memory_space<vmem>>
        %dma_start3A_245 = arith.constant 0 : i32
        %dma_start3A_246 = arith.constant 0 : i32
        %dma_start3A_247 = tpu.memref_slice %arg9[%dma_start3A_245, %dma_start3A_246] : memref<10240x128xf32, #tpu.memory_space<vmem_shared>> -> memref<10240x128xf32, #tpu.memory_space<vmem_shared>>
        tpu.enqueue_indirect_dma source(%arg12 : memref<128x128xf32, #tpu.memory_space<vmem>>) target(%dma_start3A_247 : memref<10240x128xf32, #tpu.memory_space<vmem_shared>>) offsets(%dma_start3A_244 : memref<128xi32, #tpu.memory_space<vmem>>) semaphore(%arg16 : memref<!tpu.dma_semaphore, #tpu.memory_space<semaphore_mem>>) {add = true}
        %dma_start3A_248 = arith.constant 12 : i32
        %dma_start3A_249 = arith.constant 0 : i32
        %dma_start3A_250 = tpu.memref_slice %arg11[%dma_start3A_248, %dma_start3A_249] : memref<16x128xi32, #tpu.memory_space<vmem>> -> memref<1x128xi32, #tpu.memory_space<vmem>>
        %dma_start3A_251 = tpu.memref_squeeze %dma_start3A_250 : memref<1x128xi32, #tpu.memory_space<vmem>> -> memref<128xi32, #tpu.memory_space<vmem>>
        %dma_start3A_252 = arith.constant 0 : i32
        %dma_start3A_253 = arith.constant 0 : i32
        %dma_start3A_254 = tpu.memref_slice %arg9[%dma_start3A_252, %dma_start3A_253] : memref<10240x128xf32, #tpu.memory_space<vmem_shared>> -> memref<10240x128xf32, #tpu.memory_space<vmem_shared>>
        tpu.enqueue_indirect_dma source(%arg12 : memref<128x128xf32, #tpu.memory_space<vmem>>) target(%dma_start3A_254 : memref<10240x128xf32, #tpu.memory_space<vmem_shared>>) offsets(%dma_start3A_251 : memref<128xi32, #tpu.memory_space<vmem>>) semaphore(%arg16 : memref<!tpu.dma_semaphore, #tpu.memory_space<semaphore_mem>>) {add = true}
        %dma_start3A_255 = arith.constant 13 : i32
        %dma_start3A_256 = arith.constant 0 : i32
        %dma_start3A_257 = tpu.memref_slice %arg11[%dma_start3A_255, %dma_start3A_256] : memref<16x128xi32, #tpu.memory_space<vmem>> -> memref<1x128xi32, #tpu.memory_space<vmem>>
        %dma_start3A_258 = tpu.memref_squeeze %dma_start3A_257 : memref<1x128xi32, #tpu.memory_space<vmem>> -> memref<128xi32, #tpu.memory_space<vmem>>
        %dma_start3A_259 = arith.constant 0 : i32
        %dma_start3A_260 = arith.constant 0 : i32
        %dma_start3A_261 = tpu.memref_slice %arg9[%dma_start3A_259, %dma_start3A_260] : memref<10240x128xf32, #tpu.memory_space<vmem_shared>> -> memref<10240x128xf32, #tpu.memory_space<vmem_shared>>
        tpu.enqueue_indirect_dma source(%arg12 : memref<128x128xf32, #tpu.memory_space<vmem>>) target(%dma_start3A_261 : memref<10240x128xf32, #tpu.memory_space<vmem_shared>>) offsets(%dma_start3A_258 : memref<128xi32, #tpu.memory_space<vmem>>) semaphore(%arg16 : memref<!tpu.dma_semaphore, #tpu.memory_space<semaphore_mem>>) {add = true}
        %dma_start3A_262 = arith.constant 14 : i32
        %dma_start3A_263 = arith.constant 0 : i32
        %dma_start3A_264 = tpu.memref_slice %arg11[%dma_start3A_262, %dma_start3A_263] : memref<16x128xi32, #tpu.memory_space<vmem>> -> memref<1x128xi32, #tpu.memory_space<vmem>>
        %dma_start3A_265 = tpu.memref_squeeze %dma_start3A_264 : memref<1x128xi32, #tpu.memory_space<vmem>> -> memref<128xi32, #tpu.memory_space<vmem>>
        %dma_start3A_266 = arith.constant 0 : i32
        %dma_start3A_267 = arith.constant 0 : i32
        %dma_start3A_268 = tpu.memref_slice %arg9[%dma_start3A_266, %dma_start3A_267] : memref<10240x128xf32, #tpu.memory_space<vmem_shared>> -> memref<10240x128xf32, #tpu.memory_space<vmem_shared>>
        tpu.enqueue_indirect_dma source(%arg12 : memref<128x128xf32, #tpu.memory_space<vmem>>) target(%dma_start3A_268 : memref<10240x128xf32, #tpu.memory_space<vmem_shared>>) offsets(%dma_start3A_265 : memref<128xi32, #tpu.memory_space<vmem>>) semaphore(%arg16 : memref<!tpu.dma_semaphore, #tpu.memory_space<semaphore_mem>>) {add = true}
        %dma_start3A_269 = arith.constant 15 : i32
        %dma_start3A_270 = arith.constant 0 : i32
        %dma_start3A_271 = tpu.memref_slice %arg11[%dma_start3A_269, %dma_start3A_270] : memref<16x128xi32, #tpu.memory_space<vmem>> -> memref<1x128xi32, #tpu.memory_space<vmem>>
        %dma_start3A_272 = tpu.memref_squeeze %dma_start3A_271 : memref<1x128xi32, #tpu.memory_space<vmem>> -> memref<128xi32, #tpu.memory_space<vmem>>
        %dma_start3A_273 = arith.constant 0 : i32
        %dma_start3A_274 = arith.constant 0 : i32
        %dma_start3A_275 = tpu.memref_slice %arg9[%dma_start3A_273, %dma_start3A_274] : memref<10240x128xf32, #tpu.memory_space<vmem_shared>> -> memref<10240x128xf32, #tpu.memory_space<vmem_shared>>
        tpu.enqueue_indirect_dma source(%arg12 : memref<128x128xf32, #tpu.memory_space<vmem>>) target(%dma_start3A_275 : memref<10240x128xf32, #tpu.memory_space<vmem_shared>>) offsets(%dma_start3A_272 : memref<128xi32, #tpu.memory_space<vmem>>) semaphore(%arg16 : memref<!tpu.dma_semaphore, #tpu.memory_space<semaphore_mem>>) {add = true}
        %dma_wait3A = arith.constant 0 : i32
        %dma_wait3A_276 = arith.constant 0 : i32
        %dma_wait3A_277 = tpu.memref_slice %arg11[%dma_wait3A, %dma_wait3A_276] : memref<16x128xi32, #tpu.memory_space<vmem>> -> memref<1x128xi32, #tpu.memory_space<vmem>>
        %dma_wait3A_278 = tpu.memref_squeeze %dma_wait3A_277 : memref<1x128xi32, #tpu.memory_space<vmem>> -> memref<128xi32, #tpu.memory_space<vmem>>
        %dma_wait3A_279 = arith.constant 0 : i32
        %dma_wait3A_280 = arith.constant 0 : i32
        %dma_wait3A_281 = tpu.memref_slice %arg9[%dma_wait3A_279, %dma_wait3A_280] : memref<10240x128xf32, #tpu.memory_space<vmem_shared>> -> memref<10240x128xf32, #tpu.memory_space<vmem_shared>>
        tpu.wait_indirect_dma semaphore(%arg16 : memref<!tpu.dma_semaphore, #tpu.memory_space<semaphore_mem>>) src(%arg12 : memref<128x128xf32, #tpu.memory_space<vmem>>) dst(%dma_wait3A_281 : memref<10240x128xf32, #tpu.memory_space<vmem_shared>>)
        %dma_wait3A_282 = arith.constant 1 : i32
        %dma_wait3A_283 = arith.constant 0 : i32
        %dma_wait3A_284 = tpu.memref_slice %arg11[%dma_wait3A_282, %dma_wait3A_283] : memref<16x128xi32, #tpu.memory_space<vmem>> -> memref<1x128xi32, #tpu.memory_space<vmem>>
        %dma_wait3A_285 = tpu.memref_squeeze %dma_wait3A_284 : memref<1x128xi32, #tpu.memory_space<vmem>> -> memref<128xi32, #tpu.memory_space<vmem>>
        %dma_wait3A_286 = arith.constant 0 : i32
        %dma_wait3A_287 = arith.constant 0 : i32
        %dma_wait3A_288 = tpu.memref_slice %arg9[%dma_wait3A_286, %dma_wait3A_287] : memref<10240x128xf32, #tpu.memory_space<vmem_shared>> -> memref<10240x128xf32, #tpu.memory_space<vmem_shared>>
        tpu.wait_indirect_dma semaphore(%arg16 : memref<!tpu.dma_semaphore, #tpu.memory_space<semaphore_mem>>) src(%arg12 : memref<128x128xf32, #tpu.memory_space<vmem>>) dst(%dma_wait3A_288 : memref<10240x128xf32, #tpu.memory_space<vmem_shared>>)
        %dma_wait3A_289 = arith.constant 2 : i32
        %dma_wait3A_290 = arith.constant 0 : i32
        %dma_wait3A_291 = tpu.memref_slice %arg11[%dma_wait3A_289, %dma_wait3A_290] : memref<16x128xi32, #tpu.memory_space<vmem>> -> memref<1x128xi32, #tpu.memory_space<vmem>>
        %dma_wait3A_292 = tpu.memref_squeeze %dma_wait3A_291 : memref<1x128xi32, #tpu.memory_space<vmem>> -> memref<128xi32, #tpu.memory_space<vmem>>
        %dma_wait3A_293 = arith.constant 0 : i32
        %dma_wait3A_294 = arith.constant 0 : i32
        %dma_wait3A_295 = tpu.memref_slice %arg9[%dma_wait3A_293, %dma_wait3A_294] : memref<10240x128xf32, #tpu.memory_space<vmem_shared>> -> memref<10240x128xf32, #tpu.memory_space<vmem_shared>>
        tpu.wait_indirect_dma semaphore(%arg16 : memref<!tpu.dma_semaphore, #tpu.memory_space<semaphore_mem>>) src(%arg12 : memref<128x128xf32, #tpu.memory_space<vmem>>) dst(%dma_wait3A_295 : memref<10240x128xf32, #tpu.memory_space<vmem_shared>>)
        %dma_wait3A_296 = arith.constant 3 : i32
        %dma_wait3A_297 = arith.constant 0 : i32
        %dma_wait3A_298 = tpu.memref_slice %arg11[%dma_wait3A_296, %dma_wait3A_297] : memref<16x128xi32, #tpu.memory_space<vmem>> -> memref<1x128xi32, #tpu.memory_space<vmem>>
        %dma_wait3A_299 = tpu.memref_squeeze %dma_wait3A_298 : memref<1x128xi32, #tpu.memory_space<vmem>> -> memref<128xi32, #tpu.memory_space<vmem>>
        %dma_wait3A_300 = arith.constant 0 : i32
        %dma_wait3A_301 = arith.constant 0 : i32
        %dma_wait3A_302 = tpu.memref_slice %arg9[%dma_wait3A_300, %dma_wait3A_301] : memref<10240x128xf32, #tpu.memory_space<vmem_shared>> -> memref<10240x128xf32, #tpu.memory_space<vmem_shared>>
        tpu.wait_indirect_dma semaphore(%arg16 : memref<!tpu.dma_semaphore, #tpu.memory_space<semaphore_mem>>) src(%arg12 : memref<128x128xf32, #tpu.memory_space<vmem>>) dst(%dma_wait3A_302 : memref<10240x128xf32, #tpu.memory_space<vmem_shared>>)
        %dma_wait3A_303 = arith.constant 4 : i32
        %dma_wait3A_304 = arith.constant 0 : i32
        %dma_wait3A_305 = tpu.memref_slice %arg11[%dma_wait3A_303, %dma_wait3A_304] : memref<16x128xi32, #tpu.memory_space<vmem>> -> memref<1x128xi32, #tpu.memory_space<vmem>>
        %dma_wait3A_306 = tpu.memref_squeeze %dma_wait3A_305 : memref<1x128xi32, #tpu.memory_space<vmem>> -> memref<128xi32, #tpu.memory_space<vmem>>
        %dma_wait3A_307 = arith.constant 0 : i32
        %dma_wait3A_308 = arith.constant 0 : i32
        %dma_wait3A_309 = tpu.memref_slice %arg9[%dma_wait3A_307, %dma_wait3A_308] : memref<10240x128xf32, #tpu.memory_space<vmem_shared>> -> memref<10240x128xf32, #tpu.memory_space<vmem_shared>>
        tpu.wait_indirect_dma semaphore(%arg16 : memref<!tpu.dma_semaphore, #tpu.memory_space<semaphore_mem>>) src(%arg12 : memref<128x128xf32, #tpu.memory_space<vmem>>) dst(%dma_wait3A_309 : memref<10240x128xf32, #tpu.memory_space<vmem_shared>>)
        %dma_wait3A_310 = arith.constant 5 : i32
        %dma_wait3A_311 = arith.constant 0 : i32
        %dma_wait3A_312 = tpu.memref_slice %arg11[%dma_wait3A_310, %dma_wait3A_311] : memref<16x128xi32, #tpu.memory_space<vmem>> -> memref<1x128xi32, #tpu.memory_space<vmem>>
        %dma_wait3A_313 = tpu.memref_squeeze %dma_wait3A_312 : memref<1x128xi32, #tpu.memory_space<vmem>> -> memref<128xi32, #tpu.memory_space<vmem>>
        %dma_wait3A_314 = arith.constant 0 : i32
        %dma_wait3A_315 = arith.constant 0 : i32
        %dma_wait3A_316 = tpu.memref_slice %arg9[%dma_wait3A_314, %dma_wait3A_315] : memref<10240x128xf32, #tpu.memory_space<vmem_shared>> -> memref<10240x128xf32, #tpu.memory_space<vmem_shared>>
        tpu.wait_indirect_dma semaphore(%arg16 : memref<!tpu.dma_semaphore, #tpu.memory_space<semaphore_mem>>) src(%arg12 : memref<128x128xf32, #tpu.memory_space<vmem>>) dst(%dma_wait3A_316 : memref<10240x128xf32, #tpu.memory_space<vmem_shared>>)
        %dma_wait3A_317 = arith.constant 6 : i32
        %dma_wait3A_318 = arith.constant 0 : i32
        %dma_wait3A_319 = tpu.memref_slice %arg11[%dma_wait3A_317, %dma_wait3A_318] : memref<16x128xi32, #tpu.memory_space<vmem>> -> memref<1x128xi32, #tpu.memory_space<vmem>>
        %dma_wait3A_320 = tpu.memref_squeeze %dma_wait3A_319 : memref<1x128xi32, #tpu.memory_space<vmem>> -> memref<128xi32, #tpu.memory_space<vmem>>
        %dma_wait3A_321 = arith.constant 0 : i32
        %dma_wait3A_322 = arith.constant 0 : i32
        %dma_wait3A_323 = tpu.memref_slice %arg9[%dma_wait3A_321, %dma_wait3A_322] : memref<10240x128xf32, #tpu.memory_space<vmem_shared>> -> memref<10240x128xf32, #tpu.memory_space<vmem_shared>>
        tpu.wait_indirect_dma semaphore(%arg16 : memref<!tpu.dma_semaphore, #tpu.memory_space<semaphore_mem>>) src(%arg12 : memref<128x128xf32, #tpu.memory_space<vmem>>) dst(%dma_wait3A_323 : memref<10240x128xf32, #tpu.memory_space<vmem_shared>>)
        %dma_wait3A_324 = arith.constant 7 : i32
        %dma_wait3A_325 = arith.constant 0 : i32
        %dma_wait3A_326 = tpu.memref_slice %arg11[%dma_wait3A_324, %dma_wait3A_325] : memref<16x128xi32, #tpu.memory_space<vmem>> -> memref<1x128xi32, #tpu.memory_space<vmem>>
        %dma_wait3A_327 = tpu.memref_squeeze %dma_wait3A_326 : memref<1x128xi32, #tpu.memory_space<vmem>> -> memref<128xi32, #tpu.memory_space<vmem>>
        %dma_wait3A_328 = arith.constant 0 : i32
        %dma_wait3A_329 = arith.constant 0 : i32
        %dma_wait3A_330 = tpu.memref_slice %arg9[%dma_wait3A_328, %dma_wait3A_329] : memref<10240x128xf32, #tpu.memory_space<vmem_shared>> -> memref<10240x128xf32, #tpu.memory_space<vmem_shared>>
        tpu.wait_indirect_dma semaphore(%arg16 : memref<!tpu.dma_semaphore, #tpu.memory_space<semaphore_mem>>) src(%arg12 : memref<128x128xf32, #tpu.memory_space<vmem>>) dst(%dma_wait3A_330 : memref<10240x128xf32, #tpu.memory_space<vmem_shared>>)
        %dma_wait3A_331 = arith.constant 8 : i32
        %dma_wait3A_332 = arith.constant 0 : i32
        %dma_wait3A_333 = tpu.memref_slice %arg11[%dma_wait3A_331, %dma_wait3A_332] : memref<16x128xi32, #tpu.memory_space<vmem>> -> memref<1x128xi32, #tpu.memory_space<vmem>>
        %dma_wait3A_334 = tpu.memref_squeeze %dma_wait3A_333 : memref<1x128xi32, #tpu.memory_space<vmem>> -> memref<128xi32, #tpu.memory_space<vmem>>
        %dma_wait3A_335 = arith.constant 0 : i32
        %dma_wait3A_336 = arith.constant 0 : i32
        %dma_wait3A_337 = tpu.memref_slice %arg9[%dma_wait3A_335, %dma_wait3A_336] : memref<10240x128xf32, #tpu.memory_space<vmem_shared>> -> memref<10240x128xf32, #tpu.memory_space<vmem_shared>>
        tpu.wait_indirect_dma semaphore(%arg16 : memref<!tpu.dma_semaphore, #tpu.memory_space<semaphore_mem>>) src(%arg12 : memref<128x128xf32, #tpu.memory_space<vmem>>) dst(%dma_wait3A_337 : memref<10240x128xf32, #tpu.memory_space<vmem_shared>>)
        %dma_wait3A_338 = arith.constant 9 : i32
        %dma_wait3A_339 = arith.constant 0 : i32
        %dma_wait3A_340 = tpu.memref_slice %arg11[%dma_wait3A_338, %dma_wait3A_339] : memref<16x128xi32, #tpu.memory_space<vmem>> -> memref<1x128xi32, #tpu.memory_space<vmem>>
        %dma_wait3A_341 = tpu.memref_squeeze %dma_wait3A_340 : memref<1x128xi32, #tpu.memory_space<vmem>> -> memref<128xi32, #tpu.memory_space<vmem>>
        %dma_wait3A_342 = arith.constant 0 : i32
        %dma_wait3A_343 = arith.constant 0 : i32
        %dma_wait3A_344 = tpu.memref_slice %arg9[%dma_wait3A_342, %dma_wait3A_343] : memref<10240x128xf32, #tpu.memory_space<vmem_shared>> -> memref<10240x128xf32, #tpu.memory_space<vmem_shared>>
        tpu.wait_indirect_dma semaphore(%arg16 : memref<!tpu.dma_semaphore, #tpu.memory_space<semaphore_mem>>) src(%arg12 : memref<128x128xf32, #tpu.memory_space<vmem>>) dst(%dma_wait3A_344 : memref<10240x128xf32, #tpu.memory_space<vmem_shared>>)
        %dma_wait3A_345 = arith.constant 10 : i32
        %dma_wait3A_346 = arith.constant 0 : i32
        %dma_wait3A_347 = tpu.memref_slice %arg11[%dma_wait3A_345, %dma_wait3A_346] : memref<16x128xi32, #tpu.memory_space<vmem>> -> memref<1x128xi32, #tpu.memory_space<vmem>>
        %dma_wait3A_348 = tpu.memref_squeeze %dma_wait3A_347 : memref<1x128xi32, #tpu.memory_space<vmem>> -> memref<128xi32, #tpu.memory_space<vmem>>
        %dma_wait3A_349 = arith.constant 0 : i32
        %dma_wait3A_350 = arith.constant 0 : i32
        %dma_wait3A_351 = tpu.memref_slice %arg9[%dma_wait3A_349, %dma_wait3A_350] : memref<10240x128xf32, #tpu.memory_space<vmem_shared>> -> memref<10240x128xf32, #tpu.memory_space<vmem_shared>>
        tpu.wait_indirect_dma semaphore(%arg16 : memref<!tpu.dma_semaphore, #tpu.memory_space<semaphore_mem>>) src(%arg12 : memref<128x128xf32, #tpu.memory_space<vmem>>) dst(%dma_wait3A_351 : memref<10240x128xf32, #tpu.memory_space<vmem_shared>>)
        %dma_wait3A_352 = arith.constant 11 : i32
        %dma_wait3A_353 = arith.constant 0 : i32
        %dma_wait3A_354 = tpu.memref_slice %arg11[%dma_wait3A_352, %dma_wait3A_353] : memref<16x128xi32, #tpu.memory_space<vmem>> -> memref<1x128xi32, #tpu.memory_space<vmem>>
        %dma_wait3A_355 = tpu.memref_squeeze %dma_wait3A_354 : memref<1x128xi32, #tpu.memory_space<vmem>> -> memref<128xi32, #tpu.memory_space<vmem>>
        %dma_wait3A_356 = arith.constant 0 : i32
        %dma_wait3A_357 = arith.constant 0 : i32
        %dma_wait3A_358 = tpu.memref_slice %arg9[%dma_wait3A_356, %dma_wait3A_357] : memref<10240x128xf32, #tpu.memory_space<vmem_shared>> -> memref<10240x128xf32, #tpu.memory_space<vmem_shared>>
        tpu.wait_indirect_dma semaphore(%arg16 : memref<!tpu.dma_semaphore, #tpu.memory_space<semaphore_mem>>) src(%arg12 : memref<128x128xf32, #tpu.memory_space<vmem>>) dst(%dma_wait3A_358 : memref<10240x128xf32, #tpu.memory_space<vmem_shared>>)
        %dma_wait3A_359 = arith.constant 12 : i32
        %dma_wait3A_360 = arith.constant 0 : i32
        %dma_wait3A_361 = tpu.memref_slice %arg11[%dma_wait3A_359, %dma_wait3A_360] : memref<16x128xi32, #tpu.memory_space<vmem>> -> memref<1x128xi32, #tpu.memory_space<vmem>>
        %dma_wait3A_362 = tpu.memref_squeeze %dma_wait3A_361 : memref<1x128xi32, #tpu.memory_space<vmem>> -> memref<128xi32, #tpu.memory_space<vmem>>
        %dma_wait3A_363 = arith.constant 0 : i32
        %dma_wait3A_364 = arith.constant 0 : i32
        %dma_wait3A_365 = tpu.memref_slice %arg9[%dma_wait3A_363, %dma_wait3A_364] : memref<10240x128xf32, #tpu.memory_space<vmem_shared>> -> memref<10240x128xf32, #tpu.memory_space<vmem_shared>>
        tpu.wait_indirect_dma semaphore(%arg16 : memref<!tpu.dma_semaphore, #tpu.memory_space<semaphore_mem>>) src(%arg12 : memref<128x128xf32, #tpu.memory_space<vmem>>) dst(%dma_wait3A_365 : memref<10240x128xf32, #tpu.memory_space<vmem_shared>>)
        %dma_wait3A_366 = arith.constant 13 : i32
        %dma_wait3A_367 = arith.constant 0 : i32
        %dma_wait3A_368 = tpu.memref_slice %arg11[%dma_wait3A_366, %dma_wait3A_367] : memref<16x128xi32, #tpu.memory_space<vmem>> -> memref<1x128xi32, #tpu.memory_space<vmem>>
        %dma_wait3A_369 = tpu.memref_squeeze %dma_wait3A_368 : memref<1x128xi32, #tpu.memory_space<vmem>> -> memref<128xi32, #tpu.memory_space<vmem>>
        %dma_wait3A_370 = arith.constant 0 : i32
        %dma_wait3A_371 = arith.constant 0 : i32
        %dma_wait3A_372 = tpu.memref_slice %arg9[%dma_wait3A_370, %dma_wait3A_371] : memref<10240x128xf32, #tpu.memory_space<vmem_shared>> -> memref<10240x128xf32, #tpu.memory_space<vmem_shared>>
        tpu.wait_indirect_dma semaphore(%arg16 : memref<!tpu.dma_semaphore, #tpu.memory_space<semaphore_mem>>) src(%arg12 : memref<128x128xf32, #tpu.memory_space<vmem>>) dst(%dma_wait3A_372 : memref<10240x128xf32, #tpu.memory_space<vmem_shared>>)
        %dma_wait3A_373 = arith.constant 14 : i32
        %dma_wait3A_374 = arith.constant 0 : i32
        %dma_wait3A_375 = tpu.memref_slice %arg11[%dma_wait3A_373, %dma_wait3A_374] : memref<16x128xi32, #tpu.memory_space<vmem>> -> memref<1x128xi32, #tpu.memory_space<vmem>>
        %dma_wait3A_376 = tpu.memref_squeeze %dma_wait3A_375 : memref<1x128xi32, #tpu.memory_space<vmem>> -> memref<128xi32, #tpu.memory_space<vmem>>
        %dma_wait3A_377 = arith.constant 0 : i32
        %dma_wait3A_378 = arith.constant 0 : i32
        %dma_wait3A_379 = tpu.memref_slice %arg9[%dma_wait3A_377, %dma_wait3A_378] : memref<10240x128xf32, #tpu.memory_space<vmem_shared>> -> memref<10240x128xf32, #tpu.memory_space<vmem_shared>>
        tpu.wait_indirect_dma semaphore(%arg16 : memref<!tpu.dma_semaphore, #tpu.memory_space<semaphore_mem>>) src(%arg12 : memref<128x128xf32, #tpu.memory_space<vmem>>) dst(%dma_wait3A_379 : memref<10240x128xf32, #tpu.memory_space<vmem_shared>>)
        %dma_wait3A_380 = arith.constant 15 : i32
        %dma_wait3A_381 = arith.constant 0 : i32
        %dma_wait3A_382 = tpu.memref_slice %arg11[%dma_wait3A_380, %dma_wait3A_381] : memref<16x128xi32, #tpu.memory_space<vmem>> -> memref<1x128xi32, #tpu.memory_space<vmem>>
        %dma_wait3A_383 = tpu.memref_squeeze %dma_wait3A_382 : memref<1x128xi32, #tpu.memory_space<vmem>> -> memref<128xi32, #tpu.memory_space<vmem>>
        %dma_wait3A_384 = arith.constant 0 : i32
        %dma_wait3A_385 = arith.constant 0 : i32
        %dma_wait3A_386 = tpu.memref_slice %arg9[%dma_wait3A_384, %dma_wait3A_385] : memref<10240x128xf32, #tpu.memory_space<vmem_shared>> -> memref<10240x128xf32, #tpu.memory_space<vmem_shared>>
        tpu.wait_indirect_dma semaphore(%arg16 : memref<!tpu.dma_semaphore, #tpu.memory_space<semaphore_mem>>) src(%arg12 : memref<128x128xf32, #tpu.memory_space<vmem>>) dst(%dma_wait3A_386 : memref<10240x128xf32, #tpu.memory_space<vmem_shared>>)
      }
      %scan3A_105 = arith.constant 10 : i32
      %barrier3A_106 = arith.constant 0 : index
      tpu.barrier barrier_id(%barrier3A_106)
      %mul3A_107 = arith.constant 640 : i32
      %mul3A_108 = arith.muli %arg1, %mul3A_107 : i32
      %add3A_109 = arith.constant 0 : i32
      %add3A_110 = arith.addi %mul3A_108, %add3A_109 : i32
      "tpu.region"() ({
        %run_scoped3A = tpu.sem_alloc : memref<!tpu.dma_semaphore, #tpu.memory_space<semaphore_mem>>
        %dma_start3A = arith.constant 0 : i32
        %dma_start3A_157 = tpu.memref_slice %arg9[%add3A_110, %dma_start3A] : memref<10240x128xf32, #tpu.memory_space<vmem_shared>> -> memref<128x128xf32, #tpu.memory_space<vmem_shared>>
        %dma_start3A_158 = arith.constant 0 : i32
        %dma_start3A_159 = tpu.memref_slice %arg9[%add3A_110, %dma_start3A_158] : memref<10240x128xf32, #tpu.memory_space<vmem_shared>> -> memref<128x128xf32, #tpu.memory_space<vmem_shared>>
        tpu.enqueue_dma source(%dma_start3A_159 : memref<128x128xf32, #tpu.memory_space<vmem_shared>>) target(%arg12 : memref<128x128xf32, #tpu.memory_space<vmem>>) target_semaphore(%run_scoped3A : memref<!tpu.dma_semaphore, #tpu.memory_space<semaphore_mem>>)
        %dma_wait3A = arith.constant 0 : i32
        %dma_wait3A_160 = tpu.memref_slice %arg9[%add3A_110, %dma_wait3A] : memref<10240x128xf32, #tpu.memory_space<vmem_shared>> -> memref<128x128xf32, #tpu.memory_space<vmem_shared>>
        %dma_wait3A_161 = arith.constant 0 : i32
        %dma_wait3A_162 = tpu.memref_slice %arg9[%add3A_110, %dma_wait3A_161] : memref<10240x128xf32, #tpu.memory_space<vmem_shared>> -> memref<128x128xf32, #tpu.memory_space<vmem_shared>>
        tpu.wait_dma2 semaphore(%run_scoped3A : memref<!tpu.dma_semaphore, #tpu.memory_space<semaphore_mem>>) src(%dma_wait3A_162 : memref<128x128xf32, #tpu.memory_space<vmem_shared>>) dst(%arg12 : memref<128x128xf32, #tpu.memory_space<vmem>>)
        tpu.yield
      }) : () -> ()
      %mul3A_111 = arith.constant 640 : i32
      %mul3A_112 = arith.muli %arg1, %mul3A_111 : i32
      %add3A_113 = arith.constant 0 : i32
      %add3A_114 = arith.addi %add3A_113, %mul3A_112 : i32
      %add3A_115 = arith.constant 0 : i32
      %add3A_116 = arith.addi %add3A_114, %add3A_115 : i32
      "tpu.region"() ({
        %run_scoped3A = tpu.sem_alloc : memref<!tpu.dma_semaphore, #tpu.memory_space<semaphore_mem>>
        %dma_start3A = arith.constant 0 : i32
        %dma_start3A_157 = tpu.memref_slice %arg8[%add3A_116, %dma_start3A] : memref<10240x128xf32, #tpu.memory_space<hbm>> -> memref<128x128xf32, #tpu.memory_space<hbm>>
        %dma_start3A_158 = arith.constant 0 : i32
        %dma_start3A_159 = tpu.memref_slice %arg8[%add3A_116, %dma_start3A_158] : memref<10240x128xf32, #tpu.memory_space<hbm>> -> memref<128x128xf32, #tpu.memory_space<hbm>>
        tpu.enqueue_dma source(%arg12 : memref<128x128xf32, #tpu.memory_space<vmem>>) target(%dma_start3A_159 : memref<128x128xf32, #tpu.memory_space<hbm>>) target_semaphore(%run_scoped3A : memref<!tpu.dma_semaphore, #tpu.memory_space<semaphore_mem>>)
        %dma_wait3A = arith.constant 0 : i32
        %dma_wait3A_160 = tpu.memref_slice %arg8[%add3A_116, %dma_wait3A] : memref<10240x128xf32, #tpu.memory_space<hbm>> -> memref<128x128xf32, #tpu.memory_space<hbm>>
        %dma_wait3A_161 = arith.constant 0 : i32
        %dma_wait3A_162 = tpu.memref_slice %arg8[%add3A_116, %dma_wait3A_161] : memref<10240x128xf32, #tpu.memory_space<hbm>> -> memref<128x128xf32, #tpu.memory_space<hbm>>
        tpu.wait_dma2 semaphore(%run_scoped3A : memref<!tpu.dma_semaphore, #tpu.memory_space<semaphore_mem>>) src(%arg12 : memref<128x128xf32, #tpu.memory_space<vmem>>) dst(%dma_wait3A_162 : memref<128x128xf32, #tpu.memory_space<hbm>>)
        tpu.yield
      }) : () -> ()
      %mul3A_117 = arith.constant 640 : i32
      %mul3A_118 = arith.muli %arg1, %mul3A_117 : i32
      %add3A_119 = arith.constant 128 : i32
      %add3A_120 = arith.addi %mul3A_118, %add3A_119 : i32
      "tpu.region"() ({
        %run_scoped3A = tpu.sem_alloc : memref<!tpu.dma_semaphore, #tpu.memory_space<semaphore_mem>>
        %dma_start3A = arith.constant 0 : i32
        %dma_start3A_157 = tpu.memref_slice %arg9[%add3A_120, %dma_start3A] : memref<10240x128xf32, #tpu.memory_space<vmem_shared>> -> memref<128x128xf32, #tpu.memory_space<vmem_shared>>
        %dma_start3A_158 = arith.constant 0 : i32
        %dma_start3A_159 = tpu.memref_slice %arg9[%add3A_120, %dma_start3A_158] : memref<10240x128xf32, #tpu.memory_space<vmem_shared>> -> memref<128x128xf32, #tpu.memory_space<vmem_shared>>
        tpu.enqueue_dma source(%dma_start3A_159 : memref<128x128xf32, #tpu.memory_space<vmem_shared>>) target(%arg12 : memref<128x128xf32, #tpu.memory_space<vmem>>) target_semaphore(%run_scoped3A : memref<!tpu.dma_semaphore, #tpu.memory_space<semaphore_mem>>)
        %dma_wait3A = arith.constant 0 : i32
        %dma_wait3A_160 = tpu.memref_slice %arg9[%add3A_120, %dma_wait3A] : memref<10240x128xf32, #tpu.memory_space<vmem_shared>> -> memref<128x128xf32, #tpu.memory_space<vmem_shared>>
        %dma_wait3A_161 = arith.constant 0 : i32
        %dma_wait3A_162 = tpu.memref_slice %arg9[%add3A_120, %dma_wait3A_161] : memref<10240x128xf32, #tpu.memory_space<vmem_shared>> -> memref<128x128xf32, #tpu.memory_space<vmem_shared>>
        tpu.wait_dma2 semaphore(%run_scoped3A : memref<!tpu.dma_semaphore, #tpu.memory_space<semaphore_mem>>) src(%dma_wait3A_162 : memref<128x128xf32, #tpu.memory_space<vmem_shared>>) dst(%arg12 : memref<128x128xf32, #tpu.memory_space<vmem>>)
        tpu.yield
      }) : () -> ()
      %mul3A_121 = arith.constant 640 : i32
      %mul3A_122 = arith.muli %arg1, %mul3A_121 : i32
      %add3A_123 = arith.constant 0 : i32
      %add3A_124 = arith.addi %add3A_123, %mul3A_122 : i32
      %add3A_125 = arith.constant 128 : i32
      %add3A_126 = arith.addi %add3A_124, %add3A_125 : i32
      "tpu.region"() ({
        %run_scoped3A = tpu.sem_alloc : memref<!tpu.dma_semaphore, #tpu.memory_space<semaphore_mem>>
        %dma_start3A = arith.constant 0 : i32
        %dma_start3A_157 = tpu.memref_slice %arg8[%add3A_126, %dma_start3A] : memref<10240x128xf32, #tpu.memory_space<hbm>> -> memref<128x128xf32, #tpu.memory_space<hbm>>
        %dma_start3A_158 = arith.constant 0 : i32
        %dma_start3A_159 = tpu.memref_slice %arg8[%add3A_126, %dma_start3A_158] : memref<10240x128xf32, #tpu.memory_space<hbm>> -> memref<128x128xf32, #tpu.memory_space<hbm>>
        tpu.enqueue_dma source(%arg12 : memref<128x128xf32, #tpu.memory_space<vmem>>) target(%dma_start3A_159 : memref<128x128xf32, #tpu.memory_space<hbm>>) target_semaphore(%run_scoped3A : memref<!tpu.dma_semaphore, #tpu.memory_space<semaphore_mem>>)
        %dma_wait3A = arith.constant 0 : i32
        %dma_wait3A_160 = tpu.memref_slice %arg8[%add3A_126, %dma_wait3A] : memref<10240x128xf32, #tpu.memory_space<hbm>> -> memref<128x128xf32, #tpu.memory_space<hbm>>
        %dma_wait3A_161 = arith.constant 0 : i32
        %dma_wait3A_162 = tpu.memref_slice %arg8[%add3A_126, %dma_wait3A_161] : memref<10240x128xf32, #tpu.memory_space<hbm>> -> memref<128x128xf32, #tpu.memory_space<hbm>>
        tpu.wait_dma2 semaphore(%run_scoped3A : memref<!tpu.dma_semaphore, #tpu.memory_space<semaphore_mem>>) src(%arg12 : memref<128x128xf32, #tpu.memory_space<vmem>>) dst(%dma_wait3A_162 : memref<128x128xf32, #tpu.memory_space<hbm>>)
        tpu.yield
      }) : () -> ()
      %mul3A_127 = arith.constant 640 : i32
      %mul3A_128 = arith.muli %arg1, %mul3A_127 : i32
      %add3A_129 = arith.constant 256 : i32
      %add3A_130 = arith.addi %mul3A_128, %add3A_129 : i32
      "tpu.region"() ({
        %run_scoped3A = tpu.sem_alloc : memref<!tpu.dma_semaphore, #tpu.memory_space<semaphore_mem>>
        %dma_start3A = arith.constant 0 : i32
        %dma_start3A_157 = tpu.memref_slice %arg9[%add3A_130, %dma_start3A] : memref<10240x128xf32, #tpu.memory_space<vmem_shared>> -> memref<128x128xf32, #tpu.memory_space<vmem_shared>>
        %dma_start3A_158 = arith.constant 0 : i32
        %dma_start3A_159 = tpu.memref_slice %arg9[%add3A_130, %dma_start3A_158] : memref<10240x128xf32, #tpu.memory_space<vmem_shared>> -> memref<128x128xf32, #tpu.memory_space<vmem_shared>>
        tpu.enqueue_dma source(%dma_start3A_159 : memref<128x128xf32, #tpu.memory_space<vmem_shared>>) target(%arg12 : memref<128x128xf32, #tpu.memory_space<vmem>>) target_semaphore(%run_scoped3A : memref<!tpu.dma_semaphore, #tpu.memory_space<semaphore_mem>>)
        %dma_wait3A = arith.constant 0 : i32
        %dma_wait3A_160 = tpu.memref_slice %arg9[%add3A_130, %dma_wait3A] : memref<10240x128xf32, #tpu.memory_space<vmem_shared>> -> memref<128x128xf32, #tpu.memory_space<vmem_shared>>
        %dma_wait3A_161 = arith.constant 0 : i32
        %dma_wait3A_162 = tpu.memref_slice %arg9[%add3A_130, %dma_wait3A_161] : memref<10240x128xf32, #tpu.memory_space<vmem_shared>> -> memref<128x128xf32, #tpu.memory_space<vmem_shared>>
        tpu.wait_dma2 semaphore(%run_scoped3A : memref<!tpu.dma_semaphore, #tpu.memory_space<semaphore_mem>>) src(%dma_wait3A_162 : memref<128x128xf32, #tpu.memory_space<vmem_shared>>) dst(%arg12 : memref<128x128xf32, #tpu.memory_space<vmem>>)
        tpu.yield
      }) : () -> ()
      %mul3A_131 = arith.constant 640 : i32
      %mul3A_132 = arith.muli %arg1, %mul3A_131 : i32
      %add3A_133 = arith.constant 0 : i32
      %add3A_134 = arith.addi %add3A_133, %mul3A_132 : i32
      %add3A_135 = arith.constant 256 : i32
      %add3A_136 = arith.addi %add3A_134, %add3A_135 : i32
      "tpu.region"() ({
        %run_scoped3A = tpu.sem_alloc : memref<!tpu.dma_semaphore, #tpu.memory_space<semaphore_mem>>
        %dma_start3A = arith.constant 0 : i32
        %dma_start3A_157 = tpu.memref_slice %arg8[%add3A_136, %dma_start3A] : memref<10240x128xf32, #tpu.memory_space<hbm>> -> memref<128x128xf32, #tpu.memory_space<hbm>>
        %dma_start3A_158 = arith.constant 0 : i32
        %dma_start3A_159 = tpu.memref_slice %arg8[%add3A_136, %dma_start3A_158] : memref<10240x128xf32, #tpu.memory_space<hbm>> -> memref<128x128xf32, #tpu.memory_space<hbm>>
        tpu.enqueue_dma source(%arg12 : memref<128x128xf32, #tpu.memory_space<vmem>>) target(%dma_start3A_159 : memref<128x128xf32, #tpu.memory_space<hbm>>) target_semaphore(%run_scoped3A : memref<!tpu.dma_semaphore, #tpu.memory_space<semaphore_mem>>)
        %dma_wait3A = arith.constant 0 : i32
        %dma_wait3A_160 = tpu.memref_slice %arg8[%add3A_136, %dma_wait3A] : memref<10240x128xf32, #tpu.memory_space<hbm>> -> memref<128x128xf32, #tpu.memory_space<hbm>>
        %dma_wait3A_161 = arith.constant 0 : i32
        %dma_wait3A_162 = tpu.memref_slice %arg8[%add3A_136, %dma_wait3A_161] : memref<10240x128xf32, #tpu.memory_space<hbm>> -> memref<128x128xf32, #tpu.memory_space<hbm>>
        tpu.wait_dma2 semaphore(%run_scoped3A : memref<!tpu.dma_semaphore, #tpu.memory_space<semaphore_mem>>) src(%arg12 : memref<128x128xf32, #tpu.memory_space<vmem>>) dst(%dma_wait3A_162 : memref<128x128xf32, #tpu.memory_space<hbm>>)
        tpu.yield
      }) : () -> ()
      %mul3A_137 = arith.constant 640 : i32
      %mul3A_138 = arith.muli %arg1, %mul3A_137 : i32
      %add3A_139 = arith.constant 384 : i32
      %add3A_140 = arith.addi %mul3A_138, %add3A_139 : i32
      "tpu.region"() ({
        %run_scoped3A = tpu.sem_alloc : memref<!tpu.dma_semaphore, #tpu.memory_space<semaphore_mem>>
        %dma_start3A = arith.constant 0 : i32
        %dma_start3A_157 = tpu.memref_slice %arg9[%add3A_140, %dma_start3A] : memref<10240x128xf32, #tpu.memory_space<vmem_shared>> -> memref<128x128xf32, #tpu.memory_space<vmem_shared>>
        %dma_start3A_158 = arith.constant 0 : i32
        %dma_start3A_159 = tpu.memref_slice %arg9[%add3A_140, %dma_start3A_158] : memref<10240x128xf32, #tpu.memory_space<vmem_shared>> -> memref<128x128xf32, #tpu.memory_space<vmem_shared>>
        tpu.enqueue_dma source(%dma_start3A_159 : memref<128x128xf32, #tpu.memory_space<vmem_shared>>) target(%arg12 : memref<128x128xf32, #tpu.memory_space<vmem>>) target_semaphore(%run_scoped3A : memref<!tpu.dma_semaphore, #tpu.memory_space<semaphore_mem>>)
        %dma_wait3A = arith.constant 0 : i32
        %dma_wait3A_160 = tpu.memref_slice %arg9[%add3A_140, %dma_wait3A] : memref<10240x128xf32, #tpu.memory_space<vmem_shared>> -> memref<128x128xf32, #tpu.memory_space<vmem_shared>>
        %dma_wait3A_161 = arith.constant 0 : i32
        %dma_wait3A_162 = tpu.memref_slice %arg9[%add3A_140, %dma_wait3A_161] : memref<10240x128xf32, #tpu.memory_space<vmem_shared>> -> memref<128x128xf32, #tpu.memory_space<vmem_shared>>
        tpu.wait_dma2 semaphore(%run_scoped3A : memref<!tpu.dma_semaphore, #tpu.memory_space<semaphore_mem>>) src(%dma_wait3A_162 : memref<128x128xf32, #tpu.memory_space<vmem_shared>>) dst(%arg12 : memref<128x128xf32, #tpu.memory_space<vmem>>)
        tpu.yield
      }) : () -> ()
      %mul3A_141 = arith.constant 640 : i32
      %mul3A_142 = arith.muli %arg1, %mul3A_141 : i32
      %add3A_143 = arith.constant 0 : i32
      %add3A_144 = arith.addi %add3A_143, %mul3A_142 : i32
      %add3A_145 = arith.constant 384 : i32
      %add3A_146 = arith.addi %add3A_144, %add3A_145 : i32
      "tpu.region"() ({
        %run_scoped3A = tpu.sem_alloc : memref<!tpu.dma_semaphore, #tpu.memory_space<semaphore_mem>>
        %dma_start3A = arith.constant 0 : i32
        %dma_start3A_157 = tpu.memref_slice %arg8[%add3A_146, %dma_start3A] : memref<10240x128xf32, #tpu.memory_space<hbm>> -> memref<128x128xf32, #tpu.memory_space<hbm>>
        %dma_start3A_158 = arith.constant 0 : i32
        %dma_start3A_159 = tpu.memref_slice %arg8[%add3A_146, %dma_start3A_158] : memref<10240x128xf32, #tpu.memory_space<hbm>> -> memref<128x128xf32, #tpu.memory_space<hbm>>
        tpu.enqueue_dma source(%arg12 : memref<128x128xf32, #tpu.memory_space<vmem>>) target(%dma_start3A_159 : memref<128x128xf32, #tpu.memory_space<hbm>>) target_semaphore(%run_scoped3A : memref<!tpu.dma_semaphore, #tpu.memory_space<semaphore_mem>>)
        %dma_wait3A = arith.constant 0 : i32
        %dma_wait3A_160 = tpu.memref_slice %arg8[%add3A_146, %dma_wait3A] : memref<10240x128xf32, #tpu.memory_space<hbm>> -> memref<128x128xf32, #tpu.memory_space<hbm>>
        %dma_wait3A_161 = arith.constant 0 : i32
        %dma_wait3A_162 = tpu.memref_slice %arg8[%add3A_146, %dma_wait3A_161] : memref<10240x128xf32, #tpu.memory_space<hbm>> -> memref<128x128xf32, #tpu.memory_space<hbm>>
        tpu.wait_dma2 semaphore(%run_scoped3A : memref<!tpu.dma_semaphore, #tpu.memory_space<semaphore_mem>>) src(%arg12 : memref<128x128xf32, #tpu.memory_space<vmem>>) dst(%dma_wait3A_162 : memref<128x128xf32, #tpu.memory_space<hbm>>)
        tpu.yield
      }) : () -> ()
      %mul3A_147 = arith.constant 640 : i32
      %mul3A_148 = arith.muli %arg1, %mul3A_147 : i32
      %add3A_149 = arith.constant 512 : i32
      %add3A_150 = arith.addi %mul3A_148, %add3A_149 : i32
      "tpu.region"() ({
        %run_scoped3A = tpu.sem_alloc : memref<!tpu.dma_semaphore, #tpu.memory_space<semaphore_mem>>
        %dma_start3A = arith.constant 0 : i32
        %dma_start3A_157 = tpu.memref_slice %arg9[%add3A_150, %dma_start3A] : memref<10240x128xf32, #tpu.memory_space<vmem_shared>> -> memref<128x128xf32, #tpu.memory_space<vmem_shared>>
        %dma_start3A_158 = arith.constant 0 : i32
        %dma_start3A_159 = tpu.memref_slice %arg9[%add3A_150, %dma_start3A_158] : memref<10240x128xf32, #tpu.memory_space<vmem_shared>> -> memref<128x128xf32, #tpu.memory_space<vmem_shared>>
        tpu.enqueue_dma source(%dma_start3A_159 : memref<128x128xf32, #tpu.memory_space<vmem_shared>>) target(%arg12 : memref<128x128xf32, #tpu.memory_space<vmem>>) target_semaphore(%run_scoped3A : memref<!tpu.dma_semaphore, #tpu.memory_space<semaphore_mem>>)
        %dma_wait3A = arith.constant 0 : i32
        %dma_wait3A_160 = tpu.memref_slice %arg9[%add3A_150, %dma_wait3A] : memref<10240x128xf32, #tpu.memory_space<vmem_shared>> -> memref<128x128xf32, #tpu.memory_space<vmem_shared>>
        %dma_wait3A_161 = arith.constant 0 : i32
        %dma_wait3A_162 = tpu.memref_slice %arg9[%add3A_150, %dma_wait3A_161] : memref<10240x128xf32, #tpu.memory_space<vmem_shared>> -> memref<128x128xf32, #tpu.memory_space<vmem_shared>>
        tpu.wait_dma2 semaphore(%run_scoped3A : memref<!tpu.dma_semaphore, #tpu.memory_space<semaphore_mem>>) src(%dma_wait3A_162 : memref<128x128xf32, #tpu.memory_space<vmem_shared>>) dst(%arg12 : memref<128x128xf32, #tpu.memory_space<vmem>>)
        tpu.yield
      }) : () -> ()
      %mul3A_151 = arith.constant 640 : i32
      %mul3A_152 = arith.muli %arg1, %mul3A_151 : i32
      %add3A_153 = arith.constant 0 : i32
      %add3A_154 = arith.addi %add3A_153, %mul3A_152 : i32
      %add3A_155 = arith.constant 512 : i32
      %add3A_156 = arith.addi %add3A_154, %add3A_155 : i32
      "tpu.region"() ({
        %run_scoped3A = tpu.sem_alloc : memref<!tpu.dma_semaphore, #tpu.memory_space<semaphore_mem>>
        %dma_start3A = arith.constant 0 : i32
        %dma_start3A_157 = tpu.memref_slice %arg8[%add3A_156, %dma_start3A] : memref<10240x128xf32, #tpu.memory_space<hbm>> -> memref<128x128xf32, #tpu.memory_space<hbm>>
        %dma_start3A_158 = arith.constant 0 : i32
        %dma_start3A_159 = tpu.memref_slice %arg8[%add3A_156, %dma_start3A_158] : memref<10240x128xf32, #tpu.memory_space<hbm>> -> memref<128x128xf32, #tpu.memory_space<hbm>>
        tpu.enqueue_dma source(%arg12 : memref<128x128xf32, #tpu.memory_space<vmem>>) target(%dma_start3A_159 : memref<128x128xf32, #tpu.memory_space<hbm>>) target_semaphore(%run_scoped3A : memref<!tpu.dma_semaphore, #tpu.memory_space<semaphore_mem>>)
        %dma_wait3A = arith.constant 0 : i32
        %dma_wait3A_160 = tpu.memref_slice %arg8[%add3A_156, %dma_wait3A] : memref<10240x128xf32, #tpu.memory_space<hbm>> -> memref<128x128xf32, #tpu.memory_space<hbm>>
        %dma_wait3A_161 = arith.constant 0 : i32
        %dma_wait3A_162 = tpu.memref_slice %arg8[%add3A_156, %dma_wait3A_161] : memref<10240x128xf32, #tpu.memory_space<hbm>> -> memref<128x128xf32, #tpu.memory_space<hbm>>
        tpu.wait_dma2 semaphore(%run_scoped3A : memref<!tpu.dma_semaphore, #tpu.memory_space<semaphore_mem>>) src(%arg12 : memref<128x128xf32, #tpu.memory_space<vmem>>) dst(%dma_wait3A_162 : memref<128x128xf32, #tpu.memory_space<hbm>>)
        tpu.yield
      }) : () -> ()
    } else {
    }
    return
  }
}

module attributes {stable_mosaic.version = 14 : i64} {
  func.func @body(%arg0: i32, %arg1: memref<1000x128xf32, #tpu.memory_space<vmem>>, %arg2: memref<1000x128xf32, #tpu.memory_space<vmem>>, %arg3: memref<1000x128xf32, #tpu.memory_space<vmem>>, %arg4: memref<1000x128xf32, #tpu.memory_space<vmem>>, %arg5: memref<128x128xf32, #tpu.memory_space<vmem>>, %arg6: memref<1000x256xf32, #tpu.memory_space<vmem>>) attributes {dimension_semantics = [#tpu.dimension_semantics<arbitrary>], iteration_bounds = array<i64: 10>, scalar_prefetch = 0 : i64, scratch_operands = 0 : i64, tpu.core_type = #tpu.core_type<tc>, window_params = [{transform_indices = @transform_0, window_bounds = array<i64: 1000, 128>}, {transform_indices = @transform_1, window_bounds = array<i64: 1000, 128>}, {transform_indices = @transform_2, window_bounds = array<i64: 1000, 128>}, {transform_indices = @transform_3, window_bounds = array<i64: 1000, 128>}, {pipeline_mode = #tpu.pipeline_mode<synchronous>, transform_indices = @transform_4, window_bounds = array<i64: 128, 128>}, {transform_indices = @transform_5, window_bounds = array<i64: 1000, 256>}]} {
    %get3A = arith.constant 0 : index
    %get3A_0 = arith.constant 0 : index
    %get3A_1 = vector.load %arg5[%get3A, %get3A_0] : memref<128x128xf32, #tpu.memory_space<vmem>>, vector<128x128xf32>
    %get3A_2 = arith.constant 0 : index
    %get3A_3 = arith.constant 0 : index
    %get3A_4 = vector.load %arg1[%get3A_2, %get3A_3] : memref<1000x128xf32, #tpu.memory_space<vmem>>, vector<1000x128xf32>
    %dot_general3A = arith.constant dense<0.000000e+00> : vector<1000x128xf32>
    %dot_general3A_5 = tpu.matmul %get3A_4, %get3A_1, %dot_general3A {dimension_numbers = #tpu.dot_dimension_numbers<[1], [0], [0], [1], [0, 0, 1, 1], [], []>, transpose_lhs_hint = false} : vector<1000x128xf32>, vector<128x128xf32>, vector<1000x128xf32> -> vector<1000x128xf32>
    %get3A_6 = arith.constant 0 : index
    %get3A_7 = arith.constant 0 : index
    %get3A_8 = vector.load %arg4[%get3A_6, %get3A_7] : memref<1000x128xf32, #tpu.memory_space<vmem>>, vector<1000x128xf32>
    %slice3A = vector.extract_strided_slice %get3A_8 {offsets = [0, 0], sizes = [1000, 1], strides = [1, 1]} : vector<1000x128xf32> to vector<1000x1xf32>
    %gt3A = arith.constant 0.000000e+00 : f32
    %gt3A_9 = vector.broadcast %gt3A : f32 to vector<1000x1xf32>
    %gt3A_10 = arith.cmpf ogt, %slice3A, %gt3A_9 : vector<1000x1xf32>
    %div3A = arith.constant 1.000000e+00 : f32
    %div3A_11 = vector.broadcast %div3A : f32 to vector<1000x1xf32>
    %div3A_12 = arith.divf %div3A_11, %slice3A : vector<1000x1xf32>
    %jit3A = arith.constant 0.000000e+00 : f32
    %broadcast_in_dim3A = vector.broadcast %jit3A : f32 to vector<1000x1xf32>
    %select_n3A = arith.select %gt3A_10, %div3A_12, %broadcast_in_dim3A : vector<1000x1xi1>, vector<1000x1xf32>
    %get3A_13 = arith.constant 0 : index
    %get3A_14 = arith.constant 0 : index
    %get3A_15 = vector.load %arg2[%get3A_13, %get3A_14] : memref<1000x128xf32, #tpu.memory_space<vmem>>, vector<1000x128xf32>
    %get3A_16 = arith.constant 0 : index
    %get3A_17 = arith.constant 0 : index
    %get3A_18 = vector.load %arg3[%get3A_16, %get3A_17] : memref<1000x128xf32, #tpu.memory_space<vmem>>, vector<1000x128xf32>
    %add3A = arith.addf %get3A_15, %get3A_18 : vector<1000x128xf32>
    %mul3A = vector.broadcast %select_n3A : vector<1000x1xf32> to vector<1000x128xf32>
    %mul3A_19 = arith.mulf %add3A, %mul3A : vector<1000x128xf32>
    %dot_general3A_20 = arith.constant dense<0.000000e+00> : vector<1000x128xf32>
    %dot_general3A_21 = tpu.matmul %mul3A_19, %get3A_1, %dot_general3A_20 {dimension_numbers = #tpu.dot_dimension_numbers<[1], [0], [0], [1], [0, 0, 1, 1], [], []>, transpose_lhs_hint = false} : vector<1000x128xf32>, vector<128x128xf32>, vector<1000x128xf32> -> vector<1000x128xf32>
    %concatenate3A = tpu.concatenate %dot_general3A_5, %dot_general3A_21 in 1 : vector<1000x128xf32>, vector<1000x128xf32> -> vector<1000x256xf32>
    %swap3A = arith.constant 0 : index
    %swap3A_22 = arith.constant 0 : index
    %swap3A_23 = vector.load %arg6[%swap3A, %swap3A_22] : memref<1000x256xf32, #tpu.memory_space<vmem>>, vector<1000x256xf32>
    tpu.vector_store %arg6[%swap3A, %swap3A_22], %concatenate3A {strides = array<i32>} : memref<1000x256xf32, #tpu.memory_space<vmem>>, vector<1000x256xf32>,
    return
  }
  func.func @transform_0(%arg0: i32) -> (i32, i32) {
    %c0_i32 = arith.constant 0 : i32
    %c0_i32_0 = arith.constant 0 : i32
    return %arg0, %c0_i32 : i32, i32
  }
  func.func @transform_1(%arg0: i32) -> (i32, i32) {
    %c0_i32 = arith.constant 0 : i32
    %c0_i32_0 = arith.constant 0 : i32
    return %arg0, %c0_i32 : i32, i32
  }
  func.func @transform_2(%arg0: i32) -> (i32, i32) {
    %c0_i32 = arith.constant 0 : i32
    %c0_i32_0 = arith.constant 0 : i32
    return %arg0, %c0_i32 : i32, i32
  }
  func.func @transform_3(%arg0: i32) -> (i32, i32) {
    %c0_i32 = arith.constant 0 : i32
    %c0_i32_0 = arith.constant 0 : i32
    return %arg0, %c0_i32 : i32, i32
  }
  func.func @transform_4(%arg0: i32) -> (i32, i32) {
    %c0_i32 = arith.constant 0 : i32
    %c0_i32_0 = arith.constant 0 : i32
    %c0_i32_1 = arith.constant 0 : i32
    return %c0_i32, %c0_i32_0 : i32, i32
  }
  func.func @transform_5(%arg0: i32) -> (i32, i32) {
    %c0_i32 = arith.constant 0 : i32
    %c0_i32_0 = arith.constant 0 : i32
    return %arg0, %c0_i32 : i32, i32
  }
}

</mosaic_0001>

<sc_bundles>
// kernel: kernel.4.cloned.1.call-start
scs
__scs_entry_jumppad:
0x0: {  	(pc) =	sbr.rel $0x88, $3  }
0x1: {  	(tag) =	ssettag $0x0;
	lr =	simm.s32 $0x1  }
0x2: {  	[smem:$0x3F9E] =	sst lr;
	_ =	strace $0xD0000000  }
0x3: {  	_ = 	snop  }
0x4: {  	_ = 	snop  }
0x5: {  	_ = 	snop  }
0x6: {  	_ = 	snop  }
0x7: {  	_ = 	snop  }
__scs_overlays_trampoline_lowered:
0x8: {  	[smem:$0x3FAD] =	sst s0  }
0x9: {  	[smem:$0x3FAE] =	sst s1  }
0xa: {  	[smem:$0x3FAF] =	sst s2  }
0xb: {  	[smem:$0x3FB0] =	sst s3  }
0xc: {  	[smem:$0x3FB1] =	sst s4  }
0xd: {  	[smem:$0x3FB2] =	sst s5  }
0xe: {  	[smem:$0x3FB3] =	sst s6  }
0xf: {  	[smem:$0x3FB4] =	sst s7  }
0x10: {  	[smem:$0x3FB5] =	sst s8  }
0x11: {  	[smem:$0x3FB6] =	sst s9;
	s0 =	simm.s32 @!p0 $0x0  }
0x12: {  	s1 =	sld [smem:$0x3F9C];
	s0 =	simm.s32 @p0 $0x1  }
0x13: {  	[smem:$0x3FB7] =	sst s0;
	s0 =	simm.s32 @!p1 $0x0  }
0x14: {  	s2 =	sld [smem:$0x3F9B];
	s0 =	simm.s32 @p1 $0x1  }
0x15: {  	[smem:$0x3FB8] =	sst s0;
	s0 =	simm.s32 @!p2 $0x0  }
0x16: {  	s3 =	sld [smem:$0x3FDB];
	s0 =	simm.s32 @p2 $0x1  }
0x17: {  	s4 =	simm.s32 $0x1BF5;
	[smem:$0x3FBA] =	sst s0  }
0x18: {  	s0 =	sld [smem:$0x3F9D];
	_ =	swait.ge [sflag:s4], $0x0  }
0x19: {  	s7 =	sld [smem:$0x3F9E]  }
0x1a: {  	s8 =	sadd.s32 $0xFFFFE003, lr  }
0x1b: {  	s9 =	sadd.s32 $0xFFFFFEF7, lr;
	s5 =	simm.s32 $0xFFFFFFFF;
	p2 =	slt.u32 s8, $0xFFFFF086  }
0x1c: {  	p1 =	slt.u32 s9, $0xF7A;
	s5 =	simm.s32 @!p2 $0x0  }
0x1d: {  	s5 =	simm.s32 @p1 $0x1;
	p0 =	seq.s32 s7, s2  }
0x1e: {  	s7 =	smul.u32 @!p0 $0xF7A, s2;
	p2 =	seq.s32 @!p0 s5, $0x0  }
0x1f: {  	s9 =	smul.u32 $0xF7A, s1;
	s8 =	simm.s32 @!p0 $0x1BF5;
	p2 =	por !p2, p0  }
0x20: {  	[sflag:s8] =	ssyncset.s32 @!p0 $0xFFFFF086;
	s6 =	sadd.s32 @!p0 s3, s7;
	s7 =	simm.s32 @!p0 $0x108  }
0x21: {  	s3 =	sadd.s32 s3, s9;
	s6 =	sadd.s32 @!p0 $0x88, s6;
	s7 =	simm.s32 @p2 $0x1082  }
0x22: {  	[simem:s7], [sflag:s8] =	dma.local @!p0 [hbm:s6], $0xF7A  }
0x23: {  	s9 =	sor.u32 $0xD0000000, s2;
	s6 =	simm.s32 $0x108;
	_ =	swait.ge @!p0 [sflag:s8], $0x0  }
0x24: {  	s3 =	sadd.s32 $0x88, s3;
	s6 =	simm.s32 @!p1 $0x1082;
	[sflag:s4] =	ssyncset.s32 $0xFFFFF086  }
0x25: {  	[simem:s6], [sflag:s4] =	dma.local [hbm:s3], $0xF7A  }
0x26: {  	[smem:$0x3F9E] =	sst s1;
	(tag) =	ssettag s2;
	_ =	strace s9  }
0x27: {  	s1 =	sld [smem:$0x3FAE]  }
0x28: {  	s2 =	sld [smem:$0x3FAF]  }
0x29: {  	s4 =	sld [smem:$0x3FB1]  }
0x2a: {  	p0 =	seq.s32 s5, $0x0;
	s5 =	sld [smem:$0x3FB2]  }
0x2b: {  	s6 =	sld [smem:$0x3FB3]  }
0x2c: {  	s7 =	sld [smem:$0x3FB4]  }
0x2d: {  	s3 =	simm.s32 $0x108;
	s8 =	sld [smem:$0x3FB5]  }
0x2e: {  	s3 =	simm.s32 @!p0 $0x1082;
	s9 =	sld [smem:$0x3FB6]  }
0x2f: {  	lr =	sadd.s32 s0, s3;
	s0 =	sld [smem:$0x3FAD]  }
0x30: {  	s3 =	sld [smem:$0x3FB0]  }
0x31: {  	[smem:$0x3FB9] =	sst s10  }
0x32: {  	s10 =	sld [smem:$0x3FB7];
	_ =	sdelay $0x3  }
0x33: {  	p0 =	seq.s32 s10, $0x1;
	s10 =	sld [smem:$0x3FB9];
	_ =	sdelay $0x3  }
0x34: {  	[smem:$0x3FB9] =	sst s10  }
0x35: {  	s10 =	sld [smem:$0x3FB8];
	_ =	sdelay $0x3  }
0x36: {  	p1 =	seq.s32 s10, $0x1;
	s10 =	sld [smem:$0x3FB9];
	_ =	sdelay $0x3  }
0x37: {  	[smem:$0x3FB9] =	sst s10  }
0x38: {  	s10 =	sld [smem:$0x3FBA]  }
0x39: {  	_ = 	snop;
	(pc) =	sbr.ind lr, $3  }
0x3a: {  	_ = 	snop  }
0x3b: {  	_ = 	snop  }
0x3c: {  	p2 =	seq.s32 s10, $0x1;
	s10 =	sld [smem:$0x3FB9]  }
0x3d: {  	_ =	shalt  }
0x3e: {  	_ =	shalt  }
0x3f: {  	_ =	shalt  }
0x40: {  	_ =	shalt  }
0x41: {  	_ =	shalt  }
0x42: {  	_ =	shalt  }
0x43: {  	_ =	shalt  }
0x44: {  	_ =	shalt  }
0x45: {  	_ =	shalt  }
0x46: {  	_ =	shalt  }
0x47: {  	_ =	shalt  }
0x48: {  	_ =	shalt  }
0x49: {  	_ =	shalt  }
0x4a: {  	_ =	shalt  }
0x4b: {  	_ =	shalt  }
0x4c: {  	_ =	shalt  }
0x4d: {  	_ =	shalt  }
0x4e: {  	_ =	shalt  }
0x4f: {  	_ =	shalt  }
0x50: {  	_ =	shalt  }
0x51: {  	_ =	shalt  }
0x52: {  	_ =	shalt  }
0x53: {  	_ =	shalt  }
0x54: {  	_ =	shalt  }
0x55: {  	_ =	shalt  }
0x56: {  	_ =	shalt  }
0x57: {  	_ =	shalt  }
0x58: {  	_ =	shalt  }
0x59: {  	_ =	shalt  }
0x5a: {  	_ =	shalt  }
0x5b: {  	_ =	shalt  }
0x5c: {  	_ =	shalt  }
0x5d: {  	_ =	shalt  }
0x5e: {  	_ =	shalt  }
0x5f: {  	_ =	shalt  }
0x60: {  	_ =	shalt  }
0x61: {  	_ =	shalt  }
0x62: {  	_ =	shalt  }
0x63: {  	_ =	shalt  }
0x64: {  	_ =	shalt  }
0x65: {  	_ =	shalt  }
0x66: {  	_ =	shalt  }
0x67: {  	_ =	shalt  }
0x68: {  	_ =	shalt  }
0x69: {  	_ =	shalt  }
0x6a: {  	_ =	shalt  }
0x6b: {  	_ =	shalt  }
0x6c: {  	_ =	shalt  }
0x6d: {  	_ =	shalt  }
0x6e: {  	_ =	shalt  }
0x6f: {  	_ =	shalt  }
0x70: {  	_ =	shalt  }
0x71: {  	_ =	shalt  }
0x72: {  	_ =	shalt  }
0x73: {  	_ =	shalt  }
0x74: {  	_ =	shalt  }
0x75: {  	_ =	shalt  }
0x76: {  	_ =	shalt  }
0x77: {  	_ =	shalt  }
0x78: {  	_ =	shalt  }
0x79: {  	_ =	shalt  }
0x7a: {  	_ =	shalt  }
0x7b: {  	_ =	shalt  }
0x7c: {  	_ =	shalt  }
0x7d: {  	_ =	shalt  }
0x7e: {  	_ =	shalt  }
0x7f: {  	_ =	shalt  }
0x80: {  	_ =	shalt  }
0x81: {  	_ =	shalt  }
0x82: {  	_ =	shalt  }
0x83: {  	_ =	shalt  }
0x84: {  	_ =	shalt  }
0x85: {  	_ =	shalt  }
0x86: {  	_ =	shalt  }
0x87: {  	_ =	shalt  }
.Lfunc_end0:
.L_simem_size_0:
called_computation_lowered:
.L_overlay_start_0:
0x88: {  	s2 =	sld [smem:$0x3FD9]  }
0x89: {  	s3 =	sld [smem:$0x3FFE];
	_ =	sdelay $0x1  }
0x8a: {  	s1 =	srdreg.scid  }
0x8b: {  	s0 =	sand.u32 $0x1, s1  }
0x8c: {  	s17 =	sshll.u32 s0, $0xA;
	s2 =	sadd.s32 s3, s2  }
0x8d: {  	s2 =	sadd.s32 s2, s17  }
0x8e: {  	[smem:$0x3FC5] =	sst s2  }
0x8f: {  	_ = 	snop  }
0x90: {  	s2 =	sld [smem:$0x3FC9]  }
0x91: {  	s18 =	sld [smem:$0x3FD0];
	(tm) =	ssettm $0x1  }
0x92: {  	s4 =	sld [smem:$0x3FFB];
	_ =	sdelay $0x3  }
0x93: {  	_ =	strace s4  }
0x94: {  	s4 =	sld [smem:$0x3FFC];
	_ =	sdelay $0x3  }
0x95: {  	_ =	strace s4  }
0x96: {  	s4 =	sld [smem:$0x3FFD];
	_ =	sdelay $0x3  }
0x97: {  	_ =	strace s4  }
0x98: {  	_ =	strace $0x8FFFFFFF  }
0x99: {  	s19 =	sld [smem:$0x3FDB];
	_ =	sdelay $0x1  }
0x9a: {  	s5 =	simm.s32 $_scs_section_size  }
0x9b: {  	s6 =	simm.s32 $_size__tile_overlayer_lowered;
	s7 =	simm.s32 $_tile_overlayer_lowered  }
0x9c: {  	s22 =	simm.s32 $0x1BFF;
	s21 =	sshll.u32 s7, $0x1;
	s4 =	sadd.s32 s5, s19  }
0x9d: {  	s8 =	simm.s32 $0x0;
	s20 =	sshll.u32 s6, $0x1;
	s6 =	sadd.s32 s21, s4  }
0x9e: {  	[timem:s8], [sflag:s22] =	dma.local [hbm:s6], s20  }
0x9f: {  	_ =	swait.ge [sflag:s22], s20  }
0xa0: {  	s5 =	ssub.s32 $0x0, s20;
	[sflag:s22] =	ssyncset.done $0x0  }
0xa1: {  	[sflag:s22] =	ssyncadd.s32 s5;
	_ =	sdelay $0x1  }
0xa2: {  	s23 =	simm.s32 $0x1B8B  }
0xa3: {  	_ =	swait.ge [sflag:s23], $0x1  }
0xa4: {  	[sflag:s23] =	ssyncset.done $0x0  }
0xa5: {  	s25 =	simm.s32 $0x1B8E;
	s24 =	sld [smem:$0x3FFE];
	[sflag:s23] =	ssyncadd.s32 $0xFFFFFFFF  }
0xa6: {  	s26 =	simm.s32 $execute0_lowered;
	[smem:$0x3FD2] =	sst s25  }
0xa7: {  	s6 =	sshll.u32 s26, $0x1;
	_ =	strace $0x80000046;
	[dreg:$0x1] =	wrdreg $0xFFFFFFFF  }
0xa8: {  	s28 =	simm.s32 $_size_execute0_lowered;
	s4 =	sadd.s32 s4, s6;
	[dreg:$0x0] =	wrdreg $0x0  }
0xa9: {  	s6 =	sshll.u32 s28, $0x1;
	[dreg:$0x2] =	wrdreg s4  }
0xaa: {  	[dreg:$0x3] =	wrdreg s6  }
0xab: {  	[dreg:$0x4] =	wrdreg $0xC0  }
0xac: {  	_ =	task [dreg:s8], $0x5FFFF  }
0xad: {  	[dreg:$0x1] =	wrdreg $0xFFFFFFFF  }
0xae: {  	[dreg:$0x0] =	wrdreg $0x60  }
0xaf: {  	[dreg:$0x2] =	wrdreg s2  }
0xb0: {  	[dreg:$0x3] =	wrdreg s24  }
0xb1: {  	[dreg:$0x4] =	wrdreg s18  }
0xb2: {  	[dreg:$0x5] =	wrdreg $0x0  }
0xb3: {  	[dreg:$0x6] =	wrdreg $0x9  }
0xb4: {  	_ =	task.clear_ibuf [dreg:s8], $0x7FFFF;
	_ =	strace $0x90000046  }
0xb5: {  	s29 =	simm.s32 $0x9;
	_ =	strace $0x80000048  }
0xb6: {  	_ =	swait.ge [sflag:s29], $0x1  }
0xb7: {  	[sflag:s29] =	ssyncadd.s32 $0xFFFFFFFF  }
0xb8: {  	_ =	strace $0x90000048  }
0xb9: {  	_ =	sfence  }
0xba: {  	s30 =	sld [smem:$0x0];
	_ =	sdelay $0x2  }
0xbb: {  	s31 =	sshll.u32 s1, $0xD;
	s1 =	sshrl.u32 s1, $0x2  }
0xbc: {  	s3 =	sand.u32 $0x4000, s31;
	s1 =	sadd.s32 s1, s30  }
0xbd: {  	s0 =	sor.u32 s3, s0;
	s1 =	sshll.u32 s1, $0x11  }
0xbe: {  	s0 =	sor.u32 s1, s0  }
0xbf: {  	s0 =	sadd.s32 $0x8F2B, s0  }
0xc0: {  	[sflag:s0] =	ssyncadd.remote.s32 $0x1  }
0xc1: {  	_ =	sfence.sel $0xFFFF  }
0xc2: {  	[dreg:$0x0] =	wrdreg $0xFFFFFFFF;
	(pc) =	sbr.abs _section_cstart, $3  }
0xc3: {  	[dreg:$0x1] =	wrdreg $0xFFFFFFFF  }
0xc4: {  	_ =	task.clear_ibuf [dreg:s8], $0x2FFFF;
	_ =	strace $0x9FFFFFFF  }
0xc5: {  	(tm) =	ssettm $0x7FFFFFFF  }
tec
execute0_lowered:
.L_overlay_start_1:
0x0: {  	(tag) =	ssettag $0x1  }
0x1: {  	s1 =	rddreg [dreg:$0x0]  }
0x2: {  	s0 =	rddreg [dreg:$0x1]  }
0x3: {  	s2 =	rddreg [dreg:$0x2]  }
0x4: {  	s3 =	rddreg [dreg:$0x3];
	s5 =	srdreg.scid  }
0x5: {  	s16 =	stileid.u32;
	s4 =	simm.s32 $0x0;
	s28 =	simm.s32 $0x14000  }
0x6: {  	s29 =	simm.s32 $0x80;
	s30 =	simm.s32 $0x1;
	s31 =	simm.s32 $0x14700  }
0x7: {  	s5 =	sand.u32 $0x1, s5;
	s6 =	smul.u32 $0x280, s16;
	[smem:$0x7FF] =	sst s4  }
0x8: {  	s8 =	sadd.s32 $0xB000, s0;
	s9 =	sadd.s32 $0x1000, s0;
	s11 =	smul.u32 $0x50000, s16  }
0x9: {  	s10 =	sadd.s32 $0x15800, s0;
	s12 =	sadd.s32 $0x15000, s0;
	s15 =	smul.u32 $0x2800, s16  }
0xa: {  	s7 =	smul.u32 $0x2800, s5;
	_ =	strace $0x80000047;
	[dreg:$0xa] =	wrdreg s10  }
0xb: {  	s21 =	ssub.s32 $0x2, s5;
	[dreg:$0xb] =	wrdreg s12;
	p0 =	sne.s32 s5, $0x0  }
0xc: {  	s5 =	simm.s32 $0x0;
	s22 =	sshrl.u32 s21, $0x1;
	s23 =	sshrl.u32 s11, $0x2  }
0xd: {  	s24 =	sadd.s32 $0x80, s6;
	s26 =	sadd.s32 $0x100, s6;
	s13 =	sadd.s32 $0x180, s6  }
0xe: {  	s20 =	sadd.s32 s2, s15;
	s11 =	simm.s32 $0x14A00;
	s7 =	sadd.s32 s6, s7  }
0xf: {  	s23 =	sadd.s32 s23, s3;
	s25 =	sshll.u32 s24, $0x7;
	s17 =	sshll.u32 s26, $0x7  }
0x10: {  	s14 =	sshll.u32 s13, $0x7;
	s6 =	sadd.s32 $0x200, s6;
	[dreg:$0x11] =	wrdreg s20  }
0x11: {  	s20 =	smul.u32 $0xA00, s16;
	s7 =	sshll.u32 s7, $0x4;
	s10 =	sadd.s32 s17, s3  }
0x12: {  	s18 =	sadd.s32 s14, s3;
	s19 =	sshll.u32 s6, $0x7;
	[dreg:$0xc] =	wrdreg s23  }
0x13: {  	s6 =	sshll.u32 s6, $0x4;
	s0 =	sadd.s32 s7, s0;
	[dreg:$0xe] =	wrdreg s10  }
0x14: {  	s7 =	ssub.s32 s21, s22;
	s21 =	sadd.s32 s25, s3;
	[dreg:$0xf] =	wrdreg s18  }
0x15: {  	s10 =	sadd.s32 s19, s3;
	s22 =	sshll.u32 s24, $0x4;
	s24 =	sshll.u32 s26, $0x4  }
0x16: {  	s25 =	smul.u32 $0x300, s16;
	s26 =	sshll.u32 s13, $0x4;
	[dreg:$0x10] =	wrdreg s10  }
0x17: {  	s13 =	smul.u32 $0x700, s16;
	s10 =	sadd.s32 s2, s22;
	[dreg:$0xd] =	wrdreg s21  }
0x18: {  	s16 =	simm.s32 $0x14880;
	s14 =	sadd.s32 $0x16000, s0;
	[dreg:$0x12] =	wrdreg s10  }
0x19: {  	s17 =	sadd.s32 $0x16800, s0;
	s22 =	sadd.s32 $0x17000, s0;
	[dreg:$0x16] =	wrdreg s14  }
0x1a: {  	s10 =	sadd.s32 s2, s24;
	s12 =	sadd.s32 s25, s9;
	[dreg:$0x17] =	wrdreg s17  }
0x1b: {  	s18 =	sadd.s32 s13, s8;
	s19 =	sadd.s32 s13, s9;
	[dreg:$0x18] =	wrdreg s22  }
0x1c: {  	s24 =	sadd.s32 $0x17800, s0;
	s0 =	sadd.s32 $0x18000, s0;
	[dreg:$0x13] =	wrdreg s10  }
0x1d: {  	s13 =	simm.s32 $0x14080;
	s14 =	simm.s32 $0x4;
	[dreg:$0x7] =	wrdreg s18  }
0x1e: {  	s17 =	simm.s32 $0x14C00;
	s22 =	simm.s32 $0x14600;
	[dreg:$0x8] =	wrdreg s19  }
0x1f: {  	s10 =	sadd.s32 s2, s26;
	s2 =	sadd.s32 s2, s6;
	[dreg:$0x19] =	wrdreg s24  }
0x20: {  	s15 =	sadd.s32 $0x7000, s12;
	[dreg:$0x1a] =	wrdreg s0;
	s26 =	sadd.s32 s20, s9  }
0x21: {  	s24 =	simm.s32 $0x15000;
	s0 =	simm.s32 $0x19000;
	s6 =	simm.s32 $0x3  }
0x22: {  	s20 =	simm.s32 $0x14900;
	s18 =	simm.s32 $0x14580;
	[dreg:$0x14] =	wrdreg s10  }
0x23: {  	s9 =	simm.s32 $0x14680;
	s19 =	simm.s32 $0x14780;
	[dreg:$0x15] =	wrdreg s2  }
.Ltmp0:
0x24: {  	s12 =	simm.s32 $0x14F80;
	[dreg:$0x6] =	wrdreg s15;
	(pc) =	sbr.rel .LBB2_1-.Ltmp0, $4  }
0x25: {  	s10 =	sadd.s32 s25, s8;
	s25 =	smax.u32 s7, $0x1;
	[dreg:$0x9] =	wrdreg s26  }
0x26: {  	s26 =	simm.s32 $0x14800;
	s7 =	simm.s32 $0x14980;
	s15 =	simm.s32 $0x14A80  }
0x27: {  	s2 =	sadd.s32 $0x7000, s10;
	[dreg:$0x1b] =	wrdreg s25;
	s25 =	simm.s32 $0x5  }
0x28: {  	s10 =	simm.s32 $0x14B80;
	[dreg:$0x5] =	wrdreg s2;
	s2 =	simm.s32 $0x2  }
.LBB2_11:
0x29: {  	s8 =	sadd.s32 s8, s13;
	[sflag:s6] =	ssyncadd.s32 $0xFFFFC000  }
0x2a: {  	[tilespmem:s26], [sflag:$0x5] =	stream.linear.gather [hbm4b:s8+s4], $0x800, $0x38;
	[tilespmem:$0x1D000] =	vst v63  }
0x2b: {  	_ =	swait.ge [sflag:s25], $0x800  }
0x2c: {  	[sflag:s25] =	ssyncset.done $0x0  }
0x2d: {  	[sflag:s25] =	ssyncadd.s32 $0xFFFFF800  }
0x2e: {  	[spmem:s3] =	stream.indirect.scatter.add.f32 [tilespmem:s24], [sflag:$0x3], $0x80, s26, s29, $0xb8;
	[tilespmem:$0x1D000] =	vst v63  }
0x2f: {  	_ = 	snop  }
0x30: {  	[spmem:s3] =	stream.indirect.scatter.add.f32 [tilespmem:s24], [sflag:$0x3], $0x80, s16, s29, $0xb8;
	[tilespmem:$0x1D000] =	vst v63  }
0x31: {  	_ = 	snop  }
0x32: {  	[spmem:s3] =	stream.indirect.scatter.add.f32 [tilespmem:s24], [sflag:$0x3], $0x80, s20, s29, $0xb8;
	[tilespmem:$0x1D000] =	vst v63  }
0x33: {  	_ = 	snop  }
0x34: {  	[spmem:s3] =	stream.indirect.scatter.add.f32 [tilespmem:s24], [sflag:$0x3], $0x80, s7, s29, $0xb8;
	[tilespmem:$0x1D000] =	vst v63  }
0x35: {  	_ = 	snop  }
0x36: {  	[spmem:s3] =	stream.indirect.scatter.add.f32 [tilespmem:s24], [sflag:$0x3], $0x80, s11, s29, $0xb8;
	[tilespmem:$0x1D000] =	vst v63  }
0x37: {  	_ = 	snop  }
0x38: {  	[spmem:s3] =	stream.indirect.scatter.add.f32 [tilespmem:s24], [sflag:$0x3], $0x80, s15, s29, $0xb8;
	[tilespmem:$0x1D000] =	vst v63  }
0x39: {  	_ = 	snop  }
0x3a: {  	[spmem:s3] =	stream.indirect.scatter.add.f32 [tilespmem:s24], [sflag:$0x3], $0x80, s5, s29, $0xb8;
	[tilespmem:$0x1D000] =	vst v63  }
0x3b: {  	_ = 	snop  }
0x3c: {  	[spmem:s3] =	stream.indirect.scatter.add.f32 [tilespmem:s24], [sflag:$0x3], $0x80, s10, s29, $0xb8;
	[tilespmem:$0x1D000] =	vst v63  }
0x3d: {  	_ = 	snop  }
0x3e: {  	[spmem:s3] =	stream.indirect.scatter.add.f32 [tilespmem:s24], [sflag:$0x3], $0x80, s17, s29, $0xb8;
	[tilespmem:$0x1D000] =	vst v63  }
0x3f: {  	_ = 	snop  }
0x40: {  	[spmem:s3] =	stream.indirect.scatter.add.f32 [tilespmem:s24], [sflag:$0x3], $0x80, s18, s29, $0xb8;
	[tilespmem:$0x1D000] =	vst v63  }
0x41: {  	_ = 	snop  }
0x42: {  	[spmem:s3] =	stream.indirect.scatter.add.f32 [tilespmem:s24], [sflag:$0x3], $0x80, s22, s29, $0xb8;
	[tilespmem:$0x1D000] =	vst v63  }
0x43: {  	_ = 	snop  }
0x44: {  	[spmem:s3] =	stream.indirect.scatter.add.f32 [tilespmem:s24], [sflag:$0x3], $0x80, s9, s29, $0xb8;
	[tilespmem:$0x1D000] =	vst v63  }
0x45: {  	_ = 	snop  }
0x46: {  	[spmem:s3] =	stream.indirect.scatter.add.f32 [tilespmem:s24], [sflag:$0x3], $0x80, s31, s29, $0xb8;
	[tilespmem:$0x1D000] =	vst v63  }
0x47: {  	_ = 	snop  }
0x48: {  	[spmem:s3] =	stream.indirect.scatter.add.f32 [tilespmem:s24], [sflag:$0x3], $0x80, s19, s29, $0xb8;
	[tilespmem:$0x1D000] =	vst v63  }
0x49: {  	_ = 	snop  }
0x4a: {  	[spmem:s3] =	stream.indirect.scatter.add.f32 [tilespmem:s24], [sflag:$0x3], $0x80, s12, s29, $0xb8;
	[tilespmem:$0x1D000] =	vst v63  }
0x4b: {  	_ = 	snop  }
0x4c: {  	[spmem:s3] =	stream.indirect.scatter.add.f32 [tilespmem:s24], [sflag:$0x3], $0x80, s28, s29, $0xb8;
	[tilespmem:$0x1D000] =	vst v63  }
0x4d: {  	_ =	swait.ge [sflag:s6], $0x4000  }
0x4e: {  	[sflag:s6] =	ssyncset.done $0x0  }
0x4f: {  	[sflag:s6] =	ssyncadd.s32 $0xFFFFC000  }
0x50: {  	_ =	swait.ge [sflag:s6], $0x4000  }
0x51: {  	[sflag:s6] =	ssyncset.done $0x0  }
0x52: {  	[sflag:s6] =	ssyncadd.s32 $0xFFFFC000  }
0x53: {  	_ =	swait.ge [sflag:s6], $0x4000  }
0x54: {  	[sflag:s6] =	ssyncset.done $0x0  }
0x55: {  	[sflag:s6] =	ssyncadd.s32 $0xFFFFC000  }
0x56: {  	_ =	swait.ge [sflag:s6], $0x4000  }
0x57: {  	[sflag:s6] =	ssyncset.done $0x0  }
0x58: {  	[sflag:s6] =	ssyncadd.s32 $0xFFFFC000  }
0x59: {  	_ =	swait.ge [sflag:s6], $0x4000  }
0x5a: {  	[sflag:s6] =	ssyncset.done $0x0  }
0x5b: {  	[sflag:s6] =	ssyncadd.s32 $0xFFFFC000  }
0x5c: {  	_ =	swait.ge [sflag:s6], $0x4000  }
0x5d: {  	[sflag:s6] =	ssyncset.done $0x0  }
0x5e: {  	[sflag:s6] =	ssyncadd.s32 $0xFFFFC000  }
0x5f: {  	_ =	swait.ge [sflag:s6], $0x4000  }
0x60: {  	[sflag:s6] =	ssyncset.done $0x0  }
0x61: {  	[sflag:s6] =	ssyncadd.s32 $0xFFFFC000  }
0x62: {  	_ =	swait.ge [sflag:s6], $0x4000  }
0x63: {  	[sflag:s6] =	ssyncset.done $0x0  }
0x64: {  	[sflag:s6] =	ssyncadd.s32 $0xFFFFC000  }
0x65: {  	_ =	swait.ge [sflag:s6], $0x4000  }
0x66: {  	[sflag:s6] =	ssyncset.done $0x0  }
0x67: {  	[sflag:s6] =	ssyncadd.s32 $0xFFFFC000  }
0x68: {  	_ =	swait.ge [sflag:s6], $0x4000  }
0x69: {  	[sflag:s6] =	ssyncset.done $0x0  }
0x6a: {  	[sflag:s6] =	ssyncadd.s32 $0xFFFFC000  }
0x6b: {  	_ =	swait.ge [sflag:s6], $0x4000  }
0x6c: {  	[sflag:s6] =	ssyncset.done $0x0  }
0x6d: {  	[sflag:s6] =	ssyncadd.s32 $0xFFFFC000  }
0x6e: {  	_ =	swait.ge [sflag:s6], $0x4000  }
0x6f: {  	[sflag:s6] =	ssyncset.done $0x0  }
0x70: {  	[sflag:s6] =	ssyncadd.s32 $0xFFFFC000  }
0x71: {  	_ =	swait.ge [sflag:s6], $0x4000  }
0x72: {  	[sflag:s6] =	ssyncset.done $0x0  }
0x73: {  	[sflag:s6] =	ssyncadd.s32 $0xFFFFC000  }
0x74: {  	_ =	swait.ge [sflag:s6], $0x4000  }
0x75: {  	[sflag:s6] =	ssyncset.done $0x0  }
0x76: {  	[sflag:s6] =	ssyncadd.s32 $0xFFFFC000  }
0x77: {  	_ =	swait.ge [sflag:s6], $0x4000  }
0x78: {  	[sflag:s6] =	ssyncset.done $0x0  }
0x79: {  	[sflag:s6] =	ssyncadd.s32 $0xFFFFC000  }
0x7a: {  	_ =	swait.ge [sflag:s6], $0x4000  }
0x7b: {  	[sflag:s6] =	ssyncset.done $0x0  }
0x7c: {  	[sflag:s6] =	ssyncadd.s32 $0xFFFFC000  }
0x7d: {  	[bflag:$0x0] =	sbarrier.arrive $0xFFFF  }
0x7e: {  	s23 =	rddreg [dreg:$0xc]  }
0x7f: {  	[tilespmem:s24], [sflag:$0x5] =	stream.linear.gather [spmem:s23], $0x4000, $0x38;
	[tilespmem:$0x1D000] =	vst v63  }
0x80: {  	_ =	swait.ge [sflag:s25], $0x4000  }
0x81: {  	[sflag:s25] =	ssyncset.done $0x0  }
0x82: {  	s22 =	rddreg [dreg:$0x11];
	[sflag:s25] =	ssyncadd.s32 $0xFFFFC000  }
0x83: {  	[hbm4b:s22+s4] =	stream.linear.scatter [tilespmem:s24], [sflag:$0x5], $0x4000, $0x38;
	[tilespmem:$0x1D000] =	vst v63  }
0x84: {  	_ =	swait.ge [sflag:s25], $0x4000  }
0x85: {  	[sflag:s25] =	ssyncset.done $0x0  }
0x86: {  	s21 =	rddreg [dreg:$0xd];
	[sflag:s25] =	ssyncadd.s32 $0xFFFFC000  }
0x87: {  	[tilespmem:s24], [sflag:$0x5] =	stream.linear.gather [spmem:s21], $0x4000, $0x38;
	[tilespmem:$0x1D000] =	vst v63  }
0x88: {  	_ =	swait.ge [sflag:s25], $0x4000  }
0x89: {  	[sflag:s25] =	ssyncset.done $0x0  }
0x8a: {  	s5 =	rddreg [dreg:$0x12];
	[sflag:s25] =	ssyncadd.s32 $0xFFFFC000  }
0x8b: {  	[hbm4b:s5+s4] =	stream.linear.scatter [tilespmem:s24], [sflag:$0x5], $0x4000, $0x38;
	[tilespmem:$0x1D000] =	vst v63  }
0x8c: {  	_ =	swait.ge [sflag:s25], $0x4000  }
0x8d: {  	[sflag:s25] =	ssyncset.done $0x0  }
0x8e: {  	s9 =	rddreg [dreg:$0xe];
	[sflag:s25] =	ssyncadd.s32 $0xFFFFC000  }
0x8f: {  	[tilespmem:s24], [sflag:$0x5] =	stream.linear.gather [spmem:s9], $0x4000, $0x38;
	[tilespmem:$0x1D000] =	vst v63  }
0x90: {  	_ =	swait.ge [sflag:s25], $0x4000  }
0x91: {  	[sflag:s25] =	ssyncset.done $0x0  }
0x92: {  	s12 =	rddreg [dreg:$0x13];
	[sflag:s25] =	ssyncadd.s32 $0xFFFFC000  }
0x93: {  	[hbm4b:s12+s4] =	stream.linear.scatter [tilespmem:s24], [sflag:$0x5], $0x4000, $0x38;
	[tilespmem:$0x1D000] =	vst v63  }
0x94: {  	_ =	swait.ge [sflag:s25], $0x4000  }
0x95: {  	[sflag:s25] =	ssyncset.done $0x0  }
0x96: {  	s13 =	rddreg [dreg:$0xf];
	[sflag:s25] =	ssyncadd.s32 $0xFFFFC000  }
0x97: {  	[tilespmem:s24], [sflag:$0x5] =	stream.linear.gather [spmem:s13], $0x4000, $0x38;
	[tilespmem:$0x1D000] =	vst v63  }
0x98: {  	_ =	swait.ge [sflag:s25], $0x4000  }
0x99: {  	[sflag:s25] =	ssyncset.done $0x0  }
0x9a: {  	s18 =	rddreg [dreg:$0x14];
	[sflag:s25] =	ssyncadd.s32 $0xFFFFC000  }
0x9b: {  	[hbm4b:s18+s4] =	stream.linear.scatter [tilespmem:s24], [sflag:$0x5], $0x4000, $0x38;
	[tilespmem:$0x1D000] =	vst v63  }
0x9c: {  	_ =	swait.ge [sflag:s25], $0x4000  }
0x9d: {  	[sflag:s25] =	ssyncset.done $0x0  }
0x9e: {  	s19 =	rddreg [dreg:$0x10];
	[sflag:s25] =	ssyncadd.s32 $0xFFFFC000  }
0x9f: {  	[tilespmem:s24], [sflag:$0x5] =	stream.linear.gather [spmem:s19], $0x4000, $0x38;
	[tilespmem:$0x1D000] =	vst v63  }
0xa0: {  	_ =	swait.ge [sflag:s25], $0x4000  }
0xa1: {  	s31 =	simm.s32 $0x14700;
	s28 =	simm.s32 $0x14000;
	[sflag:s25] =	ssyncset.done $0x0  }
0xa2: {  	s9 =	simm.s32 $0x14680;
	s22 =	rddreg [dreg:$0x15];
	[sflag:s25] =	ssyncadd.s32 $0xFFFFC000  }
0xa3: {  	[hbm4b:s22+s4] =	stream.linear.scatter [tilespmem:s24], [sflag:$0x5], $0x4000, $0x38;
	[tilespmem:$0x1D000] =	vst v63  }
0xa4: {  	s12 =	simm.s32 $0x14F80;
	s13 =	simm.s32 $0x14080;
	_ =	swait.ge [sflag:s25], $0x4000  }
0xa5: {  	s18 =	simm.s32 $0x14580;
	s19 =	simm.s32 $0x14780;
	[sflag:s25] =	ssyncset.done $0x0  }
0xa6: {  	s22 =	simm.s32 $0x14600;
	s5 =	rddreg [dreg:$0x1c];
	[sflag:s25] =	ssyncadd.s32 $0xFFFFC000  }
.LBB2_12:
0xa7: {  	s5 =	sadd.s32 $0x1, s5;
	s8 =	rddreg [dreg:$0x1b]  }
0xa8: {  	p1 =	sne.s32 s5, s8  }
.Ltmp1:
0xa9: {  	_ = 	snop;
	(pc) =	sbr.rel @!p1 .LBB2_13-.Ltmp1, $1  }
0xaa: {  	_ =	sdelay $0x3  }
.LBB2_1:
0xab: {  	[dreg:$0x1c] =	wrdreg s5  }
0xac: {  	s8 =	rddreg [dreg:$0xa]  }
0xad: {  	[tilespmem:s24], [sflag:$0x5] =	stream.linear.gather [hbm4b:s8+s4], $0x4000, $0x38;
	[tilespmem:$0x1D000] =	vst v63  }
0xae: {  	_ =	swait.ge [sflag:s25], $0x4000  }
0xaf: {  	[sflag:s25] =	ssyncset.done $0x0  }
0xb0: {  	[sflag:s25] =	ssyncadd.s32 $0xFFFFC000  }
0xb1: {  	[spmem:s23] =	stream.linear.scatter [tilespmem:s24], [sflag:$0x5], $0x4000, $0x38;
	[tilespmem:$0x1D000] =	vst v63  }
0xb2: {  	_ =	swait.ge [sflag:s25], $0x4000  }
0xb3: {  	[sflag:s25] =	ssyncset.done $0x0  }
0xb4: {  	[sflag:s25] =	ssyncadd.s32 $0xFFFFC000  }
0xb5: {  	[spmem:s21] =	stream.linear.scatter [tilespmem:s24], [sflag:$0x5], $0x4000, $0x38;
	[tilespmem:$0x1D000] =	vst v63  }
0xb6: {  	_ =	swait.ge [sflag:s25], $0x4000  }
0xb7: {  	[sflag:s25] =	ssyncset.done $0x0  }
0xb8: {  	s5 =	rddreg [dreg:$0xe];
	[sflag:s25] =	ssyncadd.s32 $0xFFFFC000  }
0xb9: {  	[spmem:s5] =	stream.linear.scatter [tilespmem:s24], [sflag:$0x5], $0x4000, $0x38;
	[tilespmem:$0x1D000] =	vst v63  }
0xba: {  	_ =	swait.ge [sflag:s25], $0x4000  }
0xbb: {  	[sflag:s25] =	ssyncset.done $0x0  }
0xbc: {  	s21 =	rddreg [dreg:$0xf];
	[sflag:s25] =	ssyncadd.s32 $0xFFFFC000  }
0xbd: {  	[spmem:s21] =	stream.linear.scatter [tilespmem:s24], [sflag:$0x5], $0x4000, $0x38;
	[tilespmem:$0x1D000] =	vst v63  }
0xbe: {  	_ =	swait.ge [sflag:s25], $0x4000  }
0xbf: {  	[sflag:s25] =	ssyncset.done $0x0  }
0xc0: {  	s23 =	rddreg [dreg:$0x10];
	[sflag:s25] =	ssyncadd.s32 $0xFFFFC000  }
0xc1: {  	[spmem:s23] =	stream.linear.scatter [tilespmem:s24], [sflag:$0x5], $0x4000, $0x38;
	[tilespmem:$0x1D000] =	vst v63  }
.Ltmp2:
0xc2: {  	_ =	swait.ge [sflag:s25], $0x4000;
	(pc) =	sbr.rel @p0 .LBB2_5-.Ltmp2, $3  }
0xc3: {  	[sflag:s25] =	ssyncset.done $0x0  }
0xc4: {  	[sflag:s25] =	ssyncadd.s32 $0xFFFFC000  }
0xc5: {  	[bflag:$0x0] =	sbarrier.arrive $0xFFFF;
	_ =	sdelay $0x1  }
0xc6: {  	s8 =	rddreg [dreg:$0x8]  }
0xc7: {  	s8 =	sadd.s32 $0x0, s8  }
0xc8: {  	[tilespmem:s26], [sflag:$0x5] =	stream.linear.gather [hbm4b:s8+s4], $0x800, $0x38;
	[tilespmem:$0x1D000] =	vst v63  }
0xc9: {  	_ =	swait.ge [sflag:s25], $0x800  }
0xca: {  	s20 =	rddreg [dreg:$0x7];
	[sflag:s25] =	ssyncset.done $0x0  }
0xcb: {  	[sflag:s25] =	ssyncadd.s32 $0xFFFFF800;
	s8 =	sadd.s32 $0x0, s20  }
0xcc: {  	[tilespmem:s28], [sflag:$0x5] =	stream.linear.gather [hbm4b:s8+s4], $0x800, $0x38;
	[tilespmem:$0x1D000] =	vst v63  }
0xcd: {  	_ =	swait.ge [sflag:s25], $0x800  }
0xce: {  	[sflag:s25] =	ssyncset.done $0x0  }
0xcf: {  	[sflag:s25] =	ssyncadd.s32 $0xFFFFF800  }
0xd0: {  	[tilespmem:s24], [sflag:$0x1] =	stream.indirect.gather [hbm4b:s1+s29], $0x80, s28, s29, $0xb8;
	[tilespmem:$0x1D000] =	vst v63  }
0xd1: {  	_ =	swait.ge [sflag:s30], $0x4000  }
0xd2: {  	[sflag:s30] =	ssyncset.done $0x0  }
0xd3: {  	[sflag:s30] =	ssyncadd.s32 $0xFFFFC000  }
0xd4: {  	[tilespmem:s0], [sflag:$0x2] =	stream.indirect.gather [hbm4b:s1+s29], $0x80, s13, s29, $0xb8;
	[tilespmem:$0x1D000] =	vst v63  }
0xd5: {  	_ = 	snop  }
0xd6: {  	[spmem:s3] =	stream.indirect.scatter.add.f32 [tilespmem:s24], [sflag:$0x3], $0x80, s26, s29, $0xb8;
	[tilespmem:$0x1D000] =	vst v63  }
0xd7: {  	_ =	swait.ge [sflag:s2], $0x4000  }
0xd8: {  	[sflag:s2] =	ssyncset.done $0x0  }
0xd9: {  	[sflag:s2] =	ssyncadd.s32 $0xFFFFC000  }
0xda: {  	_ =	swait.ge [sflag:s6], $0x4000  }
0xdb: {  	[sflag:s6] =	ssyncset.done $0x0  }
0xdc: {  	s16 =	simm.s32 $0x14100;
	[sflag:s6] =	ssyncadd.s32 $0xFFFFC000  }
0xdd: {  	[tilespmem:s24], [sflag:$0x1] =	stream.indirect.gather [hbm4b:s1+s29], $0x80, s16, s29, $0xb8;
	[tilespmem:$0x1D000] =	vst v63  }
0xde: {  	s12 =	simm.s32 $0x14880  }
0xdf: {  	[spmem:s3] =	stream.indirect.scatter.add.f32 [tilespmem:s0], [sflag:$0x4], $0x80, s12, s29, $0xb8;
	[tilespmem:$0x1D000] =	vst v63  }
0xe0: {  	_ =	swait.ge [sflag:s30], $0x4000  }
0xe1: {  	[sflag:s30] =	ssyncset.done $0x0  }
0xe2: {  	[sflag:s30] =	ssyncadd.s32 $0xFFFFC000  }
0xe3: {  	_ =	swait.ge [sflag:s14], $0x4000  }
0xe4: {  	[sflag:s14] =	ssyncset.done $0x0  }
0xe5: {  	s7 =	simm.s32 $0x14180;
	[sflag:s14] =	ssyncadd.s32 $0xFFFFC000  }
0xe6: {  	[tilespmem:s0], [sflag:$0x2] =	stream.indirect.gather [hbm4b:s1+s29], $0x80, s7, s29, $0xb8;
	[tilespmem:$0x1D000] =	vst v63  }
0xe7: {  	s18 =	simm.s32 $0x14900  }
0xe8: {  	[spmem:s3] =	stream.indirect.scatter.add.f32 [tilespmem:s24], [sflag:$0x3], $0x80, s18, s29, $0xb8;
	[tilespmem:$0x1D000] =	vst v63  }
0xe9: {  	_ =	swait.ge [sflag:s2], $0x4000  }
0xea: {  	[sflag:s2] =	ssyncset.done $0x0  }
0xeb: {  	[sflag:s2] =	ssyncadd.s32 $0xFFFFC000  }
0xec: {  	_ =	swait.ge [sflag:s6], $0x4000  }
0xed: {  	[sflag:s6] =	ssyncset.done $0x0  }
0xee: {  	s15 =	simm.s32 $0x14200;
	[sflag:s6] =	ssyncadd.s32 $0xFFFFC000  }
0xef: {  	[tilespmem:s24], [sflag:$0x1] =	stream.indirect.gather [hbm4b:s1+s29], $0x80, s15, s29, $0xb8;
	[tilespmem:$0x1D000] =	vst v63  }
0xf0: {  	s21 =	simm.s32 $0x14980  }
0xf1: {  	[spmem:s3] =	stream.indirect.scatter.add.f32 [tilespmem:s0], [sflag:$0x4], $0x80, s21, s29, $0xb8;
	[tilespmem:$0x1D000] =	vst v63  }
0xf2: {  	_ =	swait.ge [sflag:s30], $0x4000  }
0xf3: {  	[sflag:s30] =	ssyncset.done $0x0  }
0xf4: {  	[sflag:s30] =	ssyncadd.s32 $0xFFFFC000  }
0xf5: {  	_ =	swait.ge [sflag:s14], $0x4000  }
0xf6: {  	[sflag:s14] =	ssyncset.done $0x0  }
0xf7: {  	s19 =	simm.s32 $0x14280;
	[sflag:s14] =	ssyncadd.s32 $0xFFFFC000  }
0xf8: {  	[tilespmem:s0], [sflag:$0x2] =	stream.indirect.gather [hbm4b:s1+s29], $0x80, s19, s29, $0xb8;
	[tilespmem:$0x1D000] =	vst v63  }
0xf9: {  	s11 =	simm.s32 $0x14A00  }
0xfa: {  	[spmem:s3] =	stream.indirect.scatter.add.f32 [tilespmem:s24], [sflag:$0x3], $0x80, s11, s29, $0xb8;
	[tilespmem:$0x1D000] =	vst v63  }
0xfb: {  	_ =	swait.ge [sflag:s2], $0x4000  }
0xfc: {  	[sflag:s2] =	ssyncset.done $0x0  }
0xfd: {  	[sflag:s2] =	ssyncadd.s32 $0xFFFFC000  }
0xfe: {  	_ =	swait.ge [sflag:s6], $0x4000  }
0xff: {  	[sflag:s6] =	ssyncset.done $0x0  }
0x100: {  	s10 =	simm.s32 $0x14300;
	[sflag:s6] =	ssyncadd.s32 $0xFFFFC000  }
0x101: {  	[tilespmem:s24], [sflag:$0x1] =	stream.indirect.gather [hbm4b:s1+s29], $0x80, s10, s29, $0xb8;
	[tilespmem:$0x1D000] =	vst v63  }
0x102: {  	s17 =	simm.s32 $0x14A80  }
0x103: {  	[spmem:s3] =	stream.indirect.scatter.add.f32 [tilespmem:s0], [sflag:$0x4], $0x80, s17, s29, $0xb8;
	[tilespmem:$0x1D000] =	vst v63  }
0x104: {  	_ =	swait.ge [sflag:s30], $0x4000  }
0x105: {  	[sflag:s30] =	ssyncset.done $0x0  }
0x106: {  	[sflag:s30] =	ssyncadd.s32 $0xFFFFC000  }
0x107: {  	_ =	swait.ge [sflag:s14], $0x4000  }
0x108: {  	[sflag:s14] =	ssyncset.done $0x0  }
0x109: {  	s5 =	simm.s32 $0x14380;
	[sflag:s14] =	ssyncadd.s32 $0xFFFFC000  }
0x10a: {  	[tilespmem:s0], [sflag:$0x2] =	stream.indirect.gather [hbm4b:s1+s29], $0x80, s5, s29, $0xb8;
	[tilespmem:$0x1D000] =	vst v63  }
0x10b: {  	s5 =	simm.s32 $0x14B00  }
0x10c: {  	[spmem:s3] =	stream.indirect.scatter.add.f32 [tilespmem:s24], [sflag:$0x3], $0x80, s5, s29, $0xb8;
	[tilespmem:$0x1D000] =	vst v63  }
0x10d: {  	_ =	swait.ge [sflag:s2], $0x4000  }
0x10e: {  	[sflag:s2] =	ssyncset.done $0x0  }
0x10f: {  	[sflag:s2] =	ssyncadd.s32 $0xFFFFC000  }
0x110: {  	_ =	swait.ge [sflag:s6], $0x4000  }
0x111: {  	[sflag:s6] =	ssyncset.done $0x0  }
0x112: {  	s10 =	simm.s32 $0x14400;
	[sflag:s6] =	ssyncadd.s32 $0xFFFFC000  }
0x113: {  	[tilespmem:s24], [sflag:$0x1] =	stream.indirect.gather [hbm4b:s1+s29], $0x80, s10, s29, $0xb8;
	[tilespmem:$0x1D000] =	vst v63  }
0x114: {  	s19 =	simm.s32 $0x14B80  }
0x115: {  	[spmem:s3] =	stream.indirect.scatter.add.f32 [tilespmem:s0], [sflag:$0x4], $0x80, s19, s29, $0xb8;
	[tilespmem:$0x1D000] =	vst v63  }
0x116: {  	_ =	swait.ge [sflag:s30], $0x4000  }
0x117: {  	[sflag:s30] =	ssyncset.done $0x0  }
0x118: {  	[sflag:s30] =	ssyncadd.s32 $0xFFFFC000  }
0x119: {  	_ =	swait.ge [sflag:s14], $0x4000  }
0x11a: {  	[sflag:s14] =	ssyncset.done $0x0  }
0x11b: {  	s23 =	simm.s32 $0x14480;
	[sflag:s14] =	ssyncadd.s32 $0xFFFFC000  }
0x11c: {  	[tilespmem:s0], [sflag:$0x2] =	stream.indirect.gather [hbm4b:s1+s29], $0x80, s23, s29, $0xb8;
	[tilespmem:$0x1D000] =	vst v63  }
0x11d: {  	s22 =	simm.s32 $0x14C00  }
0x11e: {  	[spmem:s3] =	stream.indirect.scatter.add.f32 [tilespmem:s24], [sflag:$0x3], $0x80, s22, s29, $0xb8;
	[tilespmem:$0x1D000] =	vst v63  }
0x11f: {  	_ =	swait.ge [sflag:s2], $0x4000  }
0x120: {  	[sflag:s2] =	ssyncset.done $0x0  }
0x121: {  	[sflag:s2] =	ssyncadd.s32 $0xFFFFC000  }
0x122: {  	_ =	swait.ge [sflag:s6], $0x4000  }
0x123: {  	[sflag:s6] =	ssyncset.done $0x0  }
0x124: {  	s15 =	simm.s32 $0x14500;
	[sflag:s6] =	ssyncadd.s32 $0xFFFFC000  }
0x125: {  	[tilespmem:s24], [sflag:$0x1] =	stream.indirect.gather [hbm4b:s1+s29], $0x80, s15, s29, $0xb8;
	[tilespmem:$0x1D000] =	vst v63  }
0x126: {  	s31 =	simm.s32 $0x14C80  }
0x127: {  	[spmem:s3] =	stream.indirect.scatter.add.f32 [tilespmem:s0], [sflag:$0x4], $0x80, s31, s29, $0xb8;
	[tilespmem:$0x1D000] =	vst v63  }
0x128: {  	_ =	swait.ge [sflag:s30], $0x4000  }
0x129: {  	[sflag:s30] =	ssyncset.done $0x0  }
0x12a: {  	[sflag:s30] =	ssyncadd.s32 $0xFFFFC000  }
0x12b: {  	_ =	swait.ge [sflag:s14], $0x4000  }
0x12c: {  	[sflag:s14] =	ssyncset.done $0x0  }
0x12d: {  	s9 =	simm.s32 $0x14580;
	[sflag:s14] =	ssyncadd.s32 $0xFFFFC000  }
0x12e: {  	[tilespmem:s0], [sflag:$0x2] =	stream.indirect.gather [hbm4b:s1+s29], $0x80, s9, s29, $0xb8;
	[tilespmem:$0x1D000] =	vst v63  }
0x12f: {  	s11 =	simm.s32 $0x14D00  }
0x130: {  	[spmem:s3] =	stream.indirect.scatter.add.f32 [tilespmem:s24], [sflag:$0x3], $0x80, s11, s29, $0xb8;
	[tilespmem:$0x1D000] =	vst v63  }
0x131: {  	_ =	swait.ge [sflag:s2], $0x4000  }
0x132: {  	[sflag:s2] =	ssyncset.done $0x0  }
0x133: {  	[sflag:s2] =	ssyncadd.s32 $0xFFFFC000  }
0x134: {  	_ =	swait.ge [sflag:s6], $0x4000  }
0x135: {  	[sflag:s6] =	ssyncset.done $0x0  }
0x136: {  	s8 =	simm.s32 $0x14600;
	[sflag:s6] =	ssyncadd.s32 $0xFFFFC000  }
0x137: {  	[tilespmem:s24], [sflag:$0x1] =	stream.indirect.gather [hbm4b:s1+s29], $0x80, s8, s29, $0xb8;
	[tilespmem:$0x1D000] =	vst v63  }
0x138: {  	s9 =	simm.s32 $0x14D80  }
0x139: {  	[spmem:s3] =	stream.indirect.scatter.add.f32 [tilespmem:s0], [sflag:$0x4], $0x80, s9, s29, $0xb8;
	[tilespmem:$0x1D000] =	vst v63  }
0x13a: {  	_ =	swait.ge [sflag:s30], $0x4000  }
0x13b: {  	[sflag:s30] =	ssyncset.done $0x0  }
0x13c: {  	[sflag:s30] =	ssyncadd.s32 $0xFFFFC000  }
0x13d: {  	_ =	swait.ge [sflag:s14], $0x4000  }
0x13e: {  	[sflag:s14] =	ssyncset.done $0x0  }
0x13f: {  	s22 =	simm.s32 $0x14680;
	[sflag:s14] =	ssyncadd.s32 $0xFFFFC000  }
0x140: {  	[tilespmem:s0], [sflag:$0x2] =	stream.indirect.gather [hbm4b:s1+s29], $0x80, s22, s29, $0xb8;
	[tilespmem:$0x1D000] =	vst v63  }
0x141: {  	s19 =	simm.s32 $0x14E00  }
0x142: {  	[spmem:s3] =	stream.indirect.scatter.add.f32 [tilespmem:s24], [sflag:$0x3], $0x80, s19, s29, $0xb8;
	[tilespmem:$0x1D000] =	vst v63  }
0x143: {  	_ =	swait.ge [sflag:s2], $0x4000  }
0x144: {  	[sflag:s2] =	ssyncset.done $0x0  }
0x145: {  	[sflag:s2] =	ssyncadd.s32 $0xFFFFC000  }
0x146: {  	_ =	swait.ge [sflag:s6], $0x4000  }
0x147: {  	[sflag:s6] =	ssyncset.done $0x0  }
0x148: {  	s21 =	simm.s32 $0x14700;
	[sflag:s6] =	ssyncadd.s32 $0xFFFFC000  }
0x149: {  	[tilespmem:s24], [sflag:$0x1] =	stream.indirect.gather [hbm4b:s1+s29], $0x80, s21, s29, $0xb8;
	[tilespmem:$0x1D000] =	vst v63  }
0x14a: {  	s22 =	simm.s32 $0x14E80  }
0x14b: {  	[spmem:s3] =	stream.indirect.scatter.add.f32 [tilespmem:s0], [sflag:$0x4], $0x80, s22, s29, $0xb8;
	[tilespmem:$0x1D000] =	vst v63  }
0x14c: {  	_ =	swait.ge [sflag:s30], $0x4000  }
0x14d: {  	[sflag:s30] =	ssyncset.done $0x0  }
0x14e: {  	[sflag:s30] =	ssyncadd.s32 $0xFFFFC000  }
0x14f: {  	_ =	swait.ge [sflag:s14], $0x4000  }
0x150: {  	[sflag:s14] =	ssyncset.done $0x0  }
0x151: {  	s23 =	simm.s32 $0x14780;
	[sflag:s14] =	ssyncadd.s32 $0xFFFFC000  }
0x152: {  	[tilespmem:s0], [sflag:$0x2] =	stream.indirect.gather [hbm4b:s1+s29], $0x80, s23, s29, $0xb8;
	[tilespmem:$0x1D000] =	vst v63  }
0x153: {  	s17 =	simm.s32 $0x14F00  }
0x154: {  	[spmem:s3] =	stream.indirect.scatter.add.f32 [tilespmem:s24], [sflag:$0x3], $0x80, s17, s29, $0xb8;
	[tilespmem:$0x1D000] =	vst v63  }
0x155: {  	_ =	swait.ge [sflag:s2], $0x4000  }
0x156: {  	[sflag:s2] =	ssyncset.done $0x0  }
0x157: {  	s13 =	simm.s32 $0x14F80;
	[sflag:s2] =	ssyncadd.s32 $0xFFFFC000  }
0x158: {  	[spmem:s3] =	stream.indirect.scatter.add.f32 [tilespmem:s0], [sflag:$0x4], $0x80, s13, s29, $0xb8;
	[tilespmem:$0x1D000] =	vst v63  }
0x159: {  	_ =	swait.ge [sflag:s6], $0x4000  }
0x15a: {  	s20 =	simm.s32 $0x14880;
	[sflag:s6] =	ssyncset.done $0x0  }
0x15b: {  	s12 =	simm.s32 $0x14180;
	s7 =	simm.s32 $0x14900;
	[sflag:s6] =	ssyncadd.s32 $0xFFFFC000  }
0x15c: {  	s18 =	simm.s32 $0x14B80;
	s8 =	simm.s32 $0x200;
	_ =	swait.ge [sflag:s14], $0x4000  }
0x15d: {  	s21 =	simm.s32 $0x100;
	s23 =	rddreg [dreg:$0x8];
	[sflag:s14] =	ssyncset.done $0x0  }
.LBB2_3:
0x15e: {  	[sflag:s14] =	ssyncadd.s32 $0xFFFFC000;
	s23 =	sadd.s32 s21, s23  }
0x15f: {  	[tilespmem:s26], [sflag:$0x5] =	stream.linear.gather [hbm4b:s23+s4], $0x800, $0x38;
	[tilespmem:$0x1D000] =	vst v63  }
0x160: {  	_ =	swait.ge [sflag:s25], $0x800  }
0x161: {  	s23 =	rddreg [dreg:$0x7];
	[sflag:s25] =	ssyncset.done $0x0  }
0x162: {  	[sflag:s25] =	ssyncadd.s32 $0xFFFFF800;
	s23 =	sadd.s32 s21, s23  }
0x163: {  	[tilespmem:s28], [sflag:$0x5] =	stream.linear.gather [hbm4b:s23+s4], $0x800, $0x38;
	[tilespmem:$0x1D000] =	vst v63  }
0x164: {  	_ =	swait.ge [sflag:s25], $0x800  }
0x165: {  	[sflag:s25] =	ssyncset.done $0x0  }
0x166: {  	[sflag:s25] =	ssyncadd.s32 $0xFFFFF800  }
0x167: {  	[tilespmem:s24], [sflag:$0x1] =	stream.indirect.gather [hbm4b:s1+s29], $0x80, s28, s29, $0xb8;
	[tilespmem:$0x1D000] =	vst v63  }
0x168: {  	_ =	swait.ge [sflag:s30], $0x4000  }
0x169: {  	s13 =	smov.u32 s8;
	[sflag:s30] =	ssyncset.done $0x0  }
0x16a: {  	s21 =	smov.u32 s13;
	s13 =	simm.s32 $0x14080;
	[sflag:s30] =	ssyncadd.s32 $0xFFFFC000  }
0x16b: {  	[tilespmem:s0], [sflag:$0x2] =	stream.indirect.gather [hbm4b:s1+s29], $0x80, s13, s29, $0xb8;
	[tilespmem:$0x1D000] =	vst v63  }
0x16c: {  	_ = 	snop  }
0x16d: {  	[spmem:s3] =	stream.indirect.scatter.add.f32 [tilespmem:s24], [sflag:$0x3], $0x80, s26, s29, $0xb8;
	[tilespmem:$0x1D000] =	vst v63  }
0x16e: {  	_ =	swait.ge [sflag:s2], $0x4000  }
0x16f: {  	[sflag:s2] =	ssyncset.done $0x0  }
0x170: {  	[sflag:s2] =	ssyncadd.s32 $0xFFFFC000  }
0x171: {  	_ =	swait.ge [sflag:s6], $0x4000  }
0x172: {  	[sflag:s6] =	ssyncset.done $0x0  }
0x173: {  	[sflag:s6] =	ssyncadd.s32 $0xFFFFC000  }
0x174: {  	[tilespmem:s24], [sflag:$0x1] =	stream.indirect.gather [hbm4b:s1+s29], $0x80, s16, s29, $0xb8;
	[tilespmem:$0x1D000] =	vst v63  }
0x175: {  	_ = 	snop  }
0x176: {  	[spmem:s3] =	stream.indirect.scatter.add.f32 [tilespmem:s0], [sflag:$0x4], $0x80, s20, s29, $0xb8;
	[tilespmem:$0x1D000] =	vst v63  }
0x177: {  	_ =	swait.ge [sflag:s30], $0x4000  }
0x178: {  	[sflag:s30] =	ssyncset.done $0x0  }
0x179: {  	[sflag:s30] =	ssyncadd.s32 $0xFFFFC000  }
0x17a: {  	_ =	swait.ge [sflag:s14], $0x4000  }
0x17b: {  	[sflag:s14] =	ssyncset.done $0x0  }
0x17c: {  	[sflag:s14] =	ssyncadd.s32 $0xFFFFC000  }
0x17d: {  	[tilespmem:s0], [sflag:$0x2] =	stream.indirect.gather [hbm4b:s1+s29], $0x80, s12, s29, $0xb8;
	[tilespmem:$0x1D000] =	vst v63  }
0x17e: {  	_ = 	snop  }
0x17f: {  	[spmem:s3] =	stream.indirect.scatter.add.f32 [tilespmem:s24], [sflag:$0x3], $0x80, s7, s29, $0xb8;
	[tilespmem:$0x1D000] =	vst v63  }
0x180: {  	_ =	swait.ge [sflag:s2], $0x4000  }
0x181: {  	[sflag:s2] =	ssyncset.done $0x0  }
0x182: {  	[sflag:s2] =	ssyncadd.s32 $0xFFFFC000  }
0x183: {  	_ =	swait.ge [sflag:s6], $0x4000  }
0x184: {  	[sflag:s6] =	ssyncset.done $0x0  }
0x185: {  	s23 =	simm.s32 $0x14200;
	[sflag:s6] =	ssyncadd.s32 $0xFFFFC000  }
0x186: {  	[tilespmem:s24], [sflag:$0x1] =	stream.indirect.gather [hbm4b:s1+s29], $0x80, s23, s29, $0xb8;
	[tilespmem:$0x1D000] =	vst v63  }
0x187: {  	s23 =	simm.s32 $0x14980  }
0x188: {  	[spmem:s3] =	stream.indirect.scatter.add.f32 [tilespmem:s0], [sflag:$0x4], $0x80, s23, s29, $0xb8;
	[tilespmem:$0x1D000] =	vst v63  }
0x189: {  	_ =	swait.ge [sflag:s30], $0x4000  }
0x18a: {  	[sflag:s30] =	ssyncset.done $0x0  }
0x18b: {  	[sflag:s30] =	ssyncadd.s32 $0xFFFFC000  }
0x18c: {  	_ =	swait.ge [sflag:s14], $0x4000  }
0x18d: {  	[sflag:s14] =	ssyncset.done $0x0  }
0x18e: {  	s23 =	simm.s32 $0x14280;
	[sflag:s14] =	ssyncadd.s32 $0xFFFFC000  }
0x18f: {  	[tilespmem:s0], [sflag:$0x2] =	stream.indirect.gather [hbm4b:s1+s29], $0x80, s23, s29, $0xb8;
	[tilespmem:$0x1D000] =	vst v63  }
0x190: {  	s23 =	simm.s32 $0x14A00  }
0x191: {  	[spmem:s3] =	stream.indirect.scatter.add.f32 [tilespmem:s24], [sflag:$0x3], $0x80, s23, s29, $0xb8;
	[tilespmem:$0x1D000] =	vst v63  }
0x192: {  	_ =	swait.ge [sflag:s2], $0x4000  }
0x193: {  	[sflag:s2] =	ssyncset.done $0x0  }
0x194: {  	[sflag:s2] =	ssyncadd.s32 $0xFFFFC000  }
0x195: {  	_ =	swait.ge [sflag:s6], $0x4000  }
0x196: {  	[sflag:s6] =	ssyncset.done $0x0  }
0x197: {  	s23 =	simm.s32 $0x14300;
	[sflag:s6] =	ssyncadd.s32 $0xFFFFC000  }
0x198: {  	[tilespmem:s24], [sflag:$0x1] =	stream.indirect.gather [hbm4b:s1+s29], $0x80, s23, s29, $0xb8;
	[tilespmem:$0x1D000] =	vst v63  }
0x199: {  	s23 =	simm.s32 $0x14A80  }
0x19a: {  	[spmem:s3] =	stream.indirect.scatter.add.f32 [tilespmem:s0], [sflag:$0x4], $0x80, s23, s29, $0xb8;
	[tilespmem:$0x1D000] =	vst v63  }
0x19b: {  	_ =	swait.ge [sflag:s30], $0x4000  }
0x19c: {  	[sflag:s30] =	ssyncset.done $0x0  }
0x19d: {  	[sflag:s30] =	ssyncadd.s32 $0xFFFFC000  }
0x19e: {  	_ =	swait.ge [sflag:s14], $0x4000  }
0x19f: {  	[sflag:s14] =	ssyncset.done $0x0  }
0x1a0: {  	s23 =	simm.s32 $0x14380;
	[sflag:s14] =	ssyncadd.s32 $0xFFFFC000  }
0x1a1: {  	[tilespmem:s0], [sflag:$0x2] =	stream.indirect.gather [hbm4b:s1+s29], $0x80, s23, s29, $0xb8;
	[tilespmem:$0x1D000] =	vst v63  }
0x1a2: {  	_ = 	snop  }
0x1a3: {  	[spmem:s3] =	stream.indirect.scatter.add.f32 [tilespmem:s24], [sflag:$0x3], $0x80, s5, s29, $0xb8;
	[tilespmem:$0x1D000] =	vst v63  }
0x1a4: {  	_ =	swait.ge [sflag:s2], $0x4000  }
0x1a5: {  	[sflag:s2] =	ssyncset.done $0x0  }
0x1a6: {  	[sflag:s2] =	ssyncadd.s32 $0xFFFFC000  }
0x1a7: {  	_ =	swait.ge [sflag:s6], $0x4000  }
0x1a8: {  	[sflag:s6] =	ssyncset.done $0x0  }
0x1a9: {  	[sflag:s6] =	ssyncadd.s32 $0xFFFFC000  }
0x1aa: {  	[tilespmem:s24], [sflag:$0x1] =	stream.indirect.gather [hbm4b:s1+s29], $0x80, s10, s29, $0xb8;
	[tilespmem:$0x1D000] =	vst v63  }
0x1ab: {  	_ = 	snop  }
0x1ac: {  	[spmem:s3] =	stream.indirect.scatter.add.f32 [tilespmem:s0], [sflag:$0x4], $0x80, s18, s29, $0xb8;
	[tilespmem:$0x1D000] =	vst v63  }
0x1ad: {  	_ =	swait.ge [sflag:s30], $0x4000  }
0x1ae: {  	[sflag:s30] =	ssyncset.done $0x0  }
0x1af: {  	[sflag:s30] =	ssyncadd.s32 $0xFFFFC000  }
0x1b0: {  	_ =	swait.ge [sflag:s14], $0x4000  }
0x1b1: {  	[sflag:s14] =	ssyncset.done $0x0  }
0x1b2: {  	s23 =	simm.s32 $0x14480;
	[sflag:s14] =	ssyncadd.s32 $0xFFFFC000  }
0x1b3: {  	[tilespmem:s0], [sflag:$0x2] =	stream.indirect.gather [hbm4b:s1+s29], $0x80, s23, s29, $0xb8;
	[tilespmem:$0x1D000] =	vst v63  }
0x1b4: {  	s23 =	simm.s32 $0x14C00  }
0x1b5: {  	[spmem:s3] =	stream.indirect.scatter.add.f32 [tilespmem:s24], [sflag:$0x3], $0x80, s23, s29, $0xb8;
	[tilespmem:$0x1D000] =	vst v63  }
0x1b6: {  	_ =	swait.ge [sflag:s2], $0x4000  }
0x1b7: {  	[sflag:s2] =	ssyncset.done $0x0  }
0x1b8: {  	[sflag:s2] =	ssyncadd.s32 $0xFFFFC000  }
0x1b9: {  	_ =	swait.ge [sflag:s6], $0x4000  }
0x1ba: {  	[sflag:s6] =	ssyncset.done $0x0  }
0x1bb: {  	[sflag:s6] =	ssyncadd.s32 $0xFFFFC000  }
0x1bc: {  	[tilespmem:s24], [sflag:$0x1] =	stream.indirect.gather [hbm4b:s1+s29], $0x80, s15, s29, $0xb8;
	[tilespmem:$0x1D000] =	vst v63  }
0x1bd: {  	_ = 	snop  }
0x1be: {  	[spmem:s3] =	stream.indirect.scatter.add.f32 [tilespmem:s0], [sflag:$0x4], $0x80, s31, s29, $0xb8;
	[tilespmem:$0x1D000] =	vst v63  }
0x1bf: {  	_ =	swait.ge [sflag:s30], $0x4000  }
0x1c0: {  	[sflag:s30] =	ssyncset.done $0x0  }
0x1c1: {  	[sflag:s30] =	ssyncadd.s32 $0xFFFFC000  }
0x1c2: {  	_ =	swait.ge [sflag:s14], $0x4000  }
0x1c3: {  	[sflag:s14] =	ssyncset.done $0x0  }
0x1c4: {  	s23 =	simm.s32 $0x14580;
	[sflag:s14] =	ssyncadd.s32 $0xFFFFC000  }
0x1c5: {  	[tilespmem:s0], [sflag:$0x2] =	stream.indirect.gather [hbm4b:s1+s29], $0x80, s23, s29, $0xb8;
	[tilespmem:$0x1D000] =	vst v63  }
0x1c6: {  	_ = 	snop  }
0x1c7: {  	[spmem:s3] =	stream.indirect.scatter.add.f32 [tilespmem:s24], [sflag:$0x3], $0x80, s11, s29, $0xb8;
	[tilespmem:$0x1D000] =	vst v63  }
0x1c8: {  	_ =	swait.ge [sflag:s2], $0x4000  }
0x1c9: {  	[sflag:s2] =	ssyncset.done $0x0  }
0x1ca: {  	[sflag:s2] =	ssyncadd.s32 $0xFFFFC000  }
0x1cb: {  	_ =	swait.ge [sflag:s6], $0x4000  }
0x1cc: {  	[sflag:s6] =	ssyncset.done $0x0  }
0x1cd: {  	s23 =	simm.s32 $0x14600;
	[sflag:s6] =	ssyncadd.s32 $0xFFFFC000  }
0x1ce: {  	[tilespmem:s24], [sflag:$0x1] =	stream.indirect.gather [hbm4b:s1+s29], $0x80, s23, s29, $0xb8;
	[tilespmem:$0x1D000] =	vst v63  }
0x1cf: {  	_ = 	snop  }
0x1d0: {  	[spmem:s3] =	stream.indirect.scatter.add.f32 [tilespmem:s0], [sflag:$0x4], $0x80, s9, s29, $0xb8;
	[tilespmem:$0x1D000] =	vst v63  }
0x1d1: {  	_ =	swait.ge [sflag:s30], $0x4000  }
0x1d2: {  	[sflag:s30] =	ssyncset.done $0x0  }
0x1d3: {  	[sflag:s30] =	ssyncadd.s32 $0xFFFFC000  }
0x1d4: {  	_ =	swait.ge [sflag:s14], $0x4000  }
0x1d5: {  	[sflag:s14] =	ssyncset.done $0x0  }
0x1d6: {  	s23 =	simm.s32 $0x14680;
	[sflag:s14] =	ssyncadd.s32 $0xFFFFC000  }
0x1d7: {  	[tilespmem:s0], [sflag:$0x2] =	stream.indirect.gather [hbm4b:s1+s29], $0x80, s23, s29, $0xb8;
	[tilespmem:$0x1D000] =	vst v63  }
0x1d8: {  	_ = 	snop  }
0x1d9: {  	[spmem:s3] =	stream.indirect.scatter.add.f32 [tilespmem:s24], [sflag:$0x3], $0x80, s19, s29, $0xb8;
	[tilespmem:$0x1D000] =	vst v63  }
0x1da: {  	_ =	swait.ge [sflag:s2], $0x4000  }
0x1db: {  	[sflag:s2] =	ssyncset.done $0x0  }
0x1dc: {  	[sflag:s2] =	ssyncadd.s32 $0xFFFFC000  }
0x1dd: {  	_ =	swait.ge [sflag:s6], $0x4000  }
0x1de: {  	[sflag:s6] =	ssyncset.done $0x0  }
0x1df: {  	s23 =	simm.s32 $0x14700;
	[sflag:s6] =	ssyncadd.s32 $0xFFFFC000  }
0x1e0: {  	[tilespmem:s24], [sflag:$0x1] =	stream.indirect.gather [hbm4b:s1+s29], $0x80, s23, s29, $0xb8;
	[tilespmem:$0x1D000] =	vst v63  }
0x1e1: {  	_ = 	snop  }
0x1e2: {  	[spmem:s3] =	stream.indirect.scatter.add.f32 [tilespmem:s0], [sflag:$0x4], $0x80, s22, s29, $0xb8;
	[tilespmem:$0x1D000] =	vst v63  }
0x1e3: {  	_ =	swait.ge [sflag:s30], $0x4000  }
0x1e4: {  	[sflag:s30] =	ssyncset.done $0x0  }
0x1e5: {  	[sflag:s30] =	ssyncadd.s32 $0xFFFFC000  }
0x1e6: {  	_ =	swait.ge [sflag:s14], $0x4000  }
0x1e7: {  	[sflag:s14] =	ssyncset.done $0x0  }
0x1e8: {  	s23 =	simm.s32 $0x14780;
	[sflag:s14] =	ssyncadd.s32 $0xFFFFC000  }
0x1e9: {  	[tilespmem:s0], [sflag:$0x2] =	stream.indirect.gather [hbm4b:s1+s29], $0x80, s23, s29, $0xb8;
	[tilespmem:$0x1D000] =	vst v63  }
0x1ea: {  	_ = 	snop  }
0x1eb: {  	[spmem:s3] =	stream.indirect.scatter.add.f32 [tilespmem:s24], [sflag:$0x3], $0x80, s17, s29, $0xb8;
	[tilespmem:$0x1D000] =	vst v63  }
0x1ec: {  	_ =	swait.ge [sflag:s2], $0x4000  }
0x1ed: {  	[sflag:s2] =	ssyncset.done $0x0  }
0x1ee: {  	p1 =	seq.s32 s8, $0x600;
	s23 =	simm.s32 $0x14F80;
	[sflag:s2] =	ssyncadd.s32 $0xFFFFC000  }
0x1ef: {  	[spmem:s3] =	stream.indirect.scatter.add.f32 [tilespmem:s0], [sflag:$0x4], $0x80, s23, s29, $0xb8;
	[tilespmem:$0x1D000] =	vst v63  }
.Ltmp3:
0x1f0: {  	_ =	swait.ge [sflag:s6], $0x4000;
	(pc) =	sbr.rel @!p1 .LBB2_3-.Ltmp3, $4  }
0x1f1: {  	[sflag:s6] =	ssyncset.done $0x0  }
0x1f2: {  	[sflag:s6] =	ssyncadd.s32 $0xFFFFC000  }
0x1f3: {  	_ =	swait.ge [sflag:s14], $0x4000  }
0x1f4: {  	s8 =	sadd.s32 $0x100, s8;
	s23 =	rddreg [dreg:$0x8];
	[sflag:s14] =	ssyncset.done $0x0  }
0x1f5: {  	[sflag:s14] =	ssyncadd.s32 $0xFFFFC000;
	s8 =	sadd.s32 s21, s23  }
0x1f6: {  	[tilespmem:s26], [sflag:$0x5] =	stream.linear.gather [hbm4b:s8+s4], $0x800, $0x38;
	[tilespmem:$0x1D000] =	vst v63  }
0x1f7: {  	_ =	swait.ge [sflag:s25], $0x800  }
0x1f8: {  	s23 =	rddreg [dreg:$0x7];
	[sflag:s25] =	ssyncset.done $0x0  }
0x1f9: {  	s8 =	sadd.s32 s21, s23;
	[sflag:s25] =	ssyncadd.s32 $0xFFFFF800  }
0x1fa: {  	[tilespmem:s28], [sflag:$0x5] =	stream.linear.gather [hbm4b:s8+s4], $0x800, $0x38;
	[tilespmem:$0x1D000] =	vst v63  }
0x1fb: {  	_ =	swait.ge [sflag:s25], $0x800  }
0x1fc: {  	[sflag:s25] =	ssyncset.done $0x0  }
0x1fd: {  	[sflag:s25] =	ssyncadd.s32 $0xFFFFF800  }
0x1fe: {  	[tilespmem:s24], [sflag:$0x1] =	stream.indirect.gather [hbm4b:s1+s29], $0x80, s28, s29, $0xb8;
	[tilespmem:$0x1D000] =	vst v63  }
0x1ff: {  	_ =	swait.ge [sflag:s30], $0x4000  }
0x200: {  	[sflag:s30] =	ssyncset.done $0x0  }
0x201: {  	[sflag:s30] =	ssyncadd.s32 $0xFFFFC000  }
0x202: {  	[tilespmem:s0], [sflag:$0x2] =	stream.indirect.gather [hbm4b:s1+s29], $0x80, s13, s29, $0xb8;
	[tilespmem:$0x1D000] =	vst v63  }
0x203: {  	_ = 	snop  }
0x204: {  	[spmem:s3] =	stream.indirect.scatter.add.f32 [tilespmem:s24], [sflag:$0x3], $0x80, s26, s29, $0xb8;
	[tilespmem:$0x1D000] =	vst v63  }
0x205: {  	_ =	swait.ge [sflag:s2], $0x4000  }
0x206: {  	[sflag:s2] =	ssyncset.done $0x0  }
0x207: {  	[sflag:s2] =	ssyncadd.s32 $0xFFFFC000  }
0x208: {  	_ =	swait.ge [sflag:s6], $0x4000  }
0x209: {  	[sflag:s6] =	ssyncset.done $0x0  }
0x20a: {  	[sflag:s6] =	ssyncadd.s32 $0xFFFFC000  }
0x20b: {  	[tilespmem:s24], [sflag:$0x1] =	stream.indirect.gather [hbm4b:s1+s29], $0x80, s16, s29, $0xb8;
	[tilespmem:$0x1D000] =	vst v63  }
0x20c: {  	_ = 	snop  }
0x20d: {  	[spmem:s3] =	stream.indirect.scatter.add.f32 [tilespmem:s0], [sflag:$0x4], $0x80, s20, s29, $0xb8;
	[tilespmem:$0x1D000] =	vst v63  }
0x20e: {  	_ =	swait.ge [sflag:s30], $0x4000  }
0x20f: {  	[sflag:s30] =	ssyncset.done $0x0  }
0x210: {  	[sflag:s30] =	ssyncadd.s32 $0xFFFFC000  }
0x211: {  	_ =	swait.ge [sflag:s14], $0x4000  }
0x212: {  	[sflag:s14] =	ssyncset.done $0x0  }
0x213: {  	[sflag:s14] =	ssyncadd.s32 $0xFFFFC000  }
0x214: {  	[tilespmem:s0], [sflag:$0x2] =	stream.indirect.gather [hbm4b:s1+s29], $0x80, s12, s29, $0xb8;
	[tilespmem:$0x1D000] =	vst v63  }
0x215: {  	_ = 	snop  }
0x216: {  	[spmem:s3] =	stream.indirect.scatter.add.f32 [tilespmem:s24], [sflag:$0x3], $0x80, s7, s29, $0xb8;
	[tilespmem:$0x1D000] =	vst v63  }
0x217: {  	_ =	swait.ge [sflag:s2], $0x4000  }
0x218: {  	[sflag:s2] =	ssyncset.done $0x0  }
0x219: {  	[sflag:s2] =	ssyncadd.s32 $0xFFFFC000  }
0x21a: {  	_ =	swait.ge [sflag:s6], $0x4000  }
0x21b: {  	[sflag:s6] =	ssyncset.done $0x0  }
0x21c: {  	s12 =	simm.s32 $0x14200;
	[sflag:s6] =	ssyncadd.s32 $0xFFFFC000  }
0x21d: {  	[tilespmem:s24], [sflag:$0x1] =	stream.indirect.gather [hbm4b:s1+s29], $0x80, s12, s29, $0xb8;
	[tilespmem:$0x1D000] =	vst v63  }
0x21e: {  	s16 =	simm.s32 $0x14980  }
0x21f: {  	[spmem:s3] =	stream.indirect.scatter.add.f32 [tilespmem:s0], [sflag:$0x4], $0x80, s16, s29, $0xb8;
	[tilespmem:$0x1D000] =	vst v63  }
0x220: {  	_ =	swait.ge [sflag:s30], $0x4000  }
0x221: {  	[sflag:s30] =	ssyncset.done $0x0  }
0x222: {  	[sflag:s30] =	ssyncadd.s32 $0xFFFFC000  }
0x223: {  	_ =	swait.ge [sflag:s14], $0x4000  }
0x224: {  	[sflag:s14] =	ssyncset.done $0x0  }
0x225: {  	s20 =	simm.s32 $0x14280;
	[sflag:s14] =	ssyncadd.s32 $0xFFFFC000  }
0x226: {  	[tilespmem:s0], [sflag:$0x2] =	stream.indirect.gather [hbm4b:s1+s29], $0x80, s20, s29, $0xb8;
	[tilespmem:$0x1D000] =	vst v63  }
0x227: {  	s21 =	simm.s32 $0x14A00  }
0x228: {  	[spmem:s3] =	stream.indirect.scatter.add.f32 [tilespmem:s24], [sflag:$0x3], $0x80, s21, s29, $0xb8;
	[tilespmem:$0x1D000] =	vst v63  }
0x229: {  	_ =	swait.ge [sflag:s2], $0x4000  }
0x22a: {  	[sflag:s2] =	ssyncset.done $0x0  }
0x22b: {  	[sflag:s2] =	ssyncadd.s32 $0xFFFFC000  }
0x22c: {  	_ =	swait.ge [sflag:s6], $0x4000  }
0x22d: {  	[sflag:s6] =	ssyncset.done $0x0  }
0x22e: {  	s23 =	simm.s32 $0x14300;
	[sflag:s6] =	ssyncadd.s32 $0xFFFFC000  }
0x22f: {  	[tilespmem:s24], [sflag:$0x1] =	stream.indirect.gather [hbm4b:s1+s29], $0x80, s23, s29, $0xb8;
	[tilespmem:$0x1D000] =	vst v63  }
0x230: {  	s7 =	simm.s32 $0x14A80  }
0x231: {  	[spmem:s3] =	stream.indirect.scatter.add.f32 [tilespmem:s0], [sflag:$0x4], $0x80, s7, s29, $0xb8;
	[tilespmem:$0x1D000] =	vst v63  }
0x232: {  	_ =	swait.ge [sflag:s30], $0x4000  }
0x233: {  	[sflag:s30] =	ssyncset.done $0x0  }
0x234: {  	[sflag:s30] =	ssyncadd.s32 $0xFFFFC000  }
0x235: {  	_ =	swait.ge [sflag:s14], $0x4000  }
0x236: {  	[sflag:s14] =	ssyncset.done $0x0  }
0x237: {  	s8 =	simm.s32 $0x14380;
	[sflag:s14] =	ssyncadd.s32 $0xFFFFC000  }
0x238: {  	[tilespmem:s0], [sflag:$0x2] =	stream.indirect.gather [hbm4b:s1+s29], $0x80, s8, s29, $0xb8;
	[tilespmem:$0x1D000] =	vst v63  }
0x239: {  	_ = 	snop  }
0x23a: {  	[spmem:s3] =	stream.indirect.scatter.add.f32 [tilespmem:s24], [sflag:$0x3], $0x80, s5, s29, $0xb8;
	[tilespmem:$0x1D000] =	vst v63  }
0x23b: {  	_ =	swait.ge [sflag:s2], $0x4000  }
0x23c: {  	[sflag:s2] =	ssyncset.done $0x0  }
0x23d: {  	[sflag:s2] =	ssyncadd.s32 $0xFFFFC000  }
0x23e: {  	_ =	swait.ge [sflag:s6], $0x4000  }
0x23f: {  	[sflag:s6] =	ssyncset.done $0x0  }
0x240: {  	[sflag:s6] =	ssyncadd.s32 $0xFFFFC000  }
0x241: {  	[tilespmem:s24], [sflag:$0x1] =	stream.indirect.gather [hbm4b:s1+s29], $0x80, s10, s29, $0xb8;
	[tilespmem:$0x1D000] =	vst v63  }
0x242: {  	_ = 	snop  }
0x243: {  	[spmem:s3] =	stream.indirect.scatter.add.f32 [tilespmem:s0], [sflag:$0x4], $0x80, s18, s29, $0xb8;
	[tilespmem:$0x1D000] =	vst v63  }
0x244: {  	_ =	swait.ge [sflag:s30], $0x4000  }
0x245: {  	[sflag:s30] =	ssyncset.done $0x0  }
0x246: {  	[sflag:s30] =	ssyncadd.s32 $0xFFFFC000  }
0x247: {  	_ =	swait.ge [sflag:s14], $0x4000  }
0x248: {  	[sflag:s14] =	ssyncset.done $0x0  }
0x249: {  	s10 =	simm.s32 $0x14480;
	[sflag:s14] =	ssyncadd.s32 $0xFFFFC000  }
0x24a: {  	[tilespmem:s0], [sflag:$0x2] =	stream.indirect.gather [hbm4b:s1+s29], $0x80, s10, s29, $0xb8;
	[tilespmem:$0x1D000] =	vst v63  }
0x24b: {  	s12 =	simm.s32 $0x14C00  }
0x24c: {  	[spmem:s3] =	stream.indirect.scatter.add.f32 [tilespmem:s24], [sflag:$0x3], $0x80, s12, s29, $0xb8;
	[tilespmem:$0x1D000] =	vst v63  }
0x24d: {  	_ =	swait.ge [sflag:s2], $0x4000  }
0x24e: {  	[sflag:s2] =	ssyncset.done $0x0  }
0x24f: {  	[sflag:s2] =	ssyncadd.s32 $0xFFFFC000  }
0x250: {  	_ =	swait.ge [sflag:s6], $0x4000  }
0x251: {  	[sflag:s6] =	ssyncset.done $0x0  }
0x252: {  	[sflag:s6] =	ssyncadd.s32 $0xFFFFC000  }
0x253: {  	[tilespmem:s24], [sflag:$0x1] =	stream.indirect.gather [hbm4b:s1+s29], $0x80, s15, s29, $0xb8;
	[tilespmem:$0x1D000] =	vst v63  }
0x254: {  	_ = 	snop  }
0x255: {  	[spmem:s3] =	stream.indirect.scatter.add.f32 [tilespmem:s0], [sflag:$0x4], $0x80, s31, s29, $0xb8;
	[tilespmem:$0x1D000] =	vst v63  }
0x256: {  	_ =	swait.ge [sflag:s30], $0x4000  }
0x257: {  	[sflag:s30] =	ssyncset.done $0x0  }
0x258: {  	[sflag:s30] =	ssyncadd.s32 $0xFFFFC000  }
0x259: {  	_ =	swait.ge [sflag:s14], $0x4000  }
0x25a: {  	[sflag:s14] =	ssyncset.done $0x0  }
0x25b: {  	s16 =	simm.s32 $0x14580;
	[sflag:s14] =	ssyncadd.s32 $0xFFFFC000  }
0x25c: {  	[tilespmem:s0], [sflag:$0x2] =	stream.indirect.gather [hbm4b:s1+s29], $0x80, s16, s29, $0xb8;
	[tilespmem:$0x1D000] =	vst v63  }
0x25d: {  	_ = 	snop  }
0x25e: {  	[spmem:s3] =	stream.indirect.scatter.add.f32 [tilespmem:s24], [sflag:$0x3], $0x80, s11, s29, $0xb8;
	[tilespmem:$0x1D000] =	vst v63  }
0x25f: {  	_ =	swait.ge [sflag:s2], $0x4000  }
0x260: {  	[sflag:s2] =	ssyncset.done $0x0  }
0x261: {  	[sflag:s2] =	ssyncadd.s32 $0xFFFFC000  }
0x262: {  	_ =	swait.ge [sflag:s6], $0x4000  }
0x263: {  	[sflag:s6] =	ssyncset.done $0x0  }
0x264: {  	s18 =	simm.s32 $0x14600;
	[sflag:s6] =	ssyncadd.s32 $0xFFFFC000  }
0x265: {  	[tilespmem:s24], [sflag:$0x1] =	stream.indirect.gather [hbm4b:s1+s29], $0x80, s18, s29, $0xb8;
	[tilespmem:$0x1D000] =	vst v63  }
0x266: {  	_ = 	snop  }
0x267: {  	[spmem:s3] =	stream.indirect.scatter.add.f32 [tilespmem:s0], [sflag:$0x4], $0x80, s9, s29, $0xb8;
	[tilespmem:$0x1D000] =	vst v63  }
0x268: {  	_ =	swait.ge [sflag:s30], $0x4000  }
0x269: {  	[sflag:s30] =	ssyncset.done $0x0  }
0x26a: {  	[sflag:s30] =	ssyncadd.s32 $0xFFFFC000  }
0x26b: {  	_ =	swait.ge [sflag:s14], $0x4000  }
0x26c: {  	[sflag:s14] =	ssyncset.done $0x0  }
0x26d: {  	s20 =	simm.s32 $0x14680;
	[sflag:s14] =	ssyncadd.s32 $0xFFFFC000  }
0x26e: {  	[tilespmem:s0], [sflag:$0x2] =	stream.indirect.gather [hbm4b:s1+s29], $0x80, s20, s29, $0xb8;
	[tilespmem:$0x1D000] =	vst v63  }
0x26f: {  	_ = 	snop  }
0x270: {  	[spmem:s3] =	stream.indirect.scatter.add.f32 [tilespmem:s24], [sflag:$0x3], $0x80, s19, s29, $0xb8;
	[tilespmem:$0x1D000] =	vst v63  }
0x271: {  	_ =	swait.ge [sflag:s2], $0x4000  }
0x272: {  	[sflag:s2] =	ssyncset.done $0x0  }
0x273: {  	[sflag:s2] =	ssyncadd.s32 $0xFFFFC000  }
0x274: {  	_ =	swait.ge [sflag:s6], $0x4000  }
0x275: {  	[sflag:s6] =	ssyncset.done $0x0  }
0x276: {  	s21 =	simm.s32 $0x14700;
	[sflag:s6] =	ssyncadd.s32 $0xFFFFC000  }
0x277: {  	[tilespmem:s24], [sflag:$0x1] =	stream.indirect.gather [hbm4b:s1+s29], $0x80, s21, s29, $0xb8;
	[tilespmem:$0x1D000] =	vst v63  }
0x278: {  	_ = 	snop  }
0x279: {  	[spmem:s3] =	stream.indirect.scatter.add.f32 [tilespmem:s0], [sflag:$0x4], $0x80, s22, s29, $0xb8;
	[tilespmem:$0x1D000] =	vst v63  }
0x27a: {  	_ =	swait.ge [sflag:s30], $0x4000  }
0x27b: {  	[sflag:s30] =	ssyncset.done $0x0  }
0x27c: {  	[sflag:s30] =	ssyncadd.s32 $0xFFFFC000  }
0x27d: {  	_ =	swait.ge [sflag:s14], $0x4000  }
0x27e: {  	[sflag:s14] =	ssyncset.done $0x0  }
0x27f: {  	s22 =	simm.s32 $0x14780;
	[sflag:s14] =	ssyncadd.s32 $0xFFFFC000  }
0x280: {  	[tilespmem:s0], [sflag:$0x2] =	stream.indirect.gather [hbm4b:s1+s29], $0x80, s22, s29, $0xb8;
	[tilespmem:$0x1D000] =	vst v63  }
0x281: {  	_ = 	snop  }
0x282: {  	[spmem:s3] =	stream.indirect.scatter.add.f32 [tilespmem:s24], [sflag:$0x3], $0x80, s17, s29, $0xb8;
	[tilespmem:$0x1D000] =	vst v63  }
0x283: {  	s23 =	simm.s32 $0x14F80;
	_ =	swait.ge [sflag:s2], $0x4000  }
0x284: {  	s7 =	simm.s32 $0x14980;
	s10 =	simm.s32 $0x14B80;
	[sflag:s2] =	ssyncset.done $0x0  }
0x285: {  	s12 =	simm.s32 $0x14F80;
	s15 =	simm.s32 $0x14A80;
	[sflag:s2] =	ssyncadd.s32 $0xFFFFC000  }
0x286: {  	[spmem:s3] =	stream.indirect.scatter.add.f32 [tilespmem:s0], [sflag:$0x4], $0x80, s23, s29, $0xb8;
	[tilespmem:$0x1D000] =	vst v63  }
0x287: {  	s31 =	simm.s32 $0x14700;
	s16 =	simm.s32 $0x14880;
	_ =	swait.ge [sflag:s6], $0x4000  }
.Ltmp4:
0x288: {  	s11 =	simm.s32 $0x14A00;
	[sflag:s6] =	ssyncset.done $0x0;
	(pc) =	sbr.rel .LBB2_8-.Ltmp4, $4  }
0x289: {  	s18 =	simm.s32 $0x14580;
	s9 =	simm.s32 $0x14680;
	[sflag:s6] =	ssyncadd.s32 $0xFFFFC000  }
0x28a: {  	s20 =	simm.s32 $0x14900;
	s19 =	simm.s32 $0x14780;
	_ =	swait.ge [sflag:s14], $0x4000  }
0x28b: {  	s22 =	simm.s32 $0x14600;
	[sflag:s14] =	ssyncset.done $0x0;
	s23 =	rddreg [dreg:$0xc]  }
0x28c: {  	s17 =	simm.s32 $0x14C00;
	s5 =	rddreg [dreg:$0x1c];
	[sflag:s14] =	ssyncadd.s32 $0xFFFFC000  }
.LBB2_5:
0x28d: {  	s8 =	rddreg [dreg:$0x6]  }
0x28e: {  	s8 =	sadd.s32 $0x0, s8  }
0x28f: {  	[tilespmem:s26], [sflag:$0x5] =	stream.linear.gather [hbm4b:s8+s4], $0x800, $0x38;
	[tilespmem:$0x1D000] =	vst v63  }
0x290: {  	_ =	swait.ge [sflag:s25], $0x800  }
0x291: {  	s5 =	rddreg [dreg:$0x5];
	[sflag:s25] =	ssyncset.done $0x0  }
0x292: {  	[sflag:s25] =	ssyncadd.s32 $0xFFFFF800;
	s8 =	sadd.s32 $0x0, s5  }
0x293: {  	[tilespmem:s28], [sflag:$0x5] =	stream.linear.gather [hbm4b:s8+s4], $0x800, $0x38;
	[tilespmem:$0x1D000] =	vst v63  }
0x294: {  	_ =	swait.ge [sflag:s25], $0x800  }
0x295: {  	[sflag:s25] =	ssyncset.done $0x0  }
0x296: {  	[sflag:s25] =	ssyncadd.s32 $0xFFFFF800  }
0x297: {  	[tilespmem:s24], [sflag:$0x1] =	stream.indirect.gather [hbm4b:s1+s29], $0x80, s28, s29, $0xb8;
	[tilespmem:$0x1D000] =	vst v63  }
0x298: {  	_ =	swait.ge [sflag:s30], $0x4000  }
0x299: {  	[sflag:s30] =	ssyncset.done $0x0  }
0x29a: {  	[sflag:s30] =	ssyncadd.s32 $0xFFFFC000  }
0x29b: {  	[tilespmem:s0], [sflag:$0x2] =	stream.indirect.gather [hbm4b:s1+s29], $0x80, s13, s29, $0xb8;
	[tilespmem:$0x1D000] =	vst v63  }
0x29c: {  	_ = 	snop  }
0x29d: {  	[spmem:s3] =	stream.indirect.scatter.add.f32 [tilespmem:s24], [sflag:$0x3], $0x80, s26, s29, $0xb8;
	[tilespmem:$0x1D000] =	vst v63  }
0x29e: {  	_ =	swait.ge [sflag:s2], $0x4000  }
0x29f: {  	[sflag:s2] =	ssyncset.done $0x0  }
0x2a0: {  	[sflag:s2] =	ssyncadd.s32 $0xFFFFC000  }
0x2a1: {  	_ =	swait.ge [sflag:s6], $0x4000  }
0x2a2: {  	[sflag:s6] =	ssyncset.done $0x0  }
0x2a3: {  	s13 =	simm.s32 $0x14100;
	[sflag:s6] =	ssyncadd.s32 $0xFFFFC000  }
0x2a4: {  	[tilespmem:s24], [sflag:$0x1] =	stream.indirect.gather [hbm4b:s1+s29], $0x80, s13, s29, $0xb8;
	[tilespmem:$0x1D000] =	vst v63  }
0x2a5: {  	_ = 	snop  }
0x2a6: {  	[spmem:s3] =	stream.indirect.scatter.add.f32 [tilespmem:s0], [sflag:$0x4], $0x80, s16, s29, $0xb8;
	[tilespmem:$0x1D000] =	vst v63  }
0x2a7: {  	_ =	swait.ge [sflag:s30], $0x4000  }
0x2a8: {  	[sflag:s30] =	ssyncset.done $0x0  }
0x2a9: {  	[sflag:s30] =	ssyncadd.s32 $0xFFFFC000  }
0x2aa: {  	_ =	swait.ge [sflag:s14], $0x4000  }
0x2ab: {  	[sflag:s14] =	ssyncset.done $0x0  }
0x2ac: {  	s21 =	simm.s32 $0x14180;
	[sflag:s14] =	ssyncadd.s32 $0xFFFFC000  }
0x2ad: {  	[tilespmem:s0], [sflag:$0x2] =	stream.indirect.gather [hbm4b:s1+s29], $0x80, s21, s29, $0xb8;
	[tilespmem:$0x1D000] =	vst v63  }
0x2ae: {  	_ = 	snop  }
0x2af: {  	[spmem:s3] =	stream.indirect.scatter.add.f32 [tilespmem:s24], [sflag:$0x3], $0x80, s20, s29, $0xb8;
	[tilespmem:$0x1D000] =	vst v63  }
0x2b0: {  	_ =	swait.ge [sflag:s2], $0x4000  }
0x2b1: {  	[sflag:s2] =	ssyncset.done $0x0  }
0x2b2: {  	[sflag:s2] =	ssyncadd.s32 $0xFFFFC000  }
0x2b3: {  	_ =	swait.ge [sflag:s6], $0x4000  }
0x2b4: {  	[sflag:s6] =	ssyncset.done $0x0  }
0x2b5: {  	s5 =	simm.s32 $0x14200;
	[sflag:s6] =	ssyncadd.s32 $0xFFFFC000  }
0x2b6: {  	[tilespmem:s24], [sflag:$0x1] =	stream.indirect.gather [hbm4b:s1+s29], $0x80, s5, s29, $0xb8;
	[tilespmem:$0x1D000] =	vst v63  }
0x2b7: {  	_ = 	snop  }
0x2b8: {  	[spmem:s3] =	stream.indirect.scatter.add.f32 [tilespmem:s0], [sflag:$0x4], $0x80, s7, s29, $0xb8;
	[tilespmem:$0x1D000] =	vst v63  }
0x2b9: {  	_ =	swait.ge [sflag:s30], $0x4000  }
0x2ba: {  	[sflag:s30] =	ssyncset.done $0x0  }
0x2bb: {  	[sflag:s30] =	ssyncadd.s32 $0xFFFFC000  }
0x2bc: {  	_ =	swait.ge [sflag:s14], $0x4000  }
0x2bd: {  	[sflag:s14] =	ssyncset.done $0x0  }
0x2be: {  	s23 =	simm.s32 $0x14280;
	[sflag:s14] =	ssyncadd.s32 $0xFFFFC000  }
0x2bf: {  	[tilespmem:s0], [sflag:$0x2] =	stream.indirect.gather [hbm4b:s1+s29], $0x80, s23, s29, $0xb8;
	[tilespmem:$0x1D000] =	vst v63  }
0x2c0: {  	_ = 	snop  }
0x2c1: {  	[spmem:s3] =	stream.indirect.scatter.add.f32 [tilespmem:s24], [sflag:$0x3], $0x80, s11, s29, $0xb8;
	[tilespmem:$0x1D000] =	vst v63  }
0x2c2: {  	_ =	swait.ge [sflag:s2], $0x4000  }
0x2c3: {  	[sflag:s2] =	ssyncset.done $0x0  }
0x2c4: {  	[sflag:s2] =	ssyncadd.s32 $0xFFFFC000  }
0x2c5: {  	_ =	swait.ge [sflag:s6], $0x4000  }
0x2c6: {  	[sflag:s6] =	ssyncset.done $0x0  }
0x2c7: {  	s8 =	simm.s32 $0x14300;
	[sflag:s6] =	ssyncadd.s32 $0xFFFFC000  }
0x2c8: {  	[tilespmem:s24], [sflag:$0x1] =	stream.indirect.gather [hbm4b:s1+s29], $0x80, s8, s29, $0xb8;
	[tilespmem:$0x1D000] =	vst v63  }
0x2c9: {  	_ = 	snop  }
0x2ca: {  	[spmem:s3] =	stream.indirect.scatter.add.f32 [tilespmem:s0], [sflag:$0x4], $0x80, s15, s29, $0xb8;
	[tilespmem:$0x1D000] =	vst v63  }
0x2cb: {  	_ =	swait.ge [sflag:s30], $0x4000  }
0x2cc: {  	[sflag:s30] =	ssyncset.done $0x0  }
0x2cd: {  	[sflag:s30] =	ssyncadd.s32 $0xFFFFC000  }
0x2ce: {  	_ =	swait.ge [sflag:s14], $0x4000  }
0x2cf: {  	[sflag:s14] =	ssyncset.done $0x0  }
0x2d0: {  	s16 =	simm.s32 $0x14380;
	[sflag:s14] =	ssyncadd.s32 $0xFFFFC000  }
0x2d1: {  	[tilespmem:s0], [sflag:$0x2] =	stream.indirect.gather [hbm4b:s1+s29], $0x80, s16, s29, $0xb8;
	[tilespmem:$0x1D000] =	vst v63  }
0x2d2: {  	s16 =	simm.s32 $0x14B00  }
0x2d3: {  	[spmem:s3] =	stream.indirect.scatter.add.f32 [tilespmem:s24], [sflag:$0x3], $0x80, s16, s29, $0xb8;
	[tilespmem:$0x1D000] =	vst v63  }
0x2d4: {  	_ =	swait.ge [sflag:s2], $0x4000  }
0x2d5: {  	[sflag:s2] =	ssyncset.done $0x0  }
0x2d6: {  	[sflag:s2] =	ssyncadd.s32 $0xFFFFC000  }
0x2d7: {  	_ =	swait.ge [sflag:s6], $0x4000  }
0x2d8: {  	[sflag:s6] =	ssyncset.done $0x0  }
0x2d9: {  	s21 =	simm.s32 $0x14400;
	[sflag:s6] =	ssyncadd.s32 $0xFFFFC000  }
0x2da: {  	[tilespmem:s24], [sflag:$0x1] =	stream.indirect.gather [hbm4b:s1+s29], $0x80, s21, s29, $0xb8;
	[tilespmem:$0x1D000] =	vst v63  }
0x2db: {  	_ = 	snop  }
0x2dc: {  	[spmem:s3] =	stream.indirect.scatter.add.f32 [tilespmem:s0], [sflag:$0x4], $0x80, s10, s29, $0xb8;
	[tilespmem:$0x1D000] =	vst v63  }
0x2dd: {  	_ =	swait.ge [sflag:s30], $0x4000  }
0x2de: {  	[sflag:s30] =	ssyncset.done $0x0  }
0x2df: {  	[sflag:s30] =	ssyncadd.s32 $0xFFFFC000  }
0x2e0: {  	_ =	swait.ge [sflag:s14], $0x4000  }
0x2e1: {  	[sflag:s14] =	ssyncset.done $0x0  }
0x2e2: {  	s13 =	simm.s32 $0x14480;
	[sflag:s14] =	ssyncadd.s32 $0xFFFFC000  }
0x2e3: {  	[tilespmem:s0], [sflag:$0x2] =	stream.indirect.gather [hbm4b:s1+s29], $0x80, s13, s29, $0xb8;
	[tilespmem:$0x1D000] =	vst v63  }
0x2e4: {  	_ = 	snop  }
0x2e5: {  	[spmem:s3] =	stream.indirect.scatter.add.f32 [tilespmem:s24], [sflag:$0x3], $0x80, s17, s29, $0xb8;
	[tilespmem:$0x1D000] =	vst v63  }
0x2e6: {  	_ =	swait.ge [sflag:s2], $0x4000  }
0x2e7: {  	[sflag:s2] =	ssyncset.done $0x0  }
0x2e8: {  	[sflag:s2] =	ssyncadd.s32 $0xFFFFC000  }
0x2e9: {  	_ =	swait.ge [sflag:s6], $0x4000  }
0x2ea: {  	[sflag:s6] =	ssyncset.done $0x0  }
0x2eb: {  	s23 =	simm.s32 $0x14500;
	[sflag:s6] =	ssyncadd.s32 $0xFFFFC000  }
0x2ec: {  	[tilespmem:s24], [sflag:$0x1] =	stream.indirect.gather [hbm4b:s1+s29], $0x80, s23, s29, $0xb8;
	[tilespmem:$0x1D000] =	vst v63  }
0x2ed: {  	s8 =	simm.s32 $0x14C80  }
0x2ee: {  	[spmem:s3] =	stream.indirect.scatter.add.f32 [tilespmem:s0], [sflag:$0x4], $0x80, s8, s29, $0xb8;
	[tilespmem:$0x1D000] =	vst v63  }
0x2ef: {  	_ =	swait.ge [sflag:s30], $0x4000  }
0x2f0: {  	[sflag:s30] =	ssyncset.done $0x0  }
0x2f1: {  	[sflag:s30] =	ssyncadd.s32 $0xFFFFC000  }
0x2f2: {  	_ =	swait.ge [sflag:s14], $0x4000  }
0x2f3: {  	[sflag:s14] =	ssyncset.done $0x0  }
0x2f4: {  	[sflag:s14] =	ssyncadd.s32 $0xFFFFC000  }
0x2f5: {  	[tilespmem:s0], [sflag:$0x2] =	stream.indirect.gather [hbm4b:s1+s29], $0x80, s18, s29, $0xb8;
	[tilespmem:$0x1D000] =	vst v63  }
0x2f6: {  	s10 =	simm.s32 $0x14D00  }
0x2f7: {  	[spmem:s3] =	stream.indirect.scatter.add.f32 [tilespmem:s24], [sflag:$0x3], $0x80, s10, s29, $0xb8;
	[tilespmem:$0x1D000] =	vst v63  }
0x2f8: {  	_ =	swait.ge [sflag:s2], $0x4000  }
0x2f9: {  	[sflag:s2] =	ssyncset.done $0x0  }
0x2fa: {  	[sflag:s2] =	ssyncadd.s32 $0xFFFFC000  }
0x2fb: {  	_ =	swait.ge [sflag:s6], $0x4000  }
0x2fc: {  	[sflag:s6] =	ssyncset.done $0x0  }
0x2fd: {  	[sflag:s6] =	ssyncadd.s32 $0xFFFFC000  }
0x2fe: {  	[tilespmem:s24], [sflag:$0x1] =	stream.indirect.gather [hbm4b:s1+s29], $0x80, s22, s29, $0xb8;
	[tilespmem:$0x1D000] =	vst v63  }
0x2ff: {  	s13 =	simm.s32 $0x14D80  }
0x300: {  	[spmem:s3] =	stream.indirect.scatter.add.f32 [tilespmem:s0], [sflag:$0x4], $0x80, s13, s29, $0xb8;
	[tilespmem:$0x1D000] =	vst v63  }
0x301: {  	_ =	swait.ge [sflag:s30], $0x4000  }
0x302: {  	[sflag:s30] =	ssyncset.done $0x0  }
0x303: {  	[sflag:s30] =	ssyncadd.s32 $0xFFFFC000  }
0x304: {  	_ =	swait.ge [sflag:s14], $0x4000  }
0x305: {  	[sflag:s14] =	ssyncset.done $0x0  }
0x306: {  	[sflag:s14] =	ssyncadd.s32 $0xFFFFC000  }
0x307: {  	[tilespmem:s0], [sflag:$0x2] =	stream.indirect.gather [hbm4b:s1+s29], $0x80, s9, s29, $0xb8;
	[tilespmem:$0x1D000] =	vst v63  }
0x308: {  	s16 =	simm.s32 $0x14E00  }
0x309: {  	[spmem:s3] =	stream.indirect.scatter.add.f32 [tilespmem:s24], [sflag:$0x3], $0x80, s16, s29, $0xb8;
	[tilespmem:$0x1D000] =	vst v63  }
0x30a: {  	_ =	swait.ge [sflag:s2], $0x4000  }
0x30b: {  	[sflag:s2] =	ssyncset.done $0x0  }
0x30c: {  	[sflag:s2] =	ssyncadd.s32 $0xFFFFC000  }
0x30d: {  	_ =	swait.ge [sflag:s6], $0x4000  }
0x30e: {  	[sflag:s6] =	ssyncset.done $0x0  }
0x30f: {  	[sflag:s6] =	ssyncadd.s32 $0xFFFFC000  }
0x310: {  	[tilespmem:s24], [sflag:$0x1] =	stream.indirect.gather [hbm4b:s1+s29], $0x80, s31, s29, $0xb8;
	[tilespmem:$0x1D000] =	vst v63  }
0x311: {  	s21 =	simm.s32 $0x14E80  }
0x312: {  	[spmem:s3] =	stream.indirect.scatter.add.f32 [tilespmem:s0], [sflag:$0x4], $0x80, s21, s29, $0xb8;
	[tilespmem:$0x1D000] =	vst v63  }
0x313: {  	_ =	swait.ge [sflag:s30], $0x4000  }
0x314: {  	[sflag:s30] =	ssyncset.done $0x0  }
0x315: {  	[sflag:s30] =	ssyncadd.s32 $0xFFFFC000  }
0x316: {  	_ =	swait.ge [sflag:s14], $0x4000  }
0x317: {  	[sflag:s14] =	ssyncset.done $0x0  }
0x318: {  	[sflag:s14] =	ssyncadd.s32 $0xFFFFC000  }
0x319: {  	[tilespmem:s0], [sflag:$0x2] =	stream.indirect.gather [hbm4b:s1+s29], $0x80, s19, s29, $0xb8;
	[tilespmem:$0x1D000] =	vst v63  }
0x31a: {  	s23 =	simm.s32 $0x14F00  }
0x31b: {  	[spmem:s3] =	stream.indirect.scatter.add.f32 [tilespmem:s24], [sflag:$0x3], $0x80, s23, s29, $0xb8;
	[tilespmem:$0x1D000] =	vst v63  }
0x31c: {  	_ =	swait.ge [sflag:s2], $0x4000  }
0x31d: {  	[sflag:s2] =	ssyncset.done $0x0  }
0x31e: {  	[sflag:s2] =	ssyncadd.s32 $0xFFFFC000  }
0x31f: {  	[spmem:s3] =	stream.indirect.scatter.add.f32 [tilespmem:s0], [sflag:$0x4], $0x80, s12, s29, $0xb8;
	[tilespmem:$0x1D000] =	vst v63  }
0x320: {  	_ =	swait.ge [sflag:s6], $0x4000  }
0x321: {  	[sflag:s6] =	ssyncset.done $0x0  }
0x322: {  	[sflag:s6] =	ssyncadd.s32 $0xFFFFC000  }
0x323: {  	_ =	swait.ge [sflag:s14], $0x4000  }
0x324: {  	s8 =	simm.s32 $0x100;
	[sflag:s14] =	ssyncset.done $0x0  }
.LBB2_6:
0x325: {  	s13 =	smov.u32 s8;
	s21 =	rddreg [dreg:$0x6]  }
0x326: {  	[sflag:s14] =	ssyncadd.s32 $0xFFFFC000;
	s21 =	sadd.s32 s13, s21  }
0x327: {  	[tilespmem:s26], [sflag:$0x5] =	stream.linear.gather [hbm4b:s21+s4], $0x800, $0x38;
	[tilespmem:$0x1D000] =	vst v63  }
0x328: {  	_ =	swait.ge [sflag:s25], $0x800  }
0x329: {  	s16 =	rddreg [dreg:$0x5];
	[sflag:s25] =	ssyncset.done $0x0  }
0x32a: {  	[sflag:s25] =	ssyncadd.s32 $0xFFFFF800;
	s13 =	sadd.s32 s13, s16  }
0x32b: {  	[tilespmem:s28], [sflag:$0x5] =	stream.linear.gather [hbm4b:s13+s4], $0x800, $0x38;
	[tilespmem:$0x1D000] =	vst v63  }
0x32c: {  	_ =	swait.ge [sflag:s25], $0x800  }
0x32d: {  	[sflag:s25] =	ssyncset.done $0x0  }
0x32e: {  	[sflag:s25] =	ssyncadd.s32 $0xFFFFF800  }
0x32f: {  	[tilespmem:s24], [sflag:$0x1] =	stream.indirect.gather [hbm4b:s1+s29], $0x80, s28, s29, $0xb8;
	[tilespmem:$0x1D000] =	vst v63  }
0x330: {  	_ =	swait.ge [sflag:s30], $0x4000  }
0x331: {  	[sflag:s30] =	ssyncset.done $0x0  }
0x332: {  	s13 =	simm.s32 $0x14080;
	[sflag:s30] =	ssyncadd.s32 $0xFFFFC000  }
0x333: {  	[tilespmem:s0], [sflag:$0x2] =	stream.indirect.gather [hbm4b:s1+s29], $0x80, s13, s29, $0xb8;
	[tilespmem:$0x1D000] =	vst v63  }
0x334: {  	_ = 	snop  }
0x335: {  	[spmem:s3] =	stream.indirect.scatter.add.f32 [tilespmem:s24], [sflag:$0x3], $0x80, s26, s29, $0xb8;
	[tilespmem:$0x1D000] =	vst v63  }
0x336: {  	_ =	swait.ge [sflag:s2], $0x4000  }
0x337: {  	[sflag:s2] =	ssyncset.done $0x0  }
0x338: {  	[sflag:s2] =	ssyncadd.s32 $0xFFFFC000  }
0x339: {  	_ =	swait.ge [sflag:s6], $0x4000  }
0x33a: {  	[sflag:s6] =	ssyncset.done $0x0  }
0x33b: {  	s16 =	simm.s32 $0x14100;
	[sflag:s6] =	ssyncadd.s32 $0xFFFFC000  }
0x33c: {  	[tilespmem:s24], [sflag:$0x1] =	stream.indirect.gather [hbm4b:s1+s29], $0x80, s16, s29, $0xb8;
	[tilespmem:$0x1D000] =	vst v63  }
0x33d: {  	s16 =	simm.s32 $0x14880  }
0x33e: {  	[spmem:s3] =	stream.indirect.scatter.add.f32 [tilespmem:s0], [sflag:$0x4], $0x80, s16, s29, $0xb8;
	[tilespmem:$0x1D000] =	vst v63  }
0x33f: {  	_ =	swait.ge [sflag:s30], $0x4000  }
0x340: {  	[sflag:s30] =	ssyncset.done $0x0  }
0x341: {  	[sflag:s30] =	ssyncadd.s32 $0xFFFFC000  }
0x342: {  	_ =	swait.ge [sflag:s14], $0x4000  }
0x343: {  	[sflag:s14] =	ssyncset.done $0x0  }
0x344: {  	s23 =	simm.s32 $0x14180;
	[sflag:s14] =	ssyncadd.s32 $0xFFFFC000  }
0x345: {  	[tilespmem:s0], [sflag:$0x2] =	stream.indirect.gather [hbm4b:s1+s29], $0x80, s23, s29, $0xb8;
	[tilespmem:$0x1D000] =	vst v63  }
0x346: {  	_ = 	snop  }
0x347: {  	[spmem:s3] =	stream.indirect.scatter.add.f32 [tilespmem:s24], [sflag:$0x3], $0x80, s20, s29, $0xb8;
	[tilespmem:$0x1D000] =	vst v63  }
0x348: {  	_ =	swait.ge [sflag:s2], $0x4000  }
0x349: {  	[sflag:s2] =	ssyncset.done $0x0  }
0x34a: {  	[sflag:s2] =	ssyncadd.s32 $0xFFFFC000  }
0x34b: {  	_ =	swait.ge [sflag:s6], $0x4000  }
0x34c: {  	[sflag:s6] =	ssyncset.done $0x0  }
0x34d: {  	s23 =	simm.s32 $0x14200;
	[sflag:s6] =	ssyncadd.s32 $0xFFFFC000  }
0x34e: {  	[tilespmem:s24], [sflag:$0x1] =	stream.indirect.gather [hbm4b:s1+s29], $0x80, s23, s29, $0xb8;
	[tilespmem:$0x1D000] =	vst v63  }
0x34f: {  	_ = 	snop  }
0x350: {  	[spmem:s3] =	stream.indirect.scatter.add.f32 [tilespmem:s0], [sflag:$0x4], $0x80, s7, s29, $0xb8;
	[tilespmem:$0x1D000] =	vst v63  }
0x351: {  	_ =	swait.ge [sflag:s30], $0x4000  }
0x352: {  	[sflag:s30] =	ssyncset.done $0x0  }
0x353: {  	[sflag:s30] =	ssyncadd.s32 $0xFFFFC000  }
0x354: {  	_ =	swait.ge [sflag:s14], $0x4000  }
0x355: {  	[sflag:s14] =	ssyncset.done $0x0  }
0x356: {  	s23 =	simm.s32 $0x14280;
	[sflag:s14] =	ssyncadd.s32 $0xFFFFC000  }
0x357: {  	[tilespmem:s0], [sflag:$0x2] =	stream.indirect.gather [hbm4b:s1+s29], $0x80, s23, s29, $0xb8;
	[tilespmem:$0x1D000] =	vst v63  }
0x358: {  	_ = 	snop  }
0x359: {  	[spmem:s3] =	stream.indirect.scatter.add.f32 [tilespmem:s24], [sflag:$0x3], $0x80, s11, s29, $0xb8;
	[tilespmem:$0x1D000] =	vst v63  }
0x35a: {  	_ =	swait.ge [sflag:s2], $0x4000  }
0x35b: {  	[sflag:s2] =	ssyncset.done $0x0  }
0x35c: {  	[sflag:s2] =	ssyncadd.s32 $0xFFFFC000  }
0x35d: {  	_ =	swait.ge [sflag:s6], $0x4000  }
0x35e: {  	[sflag:s6] =	ssyncset.done $0x0  }
0x35f: {  	s23 =	simm.s32 $0x14300;
	[sflag:s6] =	ssyncadd.s32 $0xFFFFC000  }
0x360: {  	[tilespmem:s24], [sflag:$0x1] =	stream.indirect.gather [hbm4b:s1+s29], $0x80, s23, s29, $0xb8;
	[tilespmem:$0x1D000] =	vst v63  }
0x361: {  	_ = 	snop  }
0x362: {  	[spmem:s3] =	stream.indirect.scatter.add.f32 [tilespmem:s0], [sflag:$0x4], $0x80, s15, s29, $0xb8;
	[tilespmem:$0x1D000] =	vst v63  }
0x363: {  	_ =	swait.ge [sflag:s30], $0x4000  }
0x364: {  	[sflag:s30] =	ssyncset.done $0x0  }
0x365: {  	[sflag:s30] =	ssyncadd.s32 $0xFFFFC000  }
0x366: {  	_ =	swait.ge [sflag:s14], $0x4000  }
0x367: {  	[sflag:s14] =	ssyncset.done $0x0  }
0x368: {  	s23 =	simm.s32 $0x14380;
	[sflag:s14] =	ssyncadd.s32 $0xFFFFC000  }
0x369: {  	[tilespmem:s0], [sflag:$0x2] =	stream.indirect.gather [hbm4b:s1+s29], $0x80, s23, s29, $0xb8;
	[tilespmem:$0x1D000] =	vst v63  }
0x36a: {  	s5 =	simm.s32 $0x14B00  }
0x36b: {  	[spmem:s3] =	stream.indirect.scatter.add.f32 [tilespmem:s24], [sflag:$0x3], $0x80, s5, s29, $0xb8;
	[tilespmem:$0x1D000] =	vst v63  }
0x36c: {  	_ =	swait.ge [sflag:s2], $0x4000  }
0x36d: {  	[sflag:s2] =	ssyncset.done $0x0  }
0x36e: {  	[sflag:s2] =	ssyncadd.s32 $0xFFFFC000  }
0x36f: {  	_ =	swait.ge [sflag:s6], $0x4000  }
0x370: {  	[sflag:s6] =	ssyncset.done $0x0  }
0x371: {  	s10 =	simm.s32 $0x14400;
	[sflag:s6] =	ssyncadd.s32 $0xFFFFC000  }
0x372: {  	[tilespmem:s24], [sflag:$0x1] =	stream.indirect.gather [hbm4b:s1+s29], $0x80, s10, s29, $0xb8;
	[tilespmem:$0x1D000] =	vst v63  }
0x373: {  	s10 =	simm.s32 $0x14B80  }
0x374: {  	[spmem:s3] =	stream.indirect.scatter.add.f32 [tilespmem:s0], [sflag:$0x4], $0x80, s10, s29, $0xb8;
	[tilespmem:$0x1D000] =	vst v63  }
0x375: {  	_ =	swait.ge [sflag:s30], $0x4000  }
0x376: {  	[sflag:s30] =	ssyncset.done $0x0  }
0x377: {  	[sflag:s30] =	ssyncadd.s32 $0xFFFFC000  }
0x378: {  	_ =	swait.ge [sflag:s14], $0x4000  }
0x379: {  	[sflag:s14] =	ssyncset.done $0x0  }
0x37a: {  	s23 =	simm.s32 $0x14480;
	[sflag:s14] =	ssyncadd.s32 $0xFFFFC000  }
0x37b: {  	[tilespmem:s0], [sflag:$0x2] =	stream.indirect.gather [hbm4b:s1+s29], $0x80, s23, s29, $0xb8;
	[tilespmem:$0x1D000] =	vst v63  }
0x37c: {  	_ = 	snop  }
0x37d: {  	[spmem:s3] =	stream.indirect.scatter.add.f32 [tilespmem:s24], [sflag:$0x3], $0x80, s17, s29, $0xb8;
	[tilespmem:$0x1D000] =	vst v63  }
0x37e: {  	_ =	swait.ge [sflag:s2], $0x4000  }
0x37f: {  	[sflag:s2] =	ssyncset.done $0x0  }
0x380: {  	[sflag:s2] =	ssyncadd.s32 $0xFFFFC000  }
0x381: {  	_ =	swait.ge [sflag:s6], $0x4000  }
0x382: {  	[sflag:s6] =	ssyncset.done $0x0  }
0x383: {  	s21 =	simm.s32 $0x14500;
	[sflag:s6] =	ssyncadd.s32 $0xFFFFC000  }
0x384: {  	[tilespmem:s24], [sflag:$0x1] =	stream.indirect.gather [hbm4b:s1+s29], $0x80, s21, s29, $0xb8;
	[tilespmem:$0x1D000] =	vst v63  }
0x385: {  	s5 =	simm.s32 $0x14C80  }
0x386: {  	[spmem:s3] =	stream.indirect.scatter.add.f32 [tilespmem:s0], [sflag:$0x4], $0x80, s5, s29, $0xb8;
	[tilespmem:$0x1D000] =	vst v63  }
0x387: {  	_ =	swait.ge [sflag:s30], $0x4000  }
0x388: {  	[sflag:s30] =	ssyncset.done $0x0  }
0x389: {  	[sflag:s30] =	ssyncadd.s32 $0xFFFFC000  }
0x38a: {  	_ =	swait.ge [sflag:s14], $0x4000  }
0x38b: {  	[sflag:s14] =	ssyncset.done $0x0  }
0x38c: {  	[sflag:s14] =	ssyncadd.s32 $0xFFFFC000  }
0x38d: {  	[tilespmem:s0], [sflag:$0x2] =	stream.indirect.gather [hbm4b:s1+s29], $0x80, s18, s29, $0xb8;
	[tilespmem:$0x1D000] =	vst v63  }
0x38e: {  	s23 =	simm.s32 $0x14D00  }
0x38f: {  	[spmem:s3] =	stream.indirect.scatter.add.f32 [tilespmem:s24], [sflag:$0x3], $0x80, s23, s29, $0xb8;
	[tilespmem:$0x1D000] =	vst v63  }
0x390: {  	_ =	swait.ge [sflag:s2], $0x4000  }
0x391: {  	[sflag:s2] =	ssyncset.done $0x0  }
0x392: {  	[sflag:s2] =	ssyncadd.s32 $0xFFFFC000  }
0x393: {  	_ =	swait.ge [sflag:s6], $0x4000  }
0x394: {  	[sflag:s6] =	ssyncset.done $0x0  }
0x395: {  	[sflag:s6] =	ssyncadd.s32 $0xFFFFC000  }
0x396: {  	[tilespmem:s24], [sflag:$0x1] =	stream.indirect.gather [hbm4b:s1+s29], $0x80, s22, s29, $0xb8;
	[tilespmem:$0x1D000] =	vst v63  }
0x397: {  	s21 =	simm.s32 $0x14D80  }
0x398: {  	[spmem:s3] =	stream.indirect.scatter.add.f32 [tilespmem:s0], [sflag:$0x4], $0x80, s21, s29, $0xb8;
	[tilespmem:$0x1D000] =	vst v63  }
0x399: {  	_ =	swait.ge [sflag:s30], $0x4000  }
0x39a: {  	[sflag:s30] =	ssyncset.done $0x0  }
0x39b: {  	[sflag:s30] =	ssyncadd.s32 $0xFFFFC000  }
0x39c: {  	_ =	swait.ge [sflag:s14], $0x4000  }
0x39d: {  	[sflag:s14] =	ssyncset.done $0x0  }
0x39e: {  	[sflag:s14] =	ssyncadd.s32 $0xFFFFC000  }
0x39f: {  	[tilespmem:s0], [sflag:$0x2] =	stream.indirect.gather [hbm4b:s1+s29], $0x80, s9, s29, $0xb8;
	[tilespmem:$0x1D000] =	vst v63  }
0x3a0: {  	s23 =	simm.s32 $0x14E00  }
0x3a1: {  	[spmem:s3] =	stream.indirect.scatter.add.f32 [tilespmem:s24], [sflag:$0x3], $0x80, s23, s29, $0xb8;
	[tilespmem:$0x1D000] =	vst v63  }
0x3a2: {  	_ =	swait.ge [sflag:s2], $0x4000  }
0x3a3: {  	[sflag:s2] =	ssyncset.done $0x0  }
0x3a4: {  	[sflag:s2] =	ssyncadd.s32 $0xFFFFC000  }
0x3a5: {  	_ =	swait.ge [sflag:s6], $0x4000  }
0x3a6: {  	[sflag:s6] =	ssyncset.done $0x0  }
0x3a7: {  	[sflag:s6] =	ssyncadd.s32 $0xFFFFC000  }
0x3a8: {  	[tilespmem:s24], [sflag:$0x1] =	stream.indirect.gather [hbm4b:s1+s29], $0x80, s31, s29, $0xb8;
	[tilespmem:$0x1D000] =	vst v63  }
0x3a9: {  	s21 =	simm.s32 $0x14E80  }
0x3aa: {  	[spmem:s3] =	stream.indirect.scatter.add.f32 [tilespmem:s0], [sflag:$0x4], $0x80, s21, s29, $0xb8;
	[tilespmem:$0x1D000] =	vst v63  }
0x3ab: {  	_ =	swait.ge [sflag:s30], $0x4000  }
0x3ac: {  	[sflag:s30] =	ssyncset.done $0x0  }
0x3ad: {  	[sflag:s30] =	ssyncadd.s32 $0xFFFFC000  }
0x3ae: {  	_ =	swait.ge [sflag:s14], $0x4000  }
0x3af: {  	[sflag:s14] =	ssyncset.done $0x0  }
0x3b0: {  	[sflag:s14] =	ssyncadd.s32 $0xFFFFC000  }
0x3b1: {  	[tilespmem:s0], [sflag:$0x2] =	stream.indirect.gather [hbm4b:s1+s29], $0x80, s19, s29, $0xb8;
	[tilespmem:$0x1D000] =	vst v63  }
0x3b2: {  	s23 =	simm.s32 $0x14F00  }
0x3b3: {  	[spmem:s3] =	stream.indirect.scatter.add.f32 [tilespmem:s24], [sflag:$0x3], $0x80, s23, s29, $0xb8;
	[tilespmem:$0x1D000] =	vst v63  }
0x3b4: {  	_ =	swait.ge [sflag:s2], $0x4000  }
0x3b5: {  	[sflag:s2] =	ssyncset.done $0x0  }
0x3b6: {  	p1 =	sne.s32 s8, $0x200;
	[sflag:s2] =	ssyncadd.s32 $0xFFFFC000  }
0x3b7: {  	[spmem:s3] =	stream.indirect.scatter.add.f32 [tilespmem:s0], [sflag:$0x4], $0x80, s12, s29, $0xb8;
	[tilespmem:$0x1D000] =	vst v63  }
.Ltmp5:
0x3b8: {  	_ =	swait.ge [sflag:s6], $0x4000;
	(pc) =	sbr.rel @p1 .LBB2_6-.Ltmp5, $4  }
0x3b9: {  	[sflag:s6] =	ssyncset.done $0x0  }
0x3ba: {  	[sflag:s6] =	ssyncadd.s32 $0xFFFFC000  }
0x3bb: {  	_ =	swait.ge [sflag:s14], $0x4000  }
0x3bc: {  	s8 =	sadd.s32 $0x100, s8;
	[sflag:s14] =	ssyncset.done $0x0  }
0x3bd: {  	s5 =	rddreg [dreg:$0x1c]  }
0x3be: {  	[sflag:s14] =	ssyncadd.s32 $0xFFFFC000;
	s23 =	rddreg [dreg:$0xc]  }
.LBB2_8:
0x3bf: {  	[bflag:$0x0] =	sbarrier.arrive $0xFFFF  }
0x3c0: {  	[tilespmem:s24], [sflag:$0x5] =	stream.linear.gather [spmem:s23], $0x4000, $0x38;
	[tilespmem:$0x1D000] =	vst v63  }
0x3c1: {  	_ =	swait.ge [sflag:s25], $0x4000  }
0x3c2: {  	[sflag:s25] =	ssyncset.done $0x0  }
0x3c3: {  	s8 =	rddreg [dreg:$0x16];
	[sflag:s25] =	ssyncadd.s32 $0xFFFFC000  }
0x3c4: {  	[hbm4b:s8+s4] =	stream.linear.scatter [tilespmem:s24], [sflag:$0x5], $0x4000, $0x38;
	[tilespmem:$0x1D000] =	vst v63  }
0x3c5: {  	_ =	swait.ge [sflag:s25], $0x4000  }
0x3c6: {  	[sflag:s25] =	ssyncset.done $0x0  }
0x3c7: {  	s21 =	rddreg [dreg:$0xd];
	[sflag:s25] =	ssyncadd.s32 $0xFFFFC000  }
0x3c8: {  	[tilespmem:s24], [sflag:$0x5] =	stream.linear.gather [spmem:s21], $0x4000, $0x38;
	[tilespmem:$0x1D000] =	vst v63  }
0x3c9: {  	_ =	swait.ge [sflag:s25], $0x4000  }
0x3ca: {  	[sflag:s25] =	ssyncset.done $0x0  }
0x3cb: {  	s8 =	rddreg [dreg:$0x17];
	[sflag:s25] =	ssyncadd.s32 $0xFFFFC000  }
0x3cc: {  	[hbm4b:s8+s4] =	stream.linear.scatter [tilespmem:s24], [sflag:$0x5], $0x4000, $0x38;
	[tilespmem:$0x1D000] =	vst v63  }
0x3cd: {  	_ =	swait.ge [sflag:s25], $0x4000  }
0x3ce: {  	[sflag:s25] =	ssyncset.done $0x0  }
0x3cf: {  	s8 =	rddreg [dreg:$0xe];
	[sflag:s25] =	ssyncadd.s32 $0xFFFFC000  }
0x3d0: {  	[tilespmem:s24], [sflag:$0x5] =	stream.linear.gather [spmem:s8], $0x4000, $0x38;
	[tilespmem:$0x1D000] =	vst v63  }
0x3d1: {  	_ =	swait.ge [sflag:s25], $0x4000  }
0x3d2: {  	[sflag:s25] =	ssyncset.done $0x0  }
0x3d3: {  	s8 =	rddreg [dreg:$0x18];
	[sflag:s25] =	ssyncadd.s32 $0xFFFFC000  }
0x3d4: {  	[hbm4b:s8+s4] =	stream.linear.scatter [tilespmem:s24], [sflag:$0x5], $0x4000, $0x38;
	[tilespmem:$0x1D000] =	vst v63  }
0x3d5: {  	_ =	swait.ge [sflag:s25], $0x4000  }
0x3d6: {  	[sflag:s25] =	ssyncset.done $0x0  }
0x3d7: {  	s8 =	rddreg [dreg:$0xf];
	[sflag:s25] =	ssyncadd.s32 $0xFFFFC000  }
0x3d8: {  	[tilespmem:s24], [sflag:$0x5] =	stream.linear.gather [spmem:s8], $0x4000, $0x38;
	[tilespmem:$0x1D000] =	vst v63  }
0x3d9: {  	_ =	swait.ge [sflag:s25], $0x4000  }
0x3da: {  	[sflag:s25] =	ssyncset.done $0x0  }
0x3db: {  	s8 =	rddreg [dreg:$0x19];
	[sflag:s25] =	ssyncadd.s32 $0xFFFFC000  }
0x3dc: {  	[hbm4b:s8+s4] =	stream.linear.scatter [tilespmem:s24], [sflag:$0x5], $0x4000, $0x38;
	[tilespmem:$0x1D000] =	vst v63  }
0x3dd: {  	_ =	swait.ge [sflag:s25], $0x4000  }
0x3de: {  	[sflag:s25] =	ssyncset.done $0x0  }
0x3df: {  	s8 =	rddreg [dreg:$0x10];
	[sflag:s25] =	ssyncadd.s32 $0xFFFFC000  }
0x3e0: {  	[tilespmem:s24], [sflag:$0x5] =	stream.linear.gather [spmem:s8], $0x4000, $0x38;
	[tilespmem:$0x1D000] =	vst v63  }
0x3e1: {  	_ =	swait.ge [sflag:s25], $0x4000  }
0x3e2: {  	[sflag:s25] =	ssyncset.done $0x0  }
0x3e3: {  	s8 =	rddreg [dreg:$0x1a];
	[sflag:s25] =	ssyncadd.s32 $0xFFFFC000  }
0x3e4: {  	[hbm4b:s8+s4] =	stream.linear.scatter [tilespmem:s24], [sflag:$0x5], $0x4000, $0x38;
	[tilespmem:$0x1D000] =	vst v63  }
.Ltmp6:
0x3e5: {  	_ =	swait.ge [sflag:s25], $0x4000;
	(pc) =	sbr.rel @p0 .LBB2_12-.Ltmp6, $3  }
0x3e6: {  	[sflag:s25] =	ssyncset.done $0x0  }
0x3e7: {  	[sflag:s25] =	ssyncadd.s32 $0xFFFFC000  }
0x3e8: {  	[bflag:$0x0] =	sbarrier.arrive $0xFFFF;
	_ =	sdelay $0x1  }
0x3e9: {  	s8 =	simm.s32 $0x0;
	s13 =	rddreg [dreg:$0xa]  }
0x3ea: {  	[tilespmem:s24], [sflag:$0x5] =	stream.linear.gather [hbm4b:s13+s8], $0x4000, $0x38;
	[tilespmem:$0x1D000] =	vst v63  }
0x3eb: {  	_ =	swait.ge [sflag:s25], $0x4000  }
0x3ec: {  	[sflag:s25] =	ssyncset.done $0x0  }
0x3ed: {  	[sflag:s25] =	ssyncadd.s32 $0xFFFFC000  }
0x3ee: {  	[spmem:s23] =	stream.linear.scatter [tilespmem:s24], [sflag:$0x5], $0x4000, $0x38;
	[tilespmem:$0x1D000] =	vst v63  }
0x3ef: {  	_ =	swait.ge [sflag:s25], $0x4000  }
0x3f0: {  	[sflag:s25] =	ssyncset.done $0x0  }
0x3f1: {  	[sflag:s25] =	ssyncadd.s32 $0xFFFFC000  }
0x3f2: {  	[spmem:s21] =	stream.linear.scatter [tilespmem:s24], [sflag:$0x5], $0x4000, $0x38;
	[tilespmem:$0x1D000] =	vst v63  }
0x3f3: {  	_ =	swait.ge [sflag:s25], $0x4000  }
0x3f4: {  	[sflag:s25] =	ssyncset.done $0x0  }
0x3f5: {  	s18 =	rddreg [dreg:$0xe];
	[sflag:s25] =	ssyncadd.s32 $0xFFFFC000  }
0x3f6: {  	[spmem:s18] =	stream.linear.scatter [tilespmem:s24], [sflag:$0x5], $0x4000, $0x38;
	[tilespmem:$0x1D000] =	vst v63  }
0x3f7: {  	_ =	swait.ge [sflag:s25], $0x4000  }
0x3f8: {  	[sflag:s25] =	ssyncset.done $0x0  }
0x3f9: {  	s19 =	rddreg [dreg:$0xf];
	[sflag:s25] =	ssyncadd.s32 $0xFFFFC000  }
0x3fa: {  	[spmem:s19] =	stream.linear.scatter [tilespmem:s24], [sflag:$0x5], $0x4000, $0x38;
	[tilespmem:$0x1D000] =	vst v63  }
0x3fb: {  	_ =	swait.ge [sflag:s25], $0x4000  }
0x3fc: {  	[sflag:s25] =	ssyncset.done $0x0  }
0x3fd: {  	s21 =	rddreg [dreg:$0x10];
	[sflag:s25] =	ssyncadd.s32 $0xFFFFC000  }
0x3fe: {  	[spmem:s21] =	stream.linear.scatter [tilespmem:s24], [sflag:$0x5], $0x4000, $0x38;
	[tilespmem:$0x1D000] =	vst v63  }
0x3ff: {  	_ =	swait.ge [sflag:s25], $0x4000  }
0x400: {  	[sflag:s25] =	ssyncset.done $0x0  }
0x401: {  	s22 =	rddreg [dreg:$0xb];
	[sflag:s25] =	ssyncadd.s32 $0xFFFFC000  }
0x402: {  	[tilespmem:s24], [sflag:$0x5] =	stream.linear.gather [hbm4b:s22+s8], $0x4000, $0x38;
	[tilespmem:$0x1D000] =	vst v63  }
0x403: {  	_ =	swait.ge [sflag:s25], $0x4000  }
0x404: {  	[sflag:s25] =	ssyncset.done $0x0  }
0x405: {  	[sflag:s25] =	ssyncadd.s32 $0xFFFFC000  }
0x406: {  	[bflag:$0x0] =	sbarrier.arrive $0xFFFF  }
0x407: {  	s13 =	rddreg [dreg:$0x9]  }
0x408: {  	s23 =	sadd.s32 $0x0, s13  }
0x409: {  	[tilespmem:s26], [sflag:$0x5] =	stream.linear.gather [hbm4b:s23+s4], $0x800, $0x38;
	[tilespmem:$0x1D000] =	vst v63  }
0x40a: {  	_ =	swait.ge [sflag:s25], $0x800  }
0x40b: {  	[sflag:s25] =	ssyncset.done $0x0  }
0x40c: {  	[sflag:s25] =	ssyncadd.s32 $0xFFFFF800  }
0x40d: {  	[spmem:s3] =	stream.indirect.scatter.add.f32 [tilespmem:s24], [sflag:$0x3], $0x80, s26, s29, $0xb8;
	[tilespmem:$0x1D000] =	vst v63  }
0x40e: {  	_ = 	snop  }
0x40f: {  	[spmem:s3] =	stream.indirect.scatter.add.f32 [tilespmem:s24], [sflag:$0x3], $0x80, s16, s29, $0xb8;
	[tilespmem:$0x1D000] =	vst v63  }
0x410: {  	_ = 	snop  }
0x411: {  	[spmem:s3] =	stream.indirect.scatter.add.f32 [tilespmem:s24], [sflag:$0x3], $0x80, s20, s29, $0xb8;
	[tilespmem:$0x1D000] =	vst v63  }
0x412: {  	_ = 	snop  }
0x413: {  	[spmem:s3] =	stream.indirect.scatter.add.f32 [tilespmem:s24], [sflag:$0x3], $0x80, s7, s29, $0xb8;
	[tilespmem:$0x1D000] =	vst v63  }
0x414: {  	_ = 	snop  }
0x415: {  	[spmem:s3] =	stream.indirect.scatter.add.f32 [tilespmem:s24], [sflag:$0x3], $0x80, s11, s29, $0xb8;
	[tilespmem:$0x1D000] =	vst v63  }
0x416: {  	_ = 	snop  }
0x417: {  	[spmem:s3] =	stream.indirect.scatter.add.f32 [tilespmem:s24], [sflag:$0x3], $0x80, s15, s29, $0xb8;
	[tilespmem:$0x1D000] =	vst v63  }
0x418: {  	s5 =	simm.s32 $0x14B00  }
0x419: {  	[spmem:s3] =	stream.indirect.scatter.add.f32 [tilespmem:s24], [sflag:$0x3], $0x80, s5, s29, $0xb8;
	[tilespmem:$0x1D000] =	vst v63  }
0x41a: {  	_ = 	snop  }
0x41b: {  	[spmem:s3] =	stream.indirect.scatter.add.f32 [tilespmem:s24], [sflag:$0x3], $0x80, s10, s29, $0xb8;
	[tilespmem:$0x1D000] =	vst v63  }
0x41c: {  	_ = 	snop  }
0x41d: {  	[spmem:s3] =	stream.indirect.scatter.add.f32 [tilespmem:s24], [sflag:$0x3], $0x80, s17, s29, $0xb8;
	[tilespmem:$0x1D000] =	vst v63  }
0x41e: {  	s18 =	simm.s32 $0x14C80  }
0x41f: {  	[spmem:s3] =	stream.indirect.scatter.add.f32 [tilespmem:s24], [sflag:$0x3], $0x80, s18, s29, $0xb8;
	[tilespmem:$0x1D000] =	vst v63  }
0x420: {  	s22 =	simm.s32 $0x14D00  }
0x421: {  	[spmem:s3] =	stream.indirect.scatter.add.f32 [tilespmem:s24], [sflag:$0x3], $0x80, s22, s29, $0xb8;
	[tilespmem:$0x1D000] =	vst v63  }
0x422: {  	s9 =	simm.s32 $0x14D80  }
0x423: {  	[spmem:s3] =	stream.indirect.scatter.add.f32 [tilespmem:s24], [sflag:$0x3], $0x80, s9, s29, $0xb8;
	[tilespmem:$0x1D000] =	vst v63  }
0x424: {  	s31 =	simm.s32 $0x14E00  }
0x425: {  	[spmem:s3] =	stream.indirect.scatter.add.f32 [tilespmem:s24], [sflag:$0x3], $0x80, s31, s29, $0xb8;
	[tilespmem:$0x1D000] =	vst v63  }
0x426: {  	s19 =	simm.s32 $0x14E80  }
0x427: {  	[spmem:s3] =	stream.indirect.scatter.add.f32 [tilespmem:s24], [sflag:$0x3], $0x80, s19, s29, $0xb8;
	[tilespmem:$0x1D000] =	vst v63  }
0x428: {  	s12 =	simm.s32 $0x14F00  }
0x429: {  	[spmem:s3] =	stream.indirect.scatter.add.f32 [tilespmem:s24], [sflag:$0x3], $0x80, s12, s29, $0xb8;
	[tilespmem:$0x1D000] =	vst v63  }
0x42a: {  	s28 =	simm.s32 $0x14F80  }
0x42b: {  	[spmem:s3] =	stream.indirect.scatter.add.f32 [tilespmem:s24], [sflag:$0x3], $0x80, s28, s29, $0xb8;
	[tilespmem:$0x1D000] =	vst v63  }
0x42c: {  	_ =	swait.ge [sflag:s6], $0x4000  }
0x42d: {  	[sflag:s6] =	ssyncset.done $0x0  }
0x42e: {  	[sflag:s6] =	ssyncadd.s32 $0xFFFFC000  }
0x42f: {  	_ =	swait.ge [sflag:s6], $0x4000  }
0x430: {  	[sflag:s6] =	ssyncset.done $0x0  }
0x431: {  	[sflag:s6] =	ssyncadd.s32 $0xFFFFC000  }
0x432: {  	_ =	swait.ge [sflag:s6], $0x4000  }
0x433: {  	[sflag:s6] =	ssyncset.done $0x0  }
0x434: {  	[sflag:s6] =	ssyncadd.s32 $0xFFFFC000  }
0x435: {  	_ =	swait.ge [sflag:s6], $0x4000  }
0x436: {  	[sflag:s6] =	ssyncset.done $0x0  }
0x437: {  	[sflag:s6] =	ssyncadd.s32 $0xFFFFC000  }
0x438: {  	_ =	swait.ge [sflag:s6], $0x4000  }
0x439: {  	[sflag:s6] =	ssyncset.done $0x0  }
0x43a: {  	[sflag:s6] =	ssyncadd.s32 $0xFFFFC000  }
0x43b: {  	_ =	swait.ge [sflag:s6], $0x4000  }
0x43c: {  	[sflag:s6] =	ssyncset.done $0x0  }
0x43d: {  	[sflag:s6] =	ssyncadd.s32 $0xFFFFC000  }
0x43e: {  	_ =	swait.ge [sflag:s6], $0x4000  }
0x43f: {  	[sflag:s6] =	ssyncset.done $0x0  }
0x440: {  	[sflag:s6] =	ssyncadd.s32 $0xFFFFC000  }
0x441: {  	_ =	swait.ge [sflag:s6], $0x4000  }
0x442: {  	[sflag:s6] =	ssyncset.done $0x0  }
0x443: {  	[sflag:s6] =	ssyncadd.s32 $0xFFFFC000  }
0x444: {  	_ =	swait.ge [sflag:s6], $0x4000  }
0x445: {  	[sflag:s6] =	ssyncset.done $0x0  }
0x446: {  	[sflag:s6] =	ssyncadd.s32 $0xFFFFC000  }
0x447: {  	_ =	swait.ge [sflag:s6], $0x4000  }
0x448: {  	[sflag:s6] =	ssyncset.done $0x0  }
0x449: {  	[sflag:s6] =	ssyncadd.s32 $0xFFFFC000  }
0x44a: {  	_ =	swait.ge [sflag:s6], $0x4000  }
0x44b: {  	[sflag:s6] =	ssyncset.done $0x0  }
0x44c: {  	[sflag:s6] =	ssyncadd.s32 $0xFFFFC000  }
0x44d: {  	_ =	swait.ge [sflag:s6], $0x4000  }
0x44e: {  	[sflag:s6] =	ssyncset.done $0x0  }
0x44f: {  	[sflag:s6] =	ssyncadd.s32 $0xFFFFC000  }
0x450: {  	_ =	swait.ge [sflag:s6], $0x4000  }
0x451: {  	[sflag:s6] =	ssyncset.done $0x0  }
0x452: {  	[sflag:s6] =	ssyncadd.s32 $0xFFFFC000  }
0x453: {  	_ =	swait.ge [sflag:s6], $0x4000  }
0x454: {  	[sflag:s6] =	ssyncset.done $0x0  }
0x455: {  	[sflag:s6] =	ssyncadd.s32 $0xFFFFC000  }
0x456: {  	_ =	swait.ge [sflag:s6], $0x4000  }
0x457: {  	[sflag:s6] =	ssyncset.done $0x0  }
0x458: {  	[sflag:s6] =	ssyncadd.s32 $0xFFFFC000  }
0x459: {  	_ =	swait.ge [sflag:s6], $0x4000  }
0x45a: {  	s8 =	simm.s32 $0x100;
	s23 =	simm.s32 $0x200;
	[sflag:s6] =	ssyncset.done $0x0  }
.LBB2_10:
0x45b: {  	s13 =	sadd.s32 s8, s13;
	[sflag:s6] =	ssyncadd.s32 $0xFFFFC000  }
0x45c: {  	[tilespmem:s26], [sflag:$0x5] =	stream.linear.gather [hbm4b:s13+s4], $0x800, $0x38;
	[tilespmem:$0x1D000] =	vst v63  }
0x45d: {  	_ =	swait.ge [sflag:s25], $0x800  }
0x45e: {  	[sflag:s25] =	ssyncset.done $0x0  }
0x45f: {  	[sflag:s25] =	ssyncadd.s32 $0xFFFFF800  }
0x460: {  	[spmem:s3] =	stream.indirect.scatter.add.f32 [tilespmem:s24], [sflag:$0x3], $0x80, s26, s29, $0xb8;
	[tilespmem:$0x1D000] =	vst v63  }
0x461: {  	_ = 	snop  }
0x462: {  	[spmem:s3] =	stream.indirect.scatter.add.f32 [tilespmem:s24], [sflag:$0x3], $0x80, s16, s29, $0xb8;
	[tilespmem:$0x1D000] =	vst v63  }
0x463: {  	_ = 	snop  }
0x464: {  	[spmem:s3] =	stream.indirect.scatter.add.f32 [tilespmem:s24], [sflag:$0x3], $0x80, s20, s29, $0xb8;
	[tilespmem:$0x1D000] =	vst v63  }
0x465: {  	_ = 	snop  }
0x466: {  	[spmem:s3] =	stream.indirect.scatter.add.f32 [tilespmem:s24], [sflag:$0x3], $0x80, s7, s29, $0xb8;
	[tilespmem:$0x1D000] =	vst v63  }
0x467: {  	_ = 	snop  }
0x468: {  	[spmem:s3] =	stream.indirect.scatter.add.f32 [tilespmem:s24], [sflag:$0x3], $0x80, s11, s29, $0xb8;
	[tilespmem:$0x1D000] =	vst v63  }
0x469: {  	_ = 	snop  }
0x46a: {  	[spmem:s3] =	stream.indirect.scatter.add.f32 [tilespmem:s24], [sflag:$0x3], $0x80, s15, s29, $0xb8;
	[tilespmem:$0x1D000] =	vst v63  }
0x46b: {  	_ = 	snop  }
0x46c: {  	[spmem:s3] =	stream.indirect.scatter.add.f32 [tilespmem:s24], [sflag:$0x3], $0x80, s5, s29, $0xb8;
	[tilespmem:$0x1D000] =	vst v63  }
0x46d: {  	_ = 	snop  }
0x46e: {  	[spmem:s3] =	stream.indirect.scatter.add.f32 [tilespmem:s24], [sflag:$0x3], $0x80, s10, s29, $0xb8;
	[tilespmem:$0x1D000] =	vst v63  }
0x46f: {  	_ = 	snop  }
0x470: {  	[spmem:s3] =	stream.indirect.scatter.add.f32 [tilespmem:s24], [sflag:$0x3], $0x80, s17, s29, $0xb8;
	[tilespmem:$0x1D000] =	vst v63  }
0x471: {  	_ = 	snop  }
0x472: {  	[spmem:s3] =	stream.indirect.scatter.add.f32 [tilespmem:s24], [sflag:$0x3], $0x80, s18, s29, $0xb8;
	[tilespmem:$0x1D000] =	vst v63  }
0x473: {  	_ = 	snop  }
0x474: {  	[spmem:s3] =	stream.indirect.scatter.add.f32 [tilespmem:s24], [sflag:$0x3], $0x80, s22, s29, $0xb8;
	[tilespmem:$0x1D000] =	vst v63  }
0x475: {  	_ = 	snop  }
0x476: {  	[spmem:s3] =	stream.indirect.scatter.add.f32 [tilespmem:s24], [sflag:$0x3], $0x80, s9, s29, $0xb8;
	[tilespmem:$0x1D000] =	vst v63  }
0x477: {  	_ = 	snop  }
0x478: {  	[spmem:s3] =	stream.indirect.scatter.add.f32 [tilespmem:s24], [sflag:$0x3], $0x80, s31, s29, $0xb8;
	[tilespmem:$0x1D000] =	vst v63  }
0x479: {  	_ = 	snop  }
0x47a: {  	[spmem:s3] =	stream.indirect.scatter.add.f32 [tilespmem:s24], [sflag:$0x3], $0x80, s19, s29, $0xb8;
	[tilespmem:$0x1D000] =	vst v63  }
0x47b: {  	_ = 	snop  }
0x47c: {  	[spmem:s3] =	stream.indirect.scatter.add.f32 [tilespmem:s24], [sflag:$0x3], $0x80, s12, s29, $0xb8;
	[tilespmem:$0x1D000] =	vst v63  }
0x47d: {  	_ = 	snop  }
0x47e: {  	[spmem:s3] =	stream.indirect.scatter.add.f32 [tilespmem:s24], [sflag:$0x3], $0x80, s28, s29, $0xb8;
	[tilespmem:$0x1D000] =	vst v63  }
0x47f: {  	_ =	swait.ge [sflag:s6], $0x4000  }
0x480: {  	[sflag:s6] =	ssyncset.done $0x0  }
0x481: {  	[sflag:s6] =	ssyncadd.s32 $0xFFFFC000  }
0x482: {  	_ =	swait.ge [sflag:s6], $0x4000  }
0x483: {  	[sflag:s6] =	ssyncset.done $0x0  }
0x484: {  	[sflag:s6] =	ssyncadd.s32 $0xFFFFC000  }
0x485: {  	_ =	swait.ge [sflag:s6], $0x4000  }
0x486: {  	[sflag:s6] =	ssyncset.done $0x0  }
0x487: {  	[sflag:s6] =	ssyncadd.s32 $0xFFFFC000  }
0x488: {  	_ =	swait.ge [sflag:s6], $0x4000  }
0x489: {  	[sflag:s6] =	ssyncset.done $0x0  }
0x48a: {  	[sflag:s6] =	ssyncadd.s32 $0xFFFFC000  }
0x48b: {  	_ =	swait.ge [sflag:s6], $0x4000  }
0x48c: {  	[sflag:s6] =	ssyncset.done $0x0  }
0x48d: {  	[sflag:s6] =	ssyncadd.s32 $0xFFFFC000  }
0x48e: {  	_ =	swait.ge [sflag:s6], $0x4000  }
0x48f: {  	[sflag:s6] =	ssyncset.done $0x0  }
0x490: {  	[sflag:s6] =	ssyncadd.s32 $0xFFFFC000  }
0x491: {  	_ =	swait.ge [sflag:s6], $0x4000  }
0x492: {  	[sflag:s6] =	ssyncset.done $0x0  }
0x493: {  	[sflag:s6] =	ssyncadd.s32 $0xFFFFC000  }
0x494: {  	_ =	swait.ge [sflag:s6], $0x4000  }
0x495: {  	[sflag:s6] =	ssyncset.done $0x0  }
0x496: {  	[sflag:s6] =	ssyncadd.s32 $0xFFFFC000  }
0x497: {  	_ =	swait.ge [sflag:s6], $0x4000  }
0x498: {  	[sflag:s6] =	ssyncset.done $0x0  }
0x499: {  	[sflag:s6] =	ssyncadd.s32 $0xFFFFC000  }
0x49a: {  	_ =	swait.ge [sflag:s6], $0x4000  }
0x49b: {  	[sflag:s6] =	ssyncset.done $0x0  }
0x49c: {  	[sflag:s6] =	ssyncadd.s32 $0xFFFFC000  }
0x49d: {  	_ =	swait.ge [sflag:s6], $0x4000  }
0x49e: {  	[sflag:s6] =	ssyncset.done $0x0  }
0x49f: {  	[sflag:s6] =	ssyncadd.s32 $0xFFFFC000  }
0x4a0: {  	_ =	swait.ge [sflag:s6], $0x4000  }
0x4a1: {  	[sflag:s6] =	ssyncset.done $0x0  }
0x4a2: {  	[sflag:s6] =	ssyncadd.s32 $0xFFFFC000  }
0x4a3: {  	_ =	swait.ge [sflag:s6], $0x4000  }
0x4a4: {  	[sflag:s6] =	ssyncset.done $0x0  }
0x4a5: {  	[sflag:s6] =	ssyncadd.s32 $0xFFFFC000  }
0x4a6: {  	_ =	swait.ge [sflag:s6], $0x4000  }
0x4a7: {  	[sflag:s6] =	ssyncset.done $0x0  }
0x4a8: {  	p1 =	sne.s32 s23, $0x900;
	[sflag:s6] =	ssyncadd.s32 $0xFFFFC000  }
.Ltmp7:
0x4a9: {  	_ =	swait.ge [sflag:s6], $0x4000;
	(pc) =	sbr.rel @p1 .LBB2_10-.Ltmp7, $4  }
0x4aa: {  	[sflag:s6] =	ssyncset.done $0x0  }
0x4ab: {  	[sflag:s6] =	ssyncadd.s32 $0xFFFFC000  }
0x4ac: {  	s8 =	smov.u32 s23;
	s21 =	sadd.s32 $0x100, s23;
	_ =	swait.ge [sflag:s6], $0x4000  }
0x4ad: {  	s23 =	smov.u32 s21;
	[sflag:s6] =	ssyncset.done $0x0;
	s13 =	rddreg [dreg:$0x9]  }
.Ltmp8:
0x4ae: {  	_ = 	snop;
	(pc) =	sbr.rel .LBB2_11-.Ltmp8, $1  }
0x4af: {  	_ =	sdelay $0x3  }
.LBB2_13:
0x4b0: {  	_ =	sfence.sel $0x180000  }
0x4b1: {  	[bflag:$0x0] =	sbarrier.arrive $0xFFFF  }
0x4b2: {  	_ =	strace $0x90000047  }
0x4b3: {  	s0 =	stileid.u32;
	[bflag:$0x2] =	sbarrier.arrive $0xFFFF  }
0x4b4: {  	p0 =	sne.s32 s0, $0x0;
	s0 =	rddreg [dreg:$0x4]  }
0x4b5: {  	s0 =	sadd.s32 @!p0 $0x100000, s0  }
0x4b6: {  	[sflag:s0] =	ssyncadd.tile.s32 @!p0 $0x1;
	_ =	shalt  }
.Lfunc_end2:
_tile_overlayer_lowered:
.L_overlay_start_2:
0x4b7: {  	(tag) =	ssettag $0x2  }
0x4b8: {  	s0 =	rddreg [dreg:$0x0];
	s2 =	stileid.u32  }
0x4b9: {  	s1 =	rddreg [dreg:$0x1];
	p0 =	sne.s32 s2, $0x0  }
0x4ba: {  	s3 =	rddreg [dreg:$0x2];
	[bflag:$0x3] =	sbarrier.arrive $0xFFFF;
	s2 =	simm.s32 @!p0 $0x1C05  }
0x4bb: {  	[timem:s3], [sflag:s2] =	dma.local @!p0 [hbm:s0], s1  }
0x4bc: {  	s0 =	simm.s32 @!p0 $0x5  }
0x4bd: {  	_ =	swait.ge @!p0 [sflag:s0], s1  }
0x4be: {  	s1 =	ssub.s32 @!p0 $0x0, s1;
	[sflag:s0] =	ssyncset.done @!p0 $0x0  }
0x4bf: {  	[sflag:s0] =	ssyncadd.s32 @!p0 s1  }
0x4c0: {  	[bflag:$0x3] =	sbarrier.arrive $0xFFFF  }
0x4c1: {  	_ =	shalt  }

</sc_bundles>
